<compile_context>
chip_gen: v7x
topology: tpu7x:2x2x1
jax: 0.10.2.dev20260603
libtpu: 0.0.44.dev20260713+nightly
codegen_flags: <defaults>
</compile_context>

<pallas_src>
import functools
import jax
import jax.numpy as jnp
from jax import lax
from jax.experimental import pallas as pl
from jax.experimental.pallas import tpu as pltpu
from jax.experimental.pallas import tpu_sc as plsc

_LEVEL = 2048
_N = 2048 * 4096 * 2
_NC = 2
_NS = 16
_NW = _NC * _NS
_PER_W = _N // _NW
_CHUNK = 16384
_NCHUNK = _PER_W // _CHUNK
_NBUF = 4
_PF = 2


def _masked_indices():
    num_masked = 2
    offsets = jnp.arange(num_masked, dtype=jnp.int32) * _LEVEL
    rkey = jax.random.key(42)
    logits = jnp.ones((_LEVEL,), dtype=jnp.float32)
    slice_ids = jax.random.categorical(rkey, logits, shape=(1, num_masked))
    return (slice_ids.astype(jnp.int32) + offsets[None, :])[0]


def _sc_call(xflat, eb):
    mesh = plsc.VectorSubcoreMesh(core_axis_name="c", subcore_axis_name="s")

    @functools.partial(
        pl.kernel,
        mesh=mesh,
        out_type=jax.ShapeDtypeStruct((_N,), jnp.float32),
        scratch_types=(
            [pltpu.VMEM((_CHUNK,), jnp.float32) for _ in range(_NBUF)]
            + [pltpu.VMEM((16,), jnp.int32), pltpu.VMEM((16,), jnp.float32)]
            + [pltpu.SemaphoreType.DMA for _ in range(2 * _NBUF)]
        ),
    )
    def run(x_hbm, eb_hbm, out_hbm, b0, b1, b2, b3, ev_v, pbuf,
            si0, si1, si2, si3, so0, so1, so2, so3):
        bufs = [b0, b1, b2, b3]
        sin = [si0, si1, si2, si3]
        sout = [so0, so1, so2, so3]
        wid = lax.axis_index("s") * _NC + lax.axis_index("c")
        base = wid * _PER_W

        def issue_in(k):
            return pltpu.async_copy(
                x_hbm.at[pl.ds(base + k * _CHUNK, _CHUNK)],
                bufs[k % _NBUF], sin[k % _NBUF])

        def compute(buf):
            def body(i, carry):
                s = i * 16
                buf[pl.ds(s, 16)] = buf[pl.ds(s, 16)] * jnp.float32(_LEVEL)
                return carry
            lax.fori_loop(0, _CHUNK // 16, body, 0, unroll=8)

        hin = [None] * _NBUF
        hout = [None] * _NBUF
        for k in range(_PF):
            hin[k % _NBUF] = issue_in(k)
        for k in range(_NCHUNK):
            b = k % _NBUF
            kn = k + _PF
            if kn < _NCHUNK:
                nb = kn % _NBUF
                if hout[nb] is not None:
                    hout[nb].wait()
                    hout[nb] = None
                hin[nb] = issue_in(kn)
            hin[b].wait()
            compute(bufs[b])
            hout[b] = pltpu.async_copy(
                bufs[b], out_hbm.at[pl.ds(base + k * _CHUNK, _CHUNK)], sout[b])
        for b in range(_NBUF):
            if hout[b] is not None:
                hout[b].wait()

        pltpu.sync_copy(eb_hbm, ev_v)
        ev = ev_v[...]
        e0 = ev[0]

        @pl.when((e0 >= base) & (e0 < base + _PER_W))
        def _():
            for s in range(2):
                tv = ev + jnp.int32(128 * s)
                a = (e0 + jnp.int32(128 * s)) & jnp.int32(~15)
                a = pl.multiple_of(a, 16)
                pltpu.sync_copy(x_hbm.at[pl.ds(a, 16)], pbuf)
                gl = lax.iota(jnp.int32, 16) + (tv & jnp.int32(~15))
                v = pbuf[...] * jnp.float32(_LEVEL)
                pbuf[...] = jnp.where(gl == tv, jnp.float32(0.0), v)
                pltpu.sync_copy(pbuf, out_hbm.at[pl.ds(a, 16)])

    return run(xflat, eb)


def kernel(inputs):
    idx = _masked_indices()
    i0, i1 = idx[0], idx[1]
    e0 = i0 * 8192 + (i1 >> 7) * 256 + (i1 & 127)
    eb = jnp.full((16,), e0, dtype=jnp.int32)
    z = inputs.reshape(2048, 32, 128, 2).transpose(0, 1, 3, 2).reshape(_N)
    out = _sc_call(z, eb)
    out = out.reshape(2048, 32, 2, 128).transpose(0, 1, 3, 2)
    return out.reshape(2048, 4096, 2)

# --- scband reference (transcript-rebuilt; emitter-appended) ---
"""Pipeline reference for scband-multi-level-31817117729260 (READ-ONLY COPY).

The authoritative reference and input builder live on the scoring server;
editing this copy changes nothing except your own understanding.
"""

import jax, jax.numpy as jnp
import numpy as np

LEVEL_SIZE = 2048
USE_ALL_NODES = True


def setup_inputs(seed: int = 0) -> dict:
    key = jax.random.key(seed)
    inputs = jax.random.normal(key, (2048, 4096, 2), dtype=jnp.float32)
    return {"inputs": inputs}


def reference(inputs):
    # build(): num_masked = input_shape[1] // level_size ; mask = zeros((1, num_masked)) ;
    #          offsets = range(num_masked) * level_size
    num_masked = inputs.shape[1] // LEVEL_SIZE  # = 2 for shape (2048, 4096, 2)
    mask = jnp.zeros((1, num_masked), dtype=inputs.dtype)
    offsets = (jnp.arange(num_masked, dtype=jnp.int32) * LEVEL_SIZE)[None, :]

    # call(): slice_ids = categorical over uniform pseudo_logits of width level_size
    rkey = jax.random.key(42)
    logits = jnp.ones((LEVEL_SIZE,), dtype=jnp.float32)  # pseudo_logits
    slice_ids = jax.random.categorical(rkey, logits, shape=(1, num_masked)).astype(jnp.int32)
    slice_ids = jnp.reshape(slice_ids + offsets, (1, num_masked))

    # tf.tensor_scatter_nd_update with indices of shape (1, K=num_masked):
    # index depth K = 2 indexes the first two axes of the rank-3 input,
    # overwriting the trailing slice inputs[i0, i1, :] with mask[0].
    idx = slice_ids[0]
    masked = inputs.at[idx[0], idx[1]].set(mask[0])

    if USE_ALL_NODES:
        return masked * LEVEL_SIZE
    return masked

if __name__ == "__main__":
    import jax
    _d = setup_inputs()
    print(jax.jit(kernel)(*tuple(_d.values())))

</pallas_src>

<mosaic_0001>
#map = affine_map<(d0, d1) -> (0)>
module attributes {stable_mosaic.version = 14 : i64} {
  func.func @run(%arg0: i32, %arg1: i32, %arg2: memref<16777216xf32, #tpu.memory_space<hbm>>, %arg3: memref<16xi32, #tpu.memory_space<hbm>>, %arg4: memref<16777216xf32, #tpu.memory_space<hbm>>, %arg5: memref<16384xf32, #tpu.memory_space<vmem>>, %arg6: memref<16384xf32, #tpu.memory_space<vmem>>, %arg7: memref<16384xf32, #tpu.memory_space<vmem>>, %arg8: memref<16384xf32, #tpu.memory_space<vmem>>, %arg9: memref<16xi32, #tpu.memory_space<vmem>>, %arg10: memref<16xf32, #tpu.memory_space<vmem>>, %arg11: memref<!tpu.dma_semaphore, #tpu.memory_space<semaphore_mem>>, %arg12: memref<!tpu.dma_semaphore, #tpu.memory_space<semaphore_mem>>, %arg13: memref<!tpu.dma_semaphore, #tpu.memory_space<semaphore_mem>>, %arg14: memref<!tpu.dma_semaphore, #tpu.memory_space<semaphore_mem>>, %arg15: memref<!tpu.dma_semaphore, #tpu.memory_space<semaphore_mem>>, %arg16: memref<!tpu.dma_semaphore, #tpu.memory_space<semaphore_mem>>, %arg17: memref<!tpu.dma_semaphore, #tpu.memory_space<semaphore_mem>>, %arg18: memref<!tpu.dma_semaphore, #tpu.memory_space<semaphore_mem>>) attributes {dimension_semantics = [#tpu.dimension_semantics<core_parallel>, #tpu.dimension_semantics<subcore_parallel>], iteration_bounds = array<i64: 2, 16>, scalar_prefetch = 0 : i64, scratch_operands = 14 : i64, tpu.core_type = #tpu.core_type<sc_vector_subcore>, window_params = [{transform_indices = #map}, {transform_indices = #map}, {transform_indices = #map}]} {
    %mul3A = arith.constant 2 : i32
    %mul3A_0 = arith.muli %arg1, %mul3A : i32
    %add3A = arith.addi %mul3A_0, %arg0 : i32
    %mul3A_1 = arith.constant 524288 : i32
    %mul3A_2 = arith.muli %add3A, %mul3A_1 : i32
    %add3A_3 = arith.constant 0 : i32
    %add3A_4 = arith.addi %mul3A_2, %add3A_3 : i32
    %dma_start3A = tpu.memref_slice %arg2[%add3A_4] : memref<16777216xf32, #tpu.memory_space<hbm>> -> memref<16384xf32, #tpu.memory_space<hbm>>
    %dma_start3A_5 = tpu.memref_slice %arg2[%add3A_4] : memref<16777216xf32, #tpu.memory_space<hbm>> -> memref<16384xf32, #tpu.memory_space<hbm>>
    tpu.enqueue_dma source(%dma_start3A_5 : memref<16384xf32, #tpu.memory_space<hbm>>) target(%arg5 : memref<16384xf32, #tpu.memory_space<vmem>>) target_semaphore(%arg11 : memref<!tpu.dma_semaphore, #tpu.memory_space<semaphore_mem>>)
    %add3A_6 = arith.constant 16384 : i32
    %add3A_7 = arith.addi %mul3A_2, %add3A_6 : i32
    %dma_start3A_8 = tpu.memref_slice %arg2[%add3A_7] : memref<16777216xf32, #tpu.memory_space<hbm>> -> memref<16384xf32, #tpu.memory_space<hbm>>
    %dma_start3A_9 = tpu.memref_slice %arg2[%add3A_7] : memref<16777216xf32, #tpu.memory_space<hbm>> -> memref<16384xf32, #tpu.memory_space<hbm>>
    tpu.enqueue_dma source(%dma_start3A_9 : memref<16384xf32, #tpu.memory_space<hbm>>) target(%arg6 : memref<16384xf32, #tpu.memory_space<vmem>>) target_semaphore(%arg12 : memref<!tpu.dma_semaphore, #tpu.memory_space<semaphore_mem>>)
    %add3A_10 = arith.constant 32768 : i32
    %add3A_11 = arith.addi %mul3A_2, %add3A_10 : i32
    %dma_start3A_12 = tpu.memref_slice %arg2[%add3A_11] : memref<16777216xf32, #tpu.memory_space<hbm>> -> memref<16384xf32, #tpu.memory_space<hbm>>
    %dma_start3A_13 = tpu.memref_slice %arg2[%add3A_11] : memref<16777216xf32, #tpu.memory_space<hbm>> -> memref<16384xf32, #tpu.memory_space<hbm>>
    tpu.enqueue_dma source(%dma_start3A_13 : memref<16384xf32, #tpu.memory_space<hbm>>) target(%arg7 : memref<16384xf32, #tpu.memory_space<vmem>>) target_semaphore(%arg13 : memref<!tpu.dma_semaphore, #tpu.memory_space<semaphore_mem>>)
    %dma_wait3A = tpu.memref_slice %arg2[%add3A_4] : memref<16777216xf32, #tpu.memory_space<hbm>> -> memref<16384xf32, #tpu.memory_space<hbm>>
    %dma_wait3A_14 = tpu.memref_slice %arg2[%add3A_4] : memref<16777216xf32, #tpu.memory_space<hbm>> -> memref<16384xf32, #tpu.memory_space<hbm>>
    tpu.wait_dma2 semaphore(%arg11 : memref<!tpu.dma_semaphore, #tpu.memory_space<semaphore_mem>>) src(%dma_wait3A_14 : memref<16384xf32, #tpu.memory_space<hbm>>) dst(%arg5 : memref<16384xf32, #tpu.memory_space<vmem>>)
    %scan3A = arith.constant 0 : i32
    %scan3A_15 = arith.constant 0 : i32
    %scan3A_16 = arith.constant 1024 : i32
    %scan3A_17 = arith.addi %scan3A_15, %scan3A_16 : i32
    %scan3A_18 = arith.constant 8 : i32
    scf.for %scan3A_581 = %scan3A_15 to %scan3A_17 step %scan3A_18  : i32 {
      %mul3A_582 = arith.constant 16 : i32
      %mul3A_583 = arith.muli %scan3A_581, %mul3A_582 : i32
      %get3A_584 = arith.index_cast %mul3A_583 : i32 to index
      %get3A_585 = tpu.vector_load %arg5[%get3A_584] {strides = array<i32>} : memref<16384xf32, #tpu.memory_space<vmem>>, vector<16xf32>,
      %get3A_586 = vector.shape_cast %get3A_585 : vector<16xf32> to vector<16xf32>
      %mul3A_587 = arith.constant 2.048000e+03 : f32
      %mul3A_588 = vector.broadcast %mul3A_587 : f32 to vector<16xf32>
      %mul3A_589 = arith.mulf %get3A_586, %mul3A_588 : vector<16xf32>
      %swap3A = arith.index_cast %mul3A_583 : i32 to index
      %swap3A_590 = tpu.vector_load %arg5[%swap3A] {strides = array<i32>} : memref<16384xf32, #tpu.memory_space<vmem>>, vector<16xf32>,
      %swap3A_591 = vector.shape_cast %swap3A_590 : vector<16xf32> to vector<16xf32>
      %swap3A_592 = vector.shape_cast %mul3A_589 : vector<16xf32> to vector<16xf32>
      tpu.vector_store %arg5[%swap3A], %swap3A_592 {strides = array<i32>} : memref<16384xf32, #tpu.memory_space<vmem>>, vector<16xf32>,
      %scan3A_593 = arith.constant 1 : i32
      %scan3A_594 = arith.addi %scan3A_581, %scan3A_593 : i32
      %mul3A_595 = arith.constant 16 : i32
      %mul3A_596 = arith.muli %scan3A_594, %mul3A_595 : i32
      %get3A_597 = arith.index_cast %mul3A_596 : i32 to index
      %get3A_598 = tpu.vector_load %arg5[%get3A_597] {strides = array<i32>} : memref<16384xf32, #tpu.memory_space<vmem>>, vector<16xf32>,
      %get3A_599 = vector.shape_cast %get3A_598 : vector<16xf32> to vector<16xf32>
      %mul3A_600 = arith.constant 2.048000e+03 : f32
      %mul3A_601 = vector.broadcast %mul3A_600 : f32 to vector<16xf32>
      %mul3A_602 = arith.mulf %get3A_599, %mul3A_601 : vector<16xf32>
      %swap3A_603 = arith.index_cast %mul3A_596 : i32 to index
      %swap3A_604 = tpu.vector_load %arg5[%swap3A_603] {strides = array<i32>} : memref<16384xf32, #tpu.memory_space<vmem>>, vector<16xf32>,
      %swap3A_605 = vector.shape_cast %swap3A_604 : vector<16xf32> to vector<16xf32>
      %swap3A_606 = vector.shape_cast %mul3A_602 : vector<16xf32> to vector<16xf32>
      tpu.vector_store %arg5[%swap3A_603], %swap3A_606 {strides = array<i32>} : memref<16384xf32, #tpu.memory_space<vmem>>, vector<16xf32>,
      %scan3A_607 = arith.constant 2 : i32
      %scan3A_608 = arith.addi %scan3A_581, %scan3A_607 : i32
      %mul3A_609 = arith.constant 16 : i32
      %mul3A_610 = arith.muli %scan3A_608, %mul3A_609 : i32
      %get3A_611 = arith.index_cast %mul3A_610 : i32 to index
      %get3A_612 = tpu.vector_load %arg5[%get3A_611] {strides = array<i32>} : memref<16384xf32, #tpu.memory_space<vmem>>, vector<16xf32>,
      %get3A_613 = vector.shape_cast %get3A_612 : vector<16xf32> to vector<16xf32>
      %mul3A_614 = arith.constant 2.048000e+03 : f32
      %mul3A_615 = vector.broadcast %mul3A_614 : f32 to vector<16xf32>
      %mul3A_616 = arith.mulf %get3A_613, %mul3A_615 : vector<16xf32>
      %swap3A_617 = arith.index_cast %mul3A_610 : i32 to index
      %swap3A_618 = tpu.vector_load %arg5[%swap3A_617] {strides = array<i32>} : memref<16384xf32, #tpu.memory_space<vmem>>, vector<16xf32>,
      %swap3A_619 = vector.shape_cast %swap3A_618 : vector<16xf32> to vector<16xf32>
      %swap3A_620 = vector.shape_cast %mul3A_616 : vector<16xf32> to vector<16xf32>
      tpu.vector_store %arg5[%swap3A_617], %swap3A_620 {strides = array<i32>} : memref<16384xf32, #tpu.memory_space<vmem>>, vector<16xf32>,
      %scan3A_621 = arith.constant 3 : i32
      %scan3A_622 = arith.addi %scan3A_581, %scan3A_621 : i32
      %mul3A_623 = arith.constant 16 : i32
      %mul3A_624 = arith.muli %scan3A_622, %mul3A_623 : i32
      %get3A_625 = arith.index_cast %mul3A_624 : i32 to index
      %get3A_626 = tpu.vector_load %arg5[%get3A_625] {strides = array<i32>} : memref<16384xf32, #tpu.memory_space<vmem>>, vector<16xf32>,
      %get3A_627 = vector.shape_cast %get3A_626 : vector<16xf32> to vector<16xf32>
      %mul3A_628 = arith.constant 2.048000e+03 : f32
      %mul3A_629 = vector.broadcast %mul3A_628 : f32 to vector<16xf32>
      %mul3A_630 = arith.mulf %get3A_627, %mul3A_629 : vector<16xf32>
      %swap3A_631 = arith.index_cast %mul3A_624 : i32 to index
      %swap3A_632 = tpu.vector_load %arg5[%swap3A_631] {strides = array<i32>} : memref<16384xf32, #tpu.memory_space<vmem>>, vector<16xf32>,
      %swap3A_633 = vector.shape_cast %swap3A_632 : vector<16xf32> to vector<16xf32>
      %swap3A_634 = vector.shape_cast %mul3A_630 : vector<16xf32> to vector<16xf32>
      tpu.vector_store %arg5[%swap3A_631], %swap3A_634 {strides = array<i32>} : memref<16384xf32, #tpu.memory_space<vmem>>, vector<16xf32>,
      %scan3A_635 = arith.constant 4 : i32
      %scan3A_636 = arith.addi %scan3A_581, %scan3A_635 : i32
      %mul3A_637 = arith.constant 16 : i32
      %mul3A_638 = arith.muli %scan3A_636, %mul3A_637 : i32
      %get3A_639 = arith.index_cast %mul3A_638 : i32 to index
      %get3A_640 = tpu.vector_load %arg5[%get3A_639] {strides = array<i32>} : memref<16384xf32, #tpu.memory_space<vmem>>, vector<16xf32>,
      %get3A_641 = vector.shape_cast %get3A_640 : vector<16xf32> to vector<16xf32>
      %mul3A_642 = arith.constant 2.048000e+03 : f32
      %mul3A_643 = vector.broadcast %mul3A_642 : f32 to vector<16xf32>
      %mul3A_644 = arith.mulf %get3A_641, %mul3A_643 : vector<16xf32>
      %swap3A_645 = arith.index_cast %mul3A_638 : i32 to index
      %swap3A_646 = tpu.vector_load %arg5[%swap3A_645] {strides = array<i32>} : memref<16384xf32, #tpu.memory_space<vmem>>, vector<16xf32>,
      %swap3A_647 = vector.shape_cast %swap3A_646 : vector<16xf32> to vector<16xf32>
      %swap3A_648 = vector.shape_cast %mul3A_644 : vector<16xf32> to vector<16xf32>
      tpu.vector_store %arg5[%swap3A_645], %swap3A_648 {strides = array<i32>} : memref<16384xf32, #tpu.memory_space<vmem>>, vector<16xf32>,
      %scan3A_649 = arith.constant 5 : i32
      %scan3A_650 = arith.addi %scan3A_581, %scan3A_649 : i32
      %mul3A_651 = arith.constant 16 : i32
      %mul3A_652 = arith.muli %scan3A_650, %mul3A_651 : i32
      %get3A_653 = arith.index_cast %mul3A_652 : i32 to index
      %get3A_654 = tpu.vector_load %arg5[%get3A_653] {strides = array<i32>} : memref<16384xf32, #tpu.memory_space<vmem>>, vector<16xf32>,
      %get3A_655 = vector.shape_cast %get3A_654 : vector<16xf32> to vector<16xf32>
      %mul3A_656 = arith.constant 2.048000e+03 : f32
      %mul3A_657 = vector.broadcast %mul3A_656 : f32 to vector<16xf32>
      %mul3A_658 = arith.mulf %get3A_655, %mul3A_657 : vector<16xf32>
      %swap3A_659 = arith.index_cast %mul3A_652 : i32 to index
      %swap3A_660 = tpu.vector_load %arg5[%swap3A_659] {strides = array<i32>} : memref<16384xf32, #tpu.memory_space<vmem>>, vector<16xf32>,
      %swap3A_661 = vector.shape_cast %swap3A_660 : vector<16xf32> to vector<16xf32>
      %swap3A_662 = vector.shape_cast %mul3A_658 : vector<16xf32> to vector<16xf32>
      tpu.vector_store %arg5[%swap3A_659], %swap3A_662 {strides = array<i32>} : memref<16384xf32, #tpu.memory_space<vmem>>, vector<16xf32>,
      %scan3A_663 = arith.constant 6 : i32
      %scan3A_664 = arith.addi %scan3A_581, %scan3A_663 : i32
      %mul3A_665 = arith.constant 16 : i32
      %mul3A_666 = arith.muli %scan3A_664, %mul3A_665 : i32
      %get3A_667 = arith.index_cast %mul3A_666 : i32 to index
      %get3A_668 = tpu.vector_load %arg5[%get3A_667] {strides = array<i32>} : memref<16384xf32, #tpu.memory_space<vmem>>, vector<16xf32>,
      %get3A_669 = vector.shape_cast %get3A_668 : vector<16xf32> to vector<16xf32>
      %mul3A_670 = arith.constant 2.048000e+03 : f32
      %mul3A_671 = vector.broadcast %mul3A_670 : f32 to vector<16xf32>
      %mul3A_672 = arith.mulf %get3A_669, %mul3A_671 : vector<16xf32>
      %swap3A_673 = arith.index_cast %mul3A_666 : i32 to index
      %swap3A_674 = tpu.vector_load %arg5[%swap3A_673] {strides = array<i32>} : memref<16384xf32, #tpu.memory_space<vmem>>, vector<16xf32>,
      %swap3A_675 = vector.shape_cast %swap3A_674 : vector<16xf32> to vector<16xf32>
      %swap3A_676 = vector.shape_cast %mul3A_672 : vector<16xf32> to vector<16xf32>
      tpu.vector_store %arg5[%swap3A_673], %swap3A_676 {strides = array<i32>} : memref<16384xf32, #tpu.memory_space<vmem>>, vector<16xf32>,
      %scan3A_677 = arith.constant 7 : i32
      %scan3A_678 = arith.addi %scan3A_581, %scan3A_677 : i32
      %mul3A_679 = arith.constant 16 : i32
      %mul3A_680 = arith.muli %scan3A_678, %mul3A_679 : i32
      %get3A_681 = arith.index_cast %mul3A_680 : i32 to index
      %get3A_682 = tpu.vector_load %arg5[%get3A_681] {strides = array<i32>} : memref<16384xf32, #tpu.memory_space<vmem>>, vector<16xf32>,
      %get3A_683 = vector.shape_cast %get3A_682 : vector<16xf32> to vector<16xf32>
      %mul3A_684 = arith.constant 2.048000e+03 : f32
      %mul3A_685 = vector.broadcast %mul3A_684 : f32 to vector<16xf32>
      %mul3A_686 = arith.mulf %get3A_683, %mul3A_685 : vector<16xf32>
      %swap3A_687 = arith.index_cast %mul3A_680 : i32 to index
      %swap3A_688 = tpu.vector_load %arg5[%swap3A_687] {strides = array<i32>} : memref<16384xf32, #tpu.memory_space<vmem>>, vector<16xf32>,
      %swap3A_689 = vector.shape_cast %swap3A_688 : vector<16xf32> to vector<16xf32>
      %swap3A_690 = vector.shape_cast %mul3A_686 : vector<16xf32> to vector<16xf32>
      tpu.vector_store %arg5[%swap3A_687], %swap3A_690 {strides = array<i32>} : memref<16384xf32, #tpu.memory_space<vmem>>, vector<16xf32>,
    }
    %scan3A_19 = arith.constant 1024 : i32
    %add3A_20 = arith.constant 0 : i32
    %add3A_21 = arith.addi %mul3A_2, %add3A_20 : i32
    %dma_start3A_22 = tpu.memref_slice %arg4[%add3A_21] : memref<16777216xf32, #tpu.memory_space<hbm>> -> memref<16384xf32, #tpu.memory_space<hbm>>
    %dma_start3A_23 = tpu.memref_slice %arg4[%add3A_21] : memref<16777216xf32, #tpu.memory_space<hbm>> -> memref<16384xf32, #tpu.memory_space<hbm>>
    tpu.enqueue_dma source(%arg5 : memref<16384xf32, #tpu.memory_space<vmem>>) target(%dma_start3A_23 : memref<16384xf32, #tpu.memory_space<hbm>>) target_semaphore(%arg15 : memref<!tpu.dma_semaphore, #tpu.memory_space<semaphore_mem>>)
    %add3A_24 = arith.constant 49152 : i32
    %add3A_25 = arith.addi %mul3A_2, %add3A_24 : i32
    %dma_start3A_26 = tpu.memref_slice %arg2[%add3A_25] : memref<16777216xf32, #tpu.memory_space<hbm>> -> memref<16384xf32, #tpu.memory_space<hbm>>
    %dma_start3A_27 = tpu.memref_slice %arg2[%add3A_25] : memref<16777216xf32, #tpu.memory_space<hbm>> -> memref<16384xf32, #tpu.memory_space<hbm>>
    tpu.enqueue_dma source(%dma_start3A_27 : memref<16384xf32, #tpu.memory_space<hbm>>) target(%arg8 : memref<16384xf32, #tpu.memory_space<vmem>>) target_semaphore(%arg14 : memref<!tpu.dma_semaphore, #tpu.memory_space<semaphore_mem>>)
    %dma_wait3A_28 = tpu.memref_slice %arg2[%add3A_7] : memref<16777216xf32, #tpu.memory_space<hbm>> -> memref<16384xf32, #tpu.memory_space<hbm>>
    %dma_wait3A_29 = tpu.memref_slice %arg2[%add3A_7] : memref<16777216xf32, #tpu.memory_space<hbm>> -> memref<16384xf32, #tpu.memory_space<hbm>>
    tpu.wait_dma2 semaphore(%arg12 : memref<!tpu.dma_semaphore, #tpu.memory_space<semaphore_mem>>) src(%dma_wait3A_29 : memref<16384xf32, #tpu.memory_space<hbm>>) dst(%arg6 : memref<16384xf32, #tpu.memory_space<vmem>>)
    %scan3A_30 = arith.constant 0 : i32
    %scan3A_31 = arith.constant 0 : i32
    %scan3A_32 = arith.constant 1024 : i32
    %scan3A_33 = arith.addi %scan3A_31, %scan3A_32 : i32
    %scan3A_34 = arith.constant 8 : i32
    scf.for %scan3A_581 = %scan3A_31 to %scan3A_33 step %scan3A_34  : i32 {
      %mul3A_582 = arith.constant 16 : i32
      %mul3A_583 = arith.muli %scan3A_581, %mul3A_582 : i32
      %get3A_584 = arith.index_cast %mul3A_583 : i32 to index
      %get3A_585 = tpu.vector_load %arg6[%get3A_584] {strides = array<i32>} : memref<16384xf32, #tpu.memory_space<vmem>>, vector<16xf32>,
      %get3A_586 = vector.shape_cast %get3A_585 : vector<16xf32> to vector<16xf32>
      %mul3A_587 = arith.constant 2.048000e+03 : f32
      %mul3A_588 = vector.broadcast %mul3A_587 : f32 to vector<16xf32>
      %mul3A_589 = arith.mulf %get3A_586, %mul3A_588 : vector<16xf32>
      %swap3A = arith.index_cast %mul3A_583 : i32 to index
      %swap3A_590 = tpu.vector_load %arg6[%swap3A] {strides = array<i32>} : memref<16384xf32, #tpu.memory_space<vmem>>, vector<16xf32>,
      %swap3A_591 = vector.shape_cast %swap3A_590 : vector<16xf32> to vector<16xf32>
      %swap3A_592 = vector.shape_cast %mul3A_589 : vector<16xf32> to vector<16xf32>
      tpu.vector_store %arg6[%swap3A], %swap3A_592 {strides = array<i32>} : memref<16384xf32, #tpu.memory_space<vmem>>, vector<16xf32>,
      %scan3A_593 = arith.constant 1 : i32
      %scan3A_594 = arith.addi %scan3A_581, %scan3A_593 : i32
      %mul3A_595 = arith.constant 16 : i32
      %mul3A_596 = arith.muli %scan3A_594, %mul3A_595 : i32
      %get3A_597 = arith.index_cast %mul3A_596 : i32 to index
      %get3A_598 = tpu.vector_load %arg6[%get3A_597] {strides = array<i32>} : memref<16384xf32, #tpu.memory_space<vmem>>, vector<16xf32>,
      %get3A_599 = vector.shape_cast %get3A_598 : vector<16xf32> to vector<16xf32>
      %mul3A_600 = arith.constant 2.048000e+03 : f32
      %mul3A_601 = vector.broadcast %mul3A_600 : f32 to vector<16xf32>
      %mul3A_602 = arith.mulf %get3A_599, %mul3A_601 : vector<16xf32>
      %swap3A_603 = arith.index_cast %mul3A_596 : i32 to index
      %swap3A_604 = tpu.vector_load %arg6[%swap3A_603] {strides = array<i32>} : memref<16384xf32, #tpu.memory_space<vmem>>, vector<16xf32>,
      %swap3A_605 = vector.shape_cast %swap3A_604 : vector<16xf32> to vector<16xf32>
      %swap3A_606 = vector.shape_cast %mul3A_602 : vector<16xf32> to vector<16xf32>
      tpu.vector_store %arg6[%swap3A_603], %swap3A_606 {strides = array<i32>} : memref<16384xf32, #tpu.memory_space<vmem>>, vector<16xf32>,
      %scan3A_607 = arith.constant 2 : i32
      %scan3A_608 = arith.addi %scan3A_581, %scan3A_607 : i32
      %mul3A_609 = arith.constant 16 : i32
      %mul3A_610 = arith.muli %scan3A_608, %mul3A_609 : i32
      %get3A_611 = arith.index_cast %mul3A_610 : i32 to index
      %get3A_612 = tpu.vector_load %arg6[%get3A_611] {strides = array<i32>} : memref<16384xf32, #tpu.memory_space<vmem>>, vector<16xf32>,
      %get3A_613 = vector.shape_cast %get3A_612 : vector<16xf32> to vector<16xf32>
      %mul3A_614 = arith.constant 2.048000e+03 : f32
      %mul3A_615 = vector.broadcast %mul3A_614 : f32 to vector<16xf32>
      %mul3A_616 = arith.mulf %get3A_613, %mul3A_615 : vector<16xf32>
      %swap3A_617 = arith.index_cast %mul3A_610 : i32 to index
      %swap3A_618 = tpu.vector_load %arg6[%swap3A_617] {strides = array<i32>} : memref<16384xf32, #tpu.memory_space<vmem>>, vector<16xf32>,
      %swap3A_619 = vector.shape_cast %swap3A_618 : vector<16xf32> to vector<16xf32>
      %swap3A_620 = vector.shape_cast %mul3A_616 : vector<16xf32> to vector<16xf32>
      tpu.vector_store %arg6[%swap3A_617], %swap3A_620 {strides = array<i32>} : memref<16384xf32, #tpu.memory_space<vmem>>, vector<16xf32>,
      %scan3A_621 = arith.constant 3 : i32
      %scan3A_622 = arith.addi %scan3A_581, %scan3A_621 : i32
      %mul3A_623 = arith.constant 16 : i32
      %mul3A_624 = arith.muli %scan3A_622, %mul3A_623 : i32
      %get3A_625 = arith.index_cast %mul3A_624 : i32 to index
      %get3A_626 = tpu.vector_load %arg6[%get3A_625] {strides = array<i32>} : memref<16384xf32, #tpu.memory_space<vmem>>, vector<16xf32>,
      %get3A_627 = vector.shape_cast %get3A_626 : vector<16xf32> to vector<16xf32>
      %mul3A_628 = arith.constant 2.048000e+03 : f32
      %mul3A_629 = vector.broadcast %mul3A_628 : f32 to vector<16xf32>
      %mul3A_630 = arith.mulf %get3A_627, %mul3A_629 : vector<16xf32>
      %swap3A_631 = arith.index_cast %mul3A_624 : i32 to index
      %swap3A_632 = tpu.vector_load %arg6[%swap3A_631] {strides = array<i32>} : memref<16384xf32, #tpu.memory_space<vmem>>, vector<16xf32>,
      %swap3A_633 = vector.shape_cast %swap3A_632 : vector<16xf32> to vector<16xf32>
      %swap3A_634 = vector.shape_cast %mul3A_630 : vector<16xf32> to vector<16xf32>
      tpu.vector_store %arg6[%swap3A_631], %swap3A_634 {strides = array<i32>} : memref<16384xf32, #tpu.memory_space<vmem>>, vector<16xf32>,
      %scan3A_635 = arith.constant 4 : i32
      %scan3A_636 = arith.addi %scan3A_581, %scan3A_635 : i32
      %mul3A_637 = arith.constant 16 : i32
      %mul3A_638 = arith.muli %scan3A_636, %mul3A_637 : i32
      %get3A_639 = arith.index_cast %mul3A_638 : i32 to index
      %get3A_640 = tpu.vector_load %arg6[%get3A_639] {strides = array<i32>} : memref<16384xf32, #tpu.memory_space<vmem>>, vector<16xf32>,
      %get3A_641 = vector.shape_cast %get3A_640 : vector<16xf32> to vector<16xf32>
      %mul3A_642 = arith.constant 2.048000e+03 : f32
      %mul3A_643 = vector.broadcast %mul3A_642 : f32 to vector<16xf32>
      %mul3A_644 = arith.mulf %get3A_641, %mul3A_643 : vector<16xf32>
      %swap3A_645 = arith.index_cast %mul3A_638 : i32 to index
      %swap3A_646 = tpu.vector_load %arg6[%swap3A_645] {strides = array<i32>} : memref<16384xf32, #tpu.memory_space<vmem>>, vector<16xf32>,
      %swap3A_647 = vector.shape_cast %swap3A_646 : vector<16xf32> to vector<16xf32>
      %swap3A_648 = vector.shape_cast %mul3A_644 : vector<16xf32> to vector<16xf32>
      tpu.vector_store %arg6[%swap3A_645], %swap3A_648 {strides = array<i32>} : memref<16384xf32, #tpu.memory_space<vmem>>, vector<16xf32>,
      %scan3A_649 = arith.constant 5 : i32
      %scan3A_650 = arith.addi %scan3A_581, %scan3A_649 : i32
      %mul3A_651 = arith.constant 16 : i32
      %mul3A_652 = arith.muli %scan3A_650, %mul3A_651 : i32
      %get3A_653 = arith.index_cast %mul3A_652 : i32 to index
      %get3A_654 = tpu.vector_load %arg6[%get3A_653] {strides = array<i32>} : memref<16384xf32, #tpu.memory_space<vmem>>, vector<16xf32>,
      %get3A_655 = vector.shape_cast %get3A_654 : vector<16xf32> to vector<16xf32>
      %mul3A_656 = arith.constant 2.048000e+03 : f32
      %mul3A_657 = vector.broadcast %mul3A_656 : f32 to vector<16xf32>
      %mul3A_658 = arith.mulf %get3A_655, %mul3A_657 : vector<16xf32>
      %swap3A_659 = arith.index_cast %mul3A_652 : i32 to index
      %swap3A_660 = tpu.vector_load %arg6[%swap3A_659] {strides = array<i32>} : memref<16384xf32, #tpu.memory_space<vmem>>, vector<16xf32>,
      %swap3A_661 = vector.shape_cast %swap3A_660 : vector<16xf32> to vector<16xf32>
      %swap3A_662 = vector.shape_cast %mul3A_658 : vector<16xf32> to vector<16xf32>
      tpu.vector_store %arg6[%swap3A_659], %swap3A_662 {strides = array<i32>} : memref<16384xf32, #tpu.memory_space<vmem>>, vector<16xf32>,
      %scan3A_663 = arith.constant 6 : i32
      %scan3A_664 = arith.addi %scan3A_581, %scan3A_663 : i32
      %mul3A_665 = arith.constant 16 : i32
      %mul3A_666 = arith.muli %scan3A_664, %mul3A_665 : i32
      %get3A_667 = arith.index_cast %mul3A_666 : i32 to index
      %get3A_668 = tpu.vector_load %arg6[%get3A_667] {strides = array<i32>} : memref<16384xf32, #tpu.memory_space<vmem>>, vector<16xf32>,
      %get3A_669 = vector.shape_cast %get3A_668 : vector<16xf32> to vector<16xf32>
      %mul3A_670 = arith.constant 2.048000e+03 : f32
      %mul3A_671 = vector.broadcast %mul3A_670 : f32 to vector<16xf32>
      %mul3A_672 = arith.mulf %get3A_669, %mul3A_671 : vector<16xf32>
      %swap3A_673 = arith.index_cast %mul3A_666 : i32 to index
      %swap3A_674 = tpu.vector_load %arg6[%swap3A_673] {strides = array<i32>} : memref<16384xf32, #tpu.memory_space<vmem>>, vector<16xf32>,
      %swap3A_675 = vector.shape_cast %swap3A_674 : vector<16xf32> to vector<16xf32>
      %swap3A_676 = vector.shape_cast %mul3A_672 : vector<16xf32> to vector<16xf32>
      tpu.vector_store %arg6[%swap3A_673], %swap3A_676 {strides = array<i32>} : memref<16384xf32, #tpu.memory_space<vmem>>, vector<16xf32>,
      %scan3A_677 = arith.constant 7 : i32
      %scan3A_678 = arith.addi %scan3A_581, %scan3A_677 : i32
      %mul3A_679 = arith.constant 16 : i32
      %mul3A_680 = arith.muli %scan3A_678, %mul3A_679 : i32
      %get3A_681 = arith.index_cast %mul3A_680 : i32 to index
      %get3A_682 = tpu.vector_load %arg6[%get3A_681] {strides = array<i32>} : memref<16384xf32, #tpu.memory_space<vmem>>, vector<16xf32>,
      %get3A_683 = vector.shape_cast %get3A_682 : vector<16xf32> to vector<16xf32>
      %mul3A_684 = arith.constant 2.048000e+03 : f32
      %mul3A_685 = vector.broadcast %mul3A_684 : f32 to vector<16xf32>
      %mul3A_686 = arith.mulf %get3A_683, %mul3A_685 : vector<16xf32>
      %swap3A_687 = arith.index_cast %mul3A_680 : i32 to index
      %swap3A_688 = tpu.vector_load %arg6[%swap3A_687] {strides = array<i32>} : memref<16384xf32, #tpu.memory_space<vmem>>, vector<16xf32>,
      %swap3A_689 = vector.shape_cast %swap3A_688 : vector<16xf32> to vector<16xf32>
      %swap3A_690 = vector.shape_cast %mul3A_686 : vector<16xf32> to vector<16xf32>
      tpu.vector_store %arg6[%swap3A_687], %swap3A_690 {strides = array<i32>} : memref<16384xf32, #tpu.memory_space<vmem>>, vector<16xf32>,
    }
    %scan3A_35 = arith.constant 1024 : i32
    %add3A_36 = arith.constant 16384 : i32
    %add3A_37 = arith.addi %mul3A_2, %add3A_36 : i32
    %dma_start3A_38 = tpu.memref_slice %arg4[%add3A_37] : memref<16777216xf32, #tpu.memory_space<hbm>> -> memref<16384xf32, #tpu.memory_space<hbm>>
    %dma_start3A_39 = tpu.memref_slice %arg4[%add3A_37] : memref<16777216xf32, #tpu.memory_space<hbm>> -> memref<16384xf32, #tpu.memory_space<hbm>>
    tpu.enqueue_dma source(%arg6 : memref<16384xf32, #tpu.memory_space<vmem>>) target(%dma_start3A_39 : memref<16384xf32, #tpu.memory_space<hbm>>) target_semaphore(%arg16 : memref<!tpu.dma_semaphore, #tpu.memory_space<semaphore_mem>>)
    %dma_wait3A_40 = tpu.memref_slice %arg4[%add3A_21] : memref<16777216xf32, #tpu.memory_space<hbm>> -> memref<16384xf32, #tpu.memory_space<hbm>>
    %dma_wait3A_41 = tpu.memref_slice %arg4[%add3A_21] : memref<16777216xf32, #tpu.memory_space<hbm>> -> memref<16384xf32, #tpu.memory_space<hbm>>
    tpu.wait_dma2 semaphore(%arg15 : memref<!tpu.dma_semaphore, #tpu.memory_space<semaphore_mem>>) src(%arg5 : memref<16384xf32, #tpu.memory_space<vmem>>) dst(%dma_wait3A_41 : memref<16384xf32, #tpu.memory_space<hbm>>)
    %add3A_42 = arith.constant 65536 : i32
    %add3A_43 = arith.addi %mul3A_2, %add3A_42 : i32
    %dma_start3A_44 = tpu.memref_slice %arg2[%add3A_43] : memref<16777216xf32, #tpu.memory_space<hbm>> -> memref<16384xf32, #tpu.memory_space<hbm>>
    %dma_start3A_45 = tpu.memref_slice %arg2[%add3A_43] : memref<16777216xf32, #tpu.memory_space<hbm>> -> memref<16384xf32, #tpu.memory_space<hbm>>
    tpu.enqueue_dma source(%dma_start3A_45 : memref<16384xf32, #tpu.memory_space<hbm>>) target(%arg5 : memref<16384xf32, #tpu.memory_space<vmem>>) target_semaphore(%arg11 : memref<!tpu.dma_semaphore, #tpu.memory_space<semaphore_mem>>)
    %dma_wait3A_46 = tpu.memref_slice %arg2[%add3A_11] : memref<16777216xf32, #tpu.memory_space<hbm>> -> memref<16384xf32, #tpu.memory_space<hbm>>
    %dma_wait3A_47 = tpu.memref_slice %arg2[%add3A_11] : memref<16777216xf32, #tpu.memory_space<hbm>> -> memref<16384xf32, #tpu.memory_space<hbm>>
    tpu.wait_dma2 semaphore(%arg13 : memref<!tpu.dma_semaphore, #tpu.memory_space<semaphore_mem>>) src(%dma_wait3A_47 : memref<16384xf32, #tpu.memory_space<hbm>>) dst(%arg7 : memref<16384xf32, #tpu.memory_space<vmem>>)
    %scan3A_48 = arith.constant 0 : i32
    %scan3A_49 = arith.constant 0 : i32
    %scan3A_50 = arith.constant 1024 : i32
    %scan3A_51 = arith.addi %scan3A_49, %scan3A_50 : i32
    %scan3A_52 = arith.constant 8 : i32
    scf.for %scan3A_581 = %scan3A_49 to %scan3A_51 step %scan3A_52  : i32 {
      %mul3A_582 = arith.constant 16 : i32
      %mul3A_583 = arith.muli %scan3A_581, %mul3A_582 : i32
      %get3A_584 = arith.index_cast %mul3A_583 : i32 to index
      %get3A_585 = tpu.vector_load %arg7[%get3A_584] {strides = array<i32>} : memref<16384xf32, #tpu.memory_space<vmem>>, vector<16xf32>,
      %get3A_586 = vector.shape_cast %get3A_585 : vector<16xf32> to vector<16xf32>
      %mul3A_587 = arith.constant 2.048000e+03 : f32
      %mul3A_588 = vector.broadcast %mul3A_587 : f32 to vector<16xf32>
      %mul3A_589 = arith.mulf %get3A_586, %mul3A_588 : vector<16xf32>
      %swap3A = arith.index_cast %mul3A_583 : i32 to index
      %swap3A_590 = tpu.vector_load %arg7[%swap3A] {strides = array<i32>} : memref<16384xf32, #tpu.memory_space<vmem>>, vector<16xf32>,
      %swap3A_591 = vector.shape_cast %swap3A_590 : vector<16xf32> to vector<16xf32>
      %swap3A_592 = vector.shape_cast %mul3A_589 : vector<16xf32> to vector<16xf32>
      tpu.vector_store %arg7[%swap3A], %swap3A_592 {strides = array<i32>} : memref<16384xf32, #tpu.memory_space<vmem>>, vector<16xf32>,
      %scan3A_593 = arith.constant 1 : i32
      %scan3A_594 = arith.addi %scan3A_581, %scan3A_593 : i32
      %mul3A_595 = arith.constant 16 : i32
      %mul3A_596 = arith.muli %scan3A_594, %mul3A_595 : i32
      %get3A_597 = arith.index_cast %mul3A_596 : i32 to index
      %get3A_598 = tpu.vector_load %arg7[%get3A_597] {strides = array<i32>} : memref<16384xf32, #tpu.memory_space<vmem>>, vector<16xf32>,
      %get3A_599 = vector.shape_cast %get3A_598 : vector<16xf32> to vector<16xf32>
      %mul3A_600 = arith.constant 2.048000e+03 : f32
      %mul3A_601 = vector.broadcast %mul3A_600 : f32 to vector<16xf32>
      %mul3A_602 = arith.mulf %get3A_599, %mul3A_601 : vector<16xf32>
      %swap3A_603 = arith.index_cast %mul3A_596 : i32 to index
      %swap3A_604 = tpu.vector_load %arg7[%swap3A_603] {strides = array<i32>} : memref<16384xf32, #tpu.memory_space<vmem>>, vector<16xf32>,
      %swap3A_605 = vector.shape_cast %swap3A_604 : vector<16xf32> to vector<16xf32>
      %swap3A_606 = vector.shape_cast %mul3A_602 : vector<16xf32> to vector<16xf32>
      tpu.vector_store %arg7[%swap3A_603], %swap3A_606 {strides = array<i32>} : memref<16384xf32, #tpu.memory_space<vmem>>, vector<16xf32>,
      %scan3A_607 = arith.constant 2 : i32
      %scan3A_608 = arith.addi %scan3A_581, %scan3A_607 : i32
      %mul3A_609 = arith.constant 16 : i32
      %mul3A_610 = arith.muli %scan3A_608, %mul3A_609 : i32
      %get3A_611 = arith.index_cast %mul3A_610 : i32 to index
      %get3A_612 = tpu.vector_load %arg7[%get3A_611] {strides = array<i32>} : memref<16384xf32, #tpu.memory_space<vmem>>, vector<16xf32>,
      %get3A_613 = vector.shape_cast %get3A_612 : vector<16xf32> to vector<16xf32>
      %mul3A_614 = arith.constant 2.048000e+03 : f32
      %mul3A_615 = vector.broadcast %mul3A_614 : f32 to vector<16xf32>
      %mul3A_616 = arith.mulf %get3A_613, %mul3A_615 : vector<16xf32>
      %swap3A_617 = arith.index_cast %mul3A_610 : i32 to index
      %swap3A_618 = tpu.vector_load %arg7[%swap3A_617] {strides = array<i32>} : memref<16384xf32, #tpu.memory_space<vmem>>, vector<16xf32>,
      %swap3A_619 = vector.shape_cast %swap3A_618 : vector<16xf32> to vector<16xf32>
      %swap3A_620 = vector.shape_cast %mul3A_616 : vector<16xf32> to vector<16xf32>
      tpu.vector_store %arg7[%swap3A_617], %swap3A_620 {strides = array<i32>} : memref<16384xf32, #tpu.memory_space<vmem>>, vector<16xf32>,
      %scan3A_621 = arith.constant 3 : i32
      %scan3A_622 = arith.addi %scan3A_581, %scan3A_621 : i32
      %mul3A_623 = arith.constant 16 : i32
      %mul3A_624 = arith.muli %scan3A_622, %mul3A_623 : i32
      %get3A_625 = arith.index_cast %mul3A_624 : i32 to index
      %get3A_626 = tpu.vector_load %arg7[%get3A_625] {strides = array<i32>} : memref<16384xf32, #tpu.memory_space<vmem>>, vector<16xf32>,
      %get3A_627 = vector.shape_cast %get3A_626 : vector<16xf32> to vector<16xf32>
      %mul3A_628 = arith.constant 2.048000e+03 : f32
      %mul3A_629 = vector.broadcast %mul3A_628 : f32 to vector<16xf32>
      %mul3A_630 = arith.mulf %get3A_627, %mul3A_629 : vector<16xf32>
      %swap3A_631 = arith.index_cast %mul3A_624 : i32 to index
      %swap3A_632 = tpu.vector_load %arg7[%swap3A_631] {strides = array<i32>} : memref<16384xf32, #tpu.memory_space<vmem>>, vector<16xf32>,
      %swap3A_633 = vector.shape_cast %swap3A_632 : vector<16xf32> to vector<16xf32>
      %swap3A_634 = vector.shape_cast %mul3A_630 : vector<16xf32> to vector<16xf32>
      tpu.vector_store %arg7[%swap3A_631], %swap3A_634 {strides = array<i32>} : memref<16384xf32, #tpu.memory_space<vmem>>, vector<16xf32>,
      %scan3A_635 = arith.constant 4 : i32
      %scan3A_636 = arith.addi %scan3A_581, %scan3A_635 : i32
      %mul3A_637 = arith.constant 16 : i32
      %mul3A_638 = arith.muli %scan3A_636, %mul3A_637 : i32
      %get3A_639 = arith.index_cast %mul3A_638 : i32 to index
      %get3A_640 = tpu.vector_load %arg7[%get3A_639] {strides = array<i32>} : memref<16384xf32, #tpu.memory_space<vmem>>, vector<16xf32>,
      %get3A_641 = vector.shape_cast %get3A_640 : vector<16xf32> to vector<16xf32>
      %mul3A_642 = arith.constant 2.048000e+03 : f32
      %mul3A_643 = vector.broadcast %mul3A_642 : f32 to vector<16xf32>
      %mul3A_644 = arith.mulf %get3A_641, %mul3A_643 : vector<16xf32>
      %swap3A_645 = arith.index_cast %mul3A_638 : i32 to index
      %swap3A_646 = tpu.vector_load %arg7[%swap3A_645] {strides = array<i32>} : memref<16384xf32, #tpu.memory_space<vmem>>, vector<16xf32>,
      %swap3A_647 = vector.shape_cast %swap3A_646 : vector<16xf32> to vector<16xf32>
      %swap3A_648 = vector.shape_cast %mul3A_644 : vector<16xf32> to vector<16xf32>
      tpu.vector_store %arg7[%swap3A_645], %swap3A_648 {strides = array<i32>} : memref<16384xf32, #tpu.memory_space<vmem>>, vector<16xf32>,
      %scan3A_649 = arith.constant 5 : i32
      %scan3A_650 = arith.addi %scan3A_581, %scan3A_649 : i32
      %mul3A_651 = arith.constant 16 : i32
      %mul3A_652 = arith.muli %scan3A_650, %mul3A_651 : i32
      %get3A_653 = arith.index_cast %mul3A_652 : i32 to index
      %get3A_654 = tpu.vector_load %arg7[%get3A_653] {strides = array<i32>} : memref<16384xf32, #tpu.memory_space<vmem>>, vector<16xf32>,
      %get3A_655 = vector.shape_cast %get3A_654 : vector<16xf32> to vector<16xf32>
      %mul3A_656 = arith.constant 2.048000e+03 : f32
      %mul3A_657 = vector.broadcast %mul3A_656 : f32 to vector<16xf32>
      %mul3A_658 = arith.mulf %get3A_655, %mul3A_657 : vector<16xf32>
      %swap3A_659 = arith.index_cast %mul3A_652 : i32 to index
      %swap3A_660 = tpu.vector_load %arg7[%swap3A_659] {strides = array<i32>} : memref<16384xf32, #tpu.memory_space<vmem>>, vector<16xf32>,
      %swap3A_661 = vector.shape_cast %swap3A_660 : vector<16xf32> to vector<16xf32>
      %swap3A_662 = vector.shape_cast %mul3A_658 : vector<16xf32> to vector<16xf32>
      tpu.vector_store %arg7[%swap3A_659], %swap3A_662 {strides = array<i32>} : memref<16384xf32, #tpu.memory_space<vmem>>, vector<16xf32>,
      %scan3A_663 = arith.constant 6 : i32
      %scan3A_664 = arith.addi %scan3A_581, %scan3A_663 : i32
      %mul3A_665 = arith.constant 16 : i32
      %mul3A_666 = arith.muli %scan3A_664, %mul3A_665 : i32
      %get3A_667 = arith.index_cast %mul3A_666 : i32 to index
      %get3A_668 = tpu.vector_load %arg7[%get3A_667] {strides = array<i32>} : memref<16384xf32, #tpu.memory_space<vmem>>, vector<16xf32>,
      %get3A_669 = vector.shape_cast %get3A_668 : vector<16xf32> to vector<16xf32>
      %mul3A_670 = arith.constant 2.048000e+03 : f32
      %mul3A_671 = vector.broadcast %mul3A_670 : f32 to vector<16xf32>
      %mul3A_672 = arith.mulf %get3A_669, %mul3A_671 : vector<16xf32>
      %swap3A_673 = arith.index_cast %mul3A_666 : i32 to index
      %swap3A_674 = tpu.vector_load %arg7[%swap3A_673] {strides = array<i32>} : memref<16384xf32, #tpu.memory_space<vmem>>, vector<16xf32>,
      %swap3A_675 = vector.shape_cast %swap3A_674 : vector<16xf32> to vector<16xf32>
      %swap3A_676 = vector.shape_cast %mul3A_672 : vector<16xf32> to vector<16xf32>
      tpu.vector_store %arg7[%swap3A_673], %swap3A_676 {strides = array<i32>} : memref<16384xf32, #tpu.memory_space<vmem>>, vector<16xf32>,
      %scan3A_677 = arith.constant 7 : i32
      %scan3A_678 = arith.addi %scan3A_581, %scan3A_677 : i32
      %mul3A_679 = arith.constant 16 : i32
      %mul3A_680 = arith.muli %scan3A_678, %mul3A_679 : i32
      %get3A_681 = arith.index_cast %mul3A_680 : i32 to index
      %get3A_682 = tpu.vector_load %arg7[%get3A_681] {strides = array<i32>} : memref<16384xf32, #tpu.memory_space<vmem>>, vector<16xf32>,
      %get3A_683 = vector.shape_cast %get3A_682 : vector<16xf32> to vector<16xf32>
      %mul3A_684 = arith.constant 2.048000e+03 : f32
      %mul3A_685 = vector.broadcast %mul3A_684 : f32 to vector<16xf32>
      %mul3A_686 = arith.mulf %get3A_683, %mul3A_685 : vector<16xf32>
      %swap3A_687 = arith.index_cast %mul3A_680 : i32 to index
      %swap3A_688 = tpu.vector_load %arg7[%swap3A_687] {strides = array<i32>} : memref<16384xf32, #tpu.memory_space<vmem>>, vector<16xf32>,
      %swap3A_689 = vector.shape_cast %swap3A_688 : vector<16xf32> to vector<16xf32>
      %swap3A_690 = vector.shape_cast %mul3A_686 : vector<16xf32> to vector<16xf32>
      tpu.vector_store %arg7[%swap3A_687], %swap3A_690 {strides = array<i32>} : memref<16384xf32, #tpu.memory_space<vmem>>, vector<16xf32>,
    }
    %scan3A_53 = arith.constant 1024 : i32
    %add3A_54 = arith.constant 32768 : i32
    %add3A_55 = arith.addi %mul3A_2, %add3A_54 : i32
    %dma_start3A_56 = tpu.memref_slice %arg4[%add3A_55] : memref<16777216xf32, #tpu.memory_space<hbm>> -> memref<16384xf32, #tpu.memory_space<hbm>>
    %dma_start3A_57 = tpu.memref_slice %arg4[%add3A_55] : memref<16777216xf32, #tpu.memory_space<hbm>> -> memref<16384xf32, #tpu.memory_space<hbm>>
    tpu.enqueue_dma source(%arg7 : memref<16384xf32, #tpu.memory_space<vmem>>) target(%dma_start3A_57 : memref<16384xf32, #tpu.memory_space<hbm>>) target_semaphore(%arg17 : memref<!tpu.dma_semaphore, #tpu.memory_space<semaphore_mem>>)
    %dma_wait3A_58 = tpu.memref_slice %arg4[%add3A_37] : memref<16777216xf32, #tpu.memory_space<hbm>> -> memref<16384xf32, #tpu.memory_space<hbm>>
    %dma_wait3A_59 = tpu.memref_slice %arg4[%add3A_37] : memref<16777216xf32, #tpu.memory_space<hbm>> -> memref<16384xf32, #tpu.memory_space<hbm>>
    tpu.wait_dma2 semaphore(%arg16 : memref<!tpu.dma_semaphore, #tpu.memory_space<semaphore_mem>>) src(%arg6 : memref<16384xf32, #tpu.memory_space<vmem>>) dst(%dma_wait3A_59 : memref<16384xf32, #tpu.memory_space<hbm>>)
    %add3A_60 = arith.constant 81920 : i32
    %add3A_61 = arith.addi %mul3A_2, %add3A_60 : i32
    %dma_start3A_62 = tpu.memref_slice %arg2[%add3A_61] : memref<16777216xf32, #tpu.memory_space<hbm>> -> memref<16384xf32, #tpu.memory_space<hbm>>
    %dma_start3A_63 = tpu.memref_slice %arg2[%add3A_61] : memref<16777216xf32, #tpu.memory_space<hbm>> -> memref<16384xf32, #tpu.memory_space<hbm>>
    tpu.enqueue_dma source(%dma_start3A_63 : memref<16384xf32, #tpu.memory_space<hbm>>) target(%arg6 : memref<16384xf32, #tpu.memory_space<vmem>>) target_semaphore(%arg12 : memref<!tpu.dma_semaphore, #tpu.memory_space<semaphore_mem>>)
    %dma_wait3A_64 = tpu.memref_slice %arg2[%add3A_25] : memref<16777216xf32, #tpu.memory_space<hbm>> -> memref<16384xf32, #tpu.memory_space<hbm>>
    %dma_wait3A_65 = tpu.memref_slice %arg2[%add3A_25] : memref<16777216xf32, #tpu.memory_space<hbm>> -> memref<16384xf32, #tpu.memory_space<hbm>>
    tpu.wait_dma2 semaphore(%arg14 : memref<!tpu.dma_semaphore, #tpu.memory_space<semaphore_mem>>) src(%dma_wait3A_65 : memref<16384xf32, #tpu.memory_space<hbm>>) dst(%arg8 : memref<16384xf32, #tpu.memory_space<vmem>>)
    %scan3A_66 = arith.constant 0 : i32
    %scan3A_67 = arith.constant 0 : i32
    %scan3A_68 = arith.constant 1024 : i32
    %scan3A_69 = arith.addi %scan3A_67, %scan3A_68 : i32
    %scan3A_70 = arith.constant 8 : i32
    scf.for %scan3A_581 = %scan3A_67 to %scan3A_69 step %scan3A_70  : i32 {
      %mul3A_582 = arith.constant 16 : i32
      %mul3A_583 = arith.muli %scan3A_581, %mul3A_582 : i32
      %get3A_584 = arith.index_cast %mul3A_583 : i32 to index
      %get3A_585 = tpu.vector_load %arg8[%get3A_584] {strides = array<i32>} : memref<16384xf32, #tpu.memory_space<vmem>>, vector<16xf32>,
      %get3A_586 = vector.shape_cast %get3A_585 : vector<16xf32> to vector<16xf32>
      %mul3A_587 = arith.constant 2.048000e+03 : f32
      %mul3A_588 = vector.broadcast %mul3A_587 : f32 to vector<16xf32>
      %mul3A_589 = arith.mulf %get3A_586, %mul3A_588 : vector<16xf32>
      %swap3A = arith.index_cast %mul3A_583 : i32 to index
      %swap3A_590 = tpu.vector_load %arg8[%swap3A] {strides = array<i32>} : memref<16384xf32, #tpu.memory_space<vmem>>, vector<16xf32>,
      %swap3A_591 = vector.shape_cast %swap3A_590 : vector<16xf32> to vector<16xf32>
      %swap3A_592 = vector.shape_cast %mul3A_589 : vector<16xf32> to vector<16xf32>
      tpu.vector_store %arg8[%swap3A], %swap3A_592 {strides = array<i32>} : memref<16384xf32, #tpu.memory_space<vmem>>, vector<16xf32>,
      %scan3A_593 = arith.constant 1 : i32
      %scan3A_594 = arith.addi %scan3A_581, %scan3A_593 : i32
      %mul3A_595 = arith.constant 16 : i32
      %mul3A_596 = arith.muli %scan3A_594, %mul3A_595 : i32
      %get3A_597 = arith.index_cast %mul3A_596 : i32 to index
      %get3A_598 = tpu.vector_load %arg8[%get3A_597] {strides = array<i32>} : memref<16384xf32, #tpu.memory_space<vmem>>, vector<16xf32>,
      %get3A_599 = vector.shape_cast %get3A_598 : vector<16xf32> to vector<16xf32>
      %mul3A_600 = arith.constant 2.048000e+03 : f32
      %mul3A_601 = vector.broadcast %mul3A_600 : f32 to vector<16xf32>
      %mul3A_602 = arith.mulf %get3A_599, %mul3A_601 : vector<16xf32>
      %swap3A_603 = arith.index_cast %mul3A_596 : i32 to index
      %swap3A_604 = tpu.vector_load %arg8[%swap3A_603] {strides = array<i32>} : memref<16384xf32, #tpu.memory_space<vmem>>, vector<16xf32>,
      %swap3A_605 = vector.shape_cast %swap3A_604 : vector<16xf32> to vector<16xf32>
      %swap3A_606 = vector.shape_cast %mul3A_602 : vector<16xf32> to vector<16xf32>
      tpu.vector_store %arg8[%swap3A_603], %swap3A_606 {strides = array<i32>} : memref<16384xf32, #tpu.memory_space<vmem>>, vector<16xf32>,
      %scan3A_607 = arith.constant 2 : i32
      %scan3A_608 = arith.addi %scan3A_581, %scan3A_607 : i32
      %mul3A_609 = arith.constant 16 : i32
      %mul3A_610 = arith.muli %scan3A_608, %mul3A_609 : i32
      %get3A_611 = arith.index_cast %mul3A_610 : i32 to index
      %get3A_612 = tpu.vector_load %arg8[%get3A_611] {strides = array<i32>} : memref<16384xf32, #tpu.memory_space<vmem>>, vector<16xf32>,
      %get3A_613 = vector.shape_cast %get3A_612 : vector<16xf32> to vector<16xf32>
      %mul3A_614 = arith.constant 2.048000e+03 : f32
      %mul3A_615 = vector.broadcast %mul3A_614 : f32 to vector<16xf32>
      %mul3A_616 = arith.mulf %get3A_613, %mul3A_615 : vector<16xf32>
      %swap3A_617 = arith.index_cast %mul3A_610 : i32 to index
      %swap3A_618 = tpu.vector_load %arg8[%swap3A_617] {strides = array<i32>} : memref<16384xf32, #tpu.memory_space<vmem>>, vector<16xf32>,
      %swap3A_619 = vector.shape_cast %swap3A_618 : vector<16xf32> to vector<16xf32>
      %swap3A_620 = vector.shape_cast %mul3A_616 : vector<16xf32> to vector<16xf32>
      tpu.vector_store %arg8[%swap3A_617], %swap3A_620 {strides = array<i32>} : memref<16384xf32, #tpu.memory_space<vmem>>, vector<16xf32>,
      %scan3A_621 = arith.constant 3 : i32
      %scan3A_622 = arith.addi %scan3A_581, %scan3A_621 : i32
      %mul3A_623 = arith.constant 16 : i32
      %mul3A_624 = arith.muli %scan3A_622, %mul3A_623 : i32
      %get3A_625 = arith.index_cast %mul3A_624 : i32 to index
      %get3A_626 = tpu.vector_load %arg8[%get3A_625] {strides = array<i32>} : memref<16384xf32, #tpu.memory_space<vmem>>, vector<16xf32>,
      %get3A_627 = vector.shape_cast %get3A_626 : vector<16xf32> to vector<16xf32>
      %mul3A_628 = arith.constant 2.048000e+03 : f32
      %mul3A_629 = vector.broadcast %mul3A_628 : f32 to vector<16xf32>
      %mul3A_630 = arith.mulf %get3A_627, %mul3A_629 : vector<16xf32>
      %swap3A_631 = arith.index_cast %mul3A_624 : i32 to index
      %swap3A_632 = tpu.vector_load %arg8[%swap3A_631] {strides = array<i32>} : memref<16384xf32, #tpu.memory_space<vmem>>, vector<16xf32>,
      %swap3A_633 = vector.shape_cast %swap3A_632 : vector<16xf32> to vector<16xf32>
      %swap3A_634 = vector.shape_cast %mul3A_630 : vector<16xf32> to vector<16xf32>
      tpu.vector_store %arg8[%swap3A_631], %swap3A_634 {strides = array<i32>} : memref<16384xf32, #tpu.memory_space<vmem>>, vector<16xf32>,
      %scan3A_635 = arith.constant 4 : i32
      %scan3A_636 = arith.addi %scan3A_581, %scan3A_635 : i32
      %mul3A_637 = arith.constant 16 : i32
      %mul3A_638 = arith.muli %scan3A_636, %mul3A_637 : i32
      %get3A_639 = arith.index_cast %mul3A_638 : i32 to index
      %get3A_640 = tpu.vector_load %arg8[%get3A_639] {strides = array<i32>} : memref<16384xf32, #tpu.memory_space<vmem>>, vector<16xf32>,
      %get3A_641 = vector.shape_cast %get3A_640 : vector<16xf32> to vector<16xf32>
      %mul3A_642 = arith.constant 2.048000e+03 : f32
      %mul3A_643 = vector.broadcast %mul3A_642 : f32 to vector<16xf32>
      %mul3A_644 = arith.mulf %get3A_641, %mul3A_643 : vector<16xf32>
      %swap3A_645 = arith.index_cast %mul3A_638 : i32 to index
      %swap3A_646 = tpu.vector_load %arg8[%swap3A_645] {strides = array<i32>} : memref<16384xf32, #tpu.memory_space<vmem>>, vector<16xf32>,
      %swap3A_647 = vector.shape_cast %swap3A_646 : vector<16xf32> to vector<16xf32>
      %swap3A_648 = vector.shape_cast %mul3A_644 : vector<16xf32> to vector<16xf32>
      tpu.vector_store %arg8[%swap3A_645], %swap3A_648 {strides = array<i32>} : memref<16384xf32, #tpu.memory_space<vmem>>, vector<16xf32>,
      %scan3A_649 = arith.constant 5 : i32
      %scan3A_650 = arith.addi %scan3A_581, %scan3A_649 : i32
      %mul3A_651 = arith.constant 16 : i32
      %mul3A_652 = arith.muli %scan3A_650, %mul3A_651 : i32
      %get3A_653 = arith.index_cast %mul3A_652 : i32 to index
      %get3A_654 = tpu.vector_load %arg8[%get3A_653] {strides = array<i32>} : memref<16384xf32, #tpu.memory_space<vmem>>, vector<16xf32>,
      %get3A_655 = vector.shape_cast %get3A_654 : vector<16xf32> to vector<16xf32>
      %mul3A_656 = arith.constant 2.048000e+03 : f32
      %mul3A_657 = vector.broadcast %mul3A_656 : f32 to vector<16xf32>
      %mul3A_658 = arith.mulf %get3A_655, %mul3A_657 : vector<16xf32>
      %swap3A_659 = arith.index_cast %mul3A_652 : i32 to index
      %swap3A_660 = tpu.vector_load %arg8[%swap3A_659] {strides = array<i32>} : memref<16384xf32, #tpu.memory_space<vmem>>, vector<16xf32>,
      %swap3A_661 = vector.shape_cast %swap3A_660 : vector<16xf32> to vector<16xf32>
      %swap3A_662 = vector.shape_cast %mul3A_658 : vector<16xf32> to vector<16xf32>
      tpu.vector_store %arg8[%swap3A_659], %swap3A_662 {strides = array<i32>} : memref<16384xf32, #tpu.memory_space<vmem>>, vector<16xf32>,
      %scan3A_663 = arith.constant 6 : i32
      %scan3A_664 = arith.addi %scan3A_581, %scan3A_663 : i32
      %mul3A_665 = arith.constant 16 : i32
      %mul3A_666 = arith.muli %scan3A_664, %mul3A_665 : i32
      %get3A_667 = arith.index_cast %mul3A_666 : i32 to index
      %get3A_668 = tpu.vector_load %arg8[%get3A_667] {strides = array<i32>} : memref<16384xf32, #tpu.memory_space<vmem>>, vector<16xf32>,
      %get3A_669 = vector.shape_cast %get3A_668 : vector<16xf32> to vector<16xf32>
      %mul3A_670 = arith.constant 2.048000e+03 : f32
      %mul3A_671 = vector.broadcast %mul3A_670 : f32 to vector<16xf32>
      %mul3A_672 = arith.mulf %get3A_669, %mul3A_671 : vector<16xf32>
      %swap3A_673 = arith.index_cast %mul3A_666 : i32 to index
      %swap3A_674 = tpu.vector_load %arg8[%swap3A_673] {strides = array<i32>} : memref<16384xf32, #tpu.memory_space<vmem>>, vector<16xf32>,
      %swap3A_675 = vector.shape_cast %swap3A_674 : vector<16xf32> to vector<16xf32>
      %swap3A_676 = vector.shape_cast %mul3A_672 : vector<16xf32> to vector<16xf32>
      tpu.vector_store %arg8[%swap3A_673], %swap3A_676 {strides = array<i32>} : memref<16384xf32, #tpu.memory_space<vmem>>, vector<16xf32>,
      %scan3A_677 = arith.constant 7 : i32
      %scan3A_678 = arith.addi %scan3A_581, %scan3A_677 : i32
      %mul3A_679 = arith.constant 16 : i32
      %mul3A_680 = arith.muli %scan3A_678, %mul3A_679 : i32
      %get3A_681 = arith.index_cast %mul3A_680 : i32 to index
      %get3A_682 = tpu.vector_load %arg8[%get3A_681] {strides = array<i32>} : memref<16384xf32, #tpu.memory_space<vmem>>, vector<16xf32>,
      %get3A_683 = vector.shape_cast %get3A_682 : vector<16xf32> to vector<16xf32>
      %mul3A_684 = arith.constant 2.048000e+03 : f32
      %mul3A_685 = vector.broadcast %mul3A_684 : f32 to vector<16xf32>
      %mul3A_686 = arith.mulf %get3A_683, %mul3A_685 : vector<16xf32>
      %swap3A_687 = arith.index_cast %mul3A_680 : i32 to index
      %swap3A_688 = tpu.vector_load %arg8[%swap3A_687] {strides = array<i32>} : memref<16384xf32, #tpu.memory_space<vmem>>, vector<16xf32>,
      %swap3A_689 = vector.shape_cast %swap3A_688 : vector<16xf32> to vector<16xf32>
      %swap3A_690 = vector.shape_cast %mul3A_686 : vector<16xf32> to vector<16xf32>
      tpu.vector_store %arg8[%swap3A_687], %swap3A_690 {strides = array<i32>} : memref<16384xf32, #tpu.memory_space<vmem>>, vector<16xf32>,
    }
    %scan3A_71 = arith.constant 1024 : i32
    %add3A_72 = arith.constant 49152 : i32
    %add3A_73 = arith.addi %mul3A_2, %add3A_72 : i32
    %dma_start3A_74 = tpu.memref_slice %arg4[%add3A_73] : memref<16777216xf32, #tpu.memory_space<hbm>> -> memref<16384xf32, #tpu.memory_space<hbm>>
    %dma_start3A_75 = tpu.memref_slice %arg4[%add3A_73] : memref<16777216xf32, #tpu.memory_space<hbm>> -> memref<16384xf32, #tpu.memory_space<hbm>>
    tpu.enqueue_dma source(%arg8 : memref<16384xf32, #tpu.memory_space<vmem>>) target(%dma_start3A_75 : memref<16384xf32, #tpu.memory_space<hbm>>) target_semaphore(%arg18 : memref<!tpu.dma_semaphore, #tpu.memory_space<semaphore_mem>>)
    %dma_wait3A_76 = tpu.memref_slice %arg4[%add3A_55] : memref<16777216xf32, #tpu.memory_space<hbm>> -> memref<16384xf32, #tpu.memory_space<hbm>>
    %dma_wait3A_77 = tpu.memref_slice %arg4[%add3A_55] : memref<16777216xf32, #tpu.memory_space<hbm>> -> memref<16384xf32, #tpu.memory_space<hbm>>
    tpu.wait_dma2 semaphore(%arg17 : memref<!tpu.dma_semaphore, #tpu.memory_space<semaphore_mem>>) src(%arg7 : memref<16384xf32, #tpu.memory_space<vmem>>) dst(%dma_wait3A_77 : memref<16384xf32, #tpu.memory_space<hbm>>)
    %add3A_78 = arith.constant 98304 : i32
    %add3A_79 = arith.addi %mul3A_2, %add3A_78 : i32
    %dma_start3A_80 = tpu.memref_slice %arg2[%add3A_79] : memref<16777216xf32, #tpu.memory_space<hbm>> -> memref<16384xf32, #tpu.memory_space<hbm>>
    %dma_start3A_81 = tpu.memref_slice %arg2[%add3A_79] : memref<16777216xf32, #tpu.memory_space<hbm>> -> memref<16384xf32, #tpu.memory_space<hbm>>
    tpu.enqueue_dma source(%dma_start3A_81 : memref<16384xf32, #tpu.memory_space<hbm>>) target(%arg7 : memref<16384xf32, #tpu.memory_space<vmem>>) target_semaphore(%arg13 : memref<!tpu.dma_semaphore, #tpu.memory_space<semaphore_mem>>)
    %dma_wait3A_82 = tpu.memref_slice %arg2[%add3A_43] : memref<16777216xf32, #tpu.memory_space<hbm>> -> memref<16384xf32, #tpu.memory_space<hbm>>
    %dma_wait3A_83 = tpu.memref_slice %arg2[%add3A_43] : memref<16777216xf32, #tpu.memory_space<hbm>> -> memref<16384xf32, #tpu.memory_space<hbm>>
    tpu.wait_dma2 semaphore(%arg11 : memref<!tpu.dma_semaphore, #tpu.memory_space<semaphore_mem>>) src(%dma_wait3A_83 : memref<16384xf32, #tpu.memory_space<hbm>>) dst(%arg5 : memref<16384xf32, #tpu.memory_space<vmem>>)
    %scan3A_84 = arith.constant 0 : i32
    %scan3A_85 = arith.constant 0 : i32
    %scan3A_86 = arith.constant 1024 : i32
    %scan3A_87 = arith.addi %scan3A_85, %scan3A_86 : i32
    %scan3A_88 = arith.constant 8 : i32
    scf.for %scan3A_581 = %scan3A_85 to %scan3A_87 step %scan3A_88  : i32 {
      %mul3A_582 = arith.constant 16 : i32
      %mul3A_583 = arith.muli %scan3A_581, %mul3A_582 : i32
      %get3A_584 = arith.index_cast %mul3A_583 : i32 to index
      %get3A_585 = tpu.vector_load %arg5[%get3A_584] {strides = array<i32>} : memref<16384xf32, #tpu.memory_space<vmem>>, vector<16xf32>,
      %get3A_586 = vector.shape_cast %get3A_585 : vector<16xf32> to vector<16xf32>
      %mul3A_587 = arith.constant 2.048000e+03 : f32
      %mul3A_588 = vector.broadcast %mul3A_587 : f32 to vector<16xf32>
      %mul3A_589 = arith.mulf %get3A_586, %mul3A_588 : vector<16xf32>
      %swap3A = arith.index_cast %mul3A_583 : i32 to index
      %swap3A_590 = tpu.vector_load %arg5[%swap3A] {strides = array<i32>} : memref<16384xf32, #tpu.memory_space<vmem>>, vector<16xf32>,
      %swap3A_591 = vector.shape_cast %swap3A_590 : vector<16xf32> to vector<16xf32>
      %swap3A_592 = vector.shape_cast %mul3A_589 : vector<16xf32> to vector<16xf32>
      tpu.vector_store %arg5[%swap3A], %swap3A_592 {strides = array<i32>} : memref<16384xf32, #tpu.memory_space<vmem>>, vector<16xf32>,
      %scan3A_593 = arith.constant 1 : i32
      %scan3A_594 = arith.addi %scan3A_581, %scan3A_593 : i32
      %mul3A_595 = arith.constant 16 : i32
      %mul3A_596 = arith.muli %scan3A_594, %mul3A_595 : i32
      %get3A_597 = arith.index_cast %mul3A_596 : i32 to index
      %get3A_598 = tpu.vector_load %arg5[%get3A_597] {strides = array<i32>} : memref<16384xf32, #tpu.memory_space<vmem>>, vector<16xf32>,
      %get3A_599 = vector.shape_cast %get3A_598 : vector<16xf32> to vector<16xf32>
      %mul3A_600 = arith.constant 2.048000e+03 : f32
      %mul3A_601 = vector.broadcast %mul3A_600 : f32 to vector<16xf32>
      %mul3A_602 = arith.mulf %get3A_599, %mul3A_601 : vector<16xf32>
      %swap3A_603 = arith.index_cast %mul3A_596 : i32 to index
      %swap3A_604 = tpu.vector_load %arg5[%swap3A_603] {strides = array<i32>} : memref<16384xf32, #tpu.memory_space<vmem>>, vector<16xf32>,
      %swap3A_605 = vector.shape_cast %swap3A_604 : vector<16xf32> to vector<16xf32>
      %swap3A_606 = vector.shape_cast %mul3A_602 : vector<16xf32> to vector<16xf32>
      tpu.vector_store %arg5[%swap3A_603], %swap3A_606 {strides = array<i32>} : memref<16384xf32, #tpu.memory_space<vmem>>, vector<16xf32>,
      %scan3A_607 = arith.constant 2 : i32
      %scan3A_608 = arith.addi %scan3A_581, %scan3A_607 : i32
      %mul3A_609 = arith.constant 16 : i32
      %mul3A_610 = arith.muli %scan3A_608, %mul3A_609 : i32
      %get3A_611 = arith.index_cast %mul3A_610 : i32 to index
      %get3A_612 = tpu.vector_load %arg5[%get3A_611] {strides = array<i32>} : memref<16384xf32, #tpu.memory_space<vmem>>, vector<16xf32>,
      %get3A_613 = vector.shape_cast %get3A_612 : vector<16xf32> to vector<16xf32>
      %mul3A_614 = arith.constant 2.048000e+03 : f32
      %mul3A_615 = vector.broadcast %mul3A_614 : f32 to vector<16xf32>
      %mul3A_616 = arith.mulf %get3A_613, %mul3A_615 : vector<16xf32>
      %swap3A_617 = arith.index_cast %mul3A_610 : i32 to index
      %swap3A_618 = tpu.vector_load %arg5[%swap3A_617] {strides = array<i32>} : memref<16384xf32, #tpu.memory_space<vmem>>, vector<16xf32>,
      %swap3A_619 = vector.shape_cast %swap3A_618 : vector<16xf32> to vector<16xf32>
      %swap3A_620 = vector.shape_cast %mul3A_616 : vector<16xf32> to vector<16xf32>
      tpu.vector_store %arg5[%swap3A_617], %swap3A_620 {strides = array<i32>} : memref<16384xf32, #tpu.memory_space<vmem>>, vector<16xf32>,
      %scan3A_621 = arith.constant 3 : i32
      %scan3A_622 = arith.addi %scan3A_581, %scan3A_621 : i32
      %mul3A_623 = arith.constant 16 : i32
      %mul3A_624 = arith.muli %scan3A_622, %mul3A_623 : i32
      %get3A_625 = arith.index_cast %mul3A_624 : i32 to index
      %get3A_626 = tpu.vector_load %arg5[%get3A_625] {strides = array<i32>} : memref<16384xf32, #tpu.memory_space<vmem>>, vector<16xf32>,
      %get3A_627 = vector.shape_cast %get3A_626 : vector<16xf32> to vector<16xf32>
      %mul3A_628 = arith.constant 2.048000e+03 : f32
      %mul3A_629 = vector.broadcast %mul3A_628 : f32 to vector<16xf32>
      %mul3A_630 = arith.mulf %get3A_627, %mul3A_629 : vector<16xf32>
      %swap3A_631 = arith.index_cast %mul3A_624 : i32 to index
      %swap3A_632 = tpu.vector_load %arg5[%swap3A_631] {strides = array<i32>} : memref<16384xf32, #tpu.memory_space<vmem>>, vector<16xf32>,
      %swap3A_633 = vector.shape_cast %swap3A_632 : vector<16xf32> to vector<16xf32>
      %swap3A_634 = vector.shape_cast %mul3A_630 : vector<16xf32> to vector<16xf32>
      tpu.vector_store %arg5[%swap3A_631], %swap3A_634 {strides = array<i32>} : memref<16384xf32, #tpu.memory_space<vmem>>, vector<16xf32>,
      %scan3A_635 = arith.constant 4 : i32
      %scan3A_636 = arith.addi %scan3A_581, %scan3A_635 : i32
      %mul3A_637 = arith.constant 16 : i32
      %mul3A_638 = arith.muli %scan3A_636, %mul3A_637 : i32
      %get3A_639 = arith.index_cast %mul3A_638 : i32 to index
      %get3A_640 = tpu.vector_load %arg5[%get3A_639] {strides = array<i32>} : memref<16384xf32, #tpu.memory_space<vmem>>, vector<16xf32>,
      %get3A_641 = vector.shape_cast %get3A_640 : vector<16xf32> to vector<16xf32>
      %mul3A_642 = arith.constant 2.048000e+03 : f32
      %mul3A_643 = vector.broadcast %mul3A_642 : f32 to vector<16xf32>
      %mul3A_644 = arith.mulf %get3A_641, %mul3A_643 : vector<16xf32>
      %swap3A_645 = arith.index_cast %mul3A_638 : i32 to index
      %swap3A_646 = tpu.vector_load %arg5[%swap3A_645] {strides = array<i32>} : memref<16384xf32, #tpu.memory_space<vmem>>, vector<16xf32>,
      %swap3A_647 = vector.shape_cast %swap3A_646 : vector<16xf32> to vector<16xf32>
      %swap3A_648 = vector.shape_cast %mul3A_644 : vector<16xf32> to vector<16xf32>
      tpu.vector_store %arg5[%swap3A_645], %swap3A_648 {strides = array<i32>} : memref<16384xf32, #tpu.memory_space<vmem>>, vector<16xf32>,
      %scan3A_649 = arith.constant 5 : i32
      %scan3A_650 = arith.addi %scan3A_581, %scan3A_649 : i32
      %mul3A_651 = arith.constant 16 : i32
      %mul3A_652 = arith.muli %scan3A_650, %mul3A_651 : i32
      %get3A_653 = arith.index_cast %mul3A_652 : i32 to index
      %get3A_654 = tpu.vector_load %arg5[%get3A_653] {strides = array<i32>} : memref<16384xf32, #tpu.memory_space<vmem>>, vector<16xf32>,
      %get3A_655 = vector.shape_cast %get3A_654 : vector<16xf32> to vector<16xf32>
      %mul3A_656 = arith.constant 2.048000e+03 : f32
      %mul3A_657 = vector.broadcast %mul3A_656 : f32 to vector<16xf32>
      %mul3A_658 = arith.mulf %get3A_655, %mul3A_657 : vector<16xf32>
      %swap3A_659 = arith.index_cast %mul3A_652 : i32 to index
      %swap3A_660 = tpu.vector_load %arg5[%swap3A_659] {strides = array<i32>} : memref<16384xf32, #tpu.memory_space<vmem>>, vector<16xf32>,
      %swap3A_661 = vector.shape_cast %swap3A_660 : vector<16xf32> to vector<16xf32>
      %swap3A_662 = vector.shape_cast %mul3A_658 : vector<16xf32> to vector<16xf32>
      tpu.vector_store %arg5[%swap3A_659], %swap3A_662 {strides = array<i32>} : memref<16384xf32, #tpu.memory_space<vmem>>, vector<16xf32>,
      %scan3A_663 = arith.constant 6 : i32
      %scan3A_664 = arith.addi %scan3A_581, %scan3A_663 : i32
      %mul3A_665 = arith.constant 16 : i32
      %mul3A_666 = arith.muli %scan3A_664, %mul3A_665 : i32
      %get3A_667 = arith.index_cast %mul3A_666 : i32 to index
      %get3A_668 = tpu.vector_load %arg5[%get3A_667] {strides = array<i32>} : memref<16384xf32, #tpu.memory_space<vmem>>, vector<16xf32>,
      %get3A_669 = vector.shape_cast %get3A_668 : vector<16xf32> to vector<16xf32>
      %mul3A_670 = arith.constant 2.048000e+03 : f32
      %mul3A_671 = vector.broadcast %mul3A_670 : f32 to vector<16xf32>
      %mul3A_672 = arith.mulf %get3A_669, %mul3A_671 : vector<16xf32>
      %swap3A_673 = arith.index_cast %mul3A_666 : i32 to index
      %swap3A_674 = tpu.vector_load %arg5[%swap3A_673] {strides = array<i32>} : memref<16384xf32, #tpu.memory_space<vmem>>, vector<16xf32>,
      %swap3A_675 = vector.shape_cast %swap3A_674 : vector<16xf32> to vector<16xf32>
      %swap3A_676 = vector.shape_cast %mul3A_672 : vector<16xf32> to vector<16xf32>
      tpu.vector_store %arg5[%swap3A_673], %swap3A_676 {strides = array<i32>} : memref<16384xf32, #tpu.memory_space<vmem>>, vector<16xf32>,
      %scan3A_677 = arith.constant 7 : i32
      %scan3A_678 = arith.addi %scan3A_581, %scan3A_677 : i32
      %mul3A_679 = arith.constant 16 : i32
      %mul3A_680 = arith.muli %scan3A_678, %mul3A_679 : i32
      %get3A_681 = arith.index_cast %mul3A_680 : i32 to index
      %get3A_682 = tpu.vector_load %arg5[%get3A_681] {strides = array<i32>} : memref<16384xf32, #tpu.memory_space<vmem>>, vector<16xf32>,
      %get3A_683 = vector.shape_cast %get3A_682 : vector<16xf32> to vector<16xf32>
      %mul3A_684 = arith.constant 2.048000e+03 : f32
      %mul3A_685 = vector.broadcast %mul3A_684 : f32 to vector<16xf32>
      %mul3A_686 = arith.mulf %get3A_683, %mul3A_685 : vector<16xf32>
      %swap3A_687 = arith.index_cast %mul3A_680 : i32 to index
      %swap3A_688 = tpu.vector_load %arg5[%swap3A_687] {strides = array<i32>} : memref<16384xf32, #tpu.memory_space<vmem>>, vector<16xf32>,
      %swap3A_689 = vector.shape_cast %swap3A_688 : vector<16xf32> to vector<16xf32>
      %swap3A_690 = vector.shape_cast %mul3A_686 : vector<16xf32> to vector<16xf32>
      tpu.vector_store %arg5[%swap3A_687], %swap3A_690 {strides = array<i32>} : memref<16384xf32, #tpu.memory_space<vmem>>, vector<16xf32>,
    }
    %scan3A_89 = arith.constant 1024 : i32
    %add3A_90 = arith.constant 65536 : i32
    %add3A_91 = arith.addi %mul3A_2, %add3A_90 : i32
    %dma_start3A_92 = tpu.memref_slice %arg4[%add3A_91] : memref<16777216xf32, #tpu.memory_space<hbm>> -> memref<16384xf32, #tpu.memory_space<hbm>>
    %dma_start3A_93 = tpu.memref_slice %arg4[%add3A_91] : memref<16777216xf32, #tpu.memory_space<hbm>> -> memref<16384xf32, #tpu.memory_space<hbm>>
    tpu.enqueue_dma source(%arg5 : memref<16384xf32, #tpu.memory_space<vmem>>) target(%dma_start3A_93 : memref<16384xf32, #tpu.memory_space<hbm>>) target_semaphore(%arg15 : memref<!tpu.dma_semaphore, #tpu.memory_space<semaphore_mem>>)
    %dma_wait3A_94 = tpu.memref_slice %arg4[%add3A_73] : memref<16777216xf32, #tpu.memory_space<hbm>> -> memref<16384xf32, #tpu.memory_space<hbm>>
    %dma_wait3A_95 = tpu.memref_slice %arg4[%add3A_73] : memref<16777216xf32, #tpu.memory_space<hbm>> -> memref<16384xf32, #tpu.memory_space<hbm>>
    tpu.wait_dma2 semaphore(%arg18 : memref<!tpu.dma_semaphore, #tpu.memory_space<semaphore_mem>>) src(%arg8 : memref<16384xf32, #tpu.memory_space<vmem>>) dst(%dma_wait3A_95 : memref<16384xf32, #tpu.memory_space<hbm>>)
    %add3A_96 = arith.constant 114688 : i32
    %add3A_97 = arith.addi %mul3A_2, %add3A_96 : i32
    %dma_start3A_98 = tpu.memref_slice %arg2[%add3A_97] : memref<16777216xf32, #tpu.memory_space<hbm>> -> memref<16384xf32, #tpu.memory_space<hbm>>
    %dma_start3A_99 = tpu.memref_slice %arg2[%add3A_97] : memref<16777216xf32, #tpu.memory_space<hbm>> -> memref<16384xf32, #tpu.memory_space<hbm>>
    tpu.enqueue_dma source(%dma_start3A_99 : memref<16384xf32, #tpu.memory_space<hbm>>) target(%arg8 : memref<16384xf32, #tpu.memory_space<vmem>>) target_semaphore(%arg14 : memref<!tpu.dma_semaphore, #tpu.memory_space<semaphore_mem>>)
    %dma_wait3A_100 = tpu.memref_slice %arg2[%add3A_61] : memref<16777216xf32, #tpu.memory_space<hbm>> -> memref<16384xf32, #tpu.memory_space<hbm>>
    %dma_wait3A_101 = tpu.memref_slice %arg2[%add3A_61] : memref<16777216xf32, #tpu.memory_space<hbm>> -> memref<16384xf32, #tpu.memory_space<hbm>>
    tpu.wait_dma2 semaphore(%arg12 : memref<!tpu.dma_semaphore, #tpu.memory_space<semaphore_mem>>) src(%dma_wait3A_101 : memref<16384xf32, #tpu.memory_space<hbm>>) dst(%arg6 : memref<16384xf32, #tpu.memory_space<vmem>>)
    %scan3A_102 = arith.constant 0 : i32
    %scan3A_103 = arith.constant 0 : i32
    %scan3A_104 = arith.constant 1024 : i32
    %scan3A_105 = arith.addi %scan3A_103, %scan3A_104 : i32
    %scan3A_106 = arith.constant 8 : i32
    scf.for %scan3A_581 = %scan3A_103 to %scan3A_105 step %scan3A_106  : i32 {
      %mul3A_582 = arith.constant 16 : i32
      %mul3A_583 = arith.muli %scan3A_581, %mul3A_582 : i32
      %get3A_584 = arith.index_cast %mul3A_583 : i32 to index
      %get3A_585 = tpu.vector_load %arg6[%get3A_584] {strides = array<i32>} : memref<16384xf32, #tpu.memory_space<vmem>>, vector<16xf32>,
      %get3A_586 = vector.shape_cast %get3A_585 : vector<16xf32> to vector<16xf32>
      %mul3A_587 = arith.constant 2.048000e+03 : f32
      %mul3A_588 = vector.broadcast %mul3A_587 : f32 to vector<16xf32>
      %mul3A_589 = arith.mulf %get3A_586, %mul3A_588 : vector<16xf32>
      %swap3A = arith.index_cast %mul3A_583 : i32 to index
      %swap3A_590 = tpu.vector_load %arg6[%swap3A] {strides = array<i32>} : memref<16384xf32, #tpu.memory_space<vmem>>, vector<16xf32>,
      %swap3A_591 = vector.shape_cast %swap3A_590 : vector<16xf32> to vector<16xf32>
      %swap3A_592 = vector.shape_cast %mul3A_589 : vector<16xf32> to vector<16xf32>
      tpu.vector_store %arg6[%swap3A], %swap3A_592 {strides = array<i32>} : memref<16384xf32, #tpu.memory_space<vmem>>, vector<16xf32>,
      %scan3A_593 = arith.constant 1 : i32
      %scan3A_594 = arith.addi %scan3A_581, %scan3A_593 : i32
      %mul3A_595 = arith.constant 16 : i32
      %mul3A_596 = arith.muli %scan3A_594, %mul3A_595 : i32
      %get3A_597 = arith.index_cast %mul3A_596 : i32 to index
      %get3A_598 = tpu.vector_load %arg6[%get3A_597] {strides = array<i32>} : memref<16384xf32, #tpu.memory_space<vmem>>, vector<16xf32>,
      %get3A_599 = vector.shape_cast %get3A_598 : vector<16xf32> to vector<16xf32>
      %mul3A_600 = arith.constant 2.048000e+03 : f32
      %mul3A_601 = vector.broadcast %mul3A_600 : f32 to vector<16xf32>
      %mul3A_602 = arith.mulf %get3A_599, %mul3A_601 : vector<16xf32>
      %swap3A_603 = arith.index_cast %mul3A_596 : i32 to index
      %swap3A_604 = tpu.vector_load %arg6[%swap3A_603] {strides = array<i32>} : memref<16384xf32, #tpu.memory_space<vmem>>, vector<16xf32>,
      %swap3A_605 = vector.shape_cast %swap3A_604 : vector<16xf32> to vector<16xf32>
      %swap3A_606 = vector.shape_cast %mul3A_602 : vector<16xf32> to vector<16xf32>
      tpu.vector_store %arg6[%swap3A_603], %swap3A_606 {strides = array<i32>} : memref<16384xf32, #tpu.memory_space<vmem>>, vector<16xf32>,
      %scan3A_607 = arith.constant 2 : i32
      %scan3A_608 = arith.addi %scan3A_581, %scan3A_607 : i32
      %mul3A_609 = arith.constant 16 : i32
      %mul3A_610 = arith.muli %scan3A_608, %mul3A_609 : i32
      %get3A_611 = arith.index_cast %mul3A_610 : i32 to index
      %get3A_612 = tpu.vector_load %arg6[%get3A_611] {strides = array<i32>} : memref<16384xf32, #tpu.memory_space<vmem>>, vector<16xf32>,
      %get3A_613 = vector.shape_cast %get3A_612 : vector<16xf32> to vector<16xf32>
      %mul3A_614 = arith.constant 2.048000e+03 : f32
      %mul3A_615 = vector.broadcast %mul3A_614 : f32 to vector<16xf32>
      %mul3A_616 = arith.mulf %get3A_613, %mul3A_615 : vector<16xf32>
      %swap3A_617 = arith.index_cast %mul3A_610 : i32 to index
      %swap3A_618 = tpu.vector_load %arg6[%swap3A_617] {strides = array<i32>} : memref<16384xf32, #tpu.memory_space<vmem>>, vector<16xf32>,
      %swap3A_619 = vector.shape_cast %swap3A_618 : vector<16xf32> to vector<16xf32>
      %swap3A_620 = vector.shape_cast %mul3A_616 : vector<16xf32> to vector<16xf32>
      tpu.vector_store %arg6[%swap3A_617], %swap3A_620 {strides = array<i32>} : memref<16384xf32, #tpu.memory_space<vmem>>, vector<16xf32>,
      %scan3A_621 = arith.constant 3 : i32
      %scan3A_622 = arith.addi %scan3A_581, %scan3A_621 : i32
      %mul3A_623 = arith.constant 16 : i32
      %mul3A_624 = arith.muli %scan3A_622, %mul3A_623 : i32
      %get3A_625 = arith.index_cast %mul3A_624 : i32 to index
      %get3A_626 = tpu.vector_load %arg6[%get3A_625] {strides = array<i32>} : memref<16384xf32, #tpu.memory_space<vmem>>, vector<16xf32>,
      %get3A_627 = vector.shape_cast %get3A_626 : vector<16xf32> to vector<16xf32>
      %mul3A_628 = arith.constant 2.048000e+03 : f32
      %mul3A_629 = vector.broadcast %mul3A_628 : f32 to vector<16xf32>
      %mul3A_630 = arith.mulf %get3A_627, %mul3A_629 : vector<16xf32>
      %swap3A_631 = arith.index_cast %mul3A_624 : i32 to index
      %swap3A_632 = tpu.vector_load %arg6[%swap3A_631] {strides = array<i32>} : memref<16384xf32, #tpu.memory_space<vmem>>, vector<16xf32>,
      %swap3A_633 = vector.shape_cast %swap3A_632 : vector<16xf32> to vector<16xf32>
      %swap3A_634 = vector.shape_cast %mul3A_630 : vector<16xf32> to vector<16xf32>
      tpu.vector_store %arg6[%swap3A_631], %swap3A_634 {strides = array<i32>} : memref<16384xf32, #tpu.memory_space<vmem>>, vector<16xf32>,
      %scan3A_635 = arith.constant 4 : i32
      %scan3A_636 = arith.addi %scan3A_581, %scan3A_635 : i32
      %mul3A_637 = arith.constant 16 : i32
      %mul3A_638 = arith.muli %scan3A_636, %mul3A_637 : i32
      %get3A_639 = arith.index_cast %mul3A_638 : i32 to index
      %get3A_640 = tpu.vector_load %arg6[%get3A_639] {strides = array<i32>} : memref<16384xf32, #tpu.memory_space<vmem>>, vector<16xf32>,
      %get3A_641 = vector.shape_cast %get3A_640 : vector<16xf32> to vector<16xf32>
      %mul3A_642 = arith.constant 2.048000e+03 : f32
      %mul3A_643 = vector.broadcast %mul3A_642 : f32 to vector<16xf32>
      %mul3A_644 = arith.mulf %get3A_641, %mul3A_643 : vector<16xf32>
      %swap3A_645 = arith.index_cast %mul3A_638 : i32 to index
      %swap3A_646 = tpu.vector_load %arg6[%swap3A_645] {strides = array<i32>} : memref<16384xf32, #tpu.memory_space<vmem>>, vector<16xf32>,
      %swap3A_647 = vector.shape_cast %swap3A_646 : vector<16xf32> to vector<16xf32>
      %swap3A_648 = vector.shape_cast %mul3A_644 : vector<16xf32> to vector<16xf32>
      tpu.vector_store %arg6[%swap3A_645], %swap3A_648 {strides = array<i32>} : memref<16384xf32, #tpu.memory_space<vmem>>, vector<16xf32>,
      %scan3A_649 = arith.constant 5 : i32
      %scan3A_650 = arith.addi %scan3A_581, %scan3A_649 : i32
      %mul3A_651 = arith.constant 16 : i32
      %mul3A_652 = arith.muli %scan3A_650, %mul3A_651 : i32
      %get3A_653 = arith.index_cast %mul3A_652 : i32 to index
      %get3A_654 = tpu.vector_load %arg6[%get3A_653] {strides = array<i32>} : memref<16384xf32, #tpu.memory_space<vmem>>, vector<16xf32>,
      %get3A_655 = vector.shape_cast %get3A_654 : vector<16xf32> to vector<16xf32>
      %mul3A_656 = arith.constant 2.048000e+03 : f32
      %mul3A_657 = vector.broadcast %mul3A_656 : f32 to vector<16xf32>
      %mul3A_658 = arith.mulf %get3A_655, %mul3A_657 : vector<16xf32>
      %swap3A_659 = arith.index_cast %mul3A_652 : i32 to index
      %swap3A_660 = tpu.vector_load %arg6[%swap3A_659] {strides = array<i32>} : memref<16384xf32, #tpu.memory_space<vmem>>, vector<16xf32>,
      %swap3A_661 = vector.shape_cast %swap3A_660 : vector<16xf32> to vector<16xf32>
      %swap3A_662 = vector.shape_cast %mul3A_658 : vector<16xf32> to vector<16xf32>
      tpu.vector_store %arg6[%swap3A_659], %swap3A_662 {strides = array<i32>} : memref<16384xf32, #tpu.memory_space<vmem>>, vector<16xf32>,
      %scan3A_663 = arith.constant 6 : i32
      %scan3A_664 = arith.addi %scan3A_581, %scan3A_663 : i32
      %mul3A_665 = arith.constant 16 : i32
      %mul3A_666 = arith.muli %scan3A_664, %mul3A_665 : i32
      %get3A_667 = arith.index_cast %mul3A_666 : i32 to index
      %get3A_668 = tpu.vector_load %arg6[%get3A_667] {strides = array<i32>} : memref<16384xf32, #tpu.memory_space<vmem>>, vector<16xf32>,
      %get3A_669 = vector.shape_cast %get3A_668 : vector<16xf32> to vector<16xf32>
      %mul3A_670 = arith.constant 2.048000e+03 : f32
      %mul3A_671 = vector.broadcast %mul3A_670 : f32 to vector<16xf32>
      %mul3A_672 = arith.mulf %get3A_669, %mul3A_671 : vector<16xf32>
      %swap3A_673 = arith.index_cast %mul3A_666 : i32 to index
      %swap3A_674 = tpu.vector_load %arg6[%swap3A_673] {strides = array<i32>} : memref<16384xf32, #tpu.memory_space<vmem>>, vector<16xf32>,
      %swap3A_675 = vector.shape_cast %swap3A_674 : vector<16xf32> to vector<16xf32>
      %swap3A_676 = vector.shape_cast %mul3A_672 : vector<16xf32> to vector<16xf32>
      tpu.vector_store %arg6[%swap3A_673], %swap3A_676 {strides = array<i32>} : memref<16384xf32, #tpu.memory_space<vmem>>, vector<16xf32>,
      %scan3A_677 = arith.constant 7 : i32
      %scan3A_678 = arith.addi %scan3A_581, %scan3A_677 : i32
      %mul3A_679 = arith.constant 16 : i32
      %mul3A_680 = arith.muli %scan3A_678, %mul3A_679 : i32
      %get3A_681 = arith.index_cast %mul3A_680 : i32 to index
      %get3A_682 = tpu.vector_load %arg6[%get3A_681] {strides = array<i32>} : memref<16384xf32, #tpu.memory_space<vmem>>, vector<16xf32>,
      %get3A_683 = vector.shape_cast %get3A_682 : vector<16xf32> to vector<16xf32>
      %mul3A_684 = arith.constant 2.048000e+03 : f32
      %mul3A_685 = vector.broadcast %mul3A_684 : f32 to vector<16xf32>
      %mul3A_686 = arith.mulf %get3A_683, %mul3A_685 : vector<16xf32>
      %swap3A_687 = arith.index_cast %mul3A_680 : i32 to index
      %swap3A_688 = tpu.vector_load %arg6[%swap3A_687] {strides = array<i32>} : memref<16384xf32, #tpu.memory_space<vmem>>, vector<16xf32>,
      %swap3A_689 = vector.shape_cast %swap3A_688 : vector<16xf32> to vector<16xf32>
      %swap3A_690 = vector.shape_cast %mul3A_686 : vector<16xf32> to vector<16xf32>
      tpu.vector_store %arg6[%swap3A_687], %swap3A_690 {strides = array<i32>} : memref<16384xf32, #tpu.memory_space<vmem>>, vector<16xf32>,
    }
    %scan3A_107 = arith.constant 1024 : i32
    %add3A_108 = arith.constant 81920 : i32
    %add3A_109 = arith.addi %mul3A_2, %add3A_108 : i32
    %dma_start3A_110 = tpu.memref_slice %arg4[%add3A_109] : memref<16777216xf32, #tpu.memory_space<hbm>> -> memref<16384xf32, #tpu.memory_space<hbm>>
    %dma_start3A_111 = tpu.memref_slice %arg4[%add3A_109] : memref<16777216xf32, #tpu.memory_space<hbm>> -> memref<16384xf32, #tpu.memory_space<hbm>>
    tpu.enqueue_dma source(%arg6 : memref<16384xf32, #tpu.memory_space<vmem>>) target(%dma_start3A_111 : memref<16384xf32, #tpu.memory_space<hbm>>) target_semaphore(%arg16 : memref<!tpu.dma_semaphore, #tpu.memory_space<semaphore_mem>>)
    %dma_wait3A_112 = tpu.memref_slice %arg4[%add3A_91] : memref<16777216xf32, #tpu.memory_space<hbm>> -> memref<16384xf32, #tpu.memory_space<hbm>>
    %dma_wait3A_113 = tpu.memref_slice %arg4[%add3A_91] : memref<16777216xf32, #tpu.memory_space<hbm>> -> memref<16384xf32, #tpu.memory_space<hbm>>
    tpu.wait_dma2 semaphore(%arg15 : memref<!tpu.dma_semaphore, #tpu.memory_space<semaphore_mem>>) src(%arg5 : memref<16384xf32, #tpu.memory_space<vmem>>) dst(%dma_wait3A_113 : memref<16384xf32, #tpu.memory_space<hbm>>)
    %add3A_114 = arith.constant 131072 : i32
    %add3A_115 = arith.addi %mul3A_2, %add3A_114 : i32
    %dma_start3A_116 = tpu.memref_slice %arg2[%add3A_115] : memref<16777216xf32, #tpu.memory_space<hbm>> -> memref<16384xf32, #tpu.memory_space<hbm>>
    %dma_start3A_117 = tpu.memref_slice %arg2[%add3A_115] : memref<16777216xf32, #tpu.memory_space<hbm>> -> memref<16384xf32, #tpu.memory_space<hbm>>
    tpu.enqueue_dma source(%dma_start3A_117 : memref<16384xf32, #tpu.memory_space<hbm>>) target(%arg5 : memref<16384xf32, #tpu.memory_space<vmem>>) target_semaphore(%arg11 : memref<!tpu.dma_semaphore, #tpu.memory_space<semaphore_mem>>)
    %dma_wait3A_118 = tpu.memref_slice %arg2[%add3A_79] : memref<16777216xf32, #tpu.memory_space<hbm>> -> memref<16384xf32, #tpu.memory_space<hbm>>
    %dma_wait3A_119 = tpu.memref_slice %arg2[%add3A_79] : memref<16777216xf32, #tpu.memory_space<hbm>> -> memref<16384xf32, #tpu.memory_space<hbm>>
    tpu.wait_dma2 semaphore(%arg13 : memref<!tpu.dma_semaphore, #tpu.memory_space<semaphore_mem>>) src(%dma_wait3A_119 : memref<16384xf32, #tpu.memory_space<hbm>>) dst(%arg7 : memref<16384xf32, #tpu.memory_space<vmem>>)
    %scan3A_120 = arith.constant 0 : i32
    %scan3A_121 = arith.constant 0 : i32
    %scan3A_122 = arith.constant 1024 : i32
    %scan3A_123 = arith.addi %scan3A_121, %scan3A_122 : i32
    %scan3A_124 = arith.constant 8 : i32
    scf.for %scan3A_581 = %scan3A_121 to %scan3A_123 step %scan3A_124  : i32 {
      %mul3A_582 = arith.constant 16 : i32
      %mul3A_583 = arith.muli %scan3A_581, %mul3A_582 : i32
      %get3A_584 = arith.index_cast %mul3A_583 : i32 to index
      %get3A_585 = tpu.vector_load %arg7[%get3A_584] {strides = array<i32>} : memref<16384xf32, #tpu.memory_space<vmem>>, vector<16xf32>,
      %get3A_586 = vector.shape_cast %get3A_585 : vector<16xf32> to vector<16xf32>
      %mul3A_587 = arith.constant 2.048000e+03 : f32
      %mul3A_588 = vector.broadcast %mul3A_587 : f32 to vector<16xf32>
      %mul3A_589 = arith.mulf %get3A_586, %mul3A_588 : vector<16xf32>
      %swap3A = arith.index_cast %mul3A_583 : i32 to index
      %swap3A_590 = tpu.vector_load %arg7[%swap3A] {strides = array<i32>} : memref<16384xf32, #tpu.memory_space<vmem>>, vector<16xf32>,
      %swap3A_591 = vector.shape_cast %swap3A_590 : vector<16xf32> to vector<16xf32>
      %swap3A_592 = vector.shape_cast %mul3A_589 : vector<16xf32> to vector<16xf32>
      tpu.vector_store %arg7[%swap3A], %swap3A_592 {strides = array<i32>} : memref<16384xf32, #tpu.memory_space<vmem>>, vector<16xf32>,
      %scan3A_593 = arith.constant 1 : i32
      %scan3A_594 = arith.addi %scan3A_581, %scan3A_593 : i32
      %mul3A_595 = arith.constant 16 : i32
      %mul3A_596 = arith.muli %scan3A_594, %mul3A_595 : i32
      %get3A_597 = arith.index_cast %mul3A_596 : i32 to index
      %get3A_598 = tpu.vector_load %arg7[%get3A_597] {strides = array<i32>} : memref<16384xf32, #tpu.memory_space<vmem>>, vector<16xf32>,
      %get3A_599 = vector.shape_cast %get3A_598 : vector<16xf32> to vector<16xf32>
      %mul3A_600 = arith.constant 2.048000e+03 : f32
      %mul3A_601 = vector.broadcast %mul3A_600 : f32 to vector<16xf32>
      %mul3A_602 = arith.mulf %get3A_599, %mul3A_601 : vector<16xf32>
      %swap3A_603 = arith.index_cast %mul3A_596 : i32 to index
      %swap3A_604 = tpu.vector_load %arg7[%swap3A_603] {strides = array<i32>} : memref<16384xf32, #tpu.memory_space<vmem>>, vector<16xf32>,
      %swap3A_605 = vector.shape_cast %swap3A_604 : vector<16xf32> to vector<16xf32>
      %swap3A_606 = vector.shape_cast %mul3A_602 : vector<16xf32> to vector<16xf32>
      tpu.vector_store %arg7[%swap3A_603], %swap3A_606 {strides = array<i32>} : memref<16384xf32, #tpu.memory_space<vmem>>, vector<16xf32>,
      %scan3A_607 = arith.constant 2 : i32
      %scan3A_608 = arith.addi %scan3A_581, %scan3A_607 : i32
      %mul3A_609 = arith.constant 16 : i32
      %mul3A_610 = arith.muli %scan3A_608, %mul3A_609 : i32
      %get3A_611 = arith.index_cast %mul3A_610 : i32 to index
      %get3A_612 = tpu.vector_load %arg7[%get3A_611] {strides = array<i32>} : memref<16384xf32, #tpu.memory_space<vmem>>, vector<16xf32>,
      %get3A_613 = vector.shape_cast %get3A_612 : vector<16xf32> to vector<16xf32>
      %mul3A_614 = arith.constant 2.048000e+03 : f32
      %mul3A_615 = vector.broadcast %mul3A_614 : f32 to vector<16xf32>
      %mul3A_616 = arith.mulf %get3A_613, %mul3A_615 : vector<16xf32>
      %swap3A_617 = arith.index_cast %mul3A_610 : i32 to index
      %swap3A_618 = tpu.vector_load %arg7[%swap3A_617] {strides = array<i32>} : memref<16384xf32, #tpu.memory_space<vmem>>, vector<16xf32>,
      %swap3A_619 = vector.shape_cast %swap3A_618 : vector<16xf32> to vector<16xf32>
      %swap3A_620 = vector.shape_cast %mul3A_616 : vector<16xf32> to vector<16xf32>
      tpu.vector_store %arg7[%swap3A_617], %swap3A_620 {strides = array<i32>} : memref<16384xf32, #tpu.memory_space<vmem>>, vector<16xf32>,
      %scan3A_621 = arith.constant 3 : i32
      %scan3A_622 = arith.addi %scan3A_581, %scan3A_621 : i32
      %mul3A_623 = arith.constant 16 : i32
      %mul3A_624 = arith.muli %scan3A_622, %mul3A_623 : i32
      %get3A_625 = arith.index_cast %mul3A_624 : i32 to index
      %get3A_626 = tpu.vector_load %arg7[%get3A_625] {strides = array<i32>} : memref<16384xf32, #tpu.memory_space<vmem>>, vector<16xf32>,
      %get3A_627 = vector.shape_cast %get3A_626 : vector<16xf32> to vector<16xf32>
      %mul3A_628 = arith.constant 2.048000e+03 : f32
      %mul3A_629 = vector.broadcast %mul3A_628 : f32 to vector<16xf32>
      %mul3A_630 = arith.mulf %get3A_627, %mul3A_629 : vector<16xf32>
      %swap3A_631 = arith.index_cast %mul3A_624 : i32 to index
      %swap3A_632 = tpu.vector_load %arg7[%swap3A_631] {strides = array<i32>} : memref<16384xf32, #tpu.memory_space<vmem>>, vector<16xf32>,
      %swap3A_633 = vector.shape_cast %swap3A_632 : vector<16xf32> to vector<16xf32>
      %swap3A_634 = vector.shape_cast %mul3A_630 : vector<16xf32> to vector<16xf32>
      tpu.vector_store %arg7[%swap3A_631], %swap3A_634 {strides = array<i32>} : memref<16384xf32, #tpu.memory_space<vmem>>, vector<16xf32>,
      %scan3A_635 = arith.constant 4 : i32
      %scan3A_636 = arith.addi %scan3A_581, %scan3A_635 : i32
      %mul3A_637 = arith.constant 16 : i32
      %mul3A_638 = arith.muli %scan3A_636, %mul3A_637 : i32
      %get3A_639 = arith.index_cast %mul3A_638 : i32 to index
      %get3A_640 = tpu.vector_load %arg7[%get3A_639] {strides = array<i32>} : memref<16384xf32, #tpu.memory_space<vmem>>, vector<16xf32>,
      %get3A_641 = vector.shape_cast %get3A_640 : vector<16xf32> to vector<16xf32>
      %mul3A_642 = arith.constant 2.048000e+03 : f32
      %mul3A_643 = vector.broadcast %mul3A_642 : f32 to vector<16xf32>
      %mul3A_644 = arith.mulf %get3A_641, %mul3A_643 : vector<16xf32>
      %swap3A_645 = arith.index_cast %mul3A_638 : i32 to index
      %swap3A_646 = tpu.vector_load %arg7[%swap3A_645] {strides = array<i32>} : memref<16384xf32, #tpu.memory_space<vmem>>, vector<16xf32>,
      %swap3A_647 = vector.shape_cast %swap3A_646 : vector<16xf32> to vector<16xf32>
      %swap3A_648 = vector.shape_cast %mul3A_644 : vector<16xf32> to vector<16xf32>
      tpu.vector_store %arg7[%swap3A_645], %swap3A_648 {strides = array<i32>} : memref<16384xf32, #tpu.memory_space<vmem>>, vector<16xf32>,
      %scan3A_649 = arith.constant 5 : i32
      %scan3A_650 = arith.addi %scan3A_581, %scan3A_649 : i32
      %mul3A_651 = arith.constant 16 : i32
      %mul3A_652 = arith.muli %scan3A_650, %mul3A_651 : i32
      %get3A_653 = arith.index_cast %mul3A_652 : i32 to index
      %get3A_654 = tpu.vector_load %arg7[%get3A_653] {strides = array<i32>} : memref<16384xf32, #tpu.memory_space<vmem>>, vector<16xf32>,
      %get3A_655 = vector.shape_cast %get3A_654 : vector<16xf32> to vector<16xf32>
      %mul3A_656 = arith.constant 2.048000e+03 : f32
      %mul3A_657 = vector.broadcast %mul3A_656 : f32 to vector<16xf32>
      %mul3A_658 = arith.mulf %get3A_655, %mul3A_657 : vector<16xf32>
      %swap3A_659 = arith.index_cast %mul3A_652 : i32 to index
      %swap3A_660 = tpu.vector_load %arg7[%swap3A_659] {strides = array<i32>} : memref<16384xf32, #tpu.memory_space<vmem>>, vector<16xf32>,
      %swap3A_661 = vector.shape_cast %swap3A_660 : vector<16xf32> to vector<16xf32>
      %swap3A_662 = vector.shape_cast %mul3A_658 : vector<16xf32> to vector<16xf32>
      tpu.vector_store %arg7[%swap3A_659], %swap3A_662 {strides = array<i32>} : memref<16384xf32, #tpu.memory_space<vmem>>, vector<16xf32>,
      %scan3A_663 = arith.constant 6 : i32
      %scan3A_664 = arith.addi %scan3A_581, %scan3A_663 : i32
      %mul3A_665 = arith.constant 16 : i32
      %mul3A_666 = arith.muli %scan3A_664, %mul3A_665 : i32
      %get3A_667 = arith.index_cast %mul3A_666 : i32 to index
      %get3A_668 = tpu.vector_load %arg7[%get3A_667] {strides = array<i32>} : memref<16384xf32, #tpu.memory_space<vmem>>, vector<16xf32>,
      %get3A_669 = vector.shape_cast %get3A_668 : vector<16xf32> to vector<16xf32>
      %mul3A_670 = arith.constant 2.048000e+03 : f32
      %mul3A_671 = vector.broadcast %mul3A_670 : f32 to vector<16xf32>
      %mul3A_672 = arith.mulf %get3A_669, %mul3A_671 : vector<16xf32>
      %swap3A_673 = arith.index_cast %mul3A_666 : i32 to index
      %swap3A_674 = tpu.vector_load %arg7[%swap3A_673] {strides = array<i32>} : memref<16384xf32, #tpu.memory_space<vmem>>, vector<16xf32>,
      %swap3A_675 = vector.shape_cast %swap3A_674 : vector<16xf32> to vector<16xf32>
      %swap3A_676 = vector.shape_cast %mul3A_672 : vector<16xf32> to vector<16xf32>
      tpu.vector_store %arg7[%swap3A_673], %swap3A_676 {strides = array<i32>} : memref<16384xf32, #tpu.memory_space<vmem>>, vector<16xf32>,
      %scan3A_677 = arith.constant 7 : i32
      %scan3A_678 = arith.addi %scan3A_581, %scan3A_677 : i32
      %mul3A_679 = arith.constant 16 : i32
      %mul3A_680 = arith.muli %scan3A_678, %mul3A_679 : i32
      %get3A_681 = arith.index_cast %mul3A_680 : i32 to index
      %get3A_682 = tpu.vector_load %arg7[%get3A_681] {strides = array<i32>} : memref<16384xf32, #tpu.memory_space<vmem>>, vector<16xf32>,
      %get3A_683 = vector.shape_cast %get3A_682 : vector<16xf32> to vector<16xf32>
      %mul3A_684 = arith.constant 2.048000e+03 : f32
      %mul3A_685 = vector.broadcast %mul3A_684 : f32 to vector<16xf32>
      %mul3A_686 = arith.mulf %get3A_683, %mul3A_685 : vector<16xf32>
      %swap3A_687 = arith.index_cast %mul3A_680 : i32 to index
      %swap3A_688 = tpu.vector_load %arg7[%swap3A_687] {strides = array<i32>} : memref<16384xf32, #tpu.memory_space<vmem>>, vector<16xf32>,
      %swap3A_689 = vector.shape_cast %swap3A_688 : vector<16xf32> to vector<16xf32>
      %swap3A_690 = vector.shape_cast %mul3A_686 : vector<16xf32> to vector<16xf32>
      tpu.vector_store %arg7[%swap3A_687], %swap3A_690 {strides = array<i32>} : memref<16384xf32, #tpu.memory_space<vmem>>, vector<16xf32>,
    }
    %scan3A_125 = arith.constant 1024 : i32
    %add3A_126 = arith.constant 98304 : i32
    %add3A_127 = arith.addi %mul3A_2, %add3A_126 : i32
    %dma_start3A_128 = tpu.memref_slice %arg4[%add3A_127] : memref<16777216xf32, #tpu.memory_space<hbm>> -> memref<16384xf32, #tpu.memory_space<hbm>>
    %dma_start3A_129 = tpu.memref_slice %arg4[%add3A_127] : memref<16777216xf32, #tpu.memory_space<hbm>> -> memref<16384xf32, #tpu.memory_space<hbm>>
    tpu.enqueue_dma source(%arg7 : memref<16384xf32, #tpu.memory_space<vmem>>) target(%dma_start3A_129 : memref<16384xf32, #tpu.memory_space<hbm>>) target_semaphore(%arg17 : memref<!tpu.dma_semaphore, #tpu.memory_space<semaphore_mem>>)
    %dma_wait3A_130 = tpu.memref_slice %arg4[%add3A_109] : memref<16777216xf32, #tpu.memory_space<hbm>> -> memref<16384xf32, #tpu.memory_space<hbm>>
    %dma_wait3A_131 = tpu.memref_slice %arg4[%add3A_109] : memref<16777216xf32, #tpu.memory_space<hbm>> -> memref<16384xf32, #tpu.memory_space<hbm>>
    tpu.wait_dma2 semaphore(%arg16 : memref<!tpu.dma_semaphore, #tpu.memory_space<semaphore_mem>>) src(%arg6 : memref<16384xf32, #tpu.memory_space<vmem>>) dst(%dma_wait3A_131 : memref<16384xf32, #tpu.memory_space<hbm>>)
    %add3A_132 = arith.constant 147456 : i32
    %add3A_133 = arith.addi %mul3A_2, %add3A_132 : i32
    %dma_start3A_134 = tpu.memref_slice %arg2[%add3A_133] : memref<16777216xf32, #tpu.memory_space<hbm>> -> memref<16384xf32, #tpu.memory_space<hbm>>
    %dma_start3A_135 = tpu.memref_slice %arg2[%add3A_133] : memref<16777216xf32, #tpu.memory_space<hbm>> -> memref<16384xf32, #tpu.memory_space<hbm>>
    tpu.enqueue_dma source(%dma_start3A_135 : memref<16384xf32, #tpu.memory_space<hbm>>) target(%arg6 : memref<16384xf32, #tpu.memory_space<vmem>>) target_semaphore(%arg12 : memref<!tpu.dma_semaphore, #tpu.memory_space<semaphore_mem>>)
    %dma_wait3A_136 = tpu.memref_slice %arg2[%add3A_97] : memref<16777216xf32, #tpu.memory_space<hbm>> -> memref<16384xf32, #tpu.memory_space<hbm>>
    %dma_wait3A_137 = tpu.memref_slice %arg2[%add3A_97] : memref<16777216xf32, #tpu.memory_space<hbm>> -> memref<16384xf32, #tpu.memory_space<hbm>>
    tpu.wait_dma2 semaphore(%arg14 : memref<!tpu.dma_semaphore, #tpu.memory_space<semaphore_mem>>) src(%dma_wait3A_137 : memref<16384xf32, #tpu.memory_space<hbm>>) dst(%arg8 : memref<16384xf32, #tpu.memory_space<vmem>>)
    %scan3A_138 = arith.constant 0 : i32
    %scan3A_139 = arith.constant 0 : i32
    %scan3A_140 = arith.constant 1024 : i32
    %scan3A_141 = arith.addi %scan3A_139, %scan3A_140 : i32
    %scan3A_142 = arith.constant 8 : i32
    scf.for %scan3A_581 = %scan3A_139 to %scan3A_141 step %scan3A_142  : i32 {
      %mul3A_582 = arith.constant 16 : i32
      %mul3A_583 = arith.muli %scan3A_581, %mul3A_582 : i32
      %get3A_584 = arith.index_cast %mul3A_583 : i32 to index
      %get3A_585 = tpu.vector_load %arg8[%get3A_584] {strides = array<i32>} : memref<16384xf32, #tpu.memory_space<vmem>>, vector<16xf32>,
      %get3A_586 = vector.shape_cast %get3A_585 : vector<16xf32> to vector<16xf32>
      %mul3A_587 = arith.constant 2.048000e+03 : f32
      %mul3A_588 = vector.broadcast %mul3A_587 : f32 to vector<16xf32>
      %mul3A_589 = arith.mulf %get3A_586, %mul3A_588 : vector<16xf32>
      %swap3A = arith.index_cast %mul3A_583 : i32 to index
      %swap3A_590 = tpu.vector_load %arg8[%swap3A] {strides = array<i32>} : memref<16384xf32, #tpu.memory_space<vmem>>, vector<16xf32>,
      %swap3A_591 = vector.shape_cast %swap3A_590 : vector<16xf32> to vector<16xf32>
      %swap3A_592 = vector.shape_cast %mul3A_589 : vector<16xf32> to vector<16xf32>
      tpu.vector_store %arg8[%swap3A], %swap3A_592 {strides = array<i32>} : memref<16384xf32, #tpu.memory_space<vmem>>, vector<16xf32>,
      %scan3A_593 = arith.constant 1 : i32
      %scan3A_594 = arith.addi %scan3A_581, %scan3A_593 : i32
      %mul3A_595 = arith.constant 16 : i32
      %mul3A_596 = arith.muli %scan3A_594, %mul3A_595 : i32
      %get3A_597 = arith.index_cast %mul3A_596 : i32 to index
      %get3A_598 = tpu.vector_load %arg8[%get3A_597] {strides = array<i32>} : memref<16384xf32, #tpu.memory_space<vmem>>, vector<16xf32>,
      %get3A_599 = vector.shape_cast %get3A_598 : vector<16xf32> to vector<16xf32>
      %mul3A_600 = arith.constant 2.048000e+03 : f32
      %mul3A_601 = vector.broadcast %mul3A_600 : f32 to vector<16xf32>
      %mul3A_602 = arith.mulf %get3A_599, %mul3A_601 : vector<16xf32>
      %swap3A_603 = arith.index_cast %mul3A_596 : i32 to index
      %swap3A_604 = tpu.vector_load %arg8[%swap3A_603] {strides = array<i32>} : memref<16384xf32, #tpu.memory_space<vmem>>, vector<16xf32>,
      %swap3A_605 = vector.shape_cast %swap3A_604 : vector<16xf32> to vector<16xf32>
      %swap3A_606 = vector.shape_cast %mul3A_602 : vector<16xf32> to vector<16xf32>
      tpu.vector_store %arg8[%swap3A_603], %swap3A_606 {strides = array<i32>} : memref<16384xf32, #tpu.memory_space<vmem>>, vector<16xf32>,
      %scan3A_607 = arith.constant 2 : i32
      %scan3A_608 = arith.addi %scan3A_581, %scan3A_607 : i32
      %mul3A_609 = arith.constant 16 : i32
      %mul3A_610 = arith.muli %scan3A_608, %mul3A_609 : i32
      %get3A_611 = arith.index_cast %mul3A_610 : i32 to index
      %get3A_612 = tpu.vector_load %arg8[%get3A_611] {strides = array<i32>} : memref<16384xf32, #tpu.memory_space<vmem>>, vector<16xf32>,
      %get3A_613 = vector.shape_cast %get3A_612 : vector<16xf32> to vector<16xf32>
      %mul3A_614 = arith.constant 2.048000e+03 : f32
      %mul3A_615 = vector.broadcast %mul3A_614 : f32 to vector<16xf32>
      %mul3A_616 = arith.mulf %get3A_613, %mul3A_615 : vector<16xf32>
      %swap3A_617 = arith.index_cast %mul3A_610 : i32 to index
      %swap3A_618 = tpu.vector_load %arg8[%swap3A_617] {strides = array<i32>} : memref<16384xf32, #tpu.memory_space<vmem>>, vector<16xf32>,
      %swap3A_619 = vector.shape_cast %swap3A_618 : vector<16xf32> to vector<16xf32>
      %swap3A_620 = vector.shape_cast %mul3A_616 : vector<16xf32> to vector<16xf32>
      tpu.vector_store %arg8[%swap3A_617], %swap3A_620 {strides = array<i32>} : memref<16384xf32, #tpu.memory_space<vmem>>, vector<16xf32>,
      %scan3A_621 = arith.constant 3 : i32
      %scan3A_622 = arith.addi %scan3A_581, %scan3A_621 : i32
      %mul3A_623 = arith.constant 16 : i32
      %mul3A_624 = arith.muli %scan3A_622, %mul3A_623 : i32
      %get3A_625 = arith.index_cast %mul3A_624 : i32 to index
      %get3A_626 = tpu.vector_load %arg8[%get3A_625] {strides = array<i32>} : memref<16384xf32, #tpu.memory_space<vmem>>, vector<16xf32>,
      %get3A_627 = vector.shape_cast %get3A_626 : vector<16xf32> to vector<16xf32>
      %mul3A_628 = arith.constant 2.048000e+03 : f32
      %mul3A_629 = vector.broadcast %mul3A_628 : f32 to vector<16xf32>
      %mul3A_630 = arith.mulf %get3A_627, %mul3A_629 : vector<16xf32>
      %swap3A_631 = arith.index_cast %mul3A_624 : i32 to index
      %swap3A_632 = tpu.vector_load %arg8[%swap3A_631] {strides = array<i32>} : memref<16384xf32, #tpu.memory_space<vmem>>, vector<16xf32>,
      %swap3A_633 = vector.shape_cast %swap3A_632 : vector<16xf32> to vector<16xf32>
      %swap3A_634 = vector.shape_cast %mul3A_630 : vector<16xf32> to vector<16xf32>
      tpu.vector_store %arg8[%swap3A_631], %swap3A_634 {strides = array<i32>} : memref<16384xf32, #tpu.memory_space<vmem>>, vector<16xf32>,
      %scan3A_635 = arith.constant 4 : i32
      %scan3A_636 = arith.addi %scan3A_581, %scan3A_635 : i32
      %mul3A_637 = arith.constant 16 : i32
      %mul3A_638 = arith.muli %scan3A_636, %mul3A_637 : i32
      %get3A_639 = arith.index_cast %mul3A_638 : i32 to index
      %get3A_640 = tpu.vector_load %arg8[%get3A_639] {strides = array<i32>} : memref<16384xf32, #tpu.memory_space<vmem>>, vector<16xf32>,
      %get3A_641 = vector.shape_cast %get3A_640 : vector<16xf32> to vector<16xf32>
      %mul3A_642 = arith.constant 2.048000e+03 : f32
      %mul3A_643 = vector.broadcast %mul3A_642 : f32 to vector<16xf32>
      %mul3A_644 = arith.mulf %get3A_641, %mul3A_643 : vector<16xf32>
      %swap3A_645 = arith.index_cast %mul3A_638 : i32 to index
      %swap3A_646 = tpu.vector_load %arg8[%swap3A_645] {strides = array<i32>} : memref<16384xf32, #tpu.memory_space<vmem>>, vector<16xf32>,
      %swap3A_647 = vector.shape_cast %swap3A_646 : vector<16xf32> to vector<16xf32>
      %swap3A_648 = vector.shape_cast %mul3A_644 : vector<16xf32> to vector<16xf32>
      tpu.vector_store %arg8[%swap3A_645], %swap3A_648 {strides = array<i32>} : memref<16384xf32, #tpu.memory_space<vmem>>, vector<16xf32>,
      %scan3A_649 = arith.constant 5 : i32
      %scan3A_650 = arith.addi %scan3A_581, %scan3A_649 : i32
      %mul3A_651 = arith.constant 16 : i32
      %mul3A_652 = arith.muli %scan3A_650, %mul3A_651 : i32
      %get3A_653 = arith.index_cast %mul3A_652 : i32 to index
      %get3A_654 = tpu.vector_load %arg8[%get3A_653] {strides = array<i32>} : memref<16384xf32, #tpu.memory_space<vmem>>, vector<16xf32>,
      %get3A_655 = vector.shape_cast %get3A_654 : vector<16xf32> to vector<16xf32>
      %mul3A_656 = arith.constant 2.048000e+03 : f32
      %mul3A_657 = vector.broadcast %mul3A_656 : f32 to vector<16xf32>
      %mul3A_658 = arith.mulf %get3A_655, %mul3A_657 : vector<16xf32>
      %swap3A_659 = arith.index_cast %mul3A_652 : i32 to index
      %swap3A_660 = tpu.vector_load %arg8[%swap3A_659] {strides = array<i32>} : memref<16384xf32, #tpu.memory_space<vmem>>, vector<16xf32>,
      %swap3A_661 = vector.shape_cast %swap3A_660 : vector<16xf32> to vector<16xf32>
      %swap3A_662 = vector.shape_cast %mul3A_658 : vector<16xf32> to vector<16xf32>
      tpu.vector_store %arg8[%swap3A_659], %swap3A_662 {strides = array<i32>} : memref<16384xf32, #tpu.memory_space<vmem>>, vector<16xf32>,
      %scan3A_663 = arith.constant 6 : i32
      %scan3A_664 = arith.addi %scan3A_581, %scan3A_663 : i32
      %mul3A_665 = arith.constant 16 : i32
      %mul3A_666 = arith.muli %scan3A_664, %mul3A_665 : i32
      %get3A_667 = arith.index_cast %mul3A_666 : i32 to index
      %get3A_668 = tpu.vector_load %arg8[%get3A_667] {strides = array<i32>} : memref<16384xf32, #tpu.memory_space<vmem>>, vector<16xf32>,
      %get3A_669 = vector.shape_cast %get3A_668 : vector<16xf32> to vector<16xf32>
      %mul3A_670 = arith.constant 2.048000e+03 : f32
      %mul3A_671 = vector.broadcast %mul3A_670 : f32 to vector<16xf32>
      %mul3A_672 = arith.mulf %get3A_669, %mul3A_671 : vector<16xf32>
      %swap3A_673 = arith.index_cast %mul3A_666 : i32 to index
      %swap3A_674 = tpu.vector_load %arg8[%swap3A_673] {strides = array<i32>} : memref<16384xf32, #tpu.memory_space<vmem>>, vector<16xf32>,
      %swap3A_675 = vector.shape_cast %swap3A_674 : vector<16xf32> to vector<16xf32>
      %swap3A_676 = vector.shape_cast %mul3A_672 : vector<16xf32> to vector<16xf32>
      tpu.vector_store %arg8[%swap3A_673], %swap3A_676 {strides = array<i32>} : memref<16384xf32, #tpu.memory_space<vmem>>, vector<16xf32>,
      %scan3A_677 = arith.constant 7 : i32
      %scan3A_678 = arith.addi %scan3A_581, %scan3A_677 : i32
      %mul3A_679 = arith.constant 16 : i32
      %mul3A_680 = arith.muli %scan3A_678, %mul3A_679 : i32
      %get3A_681 = arith.index_cast %mul3A_680 : i32 to index
      %get3A_682 = tpu.vector_load %arg8[%get3A_681] {strides = array<i32>} : memref<16384xf32, #tpu.memory_space<vmem>>, vector<16xf32>,
      %get3A_683 = vector.shape_cast %get3A_682 : vector<16xf32> to vector<16xf32>
      %mul3A_684 = arith.constant 2.048000e+03 : f32
      %mul3A_685 = vector.broadcast %mul3A_684 : f32 to vector<16xf32>
      %mul3A_686 = arith.mulf %get3A_683, %mul3A_685 : vector<16xf32>
      %swap3A_687 = arith.index_cast %mul3A_680 : i32 to index
      %swap3A_688 = tpu.vector_load %arg8[%swap3A_687] {strides = array<i32>} : memref<16384xf32, #tpu.memory_space<vmem>>, vector<16xf32>,
      %swap3A_689 = vector.shape_cast %swap3A_688 : vector<16xf32> to vector<16xf32>
      %swap3A_690 = vector.shape_cast %mul3A_686 : vector<16xf32> to vector<16xf32>
      tpu.vector_store %arg8[%swap3A_687], %swap3A_690 {strides = array<i32>} : memref<16384xf32, #tpu.memory_space<vmem>>, vector<16xf32>,
    }
    %scan3A_143 = arith.constant 1024 : i32
    %add3A_144 = arith.constant 114688 : i32
    %add3A_145 = arith.addi %mul3A_2, %add3A_144 : i32
    %dma_start3A_146 = tpu.memref_slice %arg4[%add3A_145] : memref<16777216xf32, #tpu.memory_space<hbm>> -> memref<16384xf32, #tpu.memory_space<hbm>>
    %dma_start3A_147 = tpu.memref_slice %arg4[%add3A_145] : memref<16777216xf32, #tpu.memory_space<hbm>> -> memref<16384xf32, #tpu.memory_space<hbm>>
    tpu.enqueue_dma source(%arg8 : memref<16384xf32, #tpu.memory_space<vmem>>) target(%dma_start3A_147 : memref<16384xf32, #tpu.memory_space<hbm>>) target_semaphore(%arg18 : memref<!tpu.dma_semaphore, #tpu.memory_space<semaphore_mem>>)
    %dma_wait3A_148 = tpu.memref_slice %arg4[%add3A_127] : memref<16777216xf32, #tpu.memory_space<hbm>> -> memref<16384xf32, #tpu.memory_space<hbm>>
    %dma_wait3A_149 = tpu.memref_slice %arg4[%add3A_127] : memref<16777216xf32, #tpu.memory_space<hbm>> -> memref<16384xf32, #tpu.memory_space<hbm>>
    tpu.wait_dma2 semaphore(%arg17 : memref<!tpu.dma_semaphore, #tpu.memory_space<semaphore_mem>>) src(%arg7 : memref<16384xf32, #tpu.memory_space<vmem>>) dst(%dma_wait3A_149 : memref<16384xf32, #tpu.memory_space<hbm>>)
    %add3A_150 = arith.constant 163840 : i32
    %add3A_151 = arith.addi %mul3A_2, %add3A_150 : i32
    %dma_start3A_152 = tpu.memref_slice %arg2[%add3A_151] : memref<16777216xf32, #tpu.memory_space<hbm>> -> memref<16384xf32, #tpu.memory_space<hbm>>
    %dma_start3A_153 = tpu.memref_slice %arg2[%add3A_151] : memref<16777216xf32, #tpu.memory_space<hbm>> -> memref<16384xf32, #tpu.memory_space<hbm>>
    tpu.enqueue_dma source(%dma_start3A_153 : memref<16384xf32, #tpu.memory_space<hbm>>) target(%arg7 : memref<16384xf32, #tpu.memory_space<vmem>>) target_semaphore(%arg13 : memref<!tpu.dma_semaphore, #tpu.memory_space<semaphore_mem>>)
    %dma_wait3A_154 = tpu.memref_slice %arg2[%add3A_115] : memref<16777216xf32, #tpu.memory_space<hbm>> -> memref<16384xf32, #tpu.memory_space<hbm>>
    %dma_wait3A_155 = tpu.memref_slice %arg2[%add3A_115] : memref<16777216xf32, #tpu.memory_space<hbm>> -> memref<16384xf32, #tpu.memory_space<hbm>>
    tpu.wait_dma2 semaphore(%arg11 : memref<!tpu.dma_semaphore, #tpu.memory_space<semaphore_mem>>) src(%dma_wait3A_155 : memref<16384xf32, #tpu.memory_space<hbm>>) dst(%arg5 : memref<16384xf32, #tpu.memory_space<vmem>>)
    %scan3A_156 = arith.constant 0 : i32
    %scan3A_157 = arith.constant 0 : i32
    %scan3A_158 = arith.constant 1024 : i32
    %scan3A_159 = arith.addi %scan3A_157, %scan3A_158 : i32
    %scan3A_160 = arith.constant 8 : i32
    scf.for %scan3A_581 = %scan3A_157 to %scan3A_159 step %scan3A_160  : i32 {
      %mul3A_582 = arith.constant 16 : i32
      %mul3A_583 = arith.muli %scan3A_581, %mul3A_582 : i32
      %get3A_584 = arith.index_cast %mul3A_583 : i32 to index
      %get3A_585 = tpu.vector_load %arg5[%get3A_584] {strides = array<i32>} : memref<16384xf32, #tpu.memory_space<vmem>>, vector<16xf32>,
      %get3A_586 = vector.shape_cast %get3A_585 : vector<16xf32> to vector<16xf32>
      %mul3A_587 = arith.constant 2.048000e+03 : f32
      %mul3A_588 = vector.broadcast %mul3A_587 : f32 to vector<16xf32>
      %mul3A_589 = arith.mulf %get3A_586, %mul3A_588 : vector<16xf32>
      %swap3A = arith.index_cast %mul3A_583 : i32 to index
      %swap3A_590 = tpu.vector_load %arg5[%swap3A] {strides = array<i32>} : memref<16384xf32, #tpu.memory_space<vmem>>, vector<16xf32>,
      %swap3A_591 = vector.shape_cast %swap3A_590 : vector<16xf32> to vector<16xf32>
      %swap3A_592 = vector.shape_cast %mul3A_589 : vector<16xf32> to vector<16xf32>
      tpu.vector_store %arg5[%swap3A], %swap3A_592 {strides = array<i32>} : memref<16384xf32, #tpu.memory_space<vmem>>, vector<16xf32>,
      %scan3A_593 = arith.constant 1 : i32
      %scan3A_594 = arith.addi %scan3A_581, %scan3A_593 : i32
      %mul3A_595 = arith.constant 16 : i32
      %mul3A_596 = arith.muli %scan3A_594, %mul3A_595 : i32
      %get3A_597 = arith.index_cast %mul3A_596 : i32 to index
      %get3A_598 = tpu.vector_load %arg5[%get3A_597] {strides = array<i32>} : memref<16384xf32, #tpu.memory_space<vmem>>, vector<16xf32>,
      %get3A_599 = vector.shape_cast %get3A_598 : vector<16xf32> to vector<16xf32>
      %mul3A_600 = arith.constant 2.048000e+03 : f32
      %mul3A_601 = vector.broadcast %mul3A_600 : f32 to vector<16xf32>
      %mul3A_602 = arith.mulf %get3A_599, %mul3A_601 : vector<16xf32>
      %swap3A_603 = arith.index_cast %mul3A_596 : i32 to index
      %swap3A_604 = tpu.vector_load %arg5[%swap3A_603] {strides = array<i32>} : memref<16384xf32, #tpu.memory_space<vmem>>, vector<16xf32>,
      %swap3A_605 = vector.shape_cast %swap3A_604 : vector<16xf32> to vector<16xf32>
      %swap3A_606 = vector.shape_cast %mul3A_602 : vector<16xf32> to vector<16xf32>
      tpu.vector_store %arg5[%swap3A_603], %swap3A_606 {strides = array<i32>} : memref<16384xf32, #tpu.memory_space<vmem>>, vector<16xf32>,
      %scan3A_607 = arith.constant 2 : i32
      %scan3A_608 = arith.addi %scan3A_581, %scan3A_607 : i32
      %mul3A_609 = arith.constant 16 : i32
      %mul3A_610 = arith.muli %scan3A_608, %mul3A_609 : i32
      %get3A_611 = arith.index_cast %mul3A_610 : i32 to index
      %get3A_612 = tpu.vector_load %arg5[%get3A_611] {strides = array<i32>} : memref<16384xf32, #tpu.memory_space<vmem>>, vector<16xf32>,
      %get3A_613 = vector.shape_cast %get3A_612 : vector<16xf32> to vector<16xf32>
      %mul3A_614 = arith.constant 2.048000e+03 : f32
      %mul3A_615 = vector.broadcast %mul3A_614 : f32 to vector<16xf32>
      %mul3A_616 = arith.mulf %get3A_613, %mul3A_615 : vector<16xf32>
      %swap3A_617 = arith.index_cast %mul3A_610 : i32 to index
      %swap3A_618 = tpu.vector_load %arg5[%swap3A_617] {strides = array<i32>} : memref<16384xf32, #tpu.memory_space<vmem>>, vector<16xf32>,
      %swap3A_619 = vector.shape_cast %swap3A_618 : vector<16xf32> to vector<16xf32>
      %swap3A_620 = vector.shape_cast %mul3A_616 : vector<16xf32> to vector<16xf32>
      tpu.vector_store %arg5[%swap3A_617], %swap3A_620 {strides = array<i32>} : memref<16384xf32, #tpu.memory_space<vmem>>, vector<16xf32>,
      %scan3A_621 = arith.constant 3 : i32
      %scan3A_622 = arith.addi %scan3A_581, %scan3A_621 : i32
      %mul3A_623 = arith.constant 16 : i32
      %mul3A_624 = arith.muli %scan3A_622, %mul3A_623 : i32
      %get3A_625 = arith.index_cast %mul3A_624 : i32 to index
      %get3A_626 = tpu.vector_load %arg5[%get3A_625] {strides = array<i32>} : memref<16384xf32, #tpu.memory_space<vmem>>, vector<16xf32>,
      %get3A_627 = vector.shape_cast %get3A_626 : vector<16xf32> to vector<16xf32>
      %mul3A_628 = arith.constant 2.048000e+03 : f32
      %mul3A_629 = vector.broadcast %mul3A_628 : f32 to vector<16xf32>
      %mul3A_630 = arith.mulf %get3A_627, %mul3A_629 : vector<16xf32>
      %swap3A_631 = arith.index_cast %mul3A_624 : i32 to index
      %swap3A_632 = tpu.vector_load %arg5[%swap3A_631] {strides = array<i32>} : memref<16384xf32, #tpu.memory_space<vmem>>, vector<16xf32>,
      %swap3A_633 = vector.shape_cast %swap3A_632 : vector<16xf32> to vector<16xf32>
      %swap3A_634 = vector.shape_cast %mul3A_630 : vector<16xf32> to vector<16xf32>
      tpu.vector_store %arg5[%swap3A_631], %swap3A_634 {strides = array<i32>} : memref<16384xf32, #tpu.memory_space<vmem>>, vector<16xf32>,
      %scan3A_635 = arith.constant 4 : i32
      %scan3A_636 = arith.addi %scan3A_581, %scan3A_635 : i32
      %mul3A_637 = arith.constant 16 : i32
      %mul3A_638 = arith.muli %scan3A_636, %mul3A_637 : i32
      %get3A_639 = arith.index_cast %mul3A_638 : i32 to index
      %get3A_640 = tpu.vector_load %arg5[%get3A_639] {strides = array<i32>} : memref<16384xf32, #tpu.memory_space<vmem>>, vector<16xf32>,
      %get3A_641 = vector.shape_cast %get3A_640 : vector<16xf32> to vector<16xf32>
      %mul3A_642 = arith.constant 2.048000e+03 : f32
      %mul3A_643 = vector.broadcast %mul3A_642 : f32 to vector<16xf32>
      %mul3A_644 = arith.mulf %get3A_641, %mul3A_643 : vector<16xf32>
      %swap3A_645 = arith.index_cast %mul3A_638 : i32 to index
      %swap3A_646 = tpu.vector_load %arg5[%swap3A_645] {strides = array<i32>} : memref<16384xf32, #tpu.memory_space<vmem>>, vector<16xf32>,
      %swap3A_647 = vector.shape_cast %swap3A_646 : vector<16xf32> to vector<16xf32>
      %swap3A_648 = vector.shape_cast %mul3A_644 : vector<16xf32> to vector<16xf32>
      tpu.vector_store %arg5[%swap3A_645], %swap3A_648 {strides = array<i32>} : memref<16384xf32, #tpu.memory_space<vmem>>, vector<16xf32>,
      %scan3A_649 = arith.constant 5 : i32
      %scan3A_650 = arith.addi %scan3A_581, %scan3A_649 : i32
      %mul3A_651 = arith.constant 16 : i32
      %mul3A_652 = arith.muli %scan3A_650, %mul3A_651 : i32
      %get3A_653 = arith.index_cast %mul3A_652 : i32 to index
      %get3A_654 = tpu.vector_load %arg5[%get3A_653] {strides = array<i32>} : memref<16384xf32, #tpu.memory_space<vmem>>, vector<16xf32>,
      %get3A_655 = vector.shape_cast %get3A_654 : vector<16xf32> to vector<16xf32>
      %mul3A_656 = arith.constant 2.048000e+03 : f32
      %mul3A_657 = vector.broadcast %mul3A_656 : f32 to vector<16xf32>
      %mul3A_658 = arith.mulf %get3A_655, %mul3A_657 : vector<16xf32>
      %swap3A_659 = arith.index_cast %mul3A_652 : i32 to index
      %swap3A_660 = tpu.vector_load %arg5[%swap3A_659] {strides = array<i32>} : memref<16384xf32, #tpu.memory_space<vmem>>, vector<16xf32>,
      %swap3A_661 = vector.shape_cast %swap3A_660 : vector<16xf32> to vector<16xf32>
      %swap3A_662 = vector.shape_cast %mul3A_658 : vector<16xf32> to vector<16xf32>
      tpu.vector_store %arg5[%swap3A_659], %swap3A_662 {strides = array<i32>} : memref<16384xf32, #tpu.memory_space<vmem>>, vector<16xf32>,
      %scan3A_663 = arith.constant 6 : i32
      %scan3A_664 = arith.addi %scan3A_581, %scan3A_663 : i32
      %mul3A_665 = arith.constant 16 : i32
      %mul3A_666 = arith.muli %scan3A_664, %mul3A_665 : i32
      %get3A_667 = arith.index_cast %mul3A_666 : i32 to index
      %get3A_668 = tpu.vector_load %arg5[%get3A_667] {strides = array<i32>} : memref<16384xf32, #tpu.memory_space<vmem>>, vector<16xf32>,
      %get3A_669 = vector.shape_cast %get3A_668 : vector<16xf32> to vector<16xf32>
      %mul3A_670 = arith.constant 2.048000e+03 : f32
      %mul3A_671 = vector.broadcast %mul3A_670 : f32 to vector<16xf32>
      %mul3A_672 = arith.mulf %get3A_669, %mul3A_671 : vector<16xf32>
      %swap3A_673 = arith.index_cast %mul3A_666 : i32 to index
      %swap3A_674 = tpu.vector_load %arg5[%swap3A_673] {strides = array<i32>} : memref<16384xf32, #tpu.memory_space<vmem>>, vector<16xf32>,
      %swap3A_675 = vector.shape_cast %swap3A_674 : vector<16xf32> to vector<16xf32>
      %swap3A_676 = vector.shape_cast %mul3A_672 : vector<16xf32> to vector<16xf32>
      tpu.vector_store %arg5[%swap3A_673], %swap3A_676 {strides = array<i32>} : memref<16384xf32, #tpu.memory_space<vmem>>, vector<16xf32>,
      %scan3A_677 = arith.constant 7 : i32
      %scan3A_678 = arith.addi %scan3A_581, %scan3A_677 : i32
      %mul3A_679 = arith.constant 16 : i32
      %mul3A_680 = arith.muli %scan3A_678, %mul3A_679 : i32
      %get3A_681 = arith.index_cast %mul3A_680 : i32 to index
      %get3A_682 = tpu.vector_load %arg5[%get3A_681] {strides = array<i32>} : memref<16384xf32, #tpu.memory_space<vmem>>, vector<16xf32>,
      %get3A_683 = vector.shape_cast %get3A_682 : vector<16xf32> to vector<16xf32>
      %mul3A_684 = arith.constant 2.048000e+03 : f32
      %mul3A_685 = vector.broadcast %mul3A_684 : f32 to vector<16xf32>
      %mul3A_686 = arith.mulf %get3A_683, %mul3A_685 : vector<16xf32>
      %swap3A_687 = arith.index_cast %mul3A_680 : i32 to index
      %swap3A_688 = tpu.vector_load %arg5[%swap3A_687] {strides = array<i32>} : memref<16384xf32, #tpu.memory_space<vmem>>, vector<16xf32>,
      %swap3A_689 = vector.shape_cast %swap3A_688 : vector<16xf32> to vector<16xf32>
      %swap3A_690 = vector.shape_cast %mul3A_686 : vector<16xf32> to vector<16xf32>
      tpu.vector_store %arg5[%swap3A_687], %swap3A_690 {strides = array<i32>} : memref<16384xf32, #tpu.memory_space<vmem>>, vector<16xf32>,
    }
    %scan3A_161 = arith.constant 1024 : i32
    %add3A_162 = arith.constant 131072 : i32
    %add3A_163 = arith.addi %mul3A_2, %add3A_162 : i32
    %dma_start3A_164 = tpu.memref_slice %arg4[%add3A_163] : memref<16777216xf32, #tpu.memory_space<hbm>> -> memref<16384xf32, #tpu.memory_space<hbm>>
    %dma_start3A_165 = tpu.memref_slice %arg4[%add3A_163] : memref<16777216xf32, #tpu.memory_space<hbm>> -> memref<16384xf32, #tpu.memory_space<hbm>>
    tpu.enqueue_dma source(%arg5 : memref<16384xf32, #tpu.memory_space<vmem>>) target(%dma_start3A_165 : memref<16384xf32, #tpu.memory_space<hbm>>) target_semaphore(%arg15 : memref<!tpu.dma_semaphore, #tpu.memory_space<semaphore_mem>>)
    %dma_wait3A_166 = tpu.memref_slice %arg4[%add3A_145] : memref<16777216xf32, #tpu.memory_space<hbm>> -> memref<16384xf32, #tpu.memory_space<hbm>>
    %dma_wait3A_167 = tpu.memref_slice %arg4[%add3A_145] : memref<16777216xf32, #tpu.memory_space<hbm>> -> memref<16384xf32, #tpu.memory_space<hbm>>
    tpu.wait_dma2 semaphore(%arg18 : memref<!tpu.dma_semaphore, #tpu.memory_space<semaphore_mem>>) src(%arg8 : memref<16384xf32, #tpu.memory_space<vmem>>) dst(%dma_wait3A_167 : memref<16384xf32, #tpu.memory_space<hbm>>)
    %add3A_168 = arith.constant 180224 : i32
    %add3A_169 = arith.addi %mul3A_2, %add3A_168 : i32
    %dma_start3A_170 = tpu.memref_slice %arg2[%add3A_169] : memref<16777216xf32, #tpu.memory_space<hbm>> -> memref<16384xf32, #tpu.memory_space<hbm>>
    %dma_start3A_171 = tpu.memref_slice %arg2[%add3A_169] : memref<16777216xf32, #tpu.memory_space<hbm>> -> memref<16384xf32, #tpu.memory_space<hbm>>
    tpu.enqueue_dma source(%dma_start3A_171 : memref<16384xf32, #tpu.memory_space<hbm>>) target(%arg8 : memref<16384xf32, #tpu.memory_space<vmem>>) target_semaphore(%arg14 : memref<!tpu.dma_semaphore, #tpu.memory_space<semaphore_mem>>)
    %dma_wait3A_172 = tpu.memref_slice %arg2[%add3A_133] : memref<16777216xf32, #tpu.memory_space<hbm>> -> memref<16384xf32, #tpu.memory_space<hbm>>
    %dma_wait3A_173 = tpu.memref_slice %arg2[%add3A_133] : memref<16777216xf32, #tpu.memory_space<hbm>> -> memref<16384xf32, #tpu.memory_space<hbm>>
    tpu.wait_dma2 semaphore(%arg12 : memref<!tpu.dma_semaphore, #tpu.memory_space<semaphore_mem>>) src(%dma_wait3A_173 : memref<16384xf32, #tpu.memory_space<hbm>>) dst(%arg6 : memref<16384xf32, #tpu.memory_space<vmem>>)
    %scan3A_174 = arith.constant 0 : i32
    %scan3A_175 = arith.constant 0 : i32
    %scan3A_176 = arith.constant 1024 : i32
    %scan3A_177 = arith.addi %scan3A_175, %scan3A_176 : i32
    %scan3A_178 = arith.constant 8 : i32
    scf.for %scan3A_581 = %scan3A_175 to %scan3A_177 step %scan3A_178  : i32 {
      %mul3A_582 = arith.constant 16 : i32
      %mul3A_583 = arith.muli %scan3A_581, %mul3A_582 : i32
      %get3A_584 = arith.index_cast %mul3A_583 : i32 to index
      %get3A_585 = tpu.vector_load %arg6[%get3A_584] {strides = array<i32>} : memref<16384xf32, #tpu.memory_space<vmem>>, vector<16xf32>,
      %get3A_586 = vector.shape_cast %get3A_585 : vector<16xf32> to vector<16xf32>
      %mul3A_587 = arith.constant 2.048000e+03 : f32
      %mul3A_588 = vector.broadcast %mul3A_587 : f32 to vector<16xf32>
      %mul3A_589 = arith.mulf %get3A_586, %mul3A_588 : vector<16xf32>
      %swap3A = arith.index_cast %mul3A_583 : i32 to index
      %swap3A_590 = tpu.vector_load %arg6[%swap3A] {strides = array<i32>} : memref<16384xf32, #tpu.memory_space<vmem>>, vector<16xf32>,
      %swap3A_591 = vector.shape_cast %swap3A_590 : vector<16xf32> to vector<16xf32>
      %swap3A_592 = vector.shape_cast %mul3A_589 : vector<16xf32> to vector<16xf32>
      tpu.vector_store %arg6[%swap3A], %swap3A_592 {strides = array<i32>} : memref<16384xf32, #tpu.memory_space<vmem>>, vector<16xf32>,
      %scan3A_593 = arith.constant 1 : i32
      %scan3A_594 = arith.addi %scan3A_581, %scan3A_593 : i32
      %mul3A_595 = arith.constant 16 : i32
      %mul3A_596 = arith.muli %scan3A_594, %mul3A_595 : i32
      %get3A_597 = arith.index_cast %mul3A_596 : i32 to index
      %get3A_598 = tpu.vector_load %arg6[%get3A_597] {strides = array<i32>} : memref<16384xf32, #tpu.memory_space<vmem>>, vector<16xf32>,
      %get3A_599 = vector.shape_cast %get3A_598 : vector<16xf32> to vector<16xf32>
      %mul3A_600 = arith.constant 2.048000e+03 : f32
      %mul3A_601 = vector.broadcast %mul3A_600 : f32 to vector<16xf32>
      %mul3A_602 = arith.mulf %get3A_599, %mul3A_601 : vector<16xf32>
      %swap3A_603 = arith.index_cast %mul3A_596 : i32 to index
      %swap3A_604 = tpu.vector_load %arg6[%swap3A_603] {strides = array<i32>} : memref<16384xf32, #tpu.memory_space<vmem>>, vector<16xf32>,
      %swap3A_605 = vector.shape_cast %swap3A_604 : vector<16xf32> to vector<16xf32>
      %swap3A_606 = vector.shape_cast %mul3A_602 : vector<16xf32> to vector<16xf32>
      tpu.vector_store %arg6[%swap3A_603], %swap3A_606 {strides = array<i32>} : memref<16384xf32, #tpu.memory_space<vmem>>, vector<16xf32>,
      %scan3A_607 = arith.constant 2 : i32
      %scan3A_608 = arith.addi %scan3A_581, %scan3A_607 : i32
      %mul3A_609 = arith.constant 16 : i32
      %mul3A_610 = arith.muli %scan3A_608, %mul3A_609 : i32
      %get3A_611 = arith.index_cast %mul3A_610 : i32 to index
      %get3A_612 = tpu.vector_load %arg6[%get3A_611] {strides = array<i32>} : memref<16384xf32, #tpu.memory_space<vmem>>, vector<16xf32>,
      %get3A_613 = vector.shape_cast %get3A_612 : vector<16xf32> to vector<16xf32>
      %mul3A_614 = arith.constant 2.048000e+03 : f32
      %mul3A_615 = vector.broadcast %mul3A_614 : f32 to vector<16xf32>
      %mul3A_616 = arith.mulf %get3A_613, %mul3A_615 : vector<16xf32>
      %swap3A_617 = arith.index_cast %mul3A_610 : i32 to index
      %swap3A_618 = tpu.vector_load %arg6[%swap3A_617] {strides = array<i32>} : memref<16384xf32, #tpu.memory_space<vmem>>, vector<16xf32>,
      %swap3A_619 = vector.shape_cast %swap3A_618 : vector<16xf32> to vector<16xf32>
      %swap3A_620 = vector.shape_cast %mul3A_616 : vector<16xf32> to vector<16xf32>
      tpu.vector_store %arg6[%swap3A_617], %swap3A_620 {strides = array<i32>} : memref<16384xf32, #tpu.memory_space<vmem>>, vector<16xf32>,
      %scan3A_621 = arith.constant 3 : i32
      %scan3A_622 = arith.addi %scan3A_581, %scan3A_621 : i32
      %mul3A_623 = arith.constant 16 : i32
      %mul3A_624 = arith.muli %scan3A_622, %mul3A_623 : i32
      %get3A_625 = arith.index_cast %mul3A_624 : i32 to index
      %get3A_626 = tpu.vector_load %arg6[%get3A_625] {strides = array<i32>} : memref<16384xf32, #tpu.memory_space<vmem>>, vector<16xf32>,
      %get3A_627 = vector.shape_cast %get3A_626 : vector<16xf32> to vector<16xf32>
      %mul3A_628 = arith.constant 2.048000e+03 : f32
      %mul3A_629 = vector.broadcast %mul3A_628 : f32 to vector<16xf32>
      %mul3A_630 = arith.mulf %get3A_627, %mul3A_629 : vector<16xf32>
      %swap3A_631 = arith.index_cast %mul3A_624 : i32 to index
      %swap3A_632 = tpu.vector_load %arg6[%swap3A_631] {strides = array<i32>} : memref<16384xf32, #tpu.memory_space<vmem>>, vector<16xf32>,
      %swap3A_633 = vector.shape_cast %swap3A_632 : vector<16xf32> to vector<16xf32>
      %swap3A_634 = vector.shape_cast %mul3A_630 : vector<16xf32> to vector<16xf32>
      tpu.vector_store %arg6[%swap3A_631], %swap3A_634 {strides = array<i32>} : memref<16384xf32, #tpu.memory_space<vmem>>, vector<16xf32>,
      %scan3A_635 = arith.constant 4 : i32
      %scan3A_636 = arith.addi %scan3A_581, %scan3A_635 : i32
      %mul3A_637 = arith.constant 16 : i32
      %mul3A_638 = arith.muli %scan3A_636, %mul3A_637 : i32
      %get3A_639 = arith.index_cast %mul3A_638 : i32 to index
      %get3A_640 = tpu.vector_load %arg6[%get3A_639] {strides = array<i32>} : memref<16384xf32, #tpu.memory_space<vmem>>, vector<16xf32>,
      %get3A_641 = vector.shape_cast %get3A_640 : vector<16xf32> to vector<16xf32>
      %mul3A_642 = arith.constant 2.048000e+03 : f32
      %mul3A_643 = vector.broadcast %mul3A_642 : f32 to vector<16xf32>
      %mul3A_644 = arith.mulf %get3A_641, %mul3A_643 : vector<16xf32>
      %swap3A_645 = arith.index_cast %mul3A_638 : i32 to index
      %swap3A_646 = tpu.vector_load %arg6[%swap3A_645] {strides = array<i32>} : memref<16384xf32, #tpu.memory_space<vmem>>, vector<16xf32>,
      %swap3A_647 = vector.shape_cast %swap3A_646 : vector<16xf32> to vector<16xf32>
      %swap3A_648 = vector.shape_cast %mul3A_644 : vector<16xf32> to vector<16xf32>
      tpu.vector_store %arg6[%swap3A_645], %swap3A_648 {strides = array<i32>} : memref<16384xf32, #tpu.memory_space<vmem>>, vector<16xf32>,
      %scan3A_649 = arith.constant 5 : i32
      %scan3A_650 = arith.addi %scan3A_581, %scan3A_649 : i32
      %mul3A_651 = arith.constant 16 : i32
      %mul3A_652 = arith.muli %scan3A_650, %mul3A_651 : i32
      %get3A_653 = arith.index_cast %mul3A_652 : i32 to index
      %get3A_654 = tpu.vector_load %arg6[%get3A_653] {strides = array<i32>} : memref<16384xf32, #tpu.memory_space<vmem>>, vector<16xf32>,
      %get3A_655 = vector.shape_cast %get3A_654 : vector<16xf32> to vector<16xf32>
      %mul3A_656 = arith.constant 2.048000e+03 : f32
      %mul3A_657 = vector.broadcast %mul3A_656 : f32 to vector<16xf32>
      %mul3A_658 = arith.mulf %get3A_655, %mul3A_657 : vector<16xf32>
      %swap3A_659 = arith.index_cast %mul3A_652 : i32 to index
      %swap3A_660 = tpu.vector_load %arg6[%swap3A_659] {strides = array<i32>} : memref<16384xf32, #tpu.memory_space<vmem>>, vector<16xf32>,
      %swap3A_661 = vector.shape_cast %swap3A_660 : vector<16xf32> to vector<16xf32>
      %swap3A_662 = vector.shape_cast %mul3A_658 : vector<16xf32> to vector<16xf32>
      tpu.vector_store %arg6[%swap3A_659], %swap3A_662 {strides = array<i32>} : memref<16384xf32, #tpu.memory_space<vmem>>, vector<16xf32>,
      %scan3A_663 = arith.constant 6 : i32
      %scan3A_664 = arith.addi %scan3A_581, %scan3A_663 : i32
      %mul3A_665 = arith.constant 16 : i32
      %mul3A_666 = arith.muli %scan3A_664, %mul3A_665 : i32
      %get3A_667 = arith.index_cast %mul3A_666 : i32 to index
      %get3A_668 = tpu.vector_load %arg6[%get3A_667] {strides = array<i32>} : memref<16384xf32, #tpu.memory_space<vmem>>, vector<16xf32>,
      %get3A_669 = vector.shape_cast %get3A_668 : vector<16xf32> to vector<16xf32>
      %mul3A_670 = arith.constant 2.048000e+03 : f32
      %mul3A_671 = vector.broadcast %mul3A_670 : f32 to vector<16xf32>
      %mul3A_672 = arith.mulf %get3A_669, %mul3A_671 : vector<16xf32>
      %swap3A_673 = arith.index_cast %mul3A_666 : i32 to index
      %swap3A_674 = tpu.vector_load %arg6[%swap3A_673] {strides = array<i32>} : memref<16384xf32, #tpu.memory_space<vmem>>, vector<16xf32>,
      %swap3A_675 = vector.shape_cast %swap3A_674 : vector<16xf32> to vector<16xf32>
      %swap3A_676 = vector.shape_cast %mul3A_672 : vector<16xf32> to vector<16xf32>
      tpu.vector_store %arg6[%swap3A_673], %swap3A_676 {strides = array<i32>} : memref<16384xf32, #tpu.memory_space<vmem>>, vector<16xf32>,
      %scan3A_677 = arith.constant 7 : i32
      %scan3A_678 = arith.addi %scan3A_581, %scan3A_677 : i32
      %mul3A_679 = arith.constant 16 : i32
      %mul3A_680 = arith.muli %scan3A_678, %mul3A_679 : i32
      %get3A_681 = arith.index_cast %mul3A_680 : i32 to index
      %get3A_682 = tpu.vector_load %arg6[%get3A_681] {strides = array<i32>} : memref<16384xf32, #tpu.memory_space<vmem>>, vector<16xf32>,
      %get3A_683 = vector.shape_cast %get3A_682 : vector<16xf32> to vector<16xf32>
      %mul3A_684 = arith.constant 2.048000e+03 : f32
      %mul3A_685 = vector.broadcast %mul3A_684 : f32 to vector<16xf32>
      %mul3A_686 = arith.mulf %get3A_683, %mul3A_685 : vector<16xf32>
      %swap3A_687 = arith.index_cast %mul3A_680 : i32 to index
      %swap3A_688 = tpu.vector_load %arg6[%swap3A_687] {strides = array<i32>} : memref<16384xf32, #tpu.memory_space<vmem>>, vector<16xf32>,
      %swap3A_689 = vector.shape_cast %swap3A_688 : vector<16xf32> to vector<16xf32>
      %swap3A_690 = vector.shape_cast %mul3A_686 : vector<16xf32> to vector<16xf32>
      tpu.vector_store %arg6[%swap3A_687], %swap3A_690 {strides = array<i32>} : memref<16384xf32, #tpu.memory_space<vmem>>, vector<16xf32>,
    }
    %scan3A_179 = arith.constant 1024 : i32
    %add3A_180 = arith.constant 147456 : i32
    %add3A_181 = arith.addi %mul3A_2, %add3A_180 : i32
    %dma_start3A_182 = tpu.memref_slice %arg4[%add3A_181] : memref<16777216xf32, #tpu.memory_space<hbm>> -> memref<16384xf32, #tpu.memory_space<hbm>>
    %dma_start3A_183 = tpu.memref_slice %arg4[%add3A_181] : memref<16777216xf32, #tpu.memory_space<hbm>> -> memref<16384xf32, #tpu.memory_space<hbm>>
    tpu.enqueue_dma source(%arg6 : memref<16384xf32, #tpu.memory_space<vmem>>) target(%dma_start3A_183 : memref<16384xf32, #tpu.memory_space<hbm>>) target_semaphore(%arg16 : memref<!tpu.dma_semaphore, #tpu.memory_space<semaphore_mem>>)
    %dma_wait3A_184 = tpu.memref_slice %arg4[%add3A_163] : memref<16777216xf32, #tpu.memory_space<hbm>> -> memref<16384xf32, #tpu.memory_space<hbm>>
    %dma_wait3A_185 = tpu.memref_slice %arg4[%add3A_163] : memref<16777216xf32, #tpu.memory_space<hbm>> -> memref<16384xf32, #tpu.memory_space<hbm>>
    tpu.wait_dma2 semaphore(%arg15 : memref<!tpu.dma_semaphore, #tpu.memory_space<semaphore_mem>>) src(%arg5 : memref<16384xf32, #tpu.memory_space<vmem>>) dst(%dma_wait3A_185 : memref<16384xf32, #tpu.memory_space<hbm>>)
    %add3A_186 = arith.constant 196608 : i32
    %add3A_187 = arith.addi %mul3A_2, %add3A_186 : i32
    %dma_start3A_188 = tpu.memref_slice %arg2[%add3A_187] : memref<16777216xf32, #tpu.memory_space<hbm>> -> memref<16384xf32, #tpu.memory_space<hbm>>
    %dma_start3A_189 = tpu.memref_slice %arg2[%add3A_187] : memref<16777216xf32, #tpu.memory_space<hbm>> -> memref<16384xf32, #tpu.memory_space<hbm>>
    tpu.enqueue_dma source(%dma_start3A_189 : memref<16384xf32, #tpu.memory_space<hbm>>) target(%arg5 : memref<16384xf32, #tpu.memory_space<vmem>>) target_semaphore(%arg11 : memref<!tpu.dma_semaphore, #tpu.memory_space<semaphore_mem>>)
    %dma_wait3A_190 = tpu.memref_slice %arg2[%add3A_151] : memref<16777216xf32, #tpu.memory_space<hbm>> -> memref<16384xf32, #tpu.memory_space<hbm>>
    %dma_wait3A_191 = tpu.memref_slice %arg2[%add3A_151] : memref<16777216xf32, #tpu.memory_space<hbm>> -> memref<16384xf32, #tpu.memory_space<hbm>>
    tpu.wait_dma2 semaphore(%arg13 : memref<!tpu.dma_semaphore, #tpu.memory_space<semaphore_mem>>) src(%dma_wait3A_191 : memref<16384xf32, #tpu.memory_space<hbm>>) dst(%arg7 : memref<16384xf32, #tpu.memory_space<vmem>>)
    %scan3A_192 = arith.constant 0 : i32
    %scan3A_193 = arith.constant 0 : i32
    %scan3A_194 = arith.constant 1024 : i32
    %scan3A_195 = arith.addi %scan3A_193, %scan3A_194 : i32
    %scan3A_196 = arith.constant 8 : i32
    scf.for %scan3A_581 = %scan3A_193 to %scan3A_195 step %scan3A_196  : i32 {
      %mul3A_582 = arith.constant 16 : i32
      %mul3A_583 = arith.muli %scan3A_581, %mul3A_582 : i32
      %get3A_584 = arith.index_cast %mul3A_583 : i32 to index
      %get3A_585 = tpu.vector_load %arg7[%get3A_584] {strides = array<i32>} : memref<16384xf32, #tpu.memory_space<vmem>>, vector<16xf32>,
      %get3A_586 = vector.shape_cast %get3A_585 : vector<16xf32> to vector<16xf32>
      %mul3A_587 = arith.constant 2.048000e+03 : f32
      %mul3A_588 = vector.broadcast %mul3A_587 : f32 to vector<16xf32>
      %mul3A_589 = arith.mulf %get3A_586, %mul3A_588 : vector<16xf32>
      %swap3A = arith.index_cast %mul3A_583 : i32 to index
      %swap3A_590 = tpu.vector_load %arg7[%swap3A] {strides = array<i32>} : memref<16384xf32, #tpu.memory_space<vmem>>, vector<16xf32>,
      %swap3A_591 = vector.shape_cast %swap3A_590 : vector<16xf32> to vector<16xf32>
      %swap3A_592 = vector.shape_cast %mul3A_589 : vector<16xf32> to vector<16xf32>
      tpu.vector_store %arg7[%swap3A], %swap3A_592 {strides = array<i32>} : memref<16384xf32, #tpu.memory_space<vmem>>, vector<16xf32>,
      %scan3A_593 = arith.constant 1 : i32
      %scan3A_594 = arith.addi %scan3A_581, %scan3A_593 : i32
      %mul3A_595 = arith.constant 16 : i32
      %mul3A_596 = arith.muli %scan3A_594, %mul3A_595 : i32
      %get3A_597 = arith.index_cast %mul3A_596 : i32 to index
      %get3A_598 = tpu.vector_load %arg7[%get3A_597] {strides = array<i32>} : memref<16384xf32, #tpu.memory_space<vmem>>, vector<16xf32>,
      %get3A_599 = vector.shape_cast %get3A_598 : vector<16xf32> to vector<16xf32>
      %mul3A_600 = arith.constant 2.048000e+03 : f32
      %mul3A_601 = vector.broadcast %mul3A_600 : f32 to vector<16xf32>
      %mul3A_602 = arith.mulf %get3A_599, %mul3A_601 : vector<16xf32>
      %swap3A_603 = arith.index_cast %mul3A_596 : i32 to index
      %swap3A_604 = tpu.vector_load %arg7[%swap3A_603] {strides = array<i32>} : memref<16384xf32, #tpu.memory_space<vmem>>, vector<16xf32>,
      %swap3A_605 = vector.shape_cast %swap3A_604 : vector<16xf32> to vector<16xf32>
      %swap3A_606 = vector.shape_cast %mul3A_602 : vector<16xf32> to vector<16xf32>
      tpu.vector_store %arg7[%swap3A_603], %swap3A_606 {strides = array<i32>} : memref<16384xf32, #tpu.memory_space<vmem>>, vector<16xf32>,
      %scan3A_607 = arith.constant 2 : i32
      %scan3A_608 = arith.addi %scan3A_581, %scan3A_607 : i32
      %mul3A_609 = arith.constant 16 : i32
      %mul3A_610 = arith.muli %scan3A_608, %mul3A_609 : i32
      %get3A_611 = arith.index_cast %mul3A_610 : i32 to index
      %get3A_612 = tpu.vector_load %arg7[%get3A_611] {strides = array<i32>} : memref<16384xf32, #tpu.memory_space<vmem>>, vector<16xf32>,
      %get3A_613 = vector.shape_cast %get3A_612 : vector<16xf32> to vector<16xf32>
      %mul3A_614 = arith.constant 2.048000e+03 : f32
      %mul3A_615 = vector.broadcast %mul3A_614 : f32 to vector<16xf32>
      %mul3A_616 = arith.mulf %get3A_613, %mul3A_615 : vector<16xf32>
      %swap3A_617 = arith.index_cast %mul3A_610 : i32 to index
      %swap3A_618 = tpu.vector_load %arg7[%swap3A_617] {strides = array<i32>} : memref<16384xf32, #tpu.memory_space<vmem>>, vector<16xf32>,
      %swap3A_619 = vector.shape_cast %swap3A_618 : vector<16xf32> to vector<16xf32>
      %swap3A_620 = vector.shape_cast %mul3A_616 : vector<16xf32> to vector<16xf32>
      tpu.vector_store %arg7[%swap3A_617], %swap3A_620 {strides = array<i32>} : memref<16384xf32, #tpu.memory_space<vmem>>, vector<16xf32>,
      %scan3A_621 = arith.constant 3 : i32
      %scan3A_622 = arith.addi %scan3A_581, %scan3A_621 : i32
      %mul3A_623 = arith.constant 16 : i32
      %mul3A_624 = arith.muli %scan3A_622, %mul3A_623 : i32
      %get3A_625 = arith.index_cast %mul3A_624 : i32 to index
      %get3A_626 = tpu.vector_load %arg7[%get3A_625] {strides = array<i32>} : memref<16384xf32, #tpu.memory_space<vmem>>, vector<16xf32>,
      %get3A_627 = vector.shape_cast %get3A_626 : vector<16xf32> to vector<16xf32>
      %mul3A_628 = arith.constant 2.048000e+03 : f32
      %mul3A_629 = vector.broadcast %mul3A_628 : f32 to vector<16xf32>
      %mul3A_630 = arith.mulf %get3A_627, %mul3A_629 : vector<16xf32>
      %swap3A_631 = arith.index_cast %mul3A_624 : i32 to index
      %swap3A_632 = tpu.vector_load %arg7[%swap3A_631] {strides = array<i32>} : memref<16384xf32, #tpu.memory_space<vmem>>, vector<16xf32>,
      %swap3A_633 = vector.shape_cast %swap3A_632 : vector<16xf32> to vector<16xf32>
      %swap3A_634 = vector.shape_cast %mul3A_630 : vector<16xf32> to vector<16xf32>
      tpu.vector_store %arg7[%swap3A_631], %swap3A_634 {strides = array<i32>} : memref<16384xf32, #tpu.memory_space<vmem>>, vector<16xf32>,
      %scan3A_635 = arith.constant 4 : i32
      %scan3A_636 = arith.addi %scan3A_581, %scan3A_635 : i32
      %mul3A_637 = arith.constant 16 : i32
      %mul3A_638 = arith.muli %scan3A_636, %mul3A_637 : i32
      %get3A_639 = arith.index_cast %mul3A_638 : i32 to index
      %get3A_640 = tpu.vector_load %arg7[%get3A_639] {strides = array<i32>} : memref<16384xf32, #tpu.memory_space<vmem>>, vector<16xf32>,
      %get3A_641 = vector.shape_cast %get3A_640 : vector<16xf32> to vector<16xf32>
      %mul3A_642 = arith.constant 2.048000e+03 : f32
      %mul3A_643 = vector.broadcast %mul3A_642 : f32 to vector<16xf32>
      %mul3A_644 = arith.mulf %get3A_641, %mul3A_643 : vector<16xf32>
      %swap3A_645 = arith.index_cast %mul3A_638 : i32 to index
      %swap3A_646 = tpu.vector_load %arg7[%swap3A_645] {strides = array<i32>} : memref<16384xf32, #tpu.memory_space<vmem>>, vector<16xf32>,
      %swap3A_647 = vector.shape_cast %swap3A_646 : vector<16xf32> to vector<16xf32>
      %swap3A_648 = vector.shape_cast %mul3A_644 : vector<16xf32> to vector<16xf32>
      tpu.vector_store %arg7[%swap3A_645], %swap3A_648 {strides = array<i32>} : memref<16384xf32, #tpu.memory_space<vmem>>, vector<16xf32>,
      %scan3A_649 = arith.constant 5 : i32
      %scan3A_650 = arith.addi %scan3A_581, %scan3A_649 : i32
      %mul3A_651 = arith.constant 16 : i32
      %mul3A_652 = arith.muli %scan3A_650, %mul3A_651 : i32
      %get3A_653 = arith.index_cast %mul3A_652 : i32 to index
      %get3A_654 = tpu.vector_load %arg7[%get3A_653] {strides = array<i32>} : memref<16384xf32, #tpu.memory_space<vmem>>, vector<16xf32>,
      %get3A_655 = vector.shape_cast %get3A_654 : vector<16xf32> to vector<16xf32>
      %mul3A_656 = arith.constant 2.048000e+03 : f32
      %mul3A_657 = vector.broadcast %mul3A_656 : f32 to vector<16xf32>
      %mul3A_658 = arith.mulf %get3A_655, %mul3A_657 : vector<16xf32>
      %swap3A_659 = arith.index_cast %mul3A_652 : i32 to index
      %swap3A_660 = tpu.vector_load %arg7[%swap3A_659] {strides = array<i32>} : memref<16384xf32, #tpu.memory_space<vmem>>, vector<16xf32>,
      %swap3A_661 = vector.shape_cast %swap3A_660 : vector<16xf32> to vector<16xf32>
      %swap3A_662 = vector.shape_cast %mul3A_658 : vector<16xf32> to vector<16xf32>
      tpu.vector_store %arg7[%swap3A_659], %swap3A_662 {strides = array<i32>} : memref<16384xf32, #tpu.memory_space<vmem>>, vector<16xf32>,
      %scan3A_663 = arith.constant 6 : i32
      %scan3A_664 = arith.addi %scan3A_581, %scan3A_663 : i32
      %mul3A_665 = arith.constant 16 : i32
      %mul3A_666 = arith.muli %scan3A_664, %mul3A_665 : i32
      %get3A_667 = arith.index_cast %mul3A_666 : i32 to index
      %get3A_668 = tpu.vector_load %arg7[%get3A_667] {strides = array<i32>} : memref<16384xf32, #tpu.memory_space<vmem>>, vector<16xf32>,
      %get3A_669 = vector.shape_cast %get3A_668 : vector<16xf32> to vector<16xf32>
      %mul3A_670 = arith.constant 2.048000e+03 : f32
      %mul3A_671 = vector.broadcast %mul3A_670 : f32 to vector<16xf32>
      %mul3A_672 = arith.mulf %get3A_669, %mul3A_671 : vector<16xf32>
      %swap3A_673 = arith.index_cast %mul3A_666 : i32 to index
      %swap3A_674 = tpu.vector_load %arg7[%swap3A_673] {strides = array<i32>} : memref<16384xf32, #tpu.memory_space<vmem>>, vector<16xf32>,
      %swap3A_675 = vector.shape_cast %swap3A_674 : vector<16xf32> to vector<16xf32>
      %swap3A_676 = vector.shape_cast %mul3A_672 : vector<16xf32> to vector<16xf32>
      tpu.vector_store %arg7[%swap3A_673], %swap3A_676 {strides = array<i32>} : memref<16384xf32, #tpu.memory_space<vmem>>, vector<16xf32>,
      %scan3A_677 = arith.constant 7 : i32
      %scan3A_678 = arith.addi %scan3A_581, %scan3A_677 : i32
      %mul3A_679 = arith.constant 16 : i32
      %mul3A_680 = arith.muli %scan3A_678, %mul3A_679 : i32
      %get3A_681 = arith.index_cast %mul3A_680 : i32 to index
      %get3A_682 = tpu.vector_load %arg7[%get3A_681] {strides = array<i32>} : memref<16384xf32, #tpu.memory_space<vmem>>, vector<16xf32>,
      %get3A_683 = vector.shape_cast %get3A_682 : vector<16xf32> to vector<16xf32>
      %mul3A_684 = arith.constant 2.048000e+03 : f32
      %mul3A_685 = vector.broadcast %mul3A_684 : f32 to vector<16xf32>
      %mul3A_686 = arith.mulf %get3A_683, %mul3A_685 : vector<16xf32>
      %swap3A_687 = arith.index_cast %mul3A_680 : i32 to index
      %swap3A_688 = tpu.vector_load %arg7[%swap3A_687] {strides = array<i32>} : memref<16384xf32, #tpu.memory_space<vmem>>, vector<16xf32>,
      %swap3A_689 = vector.shape_cast %swap3A_688 : vector<16xf32> to vector<16xf32>
      %swap3A_690 = vector.shape_cast %mul3A_686 : vector<16xf32> to vector<16xf32>
      tpu.vector_store %arg7[%swap3A_687], %swap3A_690 {strides = array<i32>} : memref<16384xf32, #tpu.memory_space<vmem>>, vector<16xf32>,
    }
    %scan3A_197 = arith.constant 1024 : i32
    %add3A_198 = arith.constant 163840 : i32
    %add3A_199 = arith.addi %mul3A_2, %add3A_198 : i32
    %dma_start3A_200 = tpu.memref_slice %arg4[%add3A_199] : memref<16777216xf32, #tpu.memory_space<hbm>> -> memref<16384xf32, #tpu.memory_space<hbm>>
    %dma_start3A_201 = tpu.memref_slice %arg4[%add3A_199] : memref<16777216xf32, #tpu.memory_space<hbm>> -> memref<16384xf32, #tpu.memory_space<hbm>>
    tpu.enqueue_dma source(%arg7 : memref<16384xf32, #tpu.memory_space<vmem>>) target(%dma_start3A_201 : memref<16384xf32, #tpu.memory_space<hbm>>) target_semaphore(%arg17 : memref<!tpu.dma_semaphore, #tpu.memory_space<semaphore_mem>>)
    %dma_wait3A_202 = tpu.memref_slice %arg4[%add3A_181] : memref<16777216xf32, #tpu.memory_space<hbm>> -> memref<16384xf32, #tpu.memory_space<hbm>>
    %dma_wait3A_203 = tpu.memref_slice %arg4[%add3A_181] : memref<16777216xf32, #tpu.memory_space<hbm>> -> memref<16384xf32, #tpu.memory_space<hbm>>
    tpu.wait_dma2 semaphore(%arg16 : memref<!tpu.dma_semaphore, #tpu.memory_space<semaphore_mem>>) src(%arg6 : memref<16384xf32, #tpu.memory_space<vmem>>) dst(%dma_wait3A_203 : memref<16384xf32, #tpu.memory_space<hbm>>)
    %add3A_204 = arith.constant 212992 : i32
    %add3A_205 = arith.addi %mul3A_2, %add3A_204 : i32
    %dma_start3A_206 = tpu.memref_slice %arg2[%add3A_205] : memref<16777216xf32, #tpu.memory_space<hbm>> -> memref<16384xf32, #tpu.memory_space<hbm>>
    %dma_start3A_207 = tpu.memref_slice %arg2[%add3A_205] : memref<16777216xf32, #tpu.memory_space<hbm>> -> memref<16384xf32, #tpu.memory_space<hbm>>
    tpu.enqueue_dma source(%dma_start3A_207 : memref<16384xf32, #tpu.memory_space<hbm>>) target(%arg6 : memref<16384xf32, #tpu.memory_space<vmem>>) target_semaphore(%arg12 : memref<!tpu.dma_semaphore, #tpu.memory_space<semaphore_mem>>)
    %dma_wait3A_208 = tpu.memref_slice %arg2[%add3A_169] : memref<16777216xf32, #tpu.memory_space<hbm>> -> memref<16384xf32, #tpu.memory_space<hbm>>
    %dma_wait3A_209 = tpu.memref_slice %arg2[%add3A_169] : memref<16777216xf32, #tpu.memory_space<hbm>> -> memref<16384xf32, #tpu.memory_space<hbm>>
    tpu.wait_dma2 semaphore(%arg14 : memref<!tpu.dma_semaphore, #tpu.memory_space<semaphore_mem>>) src(%dma_wait3A_209 : memref<16384xf32, #tpu.memory_space<hbm>>) dst(%arg8 : memref<16384xf32, #tpu.memory_space<vmem>>)
    %scan3A_210 = arith.constant 0 : i32
    %scan3A_211 = arith.constant 0 : i32
    %scan3A_212 = arith.constant 1024 : i32
    %scan3A_213 = arith.addi %scan3A_211, %scan3A_212 : i32
    %scan3A_214 = arith.constant 8 : i32
    scf.for %scan3A_581 = %scan3A_211 to %scan3A_213 step %scan3A_214  : i32 {
      %mul3A_582 = arith.constant 16 : i32
      %mul3A_583 = arith.muli %scan3A_581, %mul3A_582 : i32
      %get3A_584 = arith.index_cast %mul3A_583 : i32 to index
      %get3A_585 = tpu.vector_load %arg8[%get3A_584] {strides = array<i32>} : memref<16384xf32, #tpu.memory_space<vmem>>, vector<16xf32>,
      %get3A_586 = vector.shape_cast %get3A_585 : vector<16xf32> to vector<16xf32>
      %mul3A_587 = arith.constant 2.048000e+03 : f32
      %mul3A_588 = vector.broadcast %mul3A_587 : f32 to vector<16xf32>
      %mul3A_589 = arith.mulf %get3A_586, %mul3A_588 : vector<16xf32>
      %swap3A = arith.index_cast %mul3A_583 : i32 to index
      %swap3A_590 = tpu.vector_load %arg8[%swap3A] {strides = array<i32>} : memref<16384xf32, #tpu.memory_space<vmem>>, vector<16xf32>,
      %swap3A_591 = vector.shape_cast %swap3A_590 : vector<16xf32> to vector<16xf32>
      %swap3A_592 = vector.shape_cast %mul3A_589 : vector<16xf32> to vector<16xf32>
      tpu.vector_store %arg8[%swap3A], %swap3A_592 {strides = array<i32>} : memref<16384xf32, #tpu.memory_space<vmem>>, vector<16xf32>,
      %scan3A_593 = arith.constant 1 : i32
      %scan3A_594 = arith.addi %scan3A_581, %scan3A_593 : i32
      %mul3A_595 = arith.constant 16 : i32
      %mul3A_596 = arith.muli %scan3A_594, %mul3A_595 : i32
      %get3A_597 = arith.index_cast %mul3A_596 : i32 to index
      %get3A_598 = tpu.vector_load %arg8[%get3A_597] {strides = array<i32>} : memref<16384xf32, #tpu.memory_space<vmem>>, vector<16xf32>,
      %get3A_599 = vector.shape_cast %get3A_598 : vector<16xf32> to vector<16xf32>
      %mul3A_600 = arith.constant 2.048000e+03 : f32
      %mul3A_601 = vector.broadcast %mul3A_600 : f32 to vector<16xf32>
      %mul3A_602 = arith.mulf %get3A_599, %mul3A_601 : vector<16xf32>
      %swap3A_603 = arith.index_cast %mul3A_596 : i32 to index
      %swap3A_604 = tpu.vector_load %arg8[%swap3A_603] {strides = array<i32>} : memref<16384xf32, #tpu.memory_space<vmem>>, vector<16xf32>,
      %swap3A_605 = vector.shape_cast %swap3A_604 : vector<16xf32> to vector<16xf32>
      %swap3A_606 = vector.shape_cast %mul3A_602 : vector<16xf32> to vector<16xf32>
      tpu.vector_store %arg8[%swap3A_603], %swap3A_606 {strides = array<i32>} : memref<16384xf32, #tpu.memory_space<vmem>>, vector<16xf32>,
      %scan3A_607 = arith.constant 2 : i32
      %scan3A_608 = arith.addi %scan3A_581, %scan3A_607 : i32
      %mul3A_609 = arith.constant 16 : i32
      %mul3A_610 = arith.muli %scan3A_608, %mul3A_609 : i32
      %get3A_611 = arith.index_cast %mul3A_610 : i32 to index
      %get3A_612 = tpu.vector_load %arg8[%get3A_611] {strides = array<i32>} : memref<16384xf32, #tpu.memory_space<vmem>>, vector<16xf32>,
      %get3A_613 = vector.shape_cast %get3A_612 : vector<16xf32> to vector<16xf32>
      %mul3A_614 = arith.constant 2.048000e+03 : f32
      %mul3A_615 = vector.broadcast %mul3A_614 : f32 to vector<16xf32>
      %mul3A_616 = arith.mulf %get3A_613, %mul3A_615 : vector<16xf32>
      %swap3A_617 = arith.index_cast %mul3A_610 : i32 to index
      %swap3A_618 = tpu.vector_load %arg8[%swap3A_617] {strides = array<i32>} : memref<16384xf32, #tpu.memory_space<vmem>>, vector<16xf32>,
      %swap3A_619 = vector.shape_cast %swap3A_618 : vector<16xf32> to vector<16xf32>
      %swap3A_620 = vector.shape_cast %mul3A_616 : vector<16xf32> to vector<16xf32>
      tpu.vector_store %arg8[%swap3A_617], %swap3A_620 {strides = array<i32>} : memref<16384xf32, #tpu.memory_space<vmem>>, vector<16xf32>,
      %scan3A_621 = arith.constant 3 : i32
      %scan3A_622 = arith.addi %scan3A_581, %scan3A_621 : i32
      %mul3A_623 = arith.constant 16 : i32
      %mul3A_624 = arith.muli %scan3A_622, %mul3A_623 : i32
      %get3A_625 = arith.index_cast %mul3A_624 : i32 to index
      %get3A_626 = tpu.vector_load %arg8[%get3A_625] {strides = array<i32>} : memref<16384xf32, #tpu.memory_space<vmem>>, vector<16xf32>,
      %get3A_627 = vector.shape_cast %get3A_626 : vector<16xf32> to vector<16xf32>
      %mul3A_628 = arith.constant 2.048000e+03 : f32
      %mul3A_629 = vector.broadcast %mul3A_628 : f32 to vector<16xf32>
      %mul3A_630 = arith.mulf %get3A_627, %mul3A_629 : vector<16xf32>
      %swap3A_631 = arith.index_cast %mul3A_624 : i32 to index
      %swap3A_632 = tpu.vector_load %arg8[%swap3A_631] {strides = array<i32>} : memref<16384xf32, #tpu.memory_space<vmem>>, vector<16xf32>,
      %swap3A_633 = vector.shape_cast %swap3A_632 : vector<16xf32> to vector<16xf32>
      %swap3A_634 = vector.shape_cast %mul3A_630 : vector<16xf32> to vector<16xf32>
      tpu.vector_store %arg8[%swap3A_631], %swap3A_634 {strides = array<i32>} : memref<16384xf32, #tpu.memory_space<vmem>>, vector<16xf32>,
      %scan3A_635 = arith.constant 4 : i32
      %scan3A_636 = arith.addi %scan3A_581, %scan3A_635 : i32
      %mul3A_637 = arith.constant 16 : i32
      %mul3A_638 = arith.muli %scan3A_636, %mul3A_637 : i32
      %get3A_639 = arith.index_cast %mul3A_638 : i32 to index
      %get3A_640 = tpu.vector_load %arg8[%get3A_639] {strides = array<i32>} : memref<16384xf32, #tpu.memory_space<vmem>>, vector<16xf32>,
      %get3A_641 = vector.shape_cast %get3A_640 : vector<16xf32> to vector<16xf32>
      %mul3A_642 = arith.constant 2.048000e+03 : f32
      %mul3A_643 = vector.broadcast %mul3A_642 : f32 to vector<16xf32>
      %mul3A_644 = arith.mulf %get3A_641, %mul3A_643 : vector<16xf32>
      %swap3A_645 = arith.index_cast %mul3A_638 : i32 to index
      %swap3A_646 = tpu.vector_load %arg8[%swap3A_645] {strides = array<i32>} : memref<16384xf32, #tpu.memory_space<vmem>>, vector<16xf32>,
      %swap3A_647 = vector.shape_cast %swap3A_646 : vector<16xf32> to vector<16xf32>
      %swap3A_648 = vector.shape_cast %mul3A_644 : vector<16xf32> to vector<16xf32>
      tpu.vector_store %arg8[%swap3A_645], %swap3A_648 {strides = array<i32>} : memref<16384xf32, #tpu.memory_space<vmem>>, vector<16xf32>,
      %scan3A_649 = arith.constant 5 : i32
      %scan3A_650 = arith.addi %scan3A_581, %scan3A_649 : i32
      %mul3A_651 = arith.constant 16 : i32
      %mul3A_652 = arith.muli %scan3A_650, %mul3A_651 : i32
      %get3A_653 = arith.index_cast %mul3A_652 : i32 to index
      %get3A_654 = tpu.vector_load %arg8[%get3A_653] {strides = array<i32>} : memref<16384xf32, #tpu.memory_space<vmem>>, vector<16xf32>,
      %get3A_655 = vector.shape_cast %get3A_654 : vector<16xf32> to vector<16xf32>
      %mul3A_656 = arith.constant 2.048000e+03 : f32
      %mul3A_657 = vector.broadcast %mul3A_656 : f32 to vector<16xf32>
      %mul3A_658 = arith.mulf %get3A_655, %mul3A_657 : vector<16xf32>
      %swap3A_659 = arith.index_cast %mul3A_652 : i32 to index
      %swap3A_660 = tpu.vector_load %arg8[%swap3A_659] {strides = array<i32>} : memref<16384xf32, #tpu.memory_space<vmem>>, vector<16xf32>,
      %swap3A_661 = vector.shape_cast %swap3A_660 : vector<16xf32> to vector<16xf32>
      %swap3A_662 = vector.shape_cast %mul3A_658 : vector<16xf32> to vector<16xf32>
      tpu.vector_store %arg8[%swap3A_659], %swap3A_662 {strides = array<i32>} : memref<16384xf32, #tpu.memory_space<vmem>>, vector<16xf32>,
      %scan3A_663 = arith.constant 6 : i32
      %scan3A_664 = arith.addi %scan3A_581, %scan3A_663 : i32
      %mul3A_665 = arith.constant 16 : i32
      %mul3A_666 = arith.muli %scan3A_664, %mul3A_665 : i32
      %get3A_667 = arith.index_cast %mul3A_666 : i32 to index
      %get3A_668 = tpu.vector_load %arg8[%get3A_667] {strides = array<i32>} : memref<16384xf32, #tpu.memory_space<vmem>>, vector<16xf32>,
      %get3A_669 = vector.shape_cast %get3A_668 : vector<16xf32> to vector<16xf32>
      %mul3A_670 = arith.constant 2.048000e+03 : f32
      %mul3A_671 = vector.broadcast %mul3A_670 : f32 to vector<16xf32>
      %mul3A_672 = arith.mulf %get3A_669, %mul3A_671 : vector<16xf32>
      %swap3A_673 = arith.index_cast %mul3A_666 : i32 to index
      %swap3A_674 = tpu.vector_load %arg8[%swap3A_673] {strides = array<i32>} : memref<16384xf32, #tpu.memory_space<vmem>>, vector<16xf32>,
      %swap3A_675 = vector.shape_cast %swap3A_674 : vector<16xf32> to vector<16xf32>
      %swap3A_676 = vector.shape_cast %mul3A_672 : vector<16xf32> to vector<16xf32>
      tpu.vector_store %arg8[%swap3A_673], %swap3A_676 {strides = array<i32>} : memref<16384xf32, #tpu.memory_space<vmem>>, vector<16xf32>,
      %scan3A_677 = arith.constant 7 : i32
      %scan3A_678 = arith.addi %scan3A_581, %scan3A_677 : i32
      %mul3A_679 = arith.constant 16 : i32
      %mul3A_680 = arith.muli %scan3A_678, %mul3A_679 : i32
      %get3A_681 = arith.index_cast %mul3A_680 : i32 to index
      %get3A_682 = tpu.vector_load %arg8[%get3A_681] {strides = array<i32>} : memref<16384xf32, #tpu.memory_space<vmem>>, vector<16xf32>,
      %get3A_683 = vector.shape_cast %get3A_682 : vector<16xf32> to vector<16xf32>
      %mul3A_684 = arith.constant 2.048000e+03 : f32
      %mul3A_685 = vector.broadcast %mul3A_684 : f32 to vector<16xf32>
      %mul3A_686 = arith.mulf %get3A_683, %mul3A_685 : vector<16xf32>
      %swap3A_687 = arith.index_cast %mul3A_680 : i32 to index
      %swap3A_688 = tpu.vector_load %arg8[%swap3A_687] {strides = array<i32>} : memref<16384xf32, #tpu.memory_space<vmem>>, vector<16xf32>,
      %swap3A_689 = vector.shape_cast %swap3A_688 : vector<16xf32> to vector<16xf32>
      %swap3A_690 = vector.shape_cast %mul3A_686 : vector<16xf32> to vector<16xf32>
      tpu.vector_store %arg8[%swap3A_687], %swap3A_690 {strides = array<i32>} : memref<16384xf32, #tpu.memory_space<vmem>>, vector<16xf32>,
    }
    %scan3A_215 = arith.constant 1024 : i32
    %add3A_216 = arith.constant 180224 : i32
    %add3A_217 = arith.addi %mul3A_2, %add3A_216 : i32
    %dma_start3A_218 = tpu.memref_slice %arg4[%add3A_217] : memref<16777216xf32, #tpu.memory_space<hbm>> -> memref<16384xf32, #tpu.memory_space<hbm>>
    %dma_start3A_219 = tpu.memref_slice %arg4[%add3A_217] : memref<16777216xf32, #tpu.memory_space<hbm>> -> memref<16384xf32, #tpu.memory_space<hbm>>
    tpu.enqueue_dma source(%arg8 : memref<16384xf32, #tpu.memory_space<vmem>>) target(%dma_start3A_219 : memref<16384xf32, #tpu.memory_space<hbm>>) target_semaphore(%arg18 : memref<!tpu.dma_semaphore, #tpu.memory_space<semaphore_mem>>)
    %dma_wait3A_220 = tpu.memref_slice %arg4[%add3A_199] : memref<16777216xf32, #tpu.memory_space<hbm>> -> memref<16384xf32, #tpu.memory_space<hbm>>
    %dma_wait3A_221 = tpu.memref_slice %arg4[%add3A_199] : memref<16777216xf32, #tpu.memory_space<hbm>> -> memref<16384xf32, #tpu.memory_space<hbm>>
    tpu.wait_dma2 semaphore(%arg17 : memref<!tpu.dma_semaphore, #tpu.memory_space<semaphore_mem>>) src(%arg7 : memref<16384xf32, #tpu.memory_space<vmem>>) dst(%dma_wait3A_221 : memref<16384xf32, #tpu.memory_space<hbm>>)
    %add3A_222 = arith.constant 229376 : i32
    %add3A_223 = arith.addi %mul3A_2, %add3A_222 : i32
    %dma_start3A_224 = tpu.memref_slice %arg2[%add3A_223] : memref<16777216xf32, #tpu.memory_space<hbm>> -> memref<16384xf32, #tpu.memory_space<hbm>>
    %dma_start3A_225 = tpu.memref_slice %arg2[%add3A_223] : memref<16777216xf32, #tpu.memory_space<hbm>> -> memref<16384xf32, #tpu.memory_space<hbm>>
    tpu.enqueue_dma source(%dma_start3A_225 : memref<16384xf32, #tpu.memory_space<hbm>>) target(%arg7 : memref<16384xf32, #tpu.memory_space<vmem>>) target_semaphore(%arg13 : memref<!tpu.dma_semaphore, #tpu.memory_space<semaphore_mem>>)
    %dma_wait3A_226 = tpu.memref_slice %arg2[%add3A_187] : memref<16777216xf32, #tpu.memory_space<hbm>> -> memref<16384xf32, #tpu.memory_space<hbm>>
    %dma_wait3A_227 = tpu.memref_slice %arg2[%add3A_187] : memref<16777216xf32, #tpu.memory_space<hbm>> -> memref<16384xf32, #tpu.memory_space<hbm>>
    tpu.wait_dma2 semaphore(%arg11 : memref<!tpu.dma_semaphore, #tpu.memory_space<semaphore_mem>>) src(%dma_wait3A_227 : memref<16384xf32, #tpu.memory_space<hbm>>) dst(%arg5 : memref<16384xf32, #tpu.memory_space<vmem>>)
    %scan3A_228 = arith.constant 0 : i32
    %scan3A_229 = arith.constant 0 : i32
    %scan3A_230 = arith.constant 1024 : i32
    %scan3A_231 = arith.addi %scan3A_229, %scan3A_230 : i32
    %scan3A_232 = arith.constant 8 : i32
    scf.for %scan3A_581 = %scan3A_229 to %scan3A_231 step %scan3A_232  : i32 {
      %mul3A_582 = arith.constant 16 : i32
      %mul3A_583 = arith.muli %scan3A_581, %mul3A_582 : i32
      %get3A_584 = arith.index_cast %mul3A_583 : i32 to index
      %get3A_585 = tpu.vector_load %arg5[%get3A_584] {strides = array<i32>} : memref<16384xf32, #tpu.memory_space<vmem>>, vector<16xf32>,
      %get3A_586 = vector.shape_cast %get3A_585 : vector<16xf32> to vector<16xf32>
      %mul3A_587 = arith.constant 2.048000e+03 : f32
      %mul3A_588 = vector.broadcast %mul3A_587 : f32 to vector<16xf32>
      %mul3A_589 = arith.mulf %get3A_586, %mul3A_588 : vector<16xf32>
      %swap3A = arith.index_cast %mul3A_583 : i32 to index
      %swap3A_590 = tpu.vector_load %arg5[%swap3A] {strides = array<i32>} : memref<16384xf32, #tpu.memory_space<vmem>>, vector<16xf32>,
      %swap3A_591 = vector.shape_cast %swap3A_590 : vector<16xf32> to vector<16xf32>
      %swap3A_592 = vector.shape_cast %mul3A_589 : vector<16xf32> to vector<16xf32>
      tpu.vector_store %arg5[%swap3A], %swap3A_592 {strides = array<i32>} : memref<16384xf32, #tpu.memory_space<vmem>>, vector<16xf32>,
      %scan3A_593 = arith.constant 1 : i32
      %scan3A_594 = arith.addi %scan3A_581, %scan3A_593 : i32
      %mul3A_595 = arith.constant 16 : i32
      %mul3A_596 = arith.muli %scan3A_594, %mul3A_595 : i32
      %get3A_597 = arith.index_cast %mul3A_596 : i32 to index
      %get3A_598 = tpu.vector_load %arg5[%get3A_597] {strides = array<i32>} : memref<16384xf32, #tpu.memory_space<vmem>>, vector<16xf32>,
      %get3A_599 = vector.shape_cast %get3A_598 : vector<16xf32> to vector<16xf32>
      %mul3A_600 = arith.constant 2.048000e+03 : f32
      %mul3A_601 = vector.broadcast %mul3A_600 : f32 to vector<16xf32>
      %mul3A_602 = arith.mulf %get3A_599, %mul3A_601 : vector<16xf32>
      %swap3A_603 = arith.index_cast %mul3A_596 : i32 to index
      %swap3A_604 = tpu.vector_load %arg5[%swap3A_603] {strides = array<i32>} : memref<16384xf32, #tpu.memory_space<vmem>>, vector<16xf32>,
      %swap3A_605 = vector.shape_cast %swap3A_604 : vector<16xf32> to vector<16xf32>
      %swap3A_606 = vector.shape_cast %mul3A_602 : vector<16xf32> to vector<16xf32>
      tpu.vector_store %arg5[%swap3A_603], %swap3A_606 {strides = array<i32>} : memref<16384xf32, #tpu.memory_space<vmem>>, vector<16xf32>,
      %scan3A_607 = arith.constant 2 : i32
      %scan3A_608 = arith.addi %scan3A_581, %scan3A_607 : i32
      %mul3A_609 = arith.constant 16 : i32
      %mul3A_610 = arith.muli %scan3A_608, %mul3A_609 : i32
      %get3A_611 = arith.index_cast %mul3A_610 : i32 to index
      %get3A_612 = tpu.vector_load %arg5[%get3A_611] {strides = array<i32>} : memref<16384xf32, #tpu.memory_space<vmem>>, vector<16xf32>,
      %get3A_613 = vector.shape_cast %get3A_612 : vector<16xf32> to vector<16xf32>
      %mul3A_614 = arith.constant 2.048000e+03 : f32
      %mul3A_615 = vector.broadcast %mul3A_614 : f32 to vector<16xf32>
      %mul3A_616 = arith.mulf %get3A_613, %mul3A_615 : vector<16xf32>
      %swap3A_617 = arith.index_cast %mul3A_610 : i32 to index
      %swap3A_618 = tpu.vector_load %arg5[%swap3A_617] {strides = array<i32>} : memref<16384xf32, #tpu.memory_space<vmem>>, vector<16xf32>,
      %swap3A_619 = vector.shape_cast %swap3A_618 : vector<16xf32> to vector<16xf32>
      %swap3A_620 = vector.shape_cast %mul3A_616 : vector<16xf32> to vector<16xf32>
      tpu.vector_store %arg5[%swap3A_617], %swap3A_620 {strides = array<i32>} : memref<16384xf32, #tpu.memory_space<vmem>>, vector<16xf32>,
      %scan3A_621 = arith.constant 3 : i32
      %scan3A_622 = arith.addi %scan3A_581, %scan3A_621 : i32
      %mul3A_623 = arith.constant 16 : i32
      %mul3A_624 = arith.muli %scan3A_622, %mul3A_623 : i32
      %get3A_625 = arith.index_cast %mul3A_624 : i32 to index
      %get3A_626 = tpu.vector_load %arg5[%get3A_625] {strides = array<i32>} : memref<16384xf32, #tpu.memory_space<vmem>>, vector<16xf32>,
      %get3A_627 = vector.shape_cast %get3A_626 : vector<16xf32> to vector<16xf32>
      %mul3A_628 = arith.constant 2.048000e+03 : f32
      %mul3A_629 = vector.broadcast %mul3A_628 : f32 to vector<16xf32>
      %mul3A_630 = arith.mulf %get3A_627, %mul3A_629 : vector<16xf32>
      %swap3A_631 = arith.index_cast %mul3A_624 : i32 to index
      %swap3A_632 = tpu.vector_load %arg5[%swap3A_631] {strides = array<i32>} : memref<16384xf32, #tpu.memory_space<vmem>>, vector<16xf32>,
      %swap3A_633 = vector.shape_cast %swap3A_632 : vector<16xf32> to vector<16xf32>
      %swap3A_634 = vector.shape_cast %mul3A_630 : vector<16xf32> to vector<16xf32>
      tpu.vector_store %arg5[%swap3A_631], %swap3A_634 {strides = array<i32>} : memref<16384xf32, #tpu.memory_space<vmem>>, vector<16xf32>,
      %scan3A_635 = arith.constant 4 : i32
      %scan3A_636 = arith.addi %scan3A_581, %scan3A_635 : i32
      %mul3A_637 = arith.constant 16 : i32
      %mul3A_638 = arith.muli %scan3A_636, %mul3A_637 : i32
      %get3A_639 = arith.index_cast %mul3A_638 : i32 to index
      %get3A_640 = tpu.vector_load %arg5[%get3A_639] {strides = array<i32>} : memref<16384xf32, #tpu.memory_space<vmem>>, vector<16xf32>,
      %get3A_641 = vector.shape_cast %get3A_640 : vector<16xf32> to vector<16xf32>
      %mul3A_642 = arith.constant 2.048000e+03 : f32
      %mul3A_643 = vector.broadcast %mul3A_642 : f32 to vector<16xf32>
      %mul3A_644 = arith.mulf %get3A_641, %mul3A_643 : vector<16xf32>
      %swap3A_645 = arith.index_cast %mul3A_638 : i32 to index
      %swap3A_646 = tpu.vector_load %arg5[%swap3A_645] {strides = array<i32>} : memref<16384xf32, #tpu.memory_space<vmem>>, vector<16xf32>,
      %swap3A_647 = vector.shape_cast %swap3A_646 : vector<16xf32> to vector<16xf32>
      %swap3A_648 = vector.shape_cast %mul3A_644 : vector<16xf32> to vector<16xf32>
      tpu.vector_store %arg5[%swap3A_645], %swap3A_648 {strides = array<i32>} : memref<16384xf32, #tpu.memory_space<vmem>>, vector<16xf32>,
      %scan3A_649 = arith.constant 5 : i32
      %scan3A_650 = arith.addi %scan3A_581, %scan3A_649 : i32
      %mul3A_651 = arith.constant 16 : i32
      %mul3A_652 = arith.muli %scan3A_650, %mul3A_651 : i32
      %get3A_653 = arith.index_cast %mul3A_652 : i32 to index
      %get3A_654 = tpu.vector_load %arg5[%get3A_653] {strides = array<i32>} : memref<16384xf32, #tpu.memory_space<vmem>>, vector<16xf32>,
      %get3A_655 = vector.shape_cast %get3A_654 : vector<16xf32> to vector<16xf32>
      %mul3A_656 = arith.constant 2.048000e+03 : f32
      %mul3A_657 = vector.broadcast %mul3A_656 : f32 to vector<16xf32>
      %mul3A_658 = arith.mulf %get3A_655, %mul3A_657 : vector<16xf32>
      %swap3A_659 = arith.index_cast %mul3A_652 : i32 to index
      %swap3A_660 = tpu.vector_load %arg5[%swap3A_659] {strides = array<i32>} : memref<16384xf32, #tpu.memory_space<vmem>>, vector<16xf32>,
      %swap3A_661 = vector.shape_cast %swap3A_660 : vector<16xf32> to vector<16xf32>
      %swap3A_662 = vector.shape_cast %mul3A_658 : vector<16xf32> to vector<16xf32>
      tpu.vector_store %arg5[%swap3A_659], %swap3A_662 {strides = array<i32>} : memref<16384xf32, #tpu.memory_space<vmem>>, vector<16xf32>,
      %scan3A_663 = arith.constant 6 : i32
      %scan3A_664 = arith.addi %scan3A_581, %scan3A_663 : i32
      %mul3A_665 = arith.constant 16 : i32
      %mul3A_666 = arith.muli %scan3A_664, %mul3A_665 : i32
      %get3A_667 = arith.index_cast %mul3A_666 : i32 to index
      %get3A_668 = tpu.vector_load %arg5[%get3A_667] {strides = array<i32>} : memref<16384xf32, #tpu.memory_space<vmem>>, vector<16xf32>,
      %get3A_669 = vector.shape_cast %get3A_668 : vector<16xf32> to vector<16xf32>
      %mul3A_670 = arith.constant 2.048000e+03 : f32
      %mul3A_671 = vector.broadcast %mul3A_670 : f32 to vector<16xf32>
      %mul3A_672 = arith.mulf %get3A_669, %mul3A_671 : vector<16xf32>
      %swap3A_673 = arith.index_cast %mul3A_666 : i32 to index
      %swap3A_674 = tpu.vector_load %arg5[%swap3A_673] {strides = array<i32>} : memref<16384xf32, #tpu.memory_space<vmem>>, vector<16xf32>,
      %swap3A_675 = vector.shape_cast %swap3A_674 : vector<16xf32> to vector<16xf32>
      %swap3A_676 = vector.shape_cast %mul3A_672 : vector<16xf32> to vector<16xf32>
      tpu.vector_store %arg5[%swap3A_673], %swap3A_676 {strides = array<i32>} : memref<16384xf32, #tpu.memory_space<vmem>>, vector<16xf32>,
      %scan3A_677 = arith.constant 7 : i32
      %scan3A_678 = arith.addi %scan3A_581, %scan3A_677 : i32
      %mul3A_679 = arith.constant 16 : i32
      %mul3A_680 = arith.muli %scan3A_678, %mul3A_679 : i32
      %get3A_681 = arith.index_cast %mul3A_680 : i32 to index
      %get3A_682 = tpu.vector_load %arg5[%get3A_681] {strides = array<i32>} : memref<16384xf32, #tpu.memory_space<vmem>>, vector<16xf32>,
      %get3A_683 = vector.shape_cast %get3A_682 : vector<16xf32> to vector<16xf32>
      %mul3A_684 = arith.constant 2.048000e+03 : f32
      %mul3A_685 = vector.broadcast %mul3A_684 : f32 to vector<16xf32>
      %mul3A_686 = arith.mulf %get3A_683, %mul3A_685 : vector<16xf32>
      %swap3A_687 = arith.index_cast %mul3A_680 : i32 to index
      %swap3A_688 = tpu.vector_load %arg5[%swap3A_687] {strides = array<i32>} : memref<16384xf32, #tpu.memory_space<vmem>>, vector<16xf32>,
      %swap3A_689 = vector.shape_cast %swap3A_688 : vector<16xf32> to vector<16xf32>
      %swap3A_690 = vector.shape_cast %mul3A_686 : vector<16xf32> to vector<16xf32>
      tpu.vector_store %arg5[%swap3A_687], %swap3A_690 {strides = array<i32>} : memref<16384xf32, #tpu.memory_space<vmem>>, vector<16xf32>,
    }
    %scan3A_233 = arith.constant 1024 : i32
    %add3A_234 = arith.constant 196608 : i32
    %add3A_235 = arith.addi %mul3A_2, %add3A_234 : i32
    %dma_start3A_236 = tpu.memref_slice %arg4[%add3A_235] : memref<16777216xf32, #tpu.memory_space<hbm>> -> memref<16384xf32, #tpu.memory_space<hbm>>
    %dma_start3A_237 = tpu.memref_slice %arg4[%add3A_235] : memref<16777216xf32, #tpu.memory_space<hbm>> -> memref<16384xf32, #tpu.memory_space<hbm>>
    tpu.enqueue_dma source(%arg5 : memref<16384xf32, #tpu.memory_space<vmem>>) target(%dma_start3A_237 : memref<16384xf32, #tpu.memory_space<hbm>>) target_semaphore(%arg15 : memref<!tpu.dma_semaphore, #tpu.memory_space<semaphore_mem>>)
    %dma_wait3A_238 = tpu.memref_slice %arg4[%add3A_217] : memref<16777216xf32, #tpu.memory_space<hbm>> -> memref<16384xf32, #tpu.memory_space<hbm>>
    %dma_wait3A_239 = tpu.memref_slice %arg4[%add3A_217] : memref<16777216xf32, #tpu.memory_space<hbm>> -> memref<16384xf32, #tpu.memory_space<hbm>>
    tpu.wait_dma2 semaphore(%arg18 : memref<!tpu.dma_semaphore, #tpu.memory_space<semaphore_mem>>) src(%arg8 : memref<16384xf32, #tpu.memory_space<vmem>>) dst(%dma_wait3A_239 : memref<16384xf32, #tpu.memory_space<hbm>>)
    %add3A_240 = arith.constant 245760 : i32
    %add3A_241 = arith.addi %mul3A_2, %add3A_240 : i32
    %dma_start3A_242 = tpu.memref_slice %arg2[%add3A_241] : memref<16777216xf32, #tpu.memory_space<hbm>> -> memref<16384xf32, #tpu.memory_space<hbm>>
    %dma_start3A_243 = tpu.memref_slice %arg2[%add3A_241] : memref<16777216xf32, #tpu.memory_space<hbm>> -> memref<16384xf32, #tpu.memory_space<hbm>>
    tpu.enqueue_dma source(%dma_start3A_243 : memref<16384xf32, #tpu.memory_space<hbm>>) target(%arg8 : memref<16384xf32, #tpu.memory_space<vmem>>) target_semaphore(%arg14 : memref<!tpu.dma_semaphore, #tpu.memory_space<semaphore_mem>>)
    %dma_wait3A_244 = tpu.memref_slice %arg2[%add3A_205] : memref<16777216xf32, #tpu.memory_space<hbm>> -> memref<16384xf32, #tpu.memory_space<hbm>>
    %dma_wait3A_245 = tpu.memref_slice %arg2[%add3A_205] : memref<16777216xf32, #tpu.memory_space<hbm>> -> memref<16384xf32, #tpu.memory_space<hbm>>
    tpu.wait_dma2 semaphore(%arg12 : memref<!tpu.dma_semaphore, #tpu.memory_space<semaphore_mem>>) src(%dma_wait3A_245 : memref<16384xf32, #tpu.memory_space<hbm>>) dst(%arg6 : memref<16384xf32, #tpu.memory_space<vmem>>)
    %scan3A_246 = arith.constant 0 : i32
    %scan3A_247 = arith.constant 0 : i32
    %scan3A_248 = arith.constant 1024 : i32
    %scan3A_249 = arith.addi %scan3A_247, %scan3A_248 : i32
    %scan3A_250 = arith.constant 8 : i32
    scf.for %scan3A_581 = %scan3A_247 to %scan3A_249 step %scan3A_250  : i32 {
      %mul3A_582 = arith.constant 16 : i32
      %mul3A_583 = arith.muli %scan3A_581, %mul3A_582 : i32
      %get3A_584 = arith.index_cast %mul3A_583 : i32 to index
      %get3A_585 = tpu.vector_load %arg6[%get3A_584] {strides = array<i32>} : memref<16384xf32, #tpu.memory_space<vmem>>, vector<16xf32>,
      %get3A_586 = vector.shape_cast %get3A_585 : vector<16xf32> to vector<16xf32>
      %mul3A_587 = arith.constant 2.048000e+03 : f32
      %mul3A_588 = vector.broadcast %mul3A_587 : f32 to vector<16xf32>
      %mul3A_589 = arith.mulf %get3A_586, %mul3A_588 : vector<16xf32>
      %swap3A = arith.index_cast %mul3A_583 : i32 to index
      %swap3A_590 = tpu.vector_load %arg6[%swap3A] {strides = array<i32>} : memref<16384xf32, #tpu.memory_space<vmem>>, vector<16xf32>,
      %swap3A_591 = vector.shape_cast %swap3A_590 : vector<16xf32> to vector<16xf32>
      %swap3A_592 = vector.shape_cast %mul3A_589 : vector<16xf32> to vector<16xf32>
      tpu.vector_store %arg6[%swap3A], %swap3A_592 {strides = array<i32>} : memref<16384xf32, #tpu.memory_space<vmem>>, vector<16xf32>,
      %scan3A_593 = arith.constant 1 : i32
      %scan3A_594 = arith.addi %scan3A_581, %scan3A_593 : i32
      %mul3A_595 = arith.constant 16 : i32
      %mul3A_596 = arith.muli %scan3A_594, %mul3A_595 : i32
      %get3A_597 = arith.index_cast %mul3A_596 : i32 to index
      %get3A_598 = tpu.vector_load %arg6[%get3A_597] {strides = array<i32>} : memref<16384xf32, #tpu.memory_space<vmem>>, vector<16xf32>,
      %get3A_599 = vector.shape_cast %get3A_598 : vector<16xf32> to vector<16xf32>
      %mul3A_600 = arith.constant 2.048000e+03 : f32
      %mul3A_601 = vector.broadcast %mul3A_600 : f32 to vector<16xf32>
      %mul3A_602 = arith.mulf %get3A_599, %mul3A_601 : vector<16xf32>
      %swap3A_603 = arith.index_cast %mul3A_596 : i32 to index
      %swap3A_604 = tpu.vector_load %arg6[%swap3A_603] {strides = array<i32>} : memref<16384xf32, #tpu.memory_space<vmem>>, vector<16xf32>,
      %swap3A_605 = vector.shape_cast %swap3A_604 : vector<16xf32> to vector<16xf32>
      %swap3A_606 = vector.shape_cast %mul3A_602 : vector<16xf32> to vector<16xf32>
      tpu.vector_store %arg6[%swap3A_603], %swap3A_606 {strides = array<i32>} : memref<16384xf32, #tpu.memory_space<vmem>>, vector<16xf32>,
      %scan3A_607 = arith.constant 2 : i32
      %scan3A_608 = arith.addi %scan3A_581, %scan3A_607 : i32
      %mul3A_609 = arith.constant 16 : i32
      %mul3A_610 = arith.muli %scan3A_608, %mul3A_609 : i32
      %get3A_611 = arith.index_cast %mul3A_610 : i32 to index
      %get3A_612 = tpu.vector_load %arg6[%get3A_611] {strides = array<i32>} : memref<16384xf32, #tpu.memory_space<vmem>>, vector<16xf32>,
      %get3A_613 = vector.shape_cast %get3A_612 : vector<16xf32> to vector<16xf32>
      %mul3A_614 = arith.constant 2.048000e+03 : f32
      %mul3A_615 = vector.broadcast %mul3A_614 : f32 to vector<16xf32>
      %mul3A_616 = arith.mulf %get3A_613, %mul3A_615 : vector<16xf32>
      %swap3A_617 = arith.index_cast %mul3A_610 : i32 to index
      %swap3A_618 = tpu.vector_load %arg6[%swap3A_617] {strides = array<i32>} : memref<16384xf32, #tpu.memory_space<vmem>>, vector<16xf32>,
      %swap3A_619 = vector.shape_cast %swap3A_618 : vector<16xf32> to vector<16xf32>
      %swap3A_620 = vector.shape_cast %mul3A_616 : vector<16xf32> to vector<16xf32>
      tpu.vector_store %arg6[%swap3A_617], %swap3A_620 {strides = array<i32>} : memref<16384xf32, #tpu.memory_space<vmem>>, vector<16xf32>,
      %scan3A_621 = arith.constant 3 : i32
      %scan3A_622 = arith.addi %scan3A_581, %scan3A_621 : i32
      %mul3A_623 = arith.constant 16 : i32
      %mul3A_624 = arith.muli %scan3A_622, %mul3A_623 : i32
      %get3A_625 = arith.index_cast %mul3A_624 : i32 to index
      %get3A_626 = tpu.vector_load %arg6[%get3A_625] {strides = array<i32>} : memref<16384xf32, #tpu.memory_space<vmem>>, vector<16xf32>,
      %get3A_627 = vector.shape_cast %get3A_626 : vector<16xf32> to vector<16xf32>
      %mul3A_628 = arith.constant 2.048000e+03 : f32
      %mul3A_629 = vector.broadcast %mul3A_628 : f32 to vector<16xf32>
      %mul3A_630 = arith.mulf %get3A_627, %mul3A_629 : vector<16xf32>
      %swap3A_631 = arith.index_cast %mul3A_624 : i32 to index
      %swap3A_632 = tpu.vector_load %arg6[%swap3A_631] {strides = array<i32>} : memref<16384xf32, #tpu.memory_space<vmem>>, vector<16xf32>,
      %swap3A_633 = vector.shape_cast %swap3A_632 : vector<16xf32> to vector<16xf32>
      %swap3A_634 = vector.shape_cast %mul3A_630 : vector<16xf32> to vector<16xf32>
      tpu.vector_store %arg6[%swap3A_631], %swap3A_634 {strides = array<i32>} : memref<16384xf32, #tpu.memory_space<vmem>>, vector<16xf32>,
      %scan3A_635 = arith.constant 4 : i32
      %scan3A_636 = arith.addi %scan3A_581, %scan3A_635 : i32
      %mul3A_637 = arith.constant 16 : i32
      %mul3A_638 = arith.muli %scan3A_636, %mul3A_637 : i32
      %get3A_639 = arith.index_cast %mul3A_638 : i32 to index
      %get3A_640 = tpu.vector_load %arg6[%get3A_639] {strides = array<i32>} : memref<16384xf32, #tpu.memory_space<vmem>>, vector<16xf32>,
      %get3A_641 = vector.shape_cast %get3A_640 : vector<16xf32> to vector<16xf32>
      %mul3A_642 = arith.constant 2.048000e+03 : f32
      %mul3A_643 = vector.broadcast %mul3A_642 : f32 to vector<16xf32>
      %mul3A_644 = arith.mulf %get3A_641, %mul3A_643 : vector<16xf32>
      %swap3A_645 = arith.index_cast %mul3A_638 : i32 to index
      %swap3A_646 = tpu.vector_load %arg6[%swap3A_645] {strides = array<i32>} : memref<16384xf32, #tpu.memory_space<vmem>>, vector<16xf32>,
      %swap3A_647 = vector.shape_cast %swap3A_646 : vector<16xf32> to vector<16xf32>
      %swap3A_648 = vector.shape_cast %mul3A_644 : vector<16xf32> to vector<16xf32>
      tpu.vector_store %arg6[%swap3A_645], %swap3A_648 {strides = array<i32>} : memref<16384xf32, #tpu.memory_space<vmem>>, vector<16xf32>,
      %scan3A_649 = arith.constant 5 : i32
      %scan3A_650 = arith.addi %scan3A_581, %scan3A_649 : i32
      %mul3A_651 = arith.constant 16 : i32
      %mul3A_652 = arith.muli %scan3A_650, %mul3A_651 : i32
      %get3A_653 = arith.index_cast %mul3A_652 : i32 to index
      %get3A_654 = tpu.vector_load %arg6[%get3A_653] {strides = array<i32>} : memref<16384xf32, #tpu.memory_space<vmem>>, vector<16xf32>,
      %get3A_655 = vector.shape_cast %get3A_654 : vector<16xf32> to vector<16xf32>
      %mul3A_656 = arith.constant 2.048000e+03 : f32
      %mul3A_657 = vector.broadcast %mul3A_656 : f32 to vector<16xf32>
      %mul3A_658 = arith.mulf %get3A_655, %mul3A_657 : vector<16xf32>
      %swap3A_659 = arith.index_cast %mul3A_652 : i32 to index
      %swap3A_660 = tpu.vector_load %arg6[%swap3A_659] {strides = array<i32>} : memref<16384xf32, #tpu.memory_space<vmem>>, vector<16xf32>,
      %swap3A_661 = vector.shape_cast %swap3A_660 : vector<16xf32> to vector<16xf32>
      %swap3A_662 = vector.shape_cast %mul3A_658 : vector<16xf32> to vector<16xf32>
      tpu.vector_store %arg6[%swap3A_659], %swap3A_662 {strides = array<i32>} : memref<16384xf32, #tpu.memory_space<vmem>>, vector<16xf32>,
      %scan3A_663 = arith.constant 6 : i32
      %scan3A_664 = arith.addi %scan3A_581, %scan3A_663 : i32
      %mul3A_665 = arith.constant 16 : i32
      %mul3A_666 = arith.muli %scan3A_664, %mul3A_665 : i32
      %get3A_667 = arith.index_cast %mul3A_666 : i32 to index
      %get3A_668 = tpu.vector_load %arg6[%get3A_667] {strides = array<i32>} : memref<16384xf32, #tpu.memory_space<vmem>>, vector<16xf32>,
      %get3A_669 = vector.shape_cast %get3A_668 : vector<16xf32> to vector<16xf32>
      %mul3A_670 = arith.constant 2.048000e+03 : f32
      %mul3A_671 = vector.broadcast %mul3A_670 : f32 to vector<16xf32>
      %mul3A_672 = arith.mulf %get3A_669, %mul3A_671 : vector<16xf32>
      %swap3A_673 = arith.index_cast %mul3A_666 : i32 to index
      %swap3A_674 = tpu.vector_load %arg6[%swap3A_673] {strides = array<i32>} : memref<16384xf32, #tpu.memory_space<vmem>>, vector<16xf32>,
      %swap3A_675 = vector.shape_cast %swap3A_674 : vector<16xf32> to vector<16xf32>
      %swap3A_676 = vector.shape_cast %mul3A_672 : vector<16xf32> to vector<16xf32>
      tpu.vector_store %arg6[%swap3A_673], %swap3A_676 {strides = array<i32>} : memref<16384xf32, #tpu.memory_space<vmem>>, vector<16xf32>,
      %scan3A_677 = arith.constant 7 : i32
      %scan3A_678 = arith.addi %scan3A_581, %scan3A_677 : i32
      %mul3A_679 = arith.constant 16 : i32
      %mul3A_680 = arith.muli %scan3A_678, %mul3A_679 : i32
      %get3A_681 = arith.index_cast %mul3A_680 : i32 to index
      %get3A_682 = tpu.vector_load %arg6[%get3A_681] {strides = array<i32>} : memref<16384xf32, #tpu.memory_space<vmem>>, vector<16xf32>,
      %get3A_683 = vector.shape_cast %get3A_682 : vector<16xf32> to vector<16xf32>
      %mul3A_684 = arith.constant 2.048000e+03 : f32
      %mul3A_685 = vector.broadcast %mul3A_684 : f32 to vector<16xf32>
      %mul3A_686 = arith.mulf %get3A_683, %mul3A_685 : vector<16xf32>
      %swap3A_687 = arith.index_cast %mul3A_680 : i32 to index
      %swap3A_688 = tpu.vector_load %arg6[%swap3A_687] {strides = array<i32>} : memref<16384xf32, #tpu.memory_space<vmem>>, vector<16xf32>,
      %swap3A_689 = vector.shape_cast %swap3A_688 : vector<16xf32> to vector<16xf32>
      %swap3A_690 = vector.shape_cast %mul3A_686 : vector<16xf32> to vector<16xf32>
      tpu.vector_store %arg6[%swap3A_687], %swap3A_690 {strides = array<i32>} : memref<16384xf32, #tpu.memory_space<vmem>>, vector<16xf32>,
    }
    %scan3A_251 = arith.constant 1024 : i32
    %add3A_252 = arith.constant 212992 : i32
    %add3A_253 = arith.addi %mul3A_2, %add3A_252 : i32
    %dma_start3A_254 = tpu.memref_slice %arg4[%add3A_253] : memref<16777216xf32, #tpu.memory_space<hbm>> -> memref<16384xf32, #tpu.memory_space<hbm>>
    %dma_start3A_255 = tpu.memref_slice %arg4[%add3A_253] : memref<16777216xf32, #tpu.memory_space<hbm>> -> memref<16384xf32, #tpu.memory_space<hbm>>
    tpu.enqueue_dma source(%arg6 : memref<16384xf32, #tpu.memory_space<vmem>>) target(%dma_start3A_255 : memref<16384xf32, #tpu.memory_space<hbm>>) target_semaphore(%arg16 : memref<!tpu.dma_semaphore, #tpu.memory_space<semaphore_mem>>)
    %dma_wait3A_256 = tpu.memref_slice %arg4[%add3A_235] : memref<16777216xf32, #tpu.memory_space<hbm>> -> memref<16384xf32, #tpu.memory_space<hbm>>
    %dma_wait3A_257 = tpu.memref_slice %arg4[%add3A_235] : memref<16777216xf32, #tpu.memory_space<hbm>> -> memref<16384xf32, #tpu.memory_space<hbm>>
    tpu.wait_dma2 semaphore(%arg15 : memref<!tpu.dma_semaphore, #tpu.memory_space<semaphore_mem>>) src(%arg5 : memref<16384xf32, #tpu.memory_space<vmem>>) dst(%dma_wait3A_257 : memref<16384xf32, #tpu.memory_space<hbm>>)
    %add3A_258 = arith.constant 262144 : i32
    %add3A_259 = arith.addi %mul3A_2, %add3A_258 : i32
    %dma_start3A_260 = tpu.memref_slice %arg2[%add3A_259] : memref<16777216xf32, #tpu.memory_space<hbm>> -> memref<16384xf32, #tpu.memory_space<hbm>>
    %dma_start3A_261 = tpu.memref_slice %arg2[%add3A_259] : memref<16777216xf32, #tpu.memory_space<hbm>> -> memref<16384xf32, #tpu.memory_space<hbm>>
    tpu.enqueue_dma source(%dma_start3A_261 : memref<16384xf32, #tpu.memory_space<hbm>>) target(%arg5 : memref<16384xf32, #tpu.memory_space<vmem>>) target_semaphore(%arg11 : memref<!tpu.dma_semaphore, #tpu.memory_space<semaphore_mem>>)
    %dma_wait3A_262 = tpu.memref_slice %arg2[%add3A_223] : memref<16777216xf32, #tpu.memory_space<hbm>> -> memref<16384xf32, #tpu.memory_space<hbm>>
    %dma_wait3A_263 = tpu.memref_slice %arg2[%add3A_223] : memref<16777216xf32, #tpu.memory_space<hbm>> -> memref<16384xf32, #tpu.memory_space<hbm>>
    tpu.wait_dma2 semaphore(%arg13 : memref<!tpu.dma_semaphore, #tpu.memory_space<semaphore_mem>>) src(%dma_wait3A_263 : memref<16384xf32, #tpu.memory_space<hbm>>) dst(%arg7 : memref<16384xf32, #tpu.memory_space<vmem>>)
    %scan3A_264 = arith.constant 0 : i32
    %scan3A_265 = arith.constant 0 : i32
    %scan3A_266 = arith.constant 1024 : i32
    %scan3A_267 = arith.addi %scan3A_265, %scan3A_266 : i32
    %scan3A_268 = arith.constant 8 : i32
    scf.for %scan3A_581 = %scan3A_265 to %scan3A_267 step %scan3A_268  : i32 {
      %mul3A_582 = arith.constant 16 : i32
      %mul3A_583 = arith.muli %scan3A_581, %mul3A_582 : i32
      %get3A_584 = arith.index_cast %mul3A_583 : i32 to index
      %get3A_585 = tpu.vector_load %arg7[%get3A_584] {strides = array<i32>} : memref<16384xf32, #tpu.memory_space<vmem>>, vector<16xf32>,
      %get3A_586 = vector.shape_cast %get3A_585 : vector<16xf32> to vector<16xf32>
      %mul3A_587 = arith.constant 2.048000e+03 : f32
      %mul3A_588 = vector.broadcast %mul3A_587 : f32 to vector<16xf32>
      %mul3A_589 = arith.mulf %get3A_586, %mul3A_588 : vector<16xf32>
      %swap3A = arith.index_cast %mul3A_583 : i32 to index
      %swap3A_590 = tpu.vector_load %arg7[%swap3A] {strides = array<i32>} : memref<16384xf32, #tpu.memory_space<vmem>>, vector<16xf32>,
      %swap3A_591 = vector.shape_cast %swap3A_590 : vector<16xf32> to vector<16xf32>
      %swap3A_592 = vector.shape_cast %mul3A_589 : vector<16xf32> to vector<16xf32>
      tpu.vector_store %arg7[%swap3A], %swap3A_592 {strides = array<i32>} : memref<16384xf32, #tpu.memory_space<vmem>>, vector<16xf32>,
      %scan3A_593 = arith.constant 1 : i32
      %scan3A_594 = arith.addi %scan3A_581, %scan3A_593 : i32
      %mul3A_595 = arith.constant 16 : i32
      %mul3A_596 = arith.muli %scan3A_594, %mul3A_595 : i32
      %get3A_597 = arith.index_cast %mul3A_596 : i32 to index
      %get3A_598 = tpu.vector_load %arg7[%get3A_597] {strides = array<i32>} : memref<16384xf32, #tpu.memory_space<vmem>>, vector<16xf32>,
      %get3A_599 = vector.shape_cast %get3A_598 : vector<16xf32> to vector<16xf32>
      %mul3A_600 = arith.constant 2.048000e+03 : f32
      %mul3A_601 = vector.broadcast %mul3A_600 : f32 to vector<16xf32>
      %mul3A_602 = arith.mulf %get3A_599, %mul3A_601 : vector<16xf32>
      %swap3A_603 = arith.index_cast %mul3A_596 : i32 to index
      %swap3A_604 = tpu.vector_load %arg7[%swap3A_603] {strides = array<i32>} : memref<16384xf32, #tpu.memory_space<vmem>>, vector<16xf32>,
      %swap3A_605 = vector.shape_cast %swap3A_604 : vector<16xf32> to vector<16xf32>
      %swap3A_606 = vector.shape_cast %mul3A_602 : vector<16xf32> to vector<16xf32>
      tpu.vector_store %arg7[%swap3A_603], %swap3A_606 {strides = array<i32>} : memref<16384xf32, #tpu.memory_space<vmem>>, vector<16xf32>,
      %scan3A_607 = arith.constant 2 : i32
      %scan3A_608 = arith.addi %scan3A_581, %scan3A_607 : i32
      %mul3A_609 = arith.constant 16 : i32
      %mul3A_610 = arith.muli %scan3A_608, %mul3A_609 : i32
      %get3A_611 = arith.index_cast %mul3A_610 : i32 to index
      %get3A_612 = tpu.vector_load %arg7[%get3A_611] {strides = array<i32>} : memref<16384xf32, #tpu.memory_space<vmem>>, vector<16xf32>,
      %get3A_613 = vector.shape_cast %get3A_612 : vector<16xf32> to vector<16xf32>
      %mul3A_614 = arith.constant 2.048000e+03 : f32
      %mul3A_615 = vector.broadcast %mul3A_614 : f32 to vector<16xf32>
      %mul3A_616 = arith.mulf %get3A_613, %mul3A_615 : vector<16xf32>
      %swap3A_617 = arith.index_cast %mul3A_610 : i32 to index
      %swap3A_618 = tpu.vector_load %arg7[%swap3A_617] {strides = array<i32>} : memref<16384xf32, #tpu.memory_space<vmem>>, vector<16xf32>,
      %swap3A_619 = vector.shape_cast %swap3A_618 : vector<16xf32> to vector<16xf32>
      %swap3A_620 = vector.shape_cast %mul3A_616 : vector<16xf32> to vector<16xf32>
      tpu.vector_store %arg7[%swap3A_617], %swap3A_620 {strides = array<i32>} : memref<16384xf32, #tpu.memory_space<vmem>>, vector<16xf32>,
      %scan3A_621 = arith.constant 3 : i32
      %scan3A_622 = arith.addi %scan3A_581, %scan3A_621 : i32
      %mul3A_623 = arith.constant 16 : i32
      %mul3A_624 = arith.muli %scan3A_622, %mul3A_623 : i32
      %get3A_625 = arith.index_cast %mul3A_624 : i32 to index
      %get3A_626 = tpu.vector_load %arg7[%get3A_625] {strides = array<i32>} : memref<16384xf32, #tpu.memory_space<vmem>>, vector<16xf32>,
      %get3A_627 = vector.shape_cast %get3A_626 : vector<16xf32> to vector<16xf32>
      %mul3A_628 = arith.constant 2.048000e+03 : f32
      %mul3A_629 = vector.broadcast %mul3A_628 : f32 to vector<16xf32>
      %mul3A_630 = arith.mulf %get3A_627, %mul3A_629 : vector<16xf32>
      %swap3A_631 = arith.index_cast %mul3A_624 : i32 to index
      %swap3A_632 = tpu.vector_load %arg7[%swap3A_631] {strides = array<i32>} : memref<16384xf32, #tpu.memory_space<vmem>>, vector<16xf32>,
      %swap3A_633 = vector.shape_cast %swap3A_632 : vector<16xf32> to vector<16xf32>
      %swap3A_634 = vector.shape_cast %mul3A_630 : vector<16xf32> to vector<16xf32>
      tpu.vector_store %arg7[%swap3A_631], %swap3A_634 {strides = array<i32>} : memref<16384xf32, #tpu.memory_space<vmem>>, vector<16xf32>,
      %scan3A_635 = arith.constant 4 : i32
      %scan3A_636 = arith.addi %scan3A_581, %scan3A_635 : i32
      %mul3A_637 = arith.constant 16 : i32
      %mul3A_638 = arith.muli %scan3A_636, %mul3A_637 : i32
      %get3A_639 = arith.index_cast %mul3A_638 : i32 to index
      %get3A_640 = tpu.vector_load %arg7[%get3A_639] {strides = array<i32>} : memref<16384xf32, #tpu.memory_space<vmem>>, vector<16xf32>,
      %get3A_641 = vector.shape_cast %get3A_640 : vector<16xf32> to vector<16xf32>
      %mul3A_642 = arith.constant 2.048000e+03 : f32
      %mul3A_643 = vector.broadcast %mul3A_642 : f32 to vector<16xf32>
      %mul3A_644 = arith.mulf %get3A_641, %mul3A_643 : vector<16xf32>
      %swap3A_645 = arith.index_cast %mul3A_638 : i32 to index
      %swap3A_646 = tpu.vector_load %arg7[%swap3A_645] {strides = array<i32>} : memref<16384xf32, #tpu.memory_space<vmem>>, vector<16xf32>,
      %swap3A_647 = vector.shape_cast %swap3A_646 : vector<16xf32> to vector<16xf32>
      %swap3A_648 = vector.shape_cast %mul3A_644 : vector<16xf32> to vector<16xf32>
      tpu.vector_store %arg7[%swap3A_645], %swap3A_648 {strides = array<i32>} : memref<16384xf32, #tpu.memory_space<vmem>>, vector<16xf32>,
      %scan3A_649 = arith.constant 5 : i32
      %scan3A_650 = arith.addi %scan3A_581, %scan3A_649 : i32
      %mul3A_651 = arith.constant 16 : i32
      %mul3A_652 = arith.muli %scan3A_650, %mul3A_651 : i32
      %get3A_653 = arith.index_cast %mul3A_652 : i32 to index
      %get3A_654 = tpu.vector_load %arg7[%get3A_653] {strides = array<i32>} : memref<16384xf32, #tpu.memory_space<vmem>>, vector<16xf32>,
      %get3A_655 = vector.shape_cast %get3A_654 : vector<16xf32> to vector<16xf32>
      %mul3A_656 = arith.constant 2.048000e+03 : f32
      %mul3A_657 = vector.broadcast %mul3A_656 : f32 to vector<16xf32>
      %mul3A_658 = arith.mulf %get3A_655, %mul3A_657 : vector<16xf32>
      %swap3A_659 = arith.index_cast %mul3A_652 : i32 to index
      %swap3A_660 = tpu.vector_load %arg7[%swap3A_659] {strides = array<i32>} : memref<16384xf32, #tpu.memory_space<vmem>>, vector<16xf32>,
      %swap3A_661 = vector.shape_cast %swap3A_660 : vector<16xf32> to vector<16xf32>
      %swap3A_662 = vector.shape_cast %mul3A_658 : vector<16xf32> to vector<16xf32>
      tpu.vector_store %arg7[%swap3A_659], %swap3A_662 {strides = array<i32>} : memref<16384xf32, #tpu.memory_space<vmem>>, vector<16xf32>,
      %scan3A_663 = arith.constant 6 : i32
      %scan3A_664 = arith.addi %scan3A_581, %scan3A_663 : i32
      %mul3A_665 = arith.constant 16 : i32
      %mul3A_666 = arith.muli %scan3A_664, %mul3A_665 : i32
      %get3A_667 = arith.index_cast %mul3A_666 : i32 to index
      %get3A_668 = tpu.vector_load %arg7[%get3A_667] {strides = array<i32>} : memref<16384xf32, #tpu.memory_space<vmem>>, vector<16xf32>,
      %get3A_669 = vector.shape_cast %get3A_668 : vector<16xf32> to vector<16xf32>
      %mul3A_670 = arith.constant 2.048000e+03 : f32
      %mul3A_671 = vector.broadcast %mul3A_670 : f32 to vector<16xf32>
      %mul3A_672 = arith.mulf %get3A_669, %mul3A_671 : vector<16xf32>
      %swap3A_673 = arith.index_cast %mul3A_666 : i32 to index
      %swap3A_674 = tpu.vector_load %arg7[%swap3A_673] {strides = array<i32>} : memref<16384xf32, #tpu.memory_space<vmem>>, vector<16xf32>,
      %swap3A_675 = vector.shape_cast %swap3A_674 : vector<16xf32> to vector<16xf32>
      %swap3A_676 = vector.shape_cast %mul3A_672 : vector<16xf32> to vector<16xf32>
      tpu.vector_store %arg7[%swap3A_673], %swap3A_676 {strides = array<i32>} : memref<16384xf32, #tpu.memory_space<vmem>>, vector<16xf32>,
      %scan3A_677 = arith.constant 7 : i32
      %scan3A_678 = arith.addi %scan3A_581, %scan3A_677 : i32
      %mul3A_679 = arith.constant 16 : i32
      %mul3A_680 = arith.muli %scan3A_678, %mul3A_679 : i32
      %get3A_681 = arith.index_cast %mul3A_680 : i32 to index
      %get3A_682 = tpu.vector_load %arg7[%get3A_681] {strides = array<i32>} : memref<16384xf32, #tpu.memory_space<vmem>>, vector<16xf32>,
      %get3A_683 = vector.shape_cast %get3A_682 : vector<16xf32> to vector<16xf32>
      %mul3A_684 = arith.constant 2.048000e+03 : f32
      %mul3A_685 = vector.broadcast %mul3A_684 : f32 to vector<16xf32>
      %mul3A_686 = arith.mulf %get3A_683, %mul3A_685 : vector<16xf32>
      %swap3A_687 = arith.index_cast %mul3A_680 : i32 to index
      %swap3A_688 = tpu.vector_load %arg7[%swap3A_687] {strides = array<i32>} : memref<16384xf32, #tpu.memory_space<vmem>>, vector<16xf32>,
      %swap3A_689 = vector.shape_cast %swap3A_688 : vector<16xf32> to vector<16xf32>
      %swap3A_690 = vector.shape_cast %mul3A_686 : vector<16xf32> to vector<16xf32>
      tpu.vector_store %arg7[%swap3A_687], %swap3A_690 {strides = array<i32>} : memref<16384xf32, #tpu.memory_space<vmem>>, vector<16xf32>,
    }
    %scan3A_269 = arith.constant 1024 : i32
    %add3A_270 = arith.constant 229376 : i32
    %add3A_271 = arith.addi %mul3A_2, %add3A_270 : i32
    %dma_start3A_272 = tpu.memref_slice %arg4[%add3A_271] : memref<16777216xf32, #tpu.memory_space<hbm>> -> memref<16384xf32, #tpu.memory_space<hbm>>
    %dma_start3A_273 = tpu.memref_slice %arg4[%add3A_271] : memref<16777216xf32, #tpu.memory_space<hbm>> -> memref<16384xf32, #tpu.memory_space<hbm>>
    tpu.enqueue_dma source(%arg7 : memref<16384xf32, #tpu.memory_space<vmem>>) target(%dma_start3A_273 : memref<16384xf32, #tpu.memory_space<hbm>>) target_semaphore(%arg17 : memref<!tpu.dma_semaphore, #tpu.memory_space<semaphore_mem>>)
    %dma_wait3A_274 = tpu.memref_slice %arg4[%add3A_253] : memref<16777216xf32, #tpu.memory_space<hbm>> -> memref<16384xf32, #tpu.memory_space<hbm>>
    %dma_wait3A_275 = tpu.memref_slice %arg4[%add3A_253] : memref<16777216xf32, #tpu.memory_space<hbm>> -> memref<16384xf32, #tpu.memory_space<hbm>>
    tpu.wait_dma2 semaphore(%arg16 : memref<!tpu.dma_semaphore, #tpu.memory_space<semaphore_mem>>) src(%arg6 : memref<16384xf32, #tpu.memory_space<vmem>>) dst(%dma_wait3A_275 : memref<16384xf32, #tpu.memory_space<hbm>>)
    %add3A_276 = arith.constant 278528 : i32
    %add3A_277 = arith.addi %mul3A_2, %add3A_276 : i32
    %dma_start3A_278 = tpu.memref_slice %arg2[%add3A_277] : memref<16777216xf32, #tpu.memory_space<hbm>> -> memref<16384xf32, #tpu.memory_space<hbm>>
    %dma_start3A_279 = tpu.memref_slice %arg2[%add3A_277] : memref<16777216xf32, #tpu.memory_space<hbm>> -> memref<16384xf32, #tpu.memory_space<hbm>>
    tpu.enqueue_dma source(%dma_start3A_279 : memref<16384xf32, #tpu.memory_space<hbm>>) target(%arg6 : memref<16384xf32, #tpu.memory_space<vmem>>) target_semaphore(%arg12 : memref<!tpu.dma_semaphore, #tpu.memory_space<semaphore_mem>>)
    %dma_wait3A_280 = tpu.memref_slice %arg2[%add3A_241] : memref<16777216xf32, #tpu.memory_space<hbm>> -> memref<16384xf32, #tpu.memory_space<hbm>>
    %dma_wait3A_281 = tpu.memref_slice %arg2[%add3A_241] : memref<16777216xf32, #tpu.memory_space<hbm>> -> memref<16384xf32, #tpu.memory_space<hbm>>
    tpu.wait_dma2 semaphore(%arg14 : memref<!tpu.dma_semaphore, #tpu.memory_space<semaphore_mem>>) src(%dma_wait3A_281 : memref<16384xf32, #tpu.memory_space<hbm>>) dst(%arg8 : memref<16384xf32, #tpu.memory_space<vmem>>)
    %scan3A_282 = arith.constant 0 : i32
    %scan3A_283 = arith.constant 0 : i32
    %scan3A_284 = arith.constant 1024 : i32
    %scan3A_285 = arith.addi %scan3A_283, %scan3A_284 : i32
    %scan3A_286 = arith.constant 8 : i32
    scf.for %scan3A_581 = %scan3A_283 to %scan3A_285 step %scan3A_286  : i32 {
      %mul3A_582 = arith.constant 16 : i32
      %mul3A_583 = arith.muli %scan3A_581, %mul3A_582 : i32
      %get3A_584 = arith.index_cast %mul3A_583 : i32 to index
      %get3A_585 = tpu.vector_load %arg8[%get3A_584] {strides = array<i32>} : memref<16384xf32, #tpu.memory_space<vmem>>, vector<16xf32>,
      %get3A_586 = vector.shape_cast %get3A_585 : vector<16xf32> to vector<16xf32>
      %mul3A_587 = arith.constant 2.048000e+03 : f32
      %mul3A_588 = vector.broadcast %mul3A_587 : f32 to vector<16xf32>
      %mul3A_589 = arith.mulf %get3A_586, %mul3A_588 : vector<16xf32>
      %swap3A = arith.index_cast %mul3A_583 : i32 to index
      %swap3A_590 = tpu.vector_load %arg8[%swap3A] {strides = array<i32>} : memref<16384xf32, #tpu.memory_space<vmem>>, vector<16xf32>,
      %swap3A_591 = vector.shape_cast %swap3A_590 : vector<16xf32> to vector<16xf32>
      %swap3A_592 = vector.shape_cast %mul3A_589 : vector<16xf32> to vector<16xf32>
      tpu.vector_store %arg8[%swap3A], %swap3A_592 {strides = array<i32>} : memref<16384xf32, #tpu.memory_space<vmem>>, vector<16xf32>,
      %scan3A_593 = arith.constant 1 : i32
      %scan3A_594 = arith.addi %scan3A_581, %scan3A_593 : i32
      %mul3A_595 = arith.constant 16 : i32
      %mul3A_596 = arith.muli %scan3A_594, %mul3A_595 : i32
      %get3A_597 = arith.index_cast %mul3A_596 : i32 to index
      %get3A_598 = tpu.vector_load %arg8[%get3A_597] {strides = array<i32>} : memref<16384xf32, #tpu.memory_space<vmem>>, vector<16xf32>,
      %get3A_599 = vector.shape_cast %get3A_598 : vector<16xf32> to vector<16xf32>
      %mul3A_600 = arith.constant 2.048000e+03 : f32
      %mul3A_601 = vector.broadcast %mul3A_600 : f32 to vector<16xf32>
      %mul3A_602 = arith.mulf %get3A_599, %mul3A_601 : vector<16xf32>
      %swap3A_603 = arith.index_cast %mul3A_596 : i32 to index
      %swap3A_604 = tpu.vector_load %arg8[%swap3A_603] {strides = array<i32>} : memref<16384xf32, #tpu.memory_space<vmem>>, vector<16xf32>,
      %swap3A_605 = vector.shape_cast %swap3A_604 : vector<16xf32> to vector<16xf32>
      %swap3A_606 = vector.shape_cast %mul3A_602 : vector<16xf32> to vector<16xf32>
      tpu.vector_store %arg8[%swap3A_603], %swap3A_606 {strides = array<i32>} : memref<16384xf32, #tpu.memory_space<vmem>>, vector<16xf32>,
      %scan3A_607 = arith.constant 2 : i32
      %scan3A_608 = arith.addi %scan3A_581, %scan3A_607 : i32
      %mul3A_609 = arith.constant 16 : i32
      %mul3A_610 = arith.muli %scan3A_608, %mul3A_609 : i32
      %get3A_611 = arith.index_cast %mul3A_610 : i32 to index
      %get3A_612 = tpu.vector_load %arg8[%get3A_611] {strides = array<i32>} : memref<16384xf32, #tpu.memory_space<vmem>>, vector<16xf32>,
      %get3A_613 = vector.shape_cast %get3A_612 : vector<16xf32> to vector<16xf32>
      %mul3A_614 = arith.constant 2.048000e+03 : f32
      %mul3A_615 = vector.broadcast %mul3A_614 : f32 to vector<16xf32>
      %mul3A_616 = arith.mulf %get3A_613, %mul3A_615 : vector<16xf32>
      %swap3A_617 = arith.index_cast %mul3A_610 : i32 to index
      %swap3A_618 = tpu.vector_load %arg8[%swap3A_617] {strides = array<i32>} : memref<16384xf32, #tpu.memory_space<vmem>>, vector<16xf32>,
      %swap3A_619 = vector.shape_cast %swap3A_618 : vector<16xf32> to vector<16xf32>
      %swap3A_620 = vector.shape_cast %mul3A_616 : vector<16xf32> to vector<16xf32>
      tpu.vector_store %arg8[%swap3A_617], %swap3A_620 {strides = array<i32>} : memref<16384xf32, #tpu.memory_space<vmem>>, vector<16xf32>,
      %scan3A_621 = arith.constant 3 : i32
      %scan3A_622 = arith.addi %scan3A_581, %scan3A_621 : i32
      %mul3A_623 = arith.constant 16 : i32
      %mul3A_624 = arith.muli %scan3A_622, %mul3A_623 : i32
      %get3A_625 = arith.index_cast %mul3A_624 : i32 to index
      %get3A_626 = tpu.vector_load %arg8[%get3A_625] {strides = array<i32>} : memref<16384xf32, #tpu.memory_space<vmem>>, vector<16xf32>,
      %get3A_627 = vector.shape_cast %get3A_626 : vector<16xf32> to vector<16xf32>
      %mul3A_628 = arith.constant 2.048000e+03 : f32
      %mul3A_629 = vector.broadcast %mul3A_628 : f32 to vector<16xf32>
      %mul3A_630 = arith.mulf %get3A_627, %mul3A_629 : vector<16xf32>
      %swap3A_631 = arith.index_cast %mul3A_624 : i32 to index
      %swap3A_632 = tpu.vector_load %arg8[%swap3A_631] {strides = array<i32>} : memref<16384xf32, #tpu.memory_space<vmem>>, vector<16xf32>,
      %swap3A_633 = vector.shape_cast %swap3A_632 : vector<16xf32> to vector<16xf32>
      %swap3A_634 = vector.shape_cast %mul3A_630 : vector<16xf32> to vector<16xf32>
      tpu.vector_store %arg8[%swap3A_631], %swap3A_634 {strides = array<i32>} : memref<16384xf32, #tpu.memory_space<vmem>>, vector<16xf32>,
      %scan3A_635 = arith.constant 4 : i32
      %scan3A_636 = arith.addi %scan3A_581, %scan3A_635 : i32
      %mul3A_637 = arith.constant 16 : i32
      %mul3A_638 = arith.muli %scan3A_636, %mul3A_637 : i32
      %get3A_639 = arith.index_cast %mul3A_638 : i32 to index
      %get3A_640 = tpu.vector_load %arg8[%get3A_639] {strides = array<i32>} : memref<16384xf32, #tpu.memory_space<vmem>>, vector<16xf32>,
      %get3A_641 = vector.shape_cast %get3A_640 : vector<16xf32> to vector<16xf32>
      %mul3A_642 = arith.constant 2.048000e+03 : f32
      %mul3A_643 = vector.broadcast %mul3A_642 : f32 to vector<16xf32>
      %mul3A_644 = arith.mulf %get3A_641, %mul3A_643 : vector<16xf32>
      %swap3A_645 = arith.index_cast %mul3A_638 : i32 to index
      %swap3A_646 = tpu.vector_load %arg8[%swap3A_645] {strides = array<i32>} : memref<16384xf32, #tpu.memory_space<vmem>>, vector<16xf32>,
      %swap3A_647 = vector.shape_cast %swap3A_646 : vector<16xf32> to vector<16xf32>
      %swap3A_648 = vector.shape_cast %mul3A_644 : vector<16xf32> to vector<16xf32>
      tpu.vector_store %arg8[%swap3A_645], %swap3A_648 {strides = array<i32>} : memref<16384xf32, #tpu.memory_space<vmem>>, vector<16xf32>,
      %scan3A_649 = arith.constant 5 : i32
      %scan3A_650 = arith.addi %scan3A_581, %scan3A_649 : i32
      %mul3A_651 = arith.constant 16 : i32
      %mul3A_652 = arith.muli %scan3A_650, %mul3A_651 : i32
      %get3A_653 = arith.index_cast %mul3A_652 : i32 to index
      %get3A_654 = tpu.vector_load %arg8[%get3A_653] {strides = array<i32>} : memref<16384xf32, #tpu.memory_space<vmem>>, vector<16xf32>,
      %get3A_655 = vector.shape_cast %get3A_654 : vector<16xf32> to vector<16xf32>
      %mul3A_656 = arith.constant 2.048000e+03 : f32
      %mul3A_657 = vector.broadcast %mul3A_656 : f32 to vector<16xf32>
      %mul3A_658 = arith.mulf %get3A_655, %mul3A_657 : vector<16xf32>
      %swap3A_659 = arith.index_cast %mul3A_652 : i32 to index
      %swap3A_660 = tpu.vector_load %arg8[%swap3A_659] {strides = array<i32>} : memref<16384xf32, #tpu.memory_space<vmem>>, vector<16xf32>,
      %swap3A_661 = vector.shape_cast %swap3A_660 : vector<16xf32> to vector<16xf32>
      %swap3A_662 = vector.shape_cast %mul3A_658 : vector<16xf32> to vector<16xf32>
      tpu.vector_store %arg8[%swap3A_659], %swap3A_662 {strides = array<i32>} : memref<16384xf32, #tpu.memory_space<vmem>>, vector<16xf32>,
      %scan3A_663 = arith.constant 6 : i32
      %scan3A_664 = arith.addi %scan3A_581, %scan3A_663 : i32
      %mul3A_665 = arith.constant 16 : i32
      %mul3A_666 = arith.muli %scan3A_664, %mul3A_665 : i32
      %get3A_667 = arith.index_cast %mul3A_666 : i32 to index
      %get3A_668 = tpu.vector_load %arg8[%get3A_667] {strides = array<i32>} : memref<16384xf32, #tpu.memory_space<vmem>>, vector<16xf32>,
      %get3A_669 = vector.shape_cast %get3A_668 : vector<16xf32> to vector<16xf32>
      %mul3A_670 = arith.constant 2.048000e+03 : f32
      %mul3A_671 = vector.broadcast %mul3A_670 : f32 to vector<16xf32>
      %mul3A_672 = arith.mulf %get3A_669, %mul3A_671 : vector<16xf32>
      %swap3A_673 = arith.index_cast %mul3A_666 : i32 to index
      %swap3A_674 = tpu.vector_load %arg8[%swap3A_673] {strides = array<i32>} : memref<16384xf32, #tpu.memory_space<vmem>>, vector<16xf32>,
      %swap3A_675 = vector.shape_cast %swap3A_674 : vector<16xf32> to vector<16xf32>
      %swap3A_676 = vector.shape_cast %mul3A_672 : vector<16xf32> to vector<16xf32>
      tpu.vector_store %arg8[%swap3A_673], %swap3A_676 {strides = array<i32>} : memref<16384xf32, #tpu.memory_space<vmem>>, vector<16xf32>,
      %scan3A_677 = arith.constant 7 : i32
      %scan3A_678 = arith.addi %scan3A_581, %scan3A_677 : i32
      %mul3A_679 = arith.constant 16 : i32
      %mul3A_680 = arith.muli %scan3A_678, %mul3A_679 : i32
      %get3A_681 = arith.index_cast %mul3A_680 : i32 to index
      %get3A_682 = tpu.vector_load %arg8[%get3A_681] {strides = array<i32>} : memref<16384xf32, #tpu.memory_space<vmem>>, vector<16xf32>,
      %get3A_683 = vector.shape_cast %get3A_682 : vector<16xf32> to vector<16xf32>
      %mul3A_684 = arith.constant 2.048000e+03 : f32
      %mul3A_685 = vector.broadcast %mul3A_684 : f32 to vector<16xf32>
      %mul3A_686 = arith.mulf %get3A_683, %mul3A_685 : vector<16xf32>
      %swap3A_687 = arith.index_cast %mul3A_680 : i32 to index
      %swap3A_688 = tpu.vector_load %arg8[%swap3A_687] {strides = array<i32>} : memref<16384xf32, #tpu.memory_space<vmem>>, vector<16xf32>,
      %swap3A_689 = vector.shape_cast %swap3A_688 : vector<16xf32> to vector<16xf32>
      %swap3A_690 = vector.shape_cast %mul3A_686 : vector<16xf32> to vector<16xf32>
      tpu.vector_store %arg8[%swap3A_687], %swap3A_690 {strides = array<i32>} : memref<16384xf32, #tpu.memory_space<vmem>>, vector<16xf32>,
    }
    %scan3A_287 = arith.constant 1024 : i32
    %add3A_288 = arith.constant 245760 : i32
    %add3A_289 = arith.addi %mul3A_2, %add3A_288 : i32
    %dma_start3A_290 = tpu.memref_slice %arg4[%add3A_289] : memref<16777216xf32, #tpu.memory_space<hbm>> -> memref<16384xf32, #tpu.memory_space<hbm>>
    %dma_start3A_291 = tpu.memref_slice %arg4[%add3A_289] : memref<16777216xf32, #tpu.memory_space<hbm>> -> memref<16384xf32, #tpu.memory_space<hbm>>
    tpu.enqueue_dma source(%arg8 : memref<16384xf32, #tpu.memory_space<vmem>>) target(%dma_start3A_291 : memref<16384xf32, #tpu.memory_space<hbm>>) target_semaphore(%arg18 : memref<!tpu.dma_semaphore, #tpu.memory_space<semaphore_mem>>)
    %dma_wait3A_292 = tpu.memref_slice %arg4[%add3A_271] : memref<16777216xf32, #tpu.memory_space<hbm>> -> memref<16384xf32, #tpu.memory_space<hbm>>
    %dma_wait3A_293 = tpu.memref_slice %arg4[%add3A_271] : memref<16777216xf32, #tpu.memory_space<hbm>> -> memref<16384xf32, #tpu.memory_space<hbm>>
    tpu.wait_dma2 semaphore(%arg17 : memref<!tpu.dma_semaphore, #tpu.memory_space<semaphore_mem>>) src(%arg7 : memref<16384xf32, #tpu.memory_space<vmem>>) dst(%dma_wait3A_293 : memref<16384xf32, #tpu.memory_space<hbm>>)
    %add3A_294 = arith.constant 294912 : i32
    %add3A_295 = arith.addi %mul3A_2, %add3A_294 : i32
    %dma_start3A_296 = tpu.memref_slice %arg2[%add3A_295] : memref<16777216xf32, #tpu.memory_space<hbm>> -> memref<16384xf32, #tpu.memory_space<hbm>>
    %dma_start3A_297 = tpu.memref_slice %arg2[%add3A_295] : memref<16777216xf32, #tpu.memory_space<hbm>> -> memref<16384xf32, #tpu.memory_space<hbm>>
    tpu.enqueue_dma source(%dma_start3A_297 : memref<16384xf32, #tpu.memory_space<hbm>>) target(%arg7 : memref<16384xf32, #tpu.memory_space<vmem>>) target_semaphore(%arg13 : memref<!tpu.dma_semaphore, #tpu.memory_space<semaphore_mem>>)
    %dma_wait3A_298 = tpu.memref_slice %arg2[%add3A_259] : memref<16777216xf32, #tpu.memory_space<hbm>> -> memref<16384xf32, #tpu.memory_space<hbm>>
    %dma_wait3A_299 = tpu.memref_slice %arg2[%add3A_259] : memref<16777216xf32, #tpu.memory_space<hbm>> -> memref<16384xf32, #tpu.memory_space<hbm>>
    tpu.wait_dma2 semaphore(%arg11 : memref<!tpu.dma_semaphore, #tpu.memory_space<semaphore_mem>>) src(%dma_wait3A_299 : memref<16384xf32, #tpu.memory_space<hbm>>) dst(%arg5 : memref<16384xf32, #tpu.memory_space<vmem>>)
    %scan3A_300 = arith.constant 0 : i32
    %scan3A_301 = arith.constant 0 : i32
    %scan3A_302 = arith.constant 1024 : i32
    %scan3A_303 = arith.addi %scan3A_301, %scan3A_302 : i32
    %scan3A_304 = arith.constant 8 : i32
    scf.for %scan3A_581 = %scan3A_301 to %scan3A_303 step %scan3A_304  : i32 {
      %mul3A_582 = arith.constant 16 : i32
      %mul3A_583 = arith.muli %scan3A_581, %mul3A_582 : i32
      %get3A_584 = arith.index_cast %mul3A_583 : i32 to index
      %get3A_585 = tpu.vector_load %arg5[%get3A_584] {strides = array<i32>} : memref<16384xf32, #tpu.memory_space<vmem>>, vector<16xf32>,
      %get3A_586 = vector.shape_cast %get3A_585 : vector<16xf32> to vector<16xf32>
      %mul3A_587 = arith.constant 2.048000e+03 : f32
      %mul3A_588 = vector.broadcast %mul3A_587 : f32 to vector<16xf32>
      %mul3A_589 = arith.mulf %get3A_586, %mul3A_588 : vector<16xf32>
      %swap3A = arith.index_cast %mul3A_583 : i32 to index
      %swap3A_590 = tpu.vector_load %arg5[%swap3A] {strides = array<i32>} : memref<16384xf32, #tpu.memory_space<vmem>>, vector<16xf32>,
      %swap3A_591 = vector.shape_cast %swap3A_590 : vector<16xf32> to vector<16xf32>
      %swap3A_592 = vector.shape_cast %mul3A_589 : vector<16xf32> to vector<16xf32>
      tpu.vector_store %arg5[%swap3A], %swap3A_592 {strides = array<i32>} : memref<16384xf32, #tpu.memory_space<vmem>>, vector<16xf32>,
      %scan3A_593 = arith.constant 1 : i32
      %scan3A_594 = arith.addi %scan3A_581, %scan3A_593 : i32
      %mul3A_595 = arith.constant 16 : i32
      %mul3A_596 = arith.muli %scan3A_594, %mul3A_595 : i32
      %get3A_597 = arith.index_cast %mul3A_596 : i32 to index
      %get3A_598 = tpu.vector_load %arg5[%get3A_597] {strides = array<i32>} : memref<16384xf32, #tpu.memory_space<vmem>>, vector<16xf32>,
      %get3A_599 = vector.shape_cast %get3A_598 : vector<16xf32> to vector<16xf32>
      %mul3A_600 = arith.constant 2.048000e+03 : f32
      %mul3A_601 = vector.broadcast %mul3A_600 : f32 to vector<16xf32>
      %mul3A_602 = arith.mulf %get3A_599, %mul3A_601 : vector<16xf32>
      %swap3A_603 = arith.index_cast %mul3A_596 : i32 to index
      %swap3A_604 = tpu.vector_load %arg5[%swap3A_603] {strides = array<i32>} : memref<16384xf32, #tpu.memory_space<vmem>>, vector<16xf32>,
      %swap3A_605 = vector.shape_cast %swap3A_604 : vector<16xf32> to vector<16xf32>
      %swap3A_606 = vector.shape_cast %mul3A_602 : vector<16xf32> to vector<16xf32>
      tpu.vector_store %arg5[%swap3A_603], %swap3A_606 {strides = array<i32>} : memref<16384xf32, #tpu.memory_space<vmem>>, vector<16xf32>,
      %scan3A_607 = arith.constant 2 : i32
      %scan3A_608 = arith.addi %scan3A_581, %scan3A_607 : i32
      %mul3A_609 = arith.constant 16 : i32
      %mul3A_610 = arith.muli %scan3A_608, %mul3A_609 : i32
      %get3A_611 = arith.index_cast %mul3A_610 : i32 to index
      %get3A_612 = tpu.vector_load %arg5[%get3A_611] {strides = array<i32>} : memref<16384xf32, #tpu.memory_space<vmem>>, vector<16xf32>,
      %get3A_613 = vector.shape_cast %get3A_612 : vector<16xf32> to vector<16xf32>
      %mul3A_614 = arith.constant 2.048000e+03 : f32
      %mul3A_615 = vector.broadcast %mul3A_614 : f32 to vector<16xf32>
      %mul3A_616 = arith.mulf %get3A_613, %mul3A_615 : vector<16xf32>
      %swap3A_617 = arith.index_cast %mul3A_610 : i32 to index
      %swap3A_618 = tpu.vector_load %arg5[%swap3A_617] {strides = array<i32>} : memref<16384xf32, #tpu.memory_space<vmem>>, vector<16xf32>,
      %swap3A_619 = vector.shape_cast %swap3A_618 : vector<16xf32> to vector<16xf32>
      %swap3A_620 = vector.shape_cast %mul3A_616 : vector<16xf32> to vector<16xf32>
      tpu.vector_store %arg5[%swap3A_617], %swap3A_620 {strides = array<i32>} : memref<16384xf32, #tpu.memory_space<vmem>>, vector<16xf32>,
      %scan3A_621 = arith.constant 3 : i32
      %scan3A_622 = arith.addi %scan3A_581, %scan3A_621 : i32
      %mul3A_623 = arith.constant 16 : i32
      %mul3A_624 = arith.muli %scan3A_622, %mul3A_623 : i32
      %get3A_625 = arith.index_cast %mul3A_624 : i32 to index
      %get3A_626 = tpu.vector_load %arg5[%get3A_625] {strides = array<i32>} : memref<16384xf32, #tpu.memory_space<vmem>>, vector<16xf32>,
      %get3A_627 = vector.shape_cast %get3A_626 : vector<16xf32> to vector<16xf32>
      %mul3A_628 = arith.constant 2.048000e+03 : f32
      %mul3A_629 = vector.broadcast %mul3A_628 : f32 to vector<16xf32>
      %mul3A_630 = arith.mulf %get3A_627, %mul3A_629 : vector<16xf32>
      %swap3A_631 = arith.index_cast %mul3A_624 : i32 to index
      %swap3A_632 = tpu.vector_load %arg5[%swap3A_631] {strides = array<i32>} : memref<16384xf32, #tpu.memory_space<vmem>>, vector<16xf32>,
      %swap3A_633 = vector.shape_cast %swap3A_632 : vector<16xf32> to vector<16xf32>
      %swap3A_634 = vector.shape_cast %mul3A_630 : vector<16xf32> to vector<16xf32>
      tpu.vector_store %arg5[%swap3A_631], %swap3A_634 {strides = array<i32>} : memref<16384xf32, #tpu.memory_space<vmem>>, vector<16xf32>,
      %scan3A_635 = arith.constant 4 : i32
      %scan3A_636 = arith.addi %scan3A_581, %scan3A_635 : i32
      %mul3A_637 = arith.constant 16 : i32
      %mul3A_638 = arith.muli %scan3A_636, %mul3A_637 : i32
      %get3A_639 = arith.index_cast %mul3A_638 : i32 to index
      %get3A_640 = tpu.vector_load %arg5[%get3A_639] {strides = array<i32>} : memref<16384xf32, #tpu.memory_space<vmem>>, vector<16xf32>,
      %get3A_641 = vector.shape_cast %get3A_640 : vector<16xf32> to vector<16xf32>
      %mul3A_642 = arith.constant 2.048000e+03 : f32
      %mul3A_643 = vector.broadcast %mul3A_642 : f32 to vector<16xf32>
      %mul3A_644 = arith.mulf %get3A_641, %mul3A_643 : vector<16xf32>
      %swap3A_645 = arith.index_cast %mul3A_638 : i32 to index
      %swap3A_646 = tpu.vector_load %arg5[%swap3A_645] {strides = array<i32>} : memref<16384xf32, #tpu.memory_space<vmem>>, vector<16xf32>,
      %swap3A_647 = vector.shape_cast %swap3A_646 : vector<16xf32> to vector<16xf32>
      %swap3A_648 = vector.shape_cast %mul3A_644 : vector<16xf32> to vector<16xf32>
      tpu.vector_store %arg5[%swap3A_645], %swap3A_648 {strides = array<i32>} : memref<16384xf32, #tpu.memory_space<vmem>>, vector<16xf32>,
      %scan3A_649 = arith.constant 5 : i32
      %scan3A_650 = arith.addi %scan3A_581, %scan3A_649 : i32
      %mul3A_651 = arith.constant 16 : i32
      %mul3A_652 = arith.muli %scan3A_650, %mul3A_651 : i32
      %get3A_653 = arith.index_cast %mul3A_652 : i32 to index
      %get3A_654 = tpu.vector_load %arg5[%get3A_653] {strides = array<i32>} : memref<16384xf32, #tpu.memory_space<vmem>>, vector<16xf32>,
      %get3A_655 = vector.shape_cast %get3A_654 : vector<16xf32> to vector<16xf32>
      %mul3A_656 = arith.constant 2.048000e+03 : f32
      %mul3A_657 = vector.broadcast %mul3A_656 : f32 to vector<16xf32>
      %mul3A_658 = arith.mulf %get3A_655, %mul3A_657 : vector<16xf32>
      %swap3A_659 = arith.index_cast %mul3A_652 : i32 to index
      %swap3A_660 = tpu.vector_load %arg5[%swap3A_659] {strides = array<i32>} : memref<16384xf32, #tpu.memory_space<vmem>>, vector<16xf32>,
      %swap3A_661 = vector.shape_cast %swap3A_660 : vector<16xf32> to vector<16xf32>
      %swap3A_662 = vector.shape_cast %mul3A_658 : vector<16xf32> to vector<16xf32>
      tpu.vector_store %arg5[%swap3A_659], %swap3A_662 {strides = array<i32>} : memref<16384xf32, #tpu.memory_space<vmem>>, vector<16xf32>,
      %scan3A_663 = arith.constant 6 : i32
      %scan3A_664 = arith.addi %scan3A_581, %scan3A_663 : i32
      %mul3A_665 = arith.constant 16 : i32
      %mul3A_666 = arith.muli %scan3A_664, %mul3A_665 : i32
      %get3A_667 = arith.index_cast %mul3A_666 : i32 to index
      %get3A_668 = tpu.vector_load %arg5[%get3A_667] {strides = array<i32>} : memref<16384xf32, #tpu.memory_space<vmem>>, vector<16xf32>,
      %get3A_669 = vector.shape_cast %get3A_668 : vector<16xf32> to vector<16xf32>
      %mul3A_670 = arith.constant 2.048000e+03 : f32
      %mul3A_671 = vector.broadcast %mul3A_670 : f32 to vector<16xf32>
      %mul3A_672 = arith.mulf %get3A_669, %mul3A_671 : vector<16xf32>
      %swap3A_673 = arith.index_cast %mul3A_666 : i32 to index
      %swap3A_674 = tpu.vector_load %arg5[%swap3A_673] {strides = array<i32>} : memref<16384xf32, #tpu.memory_space<vmem>>, vector<16xf32>,
      %swap3A_675 = vector.shape_cast %swap3A_674 : vector<16xf32> to vector<16xf32>
      %swap3A_676 = vector.shape_cast %mul3A_672 : vector<16xf32> to vector<16xf32>
      tpu.vector_store %arg5[%swap3A_673], %swap3A_676 {strides = array<i32>} : memref<16384xf32, #tpu.memory_space<vmem>>, vector<16xf32>,
      %scan3A_677 = arith.constant 7 : i32
      %scan3A_678 = arith.addi %scan3A_581, %scan3A_677 : i32
      %mul3A_679 = arith.constant 16 : i32
      %mul3A_680 = arith.muli %scan3A_678, %mul3A_679 : i32
      %get3A_681 = arith.index_cast %mul3A_680 : i32 to index
      %get3A_682 = tpu.vector_load %arg5[%get3A_681] {strides = array<i32>} : memref<16384xf32, #tpu.memory_space<vmem>>, vector<16xf32>,
      %get3A_683 = vector.shape_cast %get3A_682 : vector<16xf32> to vector<16xf32>
      %mul3A_684 = arith.constant 2.048000e+03 : f32
      %mul3A_685 = vector.broadcast %mul3A_684 : f32 to vector<16xf32>
      %mul3A_686 = arith.mulf %get3A_683, %mul3A_685 : vector<16xf32>
      %swap3A_687 = arith.index_cast %mul3A_680 : i32 to index
      %swap3A_688 = tpu.vector_load %arg5[%swap3A_687] {strides = array<i32>} : memref<16384xf32, #tpu.memory_space<vmem>>, vector<16xf32>,
      %swap3A_689 = vector.shape_cast %swap3A_688 : vector<16xf32> to vector<16xf32>
      %swap3A_690 = vector.shape_cast %mul3A_686 : vector<16xf32> to vector<16xf32>
      tpu.vector_store %arg5[%swap3A_687], %swap3A_690 {strides = array<i32>} : memref<16384xf32, #tpu.memory_space<vmem>>, vector<16xf32>,
    }
    %scan3A_305 = arith.constant 1024 : i32
    %add3A_306 = arith.constant 262144 : i32
    %add3A_307 = arith.addi %mul3A_2, %add3A_306 : i32
    %dma_start3A_308 = tpu.memref_slice %arg4[%add3A_307] : memref<16777216xf32, #tpu.memory_space<hbm>> -> memref<16384xf32, #tpu.memory_space<hbm>>
    %dma_start3A_309 = tpu.memref_slice %arg4[%add3A_307] : memref<16777216xf32, #tpu.memory_space<hbm>> -> memref<16384xf32, #tpu.memory_space<hbm>>
    tpu.enqueue_dma source(%arg5 : memref<16384xf32, #tpu.memory_space<vmem>>) target(%dma_start3A_309 : memref<16384xf32, #tpu.memory_space<hbm>>) target_semaphore(%arg15 : memref<!tpu.dma_semaphore, #tpu.memory_space<semaphore_mem>>)
    %dma_wait3A_310 = tpu.memref_slice %arg4[%add3A_289] : memref<16777216xf32, #tpu.memory_space<hbm>> -> memref<16384xf32, #tpu.memory_space<hbm>>
    %dma_wait3A_311 = tpu.memref_slice %arg4[%add3A_289] : memref<16777216xf32, #tpu.memory_space<hbm>> -> memref<16384xf32, #tpu.memory_space<hbm>>
    tpu.wait_dma2 semaphore(%arg18 : memref<!tpu.dma_semaphore, #tpu.memory_space<semaphore_mem>>) src(%arg8 : memref<16384xf32, #tpu.memory_space<vmem>>) dst(%dma_wait3A_311 : memref<16384xf32, #tpu.memory_space<hbm>>)
    %add3A_312 = arith.constant 311296 : i32
    %add3A_313 = arith.addi %mul3A_2, %add3A_312 : i32
    %dma_start3A_314 = tpu.memref_slice %arg2[%add3A_313] : memref<16777216xf32, #tpu.memory_space<hbm>> -> memref<16384xf32, #tpu.memory_space<hbm>>
    %dma_start3A_315 = tpu.memref_slice %arg2[%add3A_313] : memref<16777216xf32, #tpu.memory_space<hbm>> -> memref<16384xf32, #tpu.memory_space<hbm>>
    tpu.enqueue_dma source(%dma_start3A_315 : memref<16384xf32, #tpu.memory_space<hbm>>) target(%arg8 : memref<16384xf32, #tpu.memory_space<vmem>>) target_semaphore(%arg14 : memref<!tpu.dma_semaphore, #tpu.memory_space<semaphore_mem>>)
    %dma_wait3A_316 = tpu.memref_slice %arg2[%add3A_277] : memref<16777216xf32, #tpu.memory_space<hbm>> -> memref<16384xf32, #tpu.memory_space<hbm>>
    %dma_wait3A_317 = tpu.memref_slice %arg2[%add3A_277] : memref<16777216xf32, #tpu.memory_space<hbm>> -> memref<16384xf32, #tpu.memory_space<hbm>>
    tpu.wait_dma2 semaphore(%arg12 : memref<!tpu.dma_semaphore, #tpu.memory_space<semaphore_mem>>) src(%dma_wait3A_317 : memref<16384xf32, #tpu.memory_space<hbm>>) dst(%arg6 : memref<16384xf32, #tpu.memory_space<vmem>>)
    %scan3A_318 = arith.constant 0 : i32
    %scan3A_319 = arith.constant 0 : i32
    %scan3A_320 = arith.constant 1024 : i32
    %scan3A_321 = arith.addi %scan3A_319, %scan3A_320 : i32
    %scan3A_322 = arith.constant 8 : i32
    scf.for %scan3A_581 = %scan3A_319 to %scan3A_321 step %scan3A_322  : i32 {
      %mul3A_582 = arith.constant 16 : i32
      %mul3A_583 = arith.muli %scan3A_581, %mul3A_582 : i32
      %get3A_584 = arith.index_cast %mul3A_583 : i32 to index
      %get3A_585 = tpu.vector_load %arg6[%get3A_584] {strides = array<i32>} : memref<16384xf32, #tpu.memory_space<vmem>>, vector<16xf32>,
      %get3A_586 = vector.shape_cast %get3A_585 : vector<16xf32> to vector<16xf32>
      %mul3A_587 = arith.constant 2.048000e+03 : f32
      %mul3A_588 = vector.broadcast %mul3A_587 : f32 to vector<16xf32>
      %mul3A_589 = arith.mulf %get3A_586, %mul3A_588 : vector<16xf32>
      %swap3A = arith.index_cast %mul3A_583 : i32 to index
      %swap3A_590 = tpu.vector_load %arg6[%swap3A] {strides = array<i32>} : memref<16384xf32, #tpu.memory_space<vmem>>, vector<16xf32>,
      %swap3A_591 = vector.shape_cast %swap3A_590 : vector<16xf32> to vector<16xf32>
      %swap3A_592 = vector.shape_cast %mul3A_589 : vector<16xf32> to vector<16xf32>
      tpu.vector_store %arg6[%swap3A], %swap3A_592 {strides = array<i32>} : memref<16384xf32, #tpu.memory_space<vmem>>, vector<16xf32>,
      %scan3A_593 = arith.constant 1 : i32
      %scan3A_594 = arith.addi %scan3A_581, %scan3A_593 : i32
      %mul3A_595 = arith.constant 16 : i32
      %mul3A_596 = arith.muli %scan3A_594, %mul3A_595 : i32
      %get3A_597 = arith.index_cast %mul3A_596 : i32 to index
      %get3A_598 = tpu.vector_load %arg6[%get3A_597] {strides = array<i32>} : memref<16384xf32, #tpu.memory_space<vmem>>, vector<16xf32>,
      %get3A_599 = vector.shape_cast %get3A_598 : vector<16xf32> to vector<16xf32>
      %mul3A_600 = arith.constant 2.048000e+03 : f32
      %mul3A_601 = vector.broadcast %mul3A_600 : f32 to vector<16xf32>
      %mul3A_602 = arith.mulf %get3A_599, %mul3A_601 : vector<16xf32>
      %swap3A_603 = arith.index_cast %mul3A_596 : i32 to index
      %swap3A_604 = tpu.vector_load %arg6[%swap3A_603] {strides = array<i32>} : memref<16384xf32, #tpu.memory_space<vmem>>, vector<16xf32>,
      %swap3A_605 = vector.shape_cast %swap3A_604 : vector<16xf32> to vector<16xf32>
      %swap3A_606 = vector.shape_cast %mul3A_602 : vector<16xf32> to vector<16xf32>
      tpu.vector_store %arg6[%swap3A_603], %swap3A_606 {strides = array<i32>} : memref<16384xf32, #tpu.memory_space<vmem>>, vector<16xf32>,
      %scan3A_607 = arith.constant 2 : i32
      %scan3A_608 = arith.addi %scan3A_581, %scan3A_607 : i32
      %mul3A_609 = arith.constant 16 : i32
      %mul3A_610 = arith.muli %scan3A_608, %mul3A_609 : i32
      %get3A_611 = arith.index_cast %mul3A_610 : i32 to index
      %get3A_612 = tpu.vector_load %arg6[%get3A_611] {strides = array<i32>} : memref<16384xf32, #tpu.memory_space<vmem>>, vector<16xf32>,
      %get3A_613 = vector.shape_cast %get3A_612 : vector<16xf32> to vector<16xf32>
      %mul3A_614 = arith.constant 2.048000e+03 : f32
      %mul3A_615 = vector.broadcast %mul3A_614 : f32 to vector<16xf32>
      %mul3A_616 = arith.mulf %get3A_613, %mul3A_615 : vector<16xf32>
      %swap3A_617 = arith.index_cast %mul3A_610 : i32 to index
      %swap3A_618 = tpu.vector_load %arg6[%swap3A_617] {strides = array<i32>} : memref<16384xf32, #tpu.memory_space<vmem>>, vector<16xf32>,
      %swap3A_619 = vector.shape_cast %swap3A_618 : vector<16xf32> to vector<16xf32>
      %swap3A_620 = vector.shape_cast %mul3A_616 : vector<16xf32> to vector<16xf32>
      tpu.vector_store %arg6[%swap3A_617], %swap3A_620 {strides = array<i32>} : memref<16384xf32, #tpu.memory_space<vmem>>, vector<16xf32>,
      %scan3A_621 = arith.constant 3 : i32
      %scan3A_622 = arith.addi %scan3A_581, %scan3A_621 : i32
      %mul3A_623 = arith.constant 16 : i32
      %mul3A_624 = arith.muli %scan3A_622, %mul3A_623 : i32
      %get3A_625 = arith.index_cast %mul3A_624 : i32 to index
      %get3A_626 = tpu.vector_load %arg6[%get3A_625] {strides = array<i32>} : memref<16384xf32, #tpu.memory_space<vmem>>, vector<16xf32>,
      %get3A_627 = vector.shape_cast %get3A_626 : vector<16xf32> to vector<16xf32>
      %mul3A_628 = arith.constant 2.048000e+03 : f32
      %mul3A_629 = vector.broadcast %mul3A_628 : f32 to vector<16xf32>
      %mul3A_630 = arith.mulf %get3A_627, %mul3A_629 : vector<16xf32>
      %swap3A_631 = arith.index_cast %mul3A_624 : i32 to index
      %swap3A_632 = tpu.vector_load %arg6[%swap3A_631] {strides = array<i32>} : memref<16384xf32, #tpu.memory_space<vmem>>, vector<16xf32>,
      %swap3A_633 = vector.shape_cast %swap3A_632 : vector<16xf32> to vector<16xf32>
      %swap3A_634 = vector.shape_cast %mul3A_630 : vector<16xf32> to vector<16xf32>
      tpu.vector_store %arg6[%swap3A_631], %swap3A_634 {strides = array<i32>} : memref<16384xf32, #tpu.memory_space<vmem>>, vector<16xf32>,
      %scan3A_635 = arith.constant 4 : i32
      %scan3A_636 = arith.addi %scan3A_581, %scan3A_635 : i32
      %mul3A_637 = arith.constant 16 : i32
      %mul3A_638 = arith.muli %scan3A_636, %mul3A_637 : i32
      %get3A_639 = arith.index_cast %mul3A_638 : i32 to index
      %get3A_640 = tpu.vector_load %arg6[%get3A_639] {strides = array<i32>} : memref<16384xf32, #tpu.memory_space<vmem>>, vector<16xf32>,
      %get3A_641 = vector.shape_cast %get3A_640 : vector<16xf32> to vector<16xf32>
      %mul3A_642 = arith.constant 2.048000e+03 : f32
      %mul3A_643 = vector.broadcast %mul3A_642 : f32 to vector<16xf32>
      %mul3A_644 = arith.mulf %get3A_641, %mul3A_643 : vector<16xf32>
      %swap3A_645 = arith.index_cast %mul3A_638 : i32 to index
      %swap3A_646 = tpu.vector_load %arg6[%swap3A_645] {strides = array<i32>} : memref<16384xf32, #tpu.memory_space<vmem>>, vector<16xf32>,
      %swap3A_647 = vector.shape_cast %swap3A_646 : vector<16xf32> to vector<16xf32>
      %swap3A_648 = vector.shape_cast %mul3A_644 : vector<16xf32> to vector<16xf32>
      tpu.vector_store %arg6[%swap3A_645], %swap3A_648 {strides = array<i32>} : memref<16384xf32, #tpu.memory_space<vmem>>, vector<16xf32>,
      %scan3A_649 = arith.constant 5 : i32
      %scan3A_650 = arith.addi %scan3A_581, %scan3A_649 : i32
      %mul3A_651 = arith.constant 16 : i32
      %mul3A_652 = arith.muli %scan3A_650, %mul3A_651 : i32
      %get3A_653 = arith.index_cast %mul3A_652 : i32 to index
      %get3A_654 = tpu.vector_load %arg6[%get3A_653] {strides = array<i32>} : memref<16384xf32, #tpu.memory_space<vmem>>, vector<16xf32>,
      %get3A_655 = vector.shape_cast %get3A_654 : vector<16xf32> to vector<16xf32>
      %mul3A_656 = arith.constant 2.048000e+03 : f32
      %mul3A_657 = vector.broadcast %mul3A_656 : f32 to vector<16xf32>
      %mul3A_658 = arith.mulf %get3A_655, %mul3A_657 : vector<16xf32>
      %swap3A_659 = arith.index_cast %mul3A_652 : i32 to index
      %swap3A_660 = tpu.vector_load %arg6[%swap3A_659] {strides = array<i32>} : memref<16384xf32, #tpu.memory_space<vmem>>, vector<16xf32>,
      %swap3A_661 = vector.shape_cast %swap3A_660 : vector<16xf32> to vector<16xf32>
      %swap3A_662 = vector.shape_cast %mul3A_658 : vector<16xf32> to vector<16xf32>
      tpu.vector_store %arg6[%swap3A_659], %swap3A_662 {strides = array<i32>} : memref<16384xf32, #tpu.memory_space<vmem>>, vector<16xf32>,
      %scan3A_663 = arith.constant 6 : i32
      %scan3A_664 = arith.addi %scan3A_581, %scan3A_663 : i32
      %mul3A_665 = arith.constant 16 : i32
      %mul3A_666 = arith.muli %scan3A_664, %mul3A_665 : i32
      %get3A_667 = arith.index_cast %mul3A_666 : i32 to index
      %get3A_668 = tpu.vector_load %arg6[%get3A_667] {strides = array<i32>} : memref<16384xf32, #tpu.memory_space<vmem>>, vector<16xf32>,
      %get3A_669 = vector.shape_cast %get3A_668 : vector<16xf32> to vector<16xf32>
      %mul3A_670 = arith.constant 2.048000e+03 : f32
      %mul3A_671 = vector.broadcast %mul3A_670 : f32 to vector<16xf32>
      %mul3A_672 = arith.mulf %get3A_669, %mul3A_671 : vector<16xf32>
      %swap3A_673 = arith.index_cast %mul3A_666 : i32 to index
      %swap3A_674 = tpu.vector_load %arg6[%swap3A_673] {strides = array<i32>} : memref<16384xf32, #tpu.memory_space<vmem>>, vector<16xf32>,
      %swap3A_675 = vector.shape_cast %swap3A_674 : vector<16xf32> to vector<16xf32>
      %swap3A_676 = vector.shape_cast %mul3A_672 : vector<16xf32> to vector<16xf32>
      tpu.vector_store %arg6[%swap3A_673], %swap3A_676 {strides = array<i32>} : memref<16384xf32, #tpu.memory_space<vmem>>, vector<16xf32>,
      %scan3A_677 = arith.constant 7 : i32
      %scan3A_678 = arith.addi %scan3A_581, %scan3A_677 : i32
      %mul3A_679 = arith.constant 16 : i32
      %mul3A_680 = arith.muli %scan3A_678, %mul3A_679 : i32
      %get3A_681 = arith.index_cast %mul3A_680 : i32 to index
      %get3A_682 = tpu.vector_load %arg6[%get3A_681] {strides = array<i32>} : memref<16384xf32, #tpu.memory_space<vmem>>, vector<16xf32>,
      %get3A_683 = vector.shape_cast %get3A_682 : vector<16xf32> to vector<16xf32>
      %mul3A_684 = arith.constant 2.048000e+03 : f32
      %mul3A_685 = vector.broadcast %mul3A_684 : f32 to vector<16xf32>
      %mul3A_686 = arith.mulf %get3A_683, %mul3A_685 : vector<16xf32>
      %swap3A_687 = arith.index_cast %mul3A_680 : i32 to index
      %swap3A_688 = tpu.vector_load %arg6[%swap3A_687] {strides = array<i32>} : memref<16384xf32, #tpu.memory_space<vmem>>, vector<16xf32>,
      %swap3A_689 = vector.shape_cast %swap3A_688 : vector<16xf32> to vector<16xf32>
      %swap3A_690 = vector.shape_cast %mul3A_686 : vector<16xf32> to vector<16xf32>
      tpu.vector_store %arg6[%swap3A_687], %swap3A_690 {strides = array<i32>} : memref<16384xf32, #tpu.memory_space<vmem>>, vector<16xf32>,
    }
    %scan3A_323 = arith.constant 1024 : i32
    %add3A_324 = arith.constant 278528 : i32
    %add3A_325 = arith.addi %mul3A_2, %add3A_324 : i32
    %dma_start3A_326 = tpu.memref_slice %arg4[%add3A_325] : memref<16777216xf32, #tpu.memory_space<hbm>> -> memref<16384xf32, #tpu.memory_space<hbm>>
    %dma_start3A_327 = tpu.memref_slice %arg4[%add3A_325] : memref<16777216xf32, #tpu.memory_space<hbm>> -> memref<16384xf32, #tpu.memory_space<hbm>>
    tpu.enqueue_dma source(%arg6 : memref<16384xf32, #tpu.memory_space<vmem>>) target(%dma_start3A_327 : memref<16384xf32, #tpu.memory_space<hbm>>) target_semaphore(%arg16 : memref<!tpu.dma_semaphore, #tpu.memory_space<semaphore_mem>>)
    %dma_wait3A_328 = tpu.memref_slice %arg4[%add3A_307] : memref<16777216xf32, #tpu.memory_space<hbm>> -> memref<16384xf32, #tpu.memory_space<hbm>>
    %dma_wait3A_329 = tpu.memref_slice %arg4[%add3A_307] : memref<16777216xf32, #tpu.memory_space<hbm>> -> memref<16384xf32, #tpu.memory_space<hbm>>
    tpu.wait_dma2 semaphore(%arg15 : memref<!tpu.dma_semaphore, #tpu.memory_space<semaphore_mem>>) src(%arg5 : memref<16384xf32, #tpu.memory_space<vmem>>) dst(%dma_wait3A_329 : memref<16384xf32, #tpu.memory_space<hbm>>)
    %add3A_330 = arith.constant 327680 : i32
    %add3A_331 = arith.addi %mul3A_2, %add3A_330 : i32
    %dma_start3A_332 = tpu.memref_slice %arg2[%add3A_331] : memref<16777216xf32, #tpu.memory_space<hbm>> -> memref<16384xf32, #tpu.memory_space<hbm>>
    %dma_start3A_333 = tpu.memref_slice %arg2[%add3A_331] : memref<16777216xf32, #tpu.memory_space<hbm>> -> memref<16384xf32, #tpu.memory_space<hbm>>
    tpu.enqueue_dma source(%dma_start3A_333 : memref<16384xf32, #tpu.memory_space<hbm>>) target(%arg5 : memref<16384xf32, #tpu.memory_space<vmem>>) target_semaphore(%arg11 : memref<!tpu.dma_semaphore, #tpu.memory_space<semaphore_mem>>)
    %dma_wait3A_334 = tpu.memref_slice %arg2[%add3A_295] : memref<16777216xf32, #tpu.memory_space<hbm>> -> memref<16384xf32, #tpu.memory_space<hbm>>
    %dma_wait3A_335 = tpu.memref_slice %arg2[%add3A_295] : memref<16777216xf32, #tpu.memory_space<hbm>> -> memref<16384xf32, #tpu.memory_space<hbm>>
    tpu.wait_dma2 semaphore(%arg13 : memref<!tpu.dma_semaphore, #tpu.memory_space<semaphore_mem>>) src(%dma_wait3A_335 : memref<16384xf32, #tpu.memory_space<hbm>>) dst(%arg7 : memref<16384xf32, #tpu.memory_space<vmem>>)
    %scan3A_336 = arith.constant 0 : i32
    %scan3A_337 = arith.constant 0 : i32
    %scan3A_338 = arith.constant 1024 : i32
    %scan3A_339 = arith.addi %scan3A_337, %scan3A_338 : i32
    %scan3A_340 = arith.constant 8 : i32
    scf.for %scan3A_581 = %scan3A_337 to %scan3A_339 step %scan3A_340  : i32 {
      %mul3A_582 = arith.constant 16 : i32
      %mul3A_583 = arith.muli %scan3A_581, %mul3A_582 : i32
      %get3A_584 = arith.index_cast %mul3A_583 : i32 to index
      %get3A_585 = tpu.vector_load %arg7[%get3A_584] {strides = array<i32>} : memref<16384xf32, #tpu.memory_space<vmem>>, vector<16xf32>,
      %get3A_586 = vector.shape_cast %get3A_585 : vector<16xf32> to vector<16xf32>
      %mul3A_587 = arith.constant 2.048000e+03 : f32
      %mul3A_588 = vector.broadcast %mul3A_587 : f32 to vector<16xf32>
      %mul3A_589 = arith.mulf %get3A_586, %mul3A_588 : vector<16xf32>
      %swap3A = arith.index_cast %mul3A_583 : i32 to index
      %swap3A_590 = tpu.vector_load %arg7[%swap3A] {strides = array<i32>} : memref<16384xf32, #tpu.memory_space<vmem>>, vector<16xf32>,
      %swap3A_591 = vector.shape_cast %swap3A_590 : vector<16xf32> to vector<16xf32>
      %swap3A_592 = vector.shape_cast %mul3A_589 : vector<16xf32> to vector<16xf32>
      tpu.vector_store %arg7[%swap3A], %swap3A_592 {strides = array<i32>} : memref<16384xf32, #tpu.memory_space<vmem>>, vector<16xf32>,
      %scan3A_593 = arith.constant 1 : i32
      %scan3A_594 = arith.addi %scan3A_581, %scan3A_593 : i32
      %mul3A_595 = arith.constant 16 : i32
      %mul3A_596 = arith.muli %scan3A_594, %mul3A_595 : i32
      %get3A_597 = arith.index_cast %mul3A_596 : i32 to index
      %get3A_598 = tpu.vector_load %arg7[%get3A_597] {strides = array<i32>} : memref<16384xf32, #tpu.memory_space<vmem>>, vector<16xf32>,
      %get3A_599 = vector.shape_cast %get3A_598 : vector<16xf32> to vector<16xf32>
      %mul3A_600 = arith.constant 2.048000e+03 : f32
      %mul3A_601 = vector.broadcast %mul3A_600 : f32 to vector<16xf32>
      %mul3A_602 = arith.mulf %get3A_599, %mul3A_601 : vector<16xf32>
      %swap3A_603 = arith.index_cast %mul3A_596 : i32 to index
      %swap3A_604 = tpu.vector_load %arg7[%swap3A_603] {strides = array<i32>} : memref<16384xf32, #tpu.memory_space<vmem>>, vector<16xf32>,
      %swap3A_605 = vector.shape_cast %swap3A_604 : vector<16xf32> to vector<16xf32>
      %swap3A_606 = vector.shape_cast %mul3A_602 : vector<16xf32> to vector<16xf32>
      tpu.vector_store %arg7[%swap3A_603], %swap3A_606 {strides = array<i32>} : memref<16384xf32, #tpu.memory_space<vmem>>, vector<16xf32>,
      %scan3A_607 = arith.constant 2 : i32
      %scan3A_608 = arith.addi %scan3A_581, %scan3A_607 : i32
      %mul3A_609 = arith.constant 16 : i32
      %mul3A_610 = arith.muli %scan3A_608, %mul3A_609 : i32
      %get3A_611 = arith.index_cast %mul3A_610 : i32 to index
      %get3A_612 = tpu.vector_load %arg7[%get3A_611] {strides = array<i32>} : memref<16384xf32, #tpu.memory_space<vmem>>, vector<16xf32>,
      %get3A_613 = vector.shape_cast %get3A_612 : vector<16xf32> to vector<16xf32>
      %mul3A_614 = arith.constant 2.048000e+03 : f32
      %mul3A_615 = vector.broadcast %mul3A_614 : f32 to vector<16xf32>
      %mul3A_616 = arith.mulf %get3A_613, %mul3A_615 : vector<16xf32>
      %swap3A_617 = arith.index_cast %mul3A_610 : i32 to index
      %swap3A_618 = tpu.vector_load %arg7[%swap3A_617] {strides = array<i32>} : memref<16384xf32, #tpu.memory_space<vmem>>, vector<16xf32>,
      %swap3A_619 = vector.shape_cast %swap3A_618 : vector<16xf32> to vector<16xf32>
      %swap3A_620 = vector.shape_cast %mul3A_616 : vector<16xf32> to vector<16xf32>
      tpu.vector_store %arg7[%swap3A_617], %swap3A_620 {strides = array<i32>} : memref<16384xf32, #tpu.memory_space<vmem>>, vector<16xf32>,
      %scan3A_621 = arith.constant 3 : i32
      %scan3A_622 = arith.addi %scan3A_581, %scan3A_621 : i32
      %mul3A_623 = arith.constant 16 : i32
      %mul3A_624 = arith.muli %scan3A_622, %mul3A_623 : i32
      %get3A_625 = arith.index_cast %mul3A_624 : i32 to index
      %get3A_626 = tpu.vector_load %arg7[%get3A_625] {strides = array<i32>} : memref<16384xf32, #tpu.memory_space<vmem>>, vector<16xf32>,
      %get3A_627 = vector.shape_cast %get3A_626 : vector<16xf32> to vector<16xf32>
      %mul3A_628 = arith.constant 2.048000e+03 : f32
      %mul3A_629 = vector.broadcast %mul3A_628 : f32 to vector<16xf32>
      %mul3A_630 = arith.mulf %get3A_627, %mul3A_629 : vector<16xf32>
      %swap3A_631 = arith.index_cast %mul3A_624 : i32 to index
      %swap3A_632 = tpu.vector_load %arg7[%swap3A_631] {strides = array<i32>} : memref<16384xf32, #tpu.memory_space<vmem>>, vector<16xf32>,
      %swap3A_633 = vector.shape_cast %swap3A_632 : vector<16xf32> to vector<16xf32>
      %swap3A_634 = vector.shape_cast %mul3A_630 : vector<16xf32> to vector<16xf32>
      tpu.vector_store %arg7[%swap3A_631], %swap3A_634 {strides = array<i32>} : memref<16384xf32, #tpu.memory_space<vmem>>, vector<16xf32>,
      %scan3A_635 = arith.constant 4 : i32
      %scan3A_636 = arith.addi %scan3A_581, %scan3A_635 : i32
      %mul3A_637 = arith.constant 16 : i32
      %mul3A_638 = arith.muli %scan3A_636, %mul3A_637 : i32
      %get3A_639 = arith.index_cast %mul3A_638 : i32 to index
      %get3A_640 = tpu.vector_load %arg7[%get3A_639] {strides = array<i32>} : memref<16384xf32, #tpu.memory_space<vmem>>, vector<16xf32>,
      %get3A_641 = vector.shape_cast %get3A_640 : vector<16xf32> to vector<16xf32>
      %mul3A_642 = arith.constant 2.048000e+03 : f32
      %mul3A_643 = vector.broadcast %mul3A_642 : f32 to vector<16xf32>
      %mul3A_644 = arith.mulf %get3A_641, %mul3A_643 : vector<16xf32>
      %swap3A_645 = arith.index_cast %mul3A_638 : i32 to index
      %swap3A_646 = tpu.vector_load %arg7[%swap3A_645] {strides = array<i32>} : memref<16384xf32, #tpu.memory_space<vmem>>, vector<16xf32>,
      %swap3A_647 = vector.shape_cast %swap3A_646 : vector<16xf32> to vector<16xf32>
      %swap3A_648 = vector.shape_cast %mul3A_644 : vector<16xf32> to vector<16xf32>
      tpu.vector_store %arg7[%swap3A_645], %swap3A_648 {strides = array<i32>} : memref<16384xf32, #tpu.memory_space<vmem>>, vector<16xf32>,
      %scan3A_649 = arith.constant 5 : i32
      %scan3A_650 = arith.addi %scan3A_581, %scan3A_649 : i32
      %mul3A_651 = arith.constant 16 : i32
      %mul3A_652 = arith.muli %scan3A_650, %mul3A_651 : i32
      %get3A_653 = arith.index_cast %mul3A_652 : i32 to index
      %get3A_654 = tpu.vector_load %arg7[%get3A_653] {strides = array<i32>} : memref<16384xf32, #tpu.memory_space<vmem>>, vector<16xf32>,
      %get3A_655 = vector.shape_cast %get3A_654 : vector<16xf32> to vector<16xf32>
      %mul3A_656 = arith.constant 2.048000e+03 : f32
      %mul3A_657 = vector.broadcast %mul3A_656 : f32 to vector<16xf32>
      %mul3A_658 = arith.mulf %get3A_655, %mul3A_657 : vector<16xf32>
      %swap3A_659 = arith.index_cast %mul3A_652 : i32 to index
      %swap3A_660 = tpu.vector_load %arg7[%swap3A_659] {strides = array<i32>} : memref<16384xf32, #tpu.memory_space<vmem>>, vector<16xf32>,
      %swap3A_661 = vector.shape_cast %swap3A_660 : vector<16xf32> to vector<16xf32>
      %swap3A_662 = vector.shape_cast %mul3A_658 : vector<16xf32> to vector<16xf32>
      tpu.vector_store %arg7[%swap3A_659], %swap3A_662 {strides = array<i32>} : memref<16384xf32, #tpu.memory_space<vmem>>, vector<16xf32>,
      %scan3A_663 = arith.constant 6 : i32
      %scan3A_664 = arith.addi %scan3A_581, %scan3A_663 : i32
      %mul3A_665 = arith.constant 16 : i32
      %mul3A_666 = arith.muli %scan3A_664, %mul3A_665 : i32
      %get3A_667 = arith.index_cast %mul3A_666 : i32 to index
      %get3A_668 = tpu.vector_load %arg7[%get3A_667] {strides = array<i32>} : memref<16384xf32, #tpu.memory_space<vmem>>, vector<16xf32>,
      %get3A_669 = vector.shape_cast %get3A_668 : vector<16xf32> to vector<16xf32>
      %mul3A_670 = arith.constant 2.048000e+03 : f32
      %mul3A_671 = vector.broadcast %mul3A_670 : f32 to vector<16xf32>
      %mul3A_672 = arith.mulf %get3A_669, %mul3A_671 : vector<16xf32>
      %swap3A_673 = arith.index_cast %mul3A_666 : i32 to index
      %swap3A_674 = tpu.vector_load %arg7[%swap3A_673] {strides = array<i32>} : memref<16384xf32, #tpu.memory_space<vmem>>, vector<16xf32>,
      %swap3A_675 = vector.shape_cast %swap3A_674 : vector<16xf32> to vector<16xf32>
      %swap3A_676 = vector.shape_cast %mul3A_672 : vector<16xf32> to vector<16xf32>
      tpu.vector_store %arg7[%swap3A_673], %swap3A_676 {strides = array<i32>} : memref<16384xf32, #tpu.memory_space<vmem>>, vector<16xf32>,
      %scan3A_677 = arith.constant 7 : i32
      %scan3A_678 = arith.addi %scan3A_581, %scan3A_677 : i32
      %mul3A_679 = arith.constant 16 : i32
      %mul3A_680 = arith.muli %scan3A_678, %mul3A_679 : i32
      %get3A_681 = arith.index_cast %mul3A_680 : i32 to index
      %get3A_682 = tpu.vector_load %arg7[%get3A_681] {strides = array<i32>} : memref<16384xf32, #tpu.memory_space<vmem>>, vector<16xf32>,
      %get3A_683 = vector.shape_cast %get3A_682 : vector<16xf32> to vector<16xf32>
      %mul3A_684 = arith.constant 2.048000e+03 : f32
      %mul3A_685 = vector.broadcast %mul3A_684 : f32 to vector<16xf32>
      %mul3A_686 = arith.mulf %get3A_683, %mul3A_685 : vector<16xf32>
      %swap3A_687 = arith.index_cast %mul3A_680 : i32 to index
      %swap3A_688 = tpu.vector_load %arg7[%swap3A_687] {strides = array<i32>} : memref<16384xf32, #tpu.memory_space<vmem>>, vector<16xf32>,
      %swap3A_689 = vector.shape_cast %swap3A_688 : vector<16xf32> to vector<16xf32>
      %swap3A_690 = vector.shape_cast %mul3A_686 : vector<16xf32> to vector<16xf32>
      tpu.vector_store %arg7[%swap3A_687], %swap3A_690 {strides = array<i32>} : memref<16384xf32, #tpu.memory_space<vmem>>, vector<16xf32>,
    }
    %scan3A_341 = arith.constant 1024 : i32
    %add3A_342 = arith.constant 294912 : i32
    %add3A_343 = arith.addi %mul3A_2, %add3A_342 : i32
    %dma_start3A_344 = tpu.memref_slice %arg4[%add3A_343] : memref<16777216xf32, #tpu.memory_space<hbm>> -> memref<16384xf32, #tpu.memory_space<hbm>>
    %dma_start3A_345 = tpu.memref_slice %arg4[%add3A_343] : memref<16777216xf32, #tpu.memory_space<hbm>> -> memref<16384xf32, #tpu.memory_space<hbm>>
    tpu.enqueue_dma source(%arg7 : memref<16384xf32, #tpu.memory_space<vmem>>) target(%dma_start3A_345 : memref<16384xf32, #tpu.memory_space<hbm>>) target_semaphore(%arg17 : memref<!tpu.dma_semaphore, #tpu.memory_space<semaphore_mem>>)
    %dma_wait3A_346 = tpu.memref_slice %arg4[%add3A_325] : memref<16777216xf32, #tpu.memory_space<hbm>> -> memref<16384xf32, #tpu.memory_space<hbm>>
    %dma_wait3A_347 = tpu.memref_slice %arg4[%add3A_325] : memref<16777216xf32, #tpu.memory_space<hbm>> -> memref<16384xf32, #tpu.memory_space<hbm>>
    tpu.wait_dma2 semaphore(%arg16 : memref<!tpu.dma_semaphore, #tpu.memory_space<semaphore_mem>>) src(%arg6 : memref<16384xf32, #tpu.memory_space<vmem>>) dst(%dma_wait3A_347 : memref<16384xf32, #tpu.memory_space<hbm>>)
    %add3A_348 = arith.constant 344064 : i32
    %add3A_349 = arith.addi %mul3A_2, %add3A_348 : i32
    %dma_start3A_350 = tpu.memref_slice %arg2[%add3A_349] : memref<16777216xf32, #tpu.memory_space<hbm>> -> memref<16384xf32, #tpu.memory_space<hbm>>
    %dma_start3A_351 = tpu.memref_slice %arg2[%add3A_349] : memref<16777216xf32, #tpu.memory_space<hbm>> -> memref<16384xf32, #tpu.memory_space<hbm>>
    tpu.enqueue_dma source(%dma_start3A_351 : memref<16384xf32, #tpu.memory_space<hbm>>) target(%arg6 : memref<16384xf32, #tpu.memory_space<vmem>>) target_semaphore(%arg12 : memref<!tpu.dma_semaphore, #tpu.memory_space<semaphore_mem>>)
    %dma_wait3A_352 = tpu.memref_slice %arg2[%add3A_313] : memref<16777216xf32, #tpu.memory_space<hbm>> -> memref<16384xf32, #tpu.memory_space<hbm>>
    %dma_wait3A_353 = tpu.memref_slice %arg2[%add3A_313] : memref<16777216xf32, #tpu.memory_space<hbm>> -> memref<16384xf32, #tpu.memory_space<hbm>>
    tpu.wait_dma2 semaphore(%arg14 : memref<!tpu.dma_semaphore, #tpu.memory_space<semaphore_mem>>) src(%dma_wait3A_353 : memref<16384xf32, #tpu.memory_space<hbm>>) dst(%arg8 : memref<16384xf32, #tpu.memory_space<vmem>>)
    %scan3A_354 = arith.constant 0 : i32
    %scan3A_355 = arith.constant 0 : i32
    %scan3A_356 = arith.constant 1024 : i32
    %scan3A_357 = arith.addi %scan3A_355, %scan3A_356 : i32
    %scan3A_358 = arith.constant 8 : i32
    scf.for %scan3A_581 = %scan3A_355 to %scan3A_357 step %scan3A_358  : i32 {
      %mul3A_582 = arith.constant 16 : i32
      %mul3A_583 = arith.muli %scan3A_581, %mul3A_582 : i32
      %get3A_584 = arith.index_cast %mul3A_583 : i32 to index
      %get3A_585 = tpu.vector_load %arg8[%get3A_584] {strides = array<i32>} : memref<16384xf32, #tpu.memory_space<vmem>>, vector<16xf32>,
      %get3A_586 = vector.shape_cast %get3A_585 : vector<16xf32> to vector<16xf32>
      %mul3A_587 = arith.constant 2.048000e+03 : f32
      %mul3A_588 = vector.broadcast %mul3A_587 : f32 to vector<16xf32>
      %mul3A_589 = arith.mulf %get3A_586, %mul3A_588 : vector<16xf32>
      %swap3A = arith.index_cast %mul3A_583 : i32 to index
      %swap3A_590 = tpu.vector_load %arg8[%swap3A] {strides = array<i32>} : memref<16384xf32, #tpu.memory_space<vmem>>, vector<16xf32>,
      %swap3A_591 = vector.shape_cast %swap3A_590 : vector<16xf32> to vector<16xf32>
      %swap3A_592 = vector.shape_cast %mul3A_589 : vector<16xf32> to vector<16xf32>
      tpu.vector_store %arg8[%swap3A], %swap3A_592 {strides = array<i32>} : memref<16384xf32, #tpu.memory_space<vmem>>, vector<16xf32>,
      %scan3A_593 = arith.constant 1 : i32
      %scan3A_594 = arith.addi %scan3A_581, %scan3A_593 : i32
      %mul3A_595 = arith.constant 16 : i32
      %mul3A_596 = arith.muli %scan3A_594, %mul3A_595 : i32
      %get3A_597 = arith.index_cast %mul3A_596 : i32 to index
      %get3A_598 = tpu.vector_load %arg8[%get3A_597] {strides = array<i32>} : memref<16384xf32, #tpu.memory_space<vmem>>, vector<16xf32>,
      %get3A_599 = vector.shape_cast %get3A_598 : vector<16xf32> to vector<16xf32>
      %mul3A_600 = arith.constant 2.048000e+03 : f32
      %mul3A_601 = vector.broadcast %mul3A_600 : f32 to vector<16xf32>
      %mul3A_602 = arith.mulf %get3A_599, %mul3A_601 : vector<16xf32>
      %swap3A_603 = arith.index_cast %mul3A_596 : i32 to index
      %swap3A_604 = tpu.vector_load %arg8[%swap3A_603] {strides = array<i32>} : memref<16384xf32, #tpu.memory_space<vmem>>, vector<16xf32>,
      %swap3A_605 = vector.shape_cast %swap3A_604 : vector<16xf32> to vector<16xf32>
      %swap3A_606 = vector.shape_cast %mul3A_602 : vector<16xf32> to vector<16xf32>
      tpu.vector_store %arg8[%swap3A_603], %swap3A_606 {strides = array<i32>} : memref<16384xf32, #tpu.memory_space<vmem>>, vector<16xf32>,
      %scan3A_607 = arith.constant 2 : i32
      %scan3A_608 = arith.addi %scan3A_581, %scan3A_607 : i32
      %mul3A_609 = arith.constant 16 : i32
      %mul3A_610 = arith.muli %scan3A_608, %mul3A_609 : i32
      %get3A_611 = arith.index_cast %mul3A_610 : i32 to index
      %get3A_612 = tpu.vector_load %arg8[%get3A_611] {strides = array<i32>} : memref<16384xf32, #tpu.memory_space<vmem>>, vector<16xf32>,
      %get3A_613 = vector.shape_cast %get3A_612 : vector<16xf32> to vector<16xf32>
      %mul3A_614 = arith.constant 2.048000e+03 : f32
      %mul3A_615 = vector.broadcast %mul3A_614 : f32 to vector<16xf32>
      %mul3A_616 = arith.mulf %get3A_613, %mul3A_615 : vector<16xf32>
      %swap3A_617 = arith.index_cast %mul3A_610 : i32 to index
      %swap3A_618 = tpu.vector_load %arg8[%swap3A_617] {strides = array<i32>} : memref<16384xf32, #tpu.memory_space<vmem>>, vector<16xf32>,
      %swap3A_619 = vector.shape_cast %swap3A_618 : vector<16xf32> to vector<16xf32>
      %swap3A_620 = vector.shape_cast %mul3A_616 : vector<16xf32> to vector<16xf32>
      tpu.vector_store %arg8[%swap3A_617], %swap3A_620 {strides = array<i32>} : memref<16384xf32, #tpu.memory_space<vmem>>, vector<16xf32>,
      %scan3A_621 = arith.constant 3 : i32
      %scan3A_622 = arith.addi %scan3A_581, %scan3A_621 : i32
      %mul3A_623 = arith.constant 16 : i32
      %mul3A_624 = arith.muli %scan3A_622, %mul3A_623 : i32
      %get3A_625 = arith.index_cast %mul3A_624 : i32 to index
      %get3A_626 = tpu.vector_load %arg8[%get3A_625] {strides = array<i32>} : memref<16384xf32, #tpu.memory_space<vmem>>, vector<16xf32>,
      %get3A_627 = vector.shape_cast %get3A_626 : vector<16xf32> to vector<16xf32>
      %mul3A_628 = arith.constant 2.048000e+03 : f32
      %mul3A_629 = vector.broadcast %mul3A_628 : f32 to vector<16xf32>
      %mul3A_630 = arith.mulf %get3A_627, %mul3A_629 : vector<16xf32>
      %swap3A_631 = arith.index_cast %mul3A_624 : i32 to index
      %swap3A_632 = tpu.vector_load %arg8[%swap3A_631] {strides = array<i32>} : memref<16384xf32, #tpu.memory_space<vmem>>, vector<16xf32>,
      %swap3A_633 = vector.shape_cast %swap3A_632 : vector<16xf32> to vector<16xf32>
      %swap3A_634 = vector.shape_cast %mul3A_630 : vector<16xf32> to vector<16xf32>
      tpu.vector_store %arg8[%swap3A_631], %swap3A_634 {strides = array<i32>} : memref<16384xf32, #tpu.memory_space<vmem>>, vector<16xf32>,
      %scan3A_635 = arith.constant 4 : i32
      %scan3A_636 = arith.addi %scan3A_581, %scan3A_635 : i32
      %mul3A_637 = arith.constant 16 : i32
      %mul3A_638 = arith.muli %scan3A_636, %mul3A_637 : i32
      %get3A_639 = arith.index_cast %mul3A_638 : i32 to index
      %get3A_640 = tpu.vector_load %arg8[%get3A_639] {strides = array<i32>} : memref<16384xf32, #tpu.memory_space<vmem>>, vector<16xf32>,
      %get3A_641 = vector.shape_cast %get3A_640 : vector<16xf32> to vector<16xf32>
      %mul3A_642 = arith.constant 2.048000e+03 : f32
      %mul3A_643 = vector.broadcast %mul3A_642 : f32 to vector<16xf32>
      %mul3A_644 = arith.mulf %get3A_641, %mul3A_643 : vector<16xf32>
      %swap3A_645 = arith.index_cast %mul3A_638 : i32 to index
      %swap3A_646 = tpu.vector_load %arg8[%swap3A_645] {strides = array<i32>} : memref<16384xf32, #tpu.memory_space<vmem>>, vector<16xf32>,
      %swap3A_647 = vector.shape_cast %swap3A_646 : vector<16xf32> to vector<16xf32>
      %swap3A_648 = vector.shape_cast %mul3A_644 : vector<16xf32> to vector<16xf32>
      tpu.vector_store %arg8[%swap3A_645], %swap3A_648 {strides = array<i32>} : memref<16384xf32, #tpu.memory_space<vmem>>, vector<16xf32>,
      %scan3A_649 = arith.constant 5 : i32
      %scan3A_650 = arith.addi %scan3A_581, %scan3A_649 : i32
      %mul3A_651 = arith.constant 16 : i32
      %mul3A_652 = arith.muli %scan3A_650, %mul3A_651 : i32
      %get3A_653 = arith.index_cast %mul3A_652 : i32 to index
      %get3A_654 = tpu.vector_load %arg8[%get3A_653] {strides = array<i32>} : memref<16384xf32, #tpu.memory_space<vmem>>, vector<16xf32>,
      %get3A_655 = vector.shape_cast %get3A_654 : vector<16xf32> to vector<16xf32>
      %mul3A_656 = arith.constant 2.048000e+03 : f32
      %mul3A_657 = vector.broadcast %mul3A_656 : f32 to vector<16xf32>
      %mul3A_658 = arith.mulf %get3A_655, %mul3A_657 : vector<16xf32>
      %swap3A_659 = arith.index_cast %mul3A_652 : i32 to index
      %swap3A_660 = tpu.vector_load %arg8[%swap3A_659] {strides = array<i32>} : memref<16384xf32, #tpu.memory_space<vmem>>, vector<16xf32>,
      %swap3A_661 = vector.shape_cast %swap3A_660 : vector<16xf32> to vector<16xf32>
      %swap3A_662 = vector.shape_cast %mul3A_658 : vector<16xf32> to vector<16xf32>
      tpu.vector_store %arg8[%swap3A_659], %swap3A_662 {strides = array<i32>} : memref<16384xf32, #tpu.memory_space<vmem>>, vector<16xf32>,
      %scan3A_663 = arith.constant 6 : i32
      %scan3A_664 = arith.addi %scan3A_581, %scan3A_663 : i32
      %mul3A_665 = arith.constant 16 : i32
      %mul3A_666 = arith.muli %scan3A_664, %mul3A_665 : i32
      %get3A_667 = arith.index_cast %mul3A_666 : i32 to index
      %get3A_668 = tpu.vector_load %arg8[%get3A_667] {strides = array<i32>} : memref<16384xf32, #tpu.memory_space<vmem>>, vector<16xf32>,
      %get3A_669 = vector.shape_cast %get3A_668 : vector<16xf32> to vector<16xf32>
      %mul3A_670 = arith.constant 2.048000e+03 : f32
      %mul3A_671 = vector.broadcast %mul3A_670 : f32 to vector<16xf32>
      %mul3A_672 = arith.mulf %get3A_669, %mul3A_671 : vector<16xf32>
      %swap3A_673 = arith.index_cast %mul3A_666 : i32 to index
      %swap3A_674 = tpu.vector_load %arg8[%swap3A_673] {strides = array<i32>} : memref<16384xf32, #tpu.memory_space<vmem>>, vector<16xf32>,
      %swap3A_675 = vector.shape_cast %swap3A_674 : vector<16xf32> to vector<16xf32>
      %swap3A_676 = vector.shape_cast %mul3A_672 : vector<16xf32> to vector<16xf32>
      tpu.vector_store %arg8[%swap3A_673], %swap3A_676 {strides = array<i32>} : memref<16384xf32, #tpu.memory_space<vmem>>, vector<16xf32>,
      %scan3A_677 = arith.constant 7 : i32
      %scan3A_678 = arith.addi %scan3A_581, %scan3A_677 : i32
      %mul3A_679 = arith.constant 16 : i32
      %mul3A_680 = arith.muli %scan3A_678, %mul3A_679 : i32
      %get3A_681 = arith.index_cast %mul3A_680 : i32 to index
      %get3A_682 = tpu.vector_load %arg8[%get3A_681] {strides = array<i32>} : memref<16384xf32, #tpu.memory_space<vmem>>, vector<16xf32>,
      %get3A_683 = vector.shape_cast %get3A_682 : vector<16xf32> to vector<16xf32>
      %mul3A_684 = arith.constant 2.048000e+03 : f32
      %mul3A_685 = vector.broadcast %mul3A_684 : f32 to vector<16xf32>
      %mul3A_686 = arith.mulf %get3A_683, %mul3A_685 : vector<16xf32>
      %swap3A_687 = arith.index_cast %mul3A_680 : i32 to index
      %swap3A_688 = tpu.vector_load %arg8[%swap3A_687] {strides = array<i32>} : memref<16384xf32, #tpu.memory_space<vmem>>, vector<16xf32>,
      %swap3A_689 = vector.shape_cast %swap3A_688 : vector<16xf32> to vector<16xf32>
      %swap3A_690 = vector.shape_cast %mul3A_686 : vector<16xf32> to vector<16xf32>
      tpu.vector_store %arg8[%swap3A_687], %swap3A_690 {strides = array<i32>} : memref<16384xf32, #tpu.memory_space<vmem>>, vector<16xf32>,
    }
    %scan3A_359 = arith.constant 1024 : i32
    %add3A_360 = arith.constant 311296 : i32
    %add3A_361 = arith.addi %mul3A_2, %add3A_360 : i32
    %dma_start3A_362 = tpu.memref_slice %arg4[%add3A_361] : memref<16777216xf32, #tpu.memory_space<hbm>> -> memref<16384xf32, #tpu.memory_space<hbm>>
    %dma_start3A_363 = tpu.memref_slice %arg4[%add3A_361] : memref<16777216xf32, #tpu.memory_space<hbm>> -> memref<16384xf32, #tpu.memory_space<hbm>>
    tpu.enqueue_dma source(%arg8 : memref<16384xf32, #tpu.memory_space<vmem>>) target(%dma_start3A_363 : memref<16384xf32, #tpu.memory_space<hbm>>) target_semaphore(%arg18 : memref<!tpu.dma_semaphore, #tpu.memory_space<semaphore_mem>>)
    %dma_wait3A_364 = tpu.memref_slice %arg4[%add3A_343] : memref<16777216xf32, #tpu.memory_space<hbm>> -> memref<16384xf32, #tpu.memory_space<hbm>>
    %dma_wait3A_365 = tpu.memref_slice %arg4[%add3A_343] : memref<16777216xf32, #tpu.memory_space<hbm>> -> memref<16384xf32, #tpu.memory_space<hbm>>
    tpu.wait_dma2 semaphore(%arg17 : memref<!tpu.dma_semaphore, #tpu.memory_space<semaphore_mem>>) src(%arg7 : memref<16384xf32, #tpu.memory_space<vmem>>) dst(%dma_wait3A_365 : memref<16384xf32, #tpu.memory_space<hbm>>)
    %add3A_366 = arith.constant 360448 : i32
    %add3A_367 = arith.addi %mul3A_2, %add3A_366 : i32
    %dma_start3A_368 = tpu.memref_slice %arg2[%add3A_367] : memref<16777216xf32, #tpu.memory_space<hbm>> -> memref<16384xf32, #tpu.memory_space<hbm>>
    %dma_start3A_369 = tpu.memref_slice %arg2[%add3A_367] : memref<16777216xf32, #tpu.memory_space<hbm>> -> memref<16384xf32, #tpu.memory_space<hbm>>
    tpu.enqueue_dma source(%dma_start3A_369 : memref<16384xf32, #tpu.memory_space<hbm>>) target(%arg7 : memref<16384xf32, #tpu.memory_space<vmem>>) target_semaphore(%arg13 : memref<!tpu.dma_semaphore, #tpu.memory_space<semaphore_mem>>)
    %dma_wait3A_370 = tpu.memref_slice %arg2[%add3A_331] : memref<16777216xf32, #tpu.memory_space<hbm>> -> memref<16384xf32, #tpu.memory_space<hbm>>
    %dma_wait3A_371 = tpu.memref_slice %arg2[%add3A_331] : memref<16777216xf32, #tpu.memory_space<hbm>> -> memref<16384xf32, #tpu.memory_space<hbm>>
    tpu.wait_dma2 semaphore(%arg11 : memref<!tpu.dma_semaphore, #tpu.memory_space<semaphore_mem>>) src(%dma_wait3A_371 : memref<16384xf32, #tpu.memory_space<hbm>>) dst(%arg5 : memref<16384xf32, #tpu.memory_space<vmem>>)
    %scan3A_372 = arith.constant 0 : i32
    %scan3A_373 = arith.constant 0 : i32
    %scan3A_374 = arith.constant 1024 : i32
    %scan3A_375 = arith.addi %scan3A_373, %scan3A_374 : i32
    %scan3A_376 = arith.constant 8 : i32
    scf.for %scan3A_581 = %scan3A_373 to %scan3A_375 step %scan3A_376  : i32 {
      %mul3A_582 = arith.constant 16 : i32
      %mul3A_583 = arith.muli %scan3A_581, %mul3A_582 : i32
      %get3A_584 = arith.index_cast %mul3A_583 : i32 to index
      %get3A_585 = tpu.vector_load %arg5[%get3A_584] {strides = array<i32>} : memref<16384xf32, #tpu.memory_space<vmem>>, vector<16xf32>,
      %get3A_586 = vector.shape_cast %get3A_585 : vector<16xf32> to vector<16xf32>
      %mul3A_587 = arith.constant 2.048000e+03 : f32
      %mul3A_588 = vector.broadcast %mul3A_587 : f32 to vector<16xf32>
      %mul3A_589 = arith.mulf %get3A_586, %mul3A_588 : vector<16xf32>
      %swap3A = arith.index_cast %mul3A_583 : i32 to index
      %swap3A_590 = tpu.vector_load %arg5[%swap3A] {strides = array<i32>} : memref<16384xf32, #tpu.memory_space<vmem>>, vector<16xf32>,
      %swap3A_591 = vector.shape_cast %swap3A_590 : vector<16xf32> to vector<16xf32>
      %swap3A_592 = vector.shape_cast %mul3A_589 : vector<16xf32> to vector<16xf32>
      tpu.vector_store %arg5[%swap3A], %swap3A_592 {strides = array<i32>} : memref<16384xf32, #tpu.memory_space<vmem>>, vector<16xf32>,
      %scan3A_593 = arith.constant 1 : i32
      %scan3A_594 = arith.addi %scan3A_581, %scan3A_593 : i32
      %mul3A_595 = arith.constant 16 : i32
      %mul3A_596 = arith.muli %scan3A_594, %mul3A_595 : i32
      %get3A_597 = arith.index_cast %mul3A_596 : i32 to index
      %get3A_598 = tpu.vector_load %arg5[%get3A_597] {strides = array<i32>} : memref<16384xf32, #tpu.memory_space<vmem>>, vector<16xf32>,
      %get3A_599 = vector.shape_cast %get3A_598 : vector<16xf32> to vector<16xf32>
      %mul3A_600 = arith.constant 2.048000e+03 : f32
      %mul3A_601 = vector.broadcast %mul3A_600 : f32 to vector<16xf32>
      %mul3A_602 = arith.mulf %get3A_599, %mul3A_601 : vector<16xf32>
      %swap3A_603 = arith.index_cast %mul3A_596 : i32 to index
      %swap3A_604 = tpu.vector_load %arg5[%swap3A_603] {strides = array<i32>} : memref<16384xf32, #tpu.memory_space<vmem>>, vector<16xf32>,
      %swap3A_605 = vector.shape_cast %swap3A_604 : vector<16xf32> to vector<16xf32>
      %swap3A_606 = vector.shape_cast %mul3A_602 : vector<16xf32> to vector<16xf32>
      tpu.vector_store %arg5[%swap3A_603], %swap3A_606 {strides = array<i32>} : memref<16384xf32, #tpu.memory_space<vmem>>, vector<16xf32>,
      %scan3A_607 = arith.constant 2 : i32
      %scan3A_608 = arith.addi %scan3A_581, %scan3A_607 : i32
      %mul3A_609 = arith.constant 16 : i32
      %mul3A_610 = arith.muli %scan3A_608, %mul3A_609 : i32
      %get3A_611 = arith.index_cast %mul3A_610 : i32 to index
      %get3A_612 = tpu.vector_load %arg5[%get3A_611] {strides = array<i32>} : memref<16384xf32, #tpu.memory_space<vmem>>, vector<16xf32>,
      %get3A_613 = vector.shape_cast %get3A_612 : vector<16xf32> to vector<16xf32>
      %mul3A_614 = arith.constant 2.048000e+03 : f32
      %mul3A_615 = vector.broadcast %mul3A_614 : f32 to vector<16xf32>
      %mul3A_616 = arith.mulf %get3A_613, %mul3A_615 : vector<16xf32>
      %swap3A_617 = arith.index_cast %mul3A_610 : i32 to index
      %swap3A_618 = tpu.vector_load %arg5[%swap3A_617] {strides = array<i32>} : memref<16384xf32, #tpu.memory_space<vmem>>, vector<16xf32>,
      %swap3A_619 = vector.shape_cast %swap3A_618 : vector<16xf32> to vector<16xf32>
      %swap3A_620 = vector.shape_cast %mul3A_616 : vector<16xf32> to vector<16xf32>
      tpu.vector_store %arg5[%swap3A_617], %swap3A_620 {strides = array<i32>} : memref<16384xf32, #tpu.memory_space<vmem>>, vector<16xf32>,
      %scan3A_621 = arith.constant 3 : i32
      %scan3A_622 = arith.addi %scan3A_581, %scan3A_621 : i32
      %mul3A_623 = arith.constant 16 : i32
      %mul3A_624 = arith.muli %scan3A_622, %mul3A_623 : i32
      %get3A_625 = arith.index_cast %mul3A_624 : i32 to index
      %get3A_626 = tpu.vector_load %arg5[%get3A_625] {strides = array<i32>} : memref<16384xf32, #tpu.memory_space<vmem>>, vector<16xf32>,
      %get3A_627 = vector.shape_cast %get3A_626 : vector<16xf32> to vector<16xf32>
      %mul3A_628 = arith.constant 2.048000e+03 : f32
      %mul3A_629 = vector.broadcast %mul3A_628 : f32 to vector<16xf32>
      %mul3A_630 = arith.mulf %get3A_627, %mul3A_629 : vector<16xf32>
      %swap3A_631 = arith.index_cast %mul3A_624 : i32 to index
      %swap3A_632 = tpu.vector_load %arg5[%swap3A_631] {strides = array<i32>} : memref<16384xf32, #tpu.memory_space<vmem>>, vector<16xf32>,
      %swap3A_633 = vector.shape_cast %swap3A_632 : vector<16xf32> to vector<16xf32>
      %swap3A_634 = vector.shape_cast %mul3A_630 : vector<16xf32> to vector<16xf32>
      tpu.vector_store %arg5[%swap3A_631], %swap3A_634 {strides = array<i32>} : memref<16384xf32, #tpu.memory_space<vmem>>, vector<16xf32>,
      %scan3A_635 = arith.constant 4 : i32
      %scan3A_636 = arith.addi %scan3A_581, %scan3A_635 : i32
      %mul3A_637 = arith.constant 16 : i32
      %mul3A_638 = arith.muli %scan3A_636, %mul3A_637 : i32
      %get3A_639 = arith.index_cast %mul3A_638 : i32 to index
      %get3A_640 = tpu.vector_load %arg5[%get3A_639] {strides = array<i32>} : memref<16384xf32, #tpu.memory_space<vmem>>, vector<16xf32>,
      %get3A_641 = vector.shape_cast %get3A_640 : vector<16xf32> to vector<16xf32>
      %mul3A_642 = arith.constant 2.048000e+03 : f32
      %mul3A_643 = vector.broadcast %mul3A_642 : f32 to vector<16xf32>
      %mul3A_644 = arith.mulf %get3A_641, %mul3A_643 : vector<16xf32>
      %swap3A_645 = arith.index_cast %mul3A_638 : i32 to index
      %swap3A_646 = tpu.vector_load %arg5[%swap3A_645] {strides = array<i32>} : memref<16384xf32, #tpu.memory_space<vmem>>, vector<16xf32>,
      %swap3A_647 = vector.shape_cast %swap3A_646 : vector<16xf32> to vector<16xf32>
      %swap3A_648 = vector.shape_cast %mul3A_644 : vector<16xf32> to vector<16xf32>
      tpu.vector_store %arg5[%swap3A_645], %swap3A_648 {strides = array<i32>} : memref<16384xf32, #tpu.memory_space<vmem>>, vector<16xf32>,
      %scan3A_649 = arith.constant 5 : i32
      %scan3A_650 = arith.addi %scan3A_581, %scan3A_649 : i32
      %mul3A_651 = arith.constant 16 : i32
      %mul3A_652 = arith.muli %scan3A_650, %mul3A_651 : i32
      %get3A_653 = arith.index_cast %mul3A_652 : i32 to index
      %get3A_654 = tpu.vector_load %arg5[%get3A_653] {strides = array<i32>} : memref<16384xf32, #tpu.memory_space<vmem>>, vector<16xf32>,
      %get3A_655 = vector.shape_cast %get3A_654 : vector<16xf32> to vector<16xf32>
      %mul3A_656 = arith.constant 2.048000e+03 : f32
      %mul3A_657 = vector.broadcast %mul3A_656 : f32 to vector<16xf32>
      %mul3A_658 = arith.mulf %get3A_655, %mul3A_657 : vector<16xf32>
      %swap3A_659 = arith.index_cast %mul3A_652 : i32 to index
      %swap3A_660 = tpu.vector_load %arg5[%swap3A_659] {strides = array<i32>} : memref<16384xf32, #tpu.memory_space<vmem>>, vector<16xf32>,
      %swap3A_661 = vector.shape_cast %swap3A_660 : vector<16xf32> to vector<16xf32>
      %swap3A_662 = vector.shape_cast %mul3A_658 : vector<16xf32> to vector<16xf32>
      tpu.vector_store %arg5[%swap3A_659], %swap3A_662 {strides = array<i32>} : memref<16384xf32, #tpu.memory_space<vmem>>, vector<16xf32>,
      %scan3A_663 = arith.constant 6 : i32
      %scan3A_664 = arith.addi %scan3A_581, %scan3A_663 : i32
      %mul3A_665 = arith.constant 16 : i32
      %mul3A_666 = arith.muli %scan3A_664, %mul3A_665 : i32
      %get3A_667 = arith.index_cast %mul3A_666 : i32 to index
      %get3A_668 = tpu.vector_load %arg5[%get3A_667] {strides = array<i32>} : memref<16384xf32, #tpu.memory_space<vmem>>, vector<16xf32>,
      %get3A_669 = vector.shape_cast %get3A_668 : vector<16xf32> to vector<16xf32>
      %mul3A_670 = arith.constant 2.048000e+03 : f32
      %mul3A_671 = vector.broadcast %mul3A_670 : f32 to vector<16xf32>
      %mul3A_672 = arith.mulf %get3A_669, %mul3A_671 : vector<16xf32>
      %swap3A_673 = arith.index_cast %mul3A_666 : i32 to index
      %swap3A_674 = tpu.vector_load %arg5[%swap3A_673] {strides = array<i32>} : memref<16384xf32, #tpu.memory_space<vmem>>, vector<16xf32>,
      %swap3A_675 = vector.shape_cast %swap3A_674 : vector<16xf32> to vector<16xf32>
      %swap3A_676 = vector.shape_cast %mul3A_672 : vector<16xf32> to vector<16xf32>
      tpu.vector_store %arg5[%swap3A_673], %swap3A_676 {strides = array<i32>} : memref<16384xf32, #tpu.memory_space<vmem>>, vector<16xf32>,
      %scan3A_677 = arith.constant 7 : i32
      %scan3A_678 = arith.addi %scan3A_581, %scan3A_677 : i32
      %mul3A_679 = arith.constant 16 : i32
      %mul3A_680 = arith.muli %scan3A_678, %mul3A_679 : i32
      %get3A_681 = arith.index_cast %mul3A_680 : i32 to index
      %get3A_682 = tpu.vector_load %arg5[%get3A_681] {strides = array<i32>} : memref<16384xf32, #tpu.memory_space<vmem>>, vector<16xf32>,
      %get3A_683 = vector.shape_cast %get3A_682 : vector<16xf32> to vector<16xf32>
      %mul3A_684 = arith.constant 2.048000e+03 : f32
      %mul3A_685 = vector.broadcast %mul3A_684 : f32 to vector<16xf32>
      %mul3A_686 = arith.mulf %get3A_683, %mul3A_685 : vector<16xf32>
      %swap3A_687 = arith.index_cast %mul3A_680 : i32 to index
      %swap3A_688 = tpu.vector_load %arg5[%swap3A_687] {strides = array<i32>} : memref<16384xf32, #tpu.memory_space<vmem>>, vector<16xf32>,
      %swap3A_689 = vector.shape_cast %swap3A_688 : vector<16xf32> to vector<16xf32>
      %swap3A_690 = vector.shape_cast %mul3A_686 : vector<16xf32> to vector<16xf32>
      tpu.vector_store %arg5[%swap3A_687], %swap3A_690 {strides = array<i32>} : memref<16384xf32, #tpu.memory_space<vmem>>, vector<16xf32>,
    }
    %scan3A_377 = arith.constant 1024 : i32
    %add3A_378 = arith.constant 327680 : i32
    %add3A_379 = arith.addi %mul3A_2, %add3A_378 : i32
    %dma_start3A_380 = tpu.memref_slice %arg4[%add3A_379] : memref<16777216xf32, #tpu.memory_space<hbm>> -> memref<16384xf32, #tpu.memory_space<hbm>>
    %dma_start3A_381 = tpu.memref_slice %arg4[%add3A_379] : memref<16777216xf32, #tpu.memory_space<hbm>> -> memref<16384xf32, #tpu.memory_space<hbm>>
    tpu.enqueue_dma source(%arg5 : memref<16384xf32, #tpu.memory_space<vmem>>) target(%dma_start3A_381 : memref<16384xf32, #tpu.memory_space<hbm>>) target_semaphore(%arg15 : memref<!tpu.dma_semaphore, #tpu.memory_space<semaphore_mem>>)
    %dma_wait3A_382 = tpu.memref_slice %arg4[%add3A_361] : memref<16777216xf32, #tpu.memory_space<hbm>> -> memref<16384xf32, #tpu.memory_space<hbm>>
    %dma_wait3A_383 = tpu.memref_slice %arg4[%add3A_361] : memref<16777216xf32, #tpu.memory_space<hbm>> -> memref<16384xf32, #tpu.memory_space<hbm>>
    tpu.wait_dma2 semaphore(%arg18 : memref<!tpu.dma_semaphore, #tpu.memory_space<semaphore_mem>>) src(%arg8 : memref<16384xf32, #tpu.memory_space<vmem>>) dst(%dma_wait3A_383 : memref<16384xf32, #tpu.memory_space<hbm>>)
    %add3A_384 = arith.constant 376832 : i32
    %add3A_385 = arith.addi %mul3A_2, %add3A_384 : i32
    %dma_start3A_386 = tpu.memref_slice %arg2[%add3A_385] : memref<16777216xf32, #tpu.memory_space<hbm>> -> memref<16384xf32, #tpu.memory_space<hbm>>
    %dma_start3A_387 = tpu.memref_slice %arg2[%add3A_385] : memref<16777216xf32, #tpu.memory_space<hbm>> -> memref<16384xf32, #tpu.memory_space<hbm>>
    tpu.enqueue_dma source(%dma_start3A_387 : memref<16384xf32, #tpu.memory_space<hbm>>) target(%arg8 : memref<16384xf32, #tpu.memory_space<vmem>>) target_semaphore(%arg14 : memref<!tpu.dma_semaphore, #tpu.memory_space<semaphore_mem>>)
    %dma_wait3A_388 = tpu.memref_slice %arg2[%add3A_349] : memref<16777216xf32, #tpu.memory_space<hbm>> -> memref<16384xf32, #tpu.memory_space<hbm>>
    %dma_wait3A_389 = tpu.memref_slice %arg2[%add3A_349] : memref<16777216xf32, #tpu.memory_space<hbm>> -> memref<16384xf32, #tpu.memory_space<hbm>>
    tpu.wait_dma2 semaphore(%arg12 : memref<!tpu.dma_semaphore, #tpu.memory_space<semaphore_mem>>) src(%dma_wait3A_389 : memref<16384xf32, #tpu.memory_space<hbm>>) dst(%arg6 : memref<16384xf32, #tpu.memory_space<vmem>>)
    %scan3A_390 = arith.constant 0 : i32
    %scan3A_391 = arith.constant 0 : i32
    %scan3A_392 = arith.constant 1024 : i32
    %scan3A_393 = arith.addi %scan3A_391, %scan3A_392 : i32
    %scan3A_394 = arith.constant 8 : i32
    scf.for %scan3A_581 = %scan3A_391 to %scan3A_393 step %scan3A_394  : i32 {
      %mul3A_582 = arith.constant 16 : i32
      %mul3A_583 = arith.muli %scan3A_581, %mul3A_582 : i32
      %get3A_584 = arith.index_cast %mul3A_583 : i32 to index
      %get3A_585 = tpu.vector_load %arg6[%get3A_584] {strides = array<i32>} : memref<16384xf32, #tpu.memory_space<vmem>>, vector<16xf32>,
      %get3A_586 = vector.shape_cast %get3A_585 : vector<16xf32> to vector<16xf32>
      %mul3A_587 = arith.constant 2.048000e+03 : f32
      %mul3A_588 = vector.broadcast %mul3A_587 : f32 to vector<16xf32>
      %mul3A_589 = arith.mulf %get3A_586, %mul3A_588 : vector<16xf32>
      %swap3A = arith.index_cast %mul3A_583 : i32 to index
      %swap3A_590 = tpu.vector_load %arg6[%swap3A] {strides = array<i32>} : memref<16384xf32, #tpu.memory_space<vmem>>, vector<16xf32>,
      %swap3A_591 = vector.shape_cast %swap3A_590 : vector<16xf32> to vector<16xf32>
      %swap3A_592 = vector.shape_cast %mul3A_589 : vector<16xf32> to vector<16xf32>
      tpu.vector_store %arg6[%swap3A], %swap3A_592 {strides = array<i32>} : memref<16384xf32, #tpu.memory_space<vmem>>, vector<16xf32>,
      %scan3A_593 = arith.constant 1 : i32
      %scan3A_594 = arith.addi %scan3A_581, %scan3A_593 : i32
      %mul3A_595 = arith.constant 16 : i32
      %mul3A_596 = arith.muli %scan3A_594, %mul3A_595 : i32
      %get3A_597 = arith.index_cast %mul3A_596 : i32 to index
      %get3A_598 = tpu.vector_load %arg6[%get3A_597] {strides = array<i32>} : memref<16384xf32, #tpu.memory_space<vmem>>, vector<16xf32>,
      %get3A_599 = vector.shape_cast %get3A_598 : vector<16xf32> to vector<16xf32>
      %mul3A_600 = arith.constant 2.048000e+03 : f32
      %mul3A_601 = vector.broadcast %mul3A_600 : f32 to vector<16xf32>
      %mul3A_602 = arith.mulf %get3A_599, %mul3A_601 : vector<16xf32>
      %swap3A_603 = arith.index_cast %mul3A_596 : i32 to index
      %swap3A_604 = tpu.vector_load %arg6[%swap3A_603] {strides = array<i32>} : memref<16384xf32, #tpu.memory_space<vmem>>, vector<16xf32>,
      %swap3A_605 = vector.shape_cast %swap3A_604 : vector<16xf32> to vector<16xf32>
      %swap3A_606 = vector.shape_cast %mul3A_602 : vector<16xf32> to vector<16xf32>
      tpu.vector_store %arg6[%swap3A_603], %swap3A_606 {strides = array<i32>} : memref<16384xf32, #tpu.memory_space<vmem>>, vector<16xf32>,
      %scan3A_607 = arith.constant 2 : i32
      %scan3A_608 = arith.addi %scan3A_581, %scan3A_607 : i32
      %mul3A_609 = arith.constant 16 : i32
      %mul3A_610 = arith.muli %scan3A_608, %mul3A_609 : i32
      %get3A_611 = arith.index_cast %mul3A_610 : i32 to index
      %get3A_612 = tpu.vector_load %arg6[%get3A_611] {strides = array<i32>} : memref<16384xf32, #tpu.memory_space<vmem>>, vector<16xf32>,
      %get3A_613 = vector.shape_cast %get3A_612 : vector<16xf32> to vector<16xf32>
      %mul3A_614 = arith.constant 2.048000e+03 : f32
      %mul3A_615 = vector.broadcast %mul3A_614 : f32 to vector<16xf32>
      %mul3A_616 = arith.mulf %get3A_613, %mul3A_615 : vector<16xf32>
      %swap3A_617 = arith.index_cast %mul3A_610 : i32 to index
      %swap3A_618 = tpu.vector_load %arg6[%swap3A_617] {strides = array<i32>} : memref<16384xf32, #tpu.memory_space<vmem>>, vector<16xf32>,
      %swap3A_619 = vector.shape_cast %swap3A_618 : vector<16xf32> to vector<16xf32>
      %swap3A_620 = vector.shape_cast %mul3A_616 : vector<16xf32> to vector<16xf32>
      tpu.vector_store %arg6[%swap3A_617], %swap3A_620 {strides = array<i32>} : memref<16384xf32, #tpu.memory_space<vmem>>, vector<16xf32>,
      %scan3A_621 = arith.constant 3 : i32
      %scan3A_622 = arith.addi %scan3A_581, %scan3A_621 : i32
      %mul3A_623 = arith.constant 16 : i32
      %mul3A_624 = arith.muli %scan3A_622, %mul3A_623 : i32
      %get3A_625 = arith.index_cast %mul3A_624 : i32 to index
      %get3A_626 = tpu.vector_load %arg6[%get3A_625] {strides = array<i32>} : memref<16384xf32, #tpu.memory_space<vmem>>, vector<16xf32>,
      %get3A_627 = vector.shape_cast %get3A_626 : vector<16xf32> to vector<16xf32>
      %mul3A_628 = arith.constant 2.048000e+03 : f32
      %mul3A_629 = vector.broadcast %mul3A_628 : f32 to vector<16xf32>
      %mul3A_630 = arith.mulf %get3A_627, %mul3A_629 : vector<16xf32>
      %swap3A_631 = arith.index_cast %mul3A_624 : i32 to index
      %swap3A_632 = tpu.vector_load %arg6[%swap3A_631] {strides = array<i32>} : memref<16384xf32, #tpu.memory_space<vmem>>, vector<16xf32>,
      %swap3A_633 = vector.shape_cast %swap3A_632 : vector<16xf32> to vector<16xf32>
      %swap3A_634 = vector.shape_cast %mul3A_630 : vector<16xf32> to vector<16xf32>
      tpu.vector_store %arg6[%swap3A_631], %swap3A_634 {strides = array<i32>} : memref<16384xf32, #tpu.memory_space<vmem>>, vector<16xf32>,
      %scan3A_635 = arith.constant 4 : i32
      %scan3A_636 = arith.addi %scan3A_581, %scan3A_635 : i32
      %mul3A_637 = arith.constant 16 : i32
      %mul3A_638 = arith.muli %scan3A_636, %mul3A_637 : i32
      %get3A_639 = arith.index_cast %mul3A_638 : i32 to index
      %get3A_640 = tpu.vector_load %arg6[%get3A_639] {strides = array<i32>} : memref<16384xf32, #tpu.memory_space<vmem>>, vector<16xf32>,
      %get3A_641 = vector.shape_cast %get3A_640 : vector<16xf32> to vector<16xf32>
      %mul3A_642 = arith.constant 2.048000e+03 : f32
      %mul3A_643 = vector.broadcast %mul3A_642 : f32 to vector<16xf32>
      %mul3A_644 = arith.mulf %get3A_641, %mul3A_643 : vector<16xf32>
      %swap3A_645 = arith.index_cast %mul3A_638 : i32 to index
      %swap3A_646 = tpu.vector_load %arg6[%swap3A_645] {strides = array<i32>} : memref<16384xf32, #tpu.memory_space<vmem>>, vector<16xf32>,
      %swap3A_647 = vector.shape_cast %swap3A_646 : vector<16xf32> to vector<16xf32>
      %swap3A_648 = vector.shape_cast %mul3A_644 : vector<16xf32> to vector<16xf32>
      tpu.vector_store %arg6[%swap3A_645], %swap3A_648 {strides = array<i32>} : memref<16384xf32, #tpu.memory_space<vmem>>, vector<16xf32>,
      %scan3A_649 = arith.constant 5 : i32
      %scan3A_650 = arith.addi %scan3A_581, %scan3A_649 : i32
      %mul3A_651 = arith.constant 16 : i32
      %mul3A_652 = arith.muli %scan3A_650, %mul3A_651 : i32
      %get3A_653 = arith.index_cast %mul3A_652 : i32 to index
      %get3A_654 = tpu.vector_load %arg6[%get3A_653] {strides = array<i32>} : memref<16384xf32, #tpu.memory_space<vmem>>, vector<16xf32>,
      %get3A_655 = vector.shape_cast %get3A_654 : vector<16xf32> to vector<16xf32>
      %mul3A_656 = arith.constant 2.048000e+03 : f32
      %mul3A_657 = vector.broadcast %mul3A_656 : f32 to vector<16xf32>
      %mul3A_658 = arith.mulf %get3A_655, %mul3A_657 : vector<16xf32>
      %swap3A_659 = arith.index_cast %mul3A_652 : i32 to index
      %swap3A_660 = tpu.vector_load %arg6[%swap3A_659] {strides = array<i32>} : memref<16384xf32, #tpu.memory_space<vmem>>, vector<16xf32>,
      %swap3A_661 = vector.shape_cast %swap3A_660 : vector<16xf32> to vector<16xf32>
      %swap3A_662 = vector.shape_cast %mul3A_658 : vector<16xf32> to vector<16xf32>
      tpu.vector_store %arg6[%swap3A_659], %swap3A_662 {strides = array<i32>} : memref<16384xf32, #tpu.memory_space<vmem>>, vector<16xf32>,
      %scan3A_663 = arith.constant 6 : i32
      %scan3A_664 = arith.addi %scan3A_581, %scan3A_663 : i32
      %mul3A_665 = arith.constant 16 : i32
      %mul3A_666 = arith.muli %scan3A_664, %mul3A_665 : i32
      %get3A_667 = arith.index_cast %mul3A_666 : i32 to index
      %get3A_668 = tpu.vector_load %arg6[%get3A_667] {strides = array<i32>} : memref<16384xf32, #tpu.memory_space<vmem>>, vector<16xf32>,
      %get3A_669 = vector.shape_cast %get3A_668 : vector<16xf32> to vector<16xf32>
      %mul3A_670 = arith.constant 2.048000e+03 : f32
      %mul3A_671 = vector.broadcast %mul3A_670 : f32 to vector<16xf32>
      %mul3A_672 = arith.mulf %get3A_669, %mul3A_671 : vector<16xf32>
      %swap3A_673 = arith.index_cast %mul3A_666 : i32 to index
      %swap3A_674 = tpu.vector_load %arg6[%swap3A_673] {strides = array<i32>} : memref<16384xf32, #tpu.memory_space<vmem>>, vector<16xf32>,
      %swap3A_675 = vector.shape_cast %swap3A_674 : vector<16xf32> to vector<16xf32>
      %swap3A_676 = vector.shape_cast %mul3A_672 : vector<16xf32> to vector<16xf32>
      tpu.vector_store %arg6[%swap3A_673], %swap3A_676 {strides = array<i32>} : memref<16384xf32, #tpu.memory_space<vmem>>, vector<16xf32>,
      %scan3A_677 = arith.constant 7 : i32
      %scan3A_678 = arith.addi %scan3A_581, %scan3A_677 : i32
      %mul3A_679 = arith.constant 16 : i32
      %mul3A_680 = arith.muli %scan3A_678, %mul3A_679 : i32
      %get3A_681 = arith.index_cast %mul3A_680 : i32 to index
      %get3A_682 = tpu.vector_load %arg6[%get3A_681] {strides = array<i32>} : memref<16384xf32, #tpu.memory_space<vmem>>, vector<16xf32>,
      %get3A_683 = vector.shape_cast %get3A_682 : vector<16xf32> to vector<16xf32>
      %mul3A_684 = arith.constant 2.048000e+03 : f32
      %mul3A_685 = vector.broadcast %mul3A_684 : f32 to vector<16xf32>
      %mul3A_686 = arith.mulf %get3A_683, %mul3A_685 : vector<16xf32>
      %swap3A_687 = arith.index_cast %mul3A_680 : i32 to index
      %swap3A_688 = tpu.vector_load %arg6[%swap3A_687] {strides = array<i32>} : memref<16384xf32, #tpu.memory_space<vmem>>, vector<16xf32>,
      %swap3A_689 = vector.shape_cast %swap3A_688 : vector<16xf32> to vector<16xf32>
      %swap3A_690 = vector.shape_cast %mul3A_686 : vector<16xf32> to vector<16xf32>
      tpu.vector_store %arg6[%swap3A_687], %swap3A_690 {strides = array<i32>} : memref<16384xf32, #tpu.memory_space<vmem>>, vector<16xf32>,
    }
    %scan3A_395 = arith.constant 1024 : i32
    %add3A_396 = arith.constant 344064 : i32
    %add3A_397 = arith.addi %mul3A_2, %add3A_396 : i32
    %dma_start3A_398 = tpu.memref_slice %arg4[%add3A_397] : memref<16777216xf32, #tpu.memory_space<hbm>> -> memref<16384xf32, #tpu.memory_space<hbm>>
    %dma_start3A_399 = tpu.memref_slice %arg4[%add3A_397] : memref<16777216xf32, #tpu.memory_space<hbm>> -> memref<16384xf32, #tpu.memory_space<hbm>>
    tpu.enqueue_dma source(%arg6 : memref<16384xf32, #tpu.memory_space<vmem>>) target(%dma_start3A_399 : memref<16384xf32, #tpu.memory_space<hbm>>) target_semaphore(%arg16 : memref<!tpu.dma_semaphore, #tpu.memory_space<semaphore_mem>>)
    %dma_wait3A_400 = tpu.memref_slice %arg4[%add3A_379] : memref<16777216xf32, #tpu.memory_space<hbm>> -> memref<16384xf32, #tpu.memory_space<hbm>>
    %dma_wait3A_401 = tpu.memref_slice %arg4[%add3A_379] : memref<16777216xf32, #tpu.memory_space<hbm>> -> memref<16384xf32, #tpu.memory_space<hbm>>
    tpu.wait_dma2 semaphore(%arg15 : memref<!tpu.dma_semaphore, #tpu.memory_space<semaphore_mem>>) src(%arg5 : memref<16384xf32, #tpu.memory_space<vmem>>) dst(%dma_wait3A_401 : memref<16384xf32, #tpu.memory_space<hbm>>)
    %add3A_402 = arith.constant 393216 : i32
    %add3A_403 = arith.addi %mul3A_2, %add3A_402 : i32
    %dma_start3A_404 = tpu.memref_slice %arg2[%add3A_403] : memref<16777216xf32, #tpu.memory_space<hbm>> -> memref<16384xf32, #tpu.memory_space<hbm>>
    %dma_start3A_405 = tpu.memref_slice %arg2[%add3A_403] : memref<16777216xf32, #tpu.memory_space<hbm>> -> memref<16384xf32, #tpu.memory_space<hbm>>
    tpu.enqueue_dma source(%dma_start3A_405 : memref<16384xf32, #tpu.memory_space<hbm>>) target(%arg5 : memref<16384xf32, #tpu.memory_space<vmem>>) target_semaphore(%arg11 : memref<!tpu.dma_semaphore, #tpu.memory_space<semaphore_mem>>)
    %dma_wait3A_406 = tpu.memref_slice %arg2[%add3A_367] : memref<16777216xf32, #tpu.memory_space<hbm>> -> memref<16384xf32, #tpu.memory_space<hbm>>
    %dma_wait3A_407 = tpu.memref_slice %arg2[%add3A_367] : memref<16777216xf32, #tpu.memory_space<hbm>> -> memref<16384xf32, #tpu.memory_space<hbm>>
    tpu.wait_dma2 semaphore(%arg13 : memref<!tpu.dma_semaphore, #tpu.memory_space<semaphore_mem>>) src(%dma_wait3A_407 : memref<16384xf32, #tpu.memory_space<hbm>>) dst(%arg7 : memref<16384xf32, #tpu.memory_space<vmem>>)
    %scan3A_408 = arith.constant 0 : i32
    %scan3A_409 = arith.constant 0 : i32
    %scan3A_410 = arith.constant 1024 : i32
    %scan3A_411 = arith.addi %scan3A_409, %scan3A_410 : i32
    %scan3A_412 = arith.constant 8 : i32
    scf.for %scan3A_581 = %scan3A_409 to %scan3A_411 step %scan3A_412  : i32 {
      %mul3A_582 = arith.constant 16 : i32
      %mul3A_583 = arith.muli %scan3A_581, %mul3A_582 : i32
      %get3A_584 = arith.index_cast %mul3A_583 : i32 to index
      %get3A_585 = tpu.vector_load %arg7[%get3A_584] {strides = array<i32>} : memref<16384xf32, #tpu.memory_space<vmem>>, vector<16xf32>,
      %get3A_586 = vector.shape_cast %get3A_585 : vector<16xf32> to vector<16xf32>
      %mul3A_587 = arith.constant 2.048000e+03 : f32
      %mul3A_588 = vector.broadcast %mul3A_587 : f32 to vector<16xf32>
      %mul3A_589 = arith.mulf %get3A_586, %mul3A_588 : vector<16xf32>
      %swap3A = arith.index_cast %mul3A_583 : i32 to index
      %swap3A_590 = tpu.vector_load %arg7[%swap3A] {strides = array<i32>} : memref<16384xf32, #tpu.memory_space<vmem>>, vector<16xf32>,
      %swap3A_591 = vector.shape_cast %swap3A_590 : vector<16xf32> to vector<16xf32>
      %swap3A_592 = vector.shape_cast %mul3A_589 : vector<16xf32> to vector<16xf32>
      tpu.vector_store %arg7[%swap3A], %swap3A_592 {strides = array<i32>} : memref<16384xf32, #tpu.memory_space<vmem>>, vector<16xf32>,
      %scan3A_593 = arith.constant 1 : i32
      %scan3A_594 = arith.addi %scan3A_581, %scan3A_593 : i32
      %mul3A_595 = arith.constant 16 : i32
      %mul3A_596 = arith.muli %scan3A_594, %mul3A_595 : i32
      %get3A_597 = arith.index_cast %mul3A_596 : i32 to index
      %get3A_598 = tpu.vector_load %arg7[%get3A_597] {strides = array<i32>} : memref<16384xf32, #tpu.memory_space<vmem>>, vector<16xf32>,
      %get3A_599 = vector.shape_cast %get3A_598 : vector<16xf32> to vector<16xf32>
      %mul3A_600 = arith.constant 2.048000e+03 : f32
      %mul3A_601 = vector.broadcast %mul3A_600 : f32 to vector<16xf32>
      %mul3A_602 = arith.mulf %get3A_599, %mul3A_601 : vector<16xf32>
      %swap3A_603 = arith.index_cast %mul3A_596 : i32 to index
      %swap3A_604 = tpu.vector_load %arg7[%swap3A_603] {strides = array<i32>} : memref<16384xf32, #tpu.memory_space<vmem>>, vector<16xf32>,
      %swap3A_605 = vector.shape_cast %swap3A_604 : vector<16xf32> to vector<16xf32>
      %swap3A_606 = vector.shape_cast %mul3A_602 : vector<16xf32> to vector<16xf32>
      tpu.vector_store %arg7[%swap3A_603], %swap3A_606 {strides = array<i32>} : memref<16384xf32, #tpu.memory_space<vmem>>, vector<16xf32>,
      %scan3A_607 = arith.constant 2 : i32
      %scan3A_608 = arith.addi %scan3A_581, %scan3A_607 : i32
      %mul3A_609 = arith.constant 16 : i32
      %mul3A_610 = arith.muli %scan3A_608, %mul3A_609 : i32
      %get3A_611 = arith.index_cast %mul3A_610 : i32 to index
      %get3A_612 = tpu.vector_load %arg7[%get3A_611] {strides = array<i32>} : memref<16384xf32, #tpu.memory_space<vmem>>, vector<16xf32>,
      %get3A_613 = vector.shape_cast %get3A_612 : vector<16xf32> to vector<16xf32>
      %mul3A_614 = arith.constant 2.048000e+03 : f32
      %mul3A_615 = vector.broadcast %mul3A_614 : f32 to vector<16xf32>
      %mul3A_616 = arith.mulf %get3A_613, %mul3A_615 : vector<16xf32>
      %swap3A_617 = arith.index_cast %mul3A_610 : i32 to index
      %swap3A_618 = tpu.vector_load %arg7[%swap3A_617] {strides = array<i32>} : memref<16384xf32, #tpu.memory_space<vmem>>, vector<16xf32>,
      %swap3A_619 = vector.shape_cast %swap3A_618 : vector<16xf32> to vector<16xf32>
      %swap3A_620 = vector.shape_cast %mul3A_616 : vector<16xf32> to vector<16xf32>
      tpu.vector_store %arg7[%swap3A_617], %swap3A_620 {strides = array<i32>} : memref<16384xf32, #tpu.memory_space<vmem>>, vector<16xf32>,
      %scan3A_621 = arith.constant 3 : i32
      %scan3A_622 = arith.addi %scan3A_581, %scan3A_621 : i32
      %mul3A_623 = arith.constant 16 : i32
      %mul3A_624 = arith.muli %scan3A_622, %mul3A_623 : i32
      %get3A_625 = arith.index_cast %mul3A_624 : i32 to index
      %get3A_626 = tpu.vector_load %arg7[%get3A_625] {strides = array<i32>} : memref<16384xf32, #tpu.memory_space<vmem>>, vector<16xf32>,
      %get3A_627 = vector.shape_cast %get3A_626 : vector<16xf32> to vector<16xf32>
      %mul3A_628 = arith.constant 2.048000e+03 : f32
      %mul3A_629 = vector.broadcast %mul3A_628 : f32 to vector<16xf32>
      %mul3A_630 = arith.mulf %get3A_627, %mul3A_629 : vector<16xf32>
      %swap3A_631 = arith.index_cast %mul3A_624 : i32 to index
      %swap3A_632 = tpu.vector_load %arg7[%swap3A_631] {strides = array<i32>} : memref<16384xf32, #tpu.memory_space<vmem>>, vector<16xf32>,
      %swap3A_633 = vector.shape_cast %swap3A_632 : vector<16xf32> to vector<16xf32>
      %swap3A_634 = vector.shape_cast %mul3A_630 : vector<16xf32> to vector<16xf32>
      tpu.vector_store %arg7[%swap3A_631], %swap3A_634 {strides = array<i32>} : memref<16384xf32, #tpu.memory_space<vmem>>, vector<16xf32>,
      %scan3A_635 = arith.constant 4 : i32
      %scan3A_636 = arith.addi %scan3A_581, %scan3A_635 : i32
      %mul3A_637 = arith.constant 16 : i32
      %mul3A_638 = arith.muli %scan3A_636, %mul3A_637 : i32
      %get3A_639 = arith.index_cast %mul3A_638 : i32 to index
      %get3A_640 = tpu.vector_load %arg7[%get3A_639] {strides = array<i32>} : memref<16384xf32, #tpu.memory_space<vmem>>, vector<16xf32>,
      %get3A_641 = vector.shape_cast %get3A_640 : vector<16xf32> to vector<16xf32>
      %mul3A_642 = arith.constant 2.048000e+03 : f32
      %mul3A_643 = vector.broadcast %mul3A_642 : f32 to vector<16xf32>
      %mul3A_644 = arith.mulf %get3A_641, %mul3A_643 : vector<16xf32>
      %swap3A_645 = arith.index_cast %mul3A_638 : i32 to index
      %swap3A_646 = tpu.vector_load %arg7[%swap3A_645] {strides = array<i32>} : memref<16384xf32, #tpu.memory_space<vmem>>, vector<16xf32>,
      %swap3A_647 = vector.shape_cast %swap3A_646 : vector<16xf32> to vector<16xf32>
      %swap3A_648 = vector.shape_cast %mul3A_644 : vector<16xf32> to vector<16xf32>
      tpu.vector_store %arg7[%swap3A_645], %swap3A_648 {strides = array<i32>} : memref<16384xf32, #tpu.memory_space<vmem>>, vector<16xf32>,
      %scan3A_649 = arith.constant 5 : i32
      %scan3A_650 = arith.addi %scan3A_581, %scan3A_649 : i32
      %mul3A_651 = arith.constant 16 : i32
      %mul3A_652 = arith.muli %scan3A_650, %mul3A_651 : i32
      %get3A_653 = arith.index_cast %mul3A_652 : i32 to index
      %get3A_654 = tpu.vector_load %arg7[%get3A_653] {strides = array<i32>} : memref<16384xf32, #tpu.memory_space<vmem>>, vector<16xf32>,
      %get3A_655 = vector.shape_cast %get3A_654 : vector<16xf32> to vector<16xf32>
      %mul3A_656 = arith.constant 2.048000e+03 : f32
      %mul3A_657 = vector.broadcast %mul3A_656 : f32 to vector<16xf32>
      %mul3A_658 = arith.mulf %get3A_655, %mul3A_657 : vector<16xf32>
      %swap3A_659 = arith.index_cast %mul3A_652 : i32 to index
      %swap3A_660 = tpu.vector_load %arg7[%swap3A_659] {strides = array<i32>} : memref<16384xf32, #tpu.memory_space<vmem>>, vector<16xf32>,
      %swap3A_661 = vector.shape_cast %swap3A_660 : vector<16xf32> to vector<16xf32>
      %swap3A_662 = vector.shape_cast %mul3A_658 : vector<16xf32> to vector<16xf32>
      tpu.vector_store %arg7[%swap3A_659], %swap3A_662 {strides = array<i32>} : memref<16384xf32, #tpu.memory_space<vmem>>, vector<16xf32>,
      %scan3A_663 = arith.constant 6 : i32
      %scan3A_664 = arith.addi %scan3A_581, %scan3A_663 : i32
      %mul3A_665 = arith.constant 16 : i32
      %mul3A_666 = arith.muli %scan3A_664, %mul3A_665 : i32
      %get3A_667 = arith.index_cast %mul3A_666 : i32 to index
      %get3A_668 = tpu.vector_load %arg7[%get3A_667] {strides = array<i32>} : memref<16384xf32, #tpu.memory_space<vmem>>, vector<16xf32>,
      %get3A_669 = vector.shape_cast %get3A_668 : vector<16xf32> to vector<16xf32>
      %mul3A_670 = arith.constant 2.048000e+03 : f32
      %mul3A_671 = vector.broadcast %mul3A_670 : f32 to vector<16xf32>
      %mul3A_672 = arith.mulf %get3A_669, %mul3A_671 : vector<16xf32>
      %swap3A_673 = arith.index_cast %mul3A_666 : i32 to index
      %swap3A_674 = tpu.vector_load %arg7[%swap3A_673] {strides = array<i32>} : memref<16384xf32, #tpu.memory_space<vmem>>, vector<16xf32>,
      %swap3A_675 = vector.shape_cast %swap3A_674 : vector<16xf32> to vector<16xf32>
      %swap3A_676 = vector.shape_cast %mul3A_672 : vector<16xf32> to vector<16xf32>
      tpu.vector_store %arg7[%swap3A_673], %swap3A_676 {strides = array<i32>} : memref<16384xf32, #tpu.memory_space<vmem>>, vector<16xf32>,
      %scan3A_677 = arith.constant 7 : i32
      %scan3A_678 = arith.addi %scan3A_581, %scan3A_677 : i32
      %mul3A_679 = arith.constant 16 : i32
      %mul3A_680 = arith.muli %scan3A_678, %mul3A_679 : i32
      %get3A_681 = arith.index_cast %mul3A_680 : i32 to index
      %get3A_682 = tpu.vector_load %arg7[%get3A_681] {strides = array<i32>} : memref<16384xf32, #tpu.memory_space<vmem>>, vector<16xf32>,
      %get3A_683 = vector.shape_cast %get3A_682 : vector<16xf32> to vector<16xf32>
      %mul3A_684 = arith.constant 2.048000e+03 : f32
      %mul3A_685 = vector.broadcast %mul3A_684 : f32 to vector<16xf32>
      %mul3A_686 = arith.mulf %get3A_683, %mul3A_685 : vector<16xf32>
      %swap3A_687 = arith.index_cast %mul3A_680 : i32 to index
      %swap3A_688 = tpu.vector_load %arg7[%swap3A_687] {strides = array<i32>} : memref<16384xf32, #tpu.memory_space<vmem>>, vector<16xf32>,
      %swap3A_689 = vector.shape_cast %swap3A_688 : vector<16xf32> to vector<16xf32>
      %swap3A_690 = vector.shape_cast %mul3A_686 : vector<16xf32> to vector<16xf32>
      tpu.vector_store %arg7[%swap3A_687], %swap3A_690 {strides = array<i32>} : memref<16384xf32, #tpu.memory_space<vmem>>, vector<16xf32>,
    }
    %scan3A_413 = arith.constant 1024 : i32
    %add3A_414 = arith.constant 360448 : i32
    %add3A_415 = arith.addi %mul3A_2, %add3A_414 : i32
    %dma_start3A_416 = tpu.memref_slice %arg4[%add3A_415] : memref<16777216xf32, #tpu.memory_space<hbm>> -> memref<16384xf32, #tpu.memory_space<hbm>>
    %dma_start3A_417 = tpu.memref_slice %arg4[%add3A_415] : memref<16777216xf32, #tpu.memory_space<hbm>> -> memref<16384xf32, #tpu.memory_space<hbm>>
    tpu.enqueue_dma source(%arg7 : memref<16384xf32, #tpu.memory_space<vmem>>) target(%dma_start3A_417 : memref<16384xf32, #tpu.memory_space<hbm>>) target_semaphore(%arg17 : memref<!tpu.dma_semaphore, #tpu.memory_space<semaphore_mem>>)
    %dma_wait3A_418 = tpu.memref_slice %arg4[%add3A_397] : memref<16777216xf32, #tpu.memory_space<hbm>> -> memref<16384xf32, #tpu.memory_space<hbm>>
    %dma_wait3A_419 = tpu.memref_slice %arg4[%add3A_397] : memref<16777216xf32, #tpu.memory_space<hbm>> -> memref<16384xf32, #tpu.memory_space<hbm>>
    tpu.wait_dma2 semaphore(%arg16 : memref<!tpu.dma_semaphore, #tpu.memory_space<semaphore_mem>>) src(%arg6 : memref<16384xf32, #tpu.memory_space<vmem>>) dst(%dma_wait3A_419 : memref<16384xf32, #tpu.memory_space<hbm>>)
    %add3A_420 = arith.constant 409600 : i32
    %add3A_421 = arith.addi %mul3A_2, %add3A_420 : i32
    %dma_start3A_422 = tpu.memref_slice %arg2[%add3A_421] : memref<16777216xf32, #tpu.memory_space<hbm>> -> memref<16384xf32, #tpu.memory_space<hbm>>
    %dma_start3A_423 = tpu.memref_slice %arg2[%add3A_421] : memref<16777216xf32, #tpu.memory_space<hbm>> -> memref<16384xf32, #tpu.memory_space<hbm>>
    tpu.enqueue_dma source(%dma_start3A_423 : memref<16384xf32, #tpu.memory_space<hbm>>) target(%arg6 : memref<16384xf32, #tpu.memory_space<vmem>>) target_semaphore(%arg12 : memref<!tpu.dma_semaphore, #tpu.memory_space<semaphore_mem>>)
    %dma_wait3A_424 = tpu.memref_slice %arg2[%add3A_385] : memref<16777216xf32, #tpu.memory_space<hbm>> -> memref<16384xf32, #tpu.memory_space<hbm>>
    %dma_wait3A_425 = tpu.memref_slice %arg2[%add3A_385] : memref<16777216xf32, #tpu.memory_space<hbm>> -> memref<16384xf32, #tpu.memory_space<hbm>>
    tpu.wait_dma2 semaphore(%arg14 : memref<!tpu.dma_semaphore, #tpu.memory_space<semaphore_mem>>) src(%dma_wait3A_425 : memref<16384xf32, #tpu.memory_space<hbm>>) dst(%arg8 : memref<16384xf32, #tpu.memory_space<vmem>>)
    %scan3A_426 = arith.constant 0 : i32
    %scan3A_427 = arith.constant 0 : i32
    %scan3A_428 = arith.constant 1024 : i32
    %scan3A_429 = arith.addi %scan3A_427, %scan3A_428 : i32
    %scan3A_430 = arith.constant 8 : i32
    scf.for %scan3A_581 = %scan3A_427 to %scan3A_429 step %scan3A_430  : i32 {
      %mul3A_582 = arith.constant 16 : i32
      %mul3A_583 = arith.muli %scan3A_581, %mul3A_582 : i32
      %get3A_584 = arith.index_cast %mul3A_583 : i32 to index
      %get3A_585 = tpu.vector_load %arg8[%get3A_584] {strides = array<i32>} : memref<16384xf32, #tpu.memory_space<vmem>>, vector<16xf32>,
      %get3A_586 = vector.shape_cast %get3A_585 : vector<16xf32> to vector<16xf32>
      %mul3A_587 = arith.constant 2.048000e+03 : f32
      %mul3A_588 = vector.broadcast %mul3A_587 : f32 to vector<16xf32>
      %mul3A_589 = arith.mulf %get3A_586, %mul3A_588 : vector<16xf32>
      %swap3A = arith.index_cast %mul3A_583 : i32 to index
      %swap3A_590 = tpu.vector_load %arg8[%swap3A] {strides = array<i32>} : memref<16384xf32, #tpu.memory_space<vmem>>, vector<16xf32>,
      %swap3A_591 = vector.shape_cast %swap3A_590 : vector<16xf32> to vector<16xf32>
      %swap3A_592 = vector.shape_cast %mul3A_589 : vector<16xf32> to vector<16xf32>
      tpu.vector_store %arg8[%swap3A], %swap3A_592 {strides = array<i32>} : memref<16384xf32, #tpu.memory_space<vmem>>, vector<16xf32>,
      %scan3A_593 = arith.constant 1 : i32
      %scan3A_594 = arith.addi %scan3A_581, %scan3A_593 : i32
      %mul3A_595 = arith.constant 16 : i32
      %mul3A_596 = arith.muli %scan3A_594, %mul3A_595 : i32
      %get3A_597 = arith.index_cast %mul3A_596 : i32 to index
      %get3A_598 = tpu.vector_load %arg8[%get3A_597] {strides = array<i32>} : memref<16384xf32, #tpu.memory_space<vmem>>, vector<16xf32>,
      %get3A_599 = vector.shape_cast %get3A_598 : vector<16xf32> to vector<16xf32>
      %mul3A_600 = arith.constant 2.048000e+03 : f32
      %mul3A_601 = vector.broadcast %mul3A_600 : f32 to vector<16xf32>
      %mul3A_602 = arith.mulf %get3A_599, %mul3A_601 : vector<16xf32>
      %swap3A_603 = arith.index_cast %mul3A_596 : i32 to index
      %swap3A_604 = tpu.vector_load %arg8[%swap3A_603] {strides = array<i32>} : memref<16384xf32, #tpu.memory_space<vmem>>, vector<16xf32>,
      %swap3A_605 = vector.shape_cast %swap3A_604 : vector<16xf32> to vector<16xf32>
      %swap3A_606 = vector.shape_cast %mul3A_602 : vector<16xf32> to vector<16xf32>
      tpu.vector_store %arg8[%swap3A_603], %swap3A_606 {strides = array<i32>} : memref<16384xf32, #tpu.memory_space<vmem>>, vector<16xf32>,
      %scan3A_607 = arith.constant 2 : i32
      %scan3A_608 = arith.addi %scan3A_581, %scan3A_607 : i32
      %mul3A_609 = arith.constant 16 : i32
      %mul3A_610 = arith.muli %scan3A_608, %mul3A_609 : i32
      %get3A_611 = arith.index_cast %mul3A_610 : i32 to index
      %get3A_612 = tpu.vector_load %arg8[%get3A_611] {strides = array<i32>} : memref<16384xf32, #tpu.memory_space<vmem>>, vector<16xf32>,
      %get3A_613 = vector.shape_cast %get3A_612 : vector<16xf32> to vector<16xf32>
      %mul3A_614 = arith.constant 2.048000e+03 : f32
      %mul3A_615 = vector.broadcast %mul3A_614 : f32 to vector<16xf32>
      %mul3A_616 = arith.mulf %get3A_613, %mul3A_615 : vector<16xf32>
      %swap3A_617 = arith.index_cast %mul3A_610 : i32 to index
      %swap3A_618 = tpu.vector_load %arg8[%swap3A_617] {strides = array<i32>} : memref<16384xf32, #tpu.memory_space<vmem>>, vector<16xf32>,
      %swap3A_619 = vector.shape_cast %swap3A_618 : vector<16xf32> to vector<16xf32>
      %swap3A_620 = vector.shape_cast %mul3A_616 : vector<16xf32> to vector<16xf32>
      tpu.vector_store %arg8[%swap3A_617], %swap3A_620 {strides = array<i32>} : memref<16384xf32, #tpu.memory_space<vmem>>, vector<16xf32>,
      %scan3A_621 = arith.constant 3 : i32
      %scan3A_622 = arith.addi %scan3A_581, %scan3A_621 : i32
      %mul3A_623 = arith.constant 16 : i32
      %mul3A_624 = arith.muli %scan3A_622, %mul3A_623 : i32
      %get3A_625 = arith.index_cast %mul3A_624 : i32 to index
      %get3A_626 = tpu.vector_load %arg8[%get3A_625] {strides = array<i32>} : memref<16384xf32, #tpu.memory_space<vmem>>, vector<16xf32>,
      %get3A_627 = vector.shape_cast %get3A_626 : vector<16xf32> to vector<16xf32>
      %mul3A_628 = arith.constant 2.048000e+03 : f32
      %mul3A_629 = vector.broadcast %mul3A_628 : f32 to vector<16xf32>
      %mul3A_630 = arith.mulf %get3A_627, %mul3A_629 : vector<16xf32>
      %swap3A_631 = arith.index_cast %mul3A_624 : i32 to index
      %swap3A_632 = tpu.vector_load %arg8[%swap3A_631] {strides = array<i32>} : memref<16384xf32, #tpu.memory_space<vmem>>, vector<16xf32>,
      %swap3A_633 = vector.shape_cast %swap3A_632 : vector<16xf32> to vector<16xf32>
      %swap3A_634 = vector.shape_cast %mul3A_630 : vector<16xf32> to vector<16xf32>
      tpu.vector_store %arg8[%swap3A_631], %swap3A_634 {strides = array<i32>} : memref<16384xf32, #tpu.memory_space<vmem>>, vector<16xf32>,
      %scan3A_635 = arith.constant 4 : i32
      %scan3A_636 = arith.addi %scan3A_581, %scan3A_635 : i32
      %mul3A_637 = arith.constant 16 : i32
      %mul3A_638 = arith.muli %scan3A_636, %mul3A_637 : i32
      %get3A_639 = arith.index_cast %mul3A_638 : i32 to index
      %get3A_640 = tpu.vector_load %arg8[%get3A_639] {strides = array<i32>} : memref<16384xf32, #tpu.memory_space<vmem>>, vector<16xf32>,
      %get3A_641 = vector.shape_cast %get3A_640 : vector<16xf32> to vector<16xf32>
      %mul3A_642 = arith.constant 2.048000e+03 : f32
      %mul3A_643 = vector.broadcast %mul3A_642 : f32 to vector<16xf32>
      %mul3A_644 = arith.mulf %get3A_641, %mul3A_643 : vector<16xf32>
      %swap3A_645 = arith.index_cast %mul3A_638 : i32 to index
      %swap3A_646 = tpu.vector_load %arg8[%swap3A_645] {strides = array<i32>} : memref<16384xf32, #tpu.memory_space<vmem>>, vector<16xf32>,
      %swap3A_647 = vector.shape_cast %swap3A_646 : vector<16xf32> to vector<16xf32>
      %swap3A_648 = vector.shape_cast %mul3A_644 : vector<16xf32> to vector<16xf32>
      tpu.vector_store %arg8[%swap3A_645], %swap3A_648 {strides = array<i32>} : memref<16384xf32, #tpu.memory_space<vmem>>, vector<16xf32>,
      %scan3A_649 = arith.constant 5 : i32
      %scan3A_650 = arith.addi %scan3A_581, %scan3A_649 : i32
      %mul3A_651 = arith.constant 16 : i32
      %mul3A_652 = arith.muli %scan3A_650, %mul3A_651 : i32
      %get3A_653 = arith.index_cast %mul3A_652 : i32 to index
      %get3A_654 = tpu.vector_load %arg8[%get3A_653] {strides = array<i32>} : memref<16384xf32, #tpu.memory_space<vmem>>, vector<16xf32>,
      %get3A_655 = vector.shape_cast %get3A_654 : vector<16xf32> to vector<16xf32>
      %mul3A_656 = arith.constant 2.048000e+03 : f32
      %mul3A_657 = vector.broadcast %mul3A_656 : f32 to vector<16xf32>
      %mul3A_658 = arith.mulf %get3A_655, %mul3A_657 : vector<16xf32>
      %swap3A_659 = arith.index_cast %mul3A_652 : i32 to index
      %swap3A_660 = tpu.vector_load %arg8[%swap3A_659] {strides = array<i32>} : memref<16384xf32, #tpu.memory_space<vmem>>, vector<16xf32>,
      %swap3A_661 = vector.shape_cast %swap3A_660 : vector<16xf32> to vector<16xf32>
      %swap3A_662 = vector.shape_cast %mul3A_658 : vector<16xf32> to vector<16xf32>
      tpu.vector_store %arg8[%swap3A_659], %swap3A_662 {strides = array<i32>} : memref<16384xf32, #tpu.memory_space<vmem>>, vector<16xf32>,
      %scan3A_663 = arith.constant 6 : i32
      %scan3A_664 = arith.addi %scan3A_581, %scan3A_663 : i32
      %mul3A_665 = arith.constant 16 : i32
      %mul3A_666 = arith.muli %scan3A_664, %mul3A_665 : i32
      %get3A_667 = arith.index_cast %mul3A_666 : i32 to index
      %get3A_668 = tpu.vector_load %arg8[%get3A_667] {strides = array<i32>} : memref<16384xf32, #tpu.memory_space<vmem>>, vector<16xf32>,
      %get3A_669 = vector.shape_cast %get3A_668 : vector<16xf32> to vector<16xf32>
      %mul3A_670 = arith.constant 2.048000e+03 : f32
      %mul3A_671 = vector.broadcast %mul3A_670 : f32 to vector<16xf32>
      %mul3A_672 = arith.mulf %get3A_669, %mul3A_671 : vector<16xf32>
      %swap3A_673 = arith.index_cast %mul3A_666 : i32 to index
      %swap3A_674 = tpu.vector_load %arg8[%swap3A_673] {strides = array<i32>} : memref<16384xf32, #tpu.memory_space<vmem>>, vector<16xf32>,
      %swap3A_675 = vector.shape_cast %swap3A_674 : vector<16xf32> to vector<16xf32>
      %swap3A_676 = vector.shape_cast %mul3A_672 : vector<16xf32> to vector<16xf32>
      tpu.vector_store %arg8[%swap3A_673], %swap3A_676 {strides = array<i32>} : memref<16384xf32, #tpu.memory_space<vmem>>, vector<16xf32>,
      %scan3A_677 = arith.constant 7 : i32
      %scan3A_678 = arith.addi %scan3A_581, %scan3A_677 : i32
      %mul3A_679 = arith.constant 16 : i32
      %mul3A_680 = arith.muli %scan3A_678, %mul3A_679 : i32
      %get3A_681 = arith.index_cast %mul3A_680 : i32 to index
      %get3A_682 = tpu.vector_load %arg8[%get3A_681] {strides = array<i32>} : memref<16384xf32, #tpu.memory_space<vmem>>, vector<16xf32>,
      %get3A_683 = vector.shape_cast %get3A_682 : vector<16xf32> to vector<16xf32>
      %mul3A_684 = arith.constant 2.048000e+03 : f32
      %mul3A_685 = vector.broadcast %mul3A_684 : f32 to vector<16xf32>
      %mul3A_686 = arith.mulf %get3A_683, %mul3A_685 : vector<16xf32>
      %swap3A_687 = arith.index_cast %mul3A_680 : i32 to index
      %swap3A_688 = tpu.vector_load %arg8[%swap3A_687] {strides = array<i32>} : memref<16384xf32, #tpu.memory_space<vmem>>, vector<16xf32>,
      %swap3A_689 = vector.shape_cast %swap3A_688 : vector<16xf32> to vector<16xf32>
      %swap3A_690 = vector.shape_cast %mul3A_686 : vector<16xf32> to vector<16xf32>
      tpu.vector_store %arg8[%swap3A_687], %swap3A_690 {strides = array<i32>} : memref<16384xf32, #tpu.memory_space<vmem>>, vector<16xf32>,
    }
    %scan3A_431 = arith.constant 1024 : i32
    %add3A_432 = arith.constant 376832 : i32
    %add3A_433 = arith.addi %mul3A_2, %add3A_432 : i32
    %dma_start3A_434 = tpu.memref_slice %arg4[%add3A_433] : memref<16777216xf32, #tpu.memory_space<hbm>> -> memref<16384xf32, #tpu.memory_space<hbm>>
    %dma_start3A_435 = tpu.memref_slice %arg4[%add3A_433] : memref<16777216xf32, #tpu.memory_space<hbm>> -> memref<16384xf32, #tpu.memory_space<hbm>>
    tpu.enqueue_dma source(%arg8 : memref<16384xf32, #tpu.memory_space<vmem>>) target(%dma_start3A_435 : memref<16384xf32, #tpu.memory_space<hbm>>) target_semaphore(%arg18 : memref<!tpu.dma_semaphore, #tpu.memory_space<semaphore_mem>>)
    %dma_wait3A_436 = tpu.memref_slice %arg4[%add3A_415] : memref<16777216xf32, #tpu.memory_space<hbm>> -> memref<16384xf32, #tpu.memory_space<hbm>>
    %dma_wait3A_437 = tpu.memref_slice %arg4[%add3A_415] : memref<16777216xf32, #tpu.memory_space<hbm>> -> memref<16384xf32, #tpu.memory_space<hbm>>
    tpu.wait_dma2 semaphore(%arg17 : memref<!tpu.dma_semaphore, #tpu.memory_space<semaphore_mem>>) src(%arg7 : memref<16384xf32, #tpu.memory_space<vmem>>) dst(%dma_wait3A_437 : memref<16384xf32, #tpu.memory_space<hbm>>)
    %add3A_438 = arith.constant 425984 : i32
    %add3A_439 = arith.addi %mul3A_2, %add3A_438 : i32
    %dma_start3A_440 = tpu.memref_slice %arg2[%add3A_439] : memref<16777216xf32, #tpu.memory_space<hbm>> -> memref<16384xf32, #tpu.memory_space<hbm>>
    %dma_start3A_441 = tpu.memref_slice %arg2[%add3A_439] : memref<16777216xf32, #tpu.memory_space<hbm>> -> memref<16384xf32, #tpu.memory_space<hbm>>
    tpu.enqueue_dma source(%dma_start3A_441 : memref<16384xf32, #tpu.memory_space<hbm>>) target(%arg7 : memref<16384xf32, #tpu.memory_space<vmem>>) target_semaphore(%arg13 : memref<!tpu.dma_semaphore, #tpu.memory_space<semaphore_mem>>)
    %dma_wait3A_442 = tpu.memref_slice %arg2[%add3A_403] : memref<16777216xf32, #tpu.memory_space<hbm>> -> memref<16384xf32, #tpu.memory_space<hbm>>
    %dma_wait3A_443 = tpu.memref_slice %arg2[%add3A_403] : memref<16777216xf32, #tpu.memory_space<hbm>> -> memref<16384xf32, #tpu.memory_space<hbm>>
    tpu.wait_dma2 semaphore(%arg11 : memref<!tpu.dma_semaphore, #tpu.memory_space<semaphore_mem>>) src(%dma_wait3A_443 : memref<16384xf32, #tpu.memory_space<hbm>>) dst(%arg5 : memref<16384xf32, #tpu.memory_space<vmem>>)
    %scan3A_444 = arith.constant 0 : i32
    %scan3A_445 = arith.constant 0 : i32
    %scan3A_446 = arith.constant 1024 : i32
    %scan3A_447 = arith.addi %scan3A_445, %scan3A_446 : i32
    %scan3A_448 = arith.constant 8 : i32
    scf.for %scan3A_581 = %scan3A_445 to %scan3A_447 step %scan3A_448  : i32 {
      %mul3A_582 = arith.constant 16 : i32
      %mul3A_583 = arith.muli %scan3A_581, %mul3A_582 : i32
      %get3A_584 = arith.index_cast %mul3A_583 : i32 to index
      %get3A_585 = tpu.vector_load %arg5[%get3A_584] {strides = array<i32>} : memref<16384xf32, #tpu.memory_space<vmem>>, vector<16xf32>,
      %get3A_586 = vector.shape_cast %get3A_585 : vector<16xf32> to vector<16xf32>
      %mul3A_587 = arith.constant 2.048000e+03 : f32
      %mul3A_588 = vector.broadcast %mul3A_587 : f32 to vector<16xf32>
      %mul3A_589 = arith.mulf %get3A_586, %mul3A_588 : vector<16xf32>
      %swap3A = arith.index_cast %mul3A_583 : i32 to index
      %swap3A_590 = tpu.vector_load %arg5[%swap3A] {strides = array<i32>} : memref<16384xf32, #tpu.memory_space<vmem>>, vector<16xf32>,
      %swap3A_591 = vector.shape_cast %swap3A_590 : vector<16xf32> to vector<16xf32>
      %swap3A_592 = vector.shape_cast %mul3A_589 : vector<16xf32> to vector<16xf32>
      tpu.vector_store %arg5[%swap3A], %swap3A_592 {strides = array<i32>} : memref<16384xf32, #tpu.memory_space<vmem>>, vector<16xf32>,
      %scan3A_593 = arith.constant 1 : i32
      %scan3A_594 = arith.addi %scan3A_581, %scan3A_593 : i32
      %mul3A_595 = arith.constant 16 : i32
      %mul3A_596 = arith.muli %scan3A_594, %mul3A_595 : i32
      %get3A_597 = arith.index_cast %mul3A_596 : i32 to index
      %get3A_598 = tpu.vector_load %arg5[%get3A_597] {strides = array<i32>} : memref<16384xf32, #tpu.memory_space<vmem>>, vector<16xf32>,
      %get3A_599 = vector.shape_cast %get3A_598 : vector<16xf32> to vector<16xf32>
      %mul3A_600 = arith.constant 2.048000e+03 : f32
      %mul3A_601 = vector.broadcast %mul3A_600 : f32 to vector<16xf32>
      %mul3A_602 = arith.mulf %get3A_599, %mul3A_601 : vector<16xf32>
      %swap3A_603 = arith.index_cast %mul3A_596 : i32 to index
      %swap3A_604 = tpu.vector_load %arg5[%swap3A_603] {strides = array<i32>} : memref<16384xf32, #tpu.memory_space<vmem>>, vector<16xf32>,
      %swap3A_605 = vector.shape_cast %swap3A_604 : vector<16xf32> to vector<16xf32>
      %swap3A_606 = vector.shape_cast %mul3A_602 : vector<16xf32> to vector<16xf32>
      tpu.vector_store %arg5[%swap3A_603], %swap3A_606 {strides = array<i32>} : memref<16384xf32, #tpu.memory_space<vmem>>, vector<16xf32>,
      %scan3A_607 = arith.constant 2 : i32
      %scan3A_608 = arith.addi %scan3A_581, %scan3A_607 : i32
      %mul3A_609 = arith.constant 16 : i32
      %mul3A_610 = arith.muli %scan3A_608, %mul3A_609 : i32
      %get3A_611 = arith.index_cast %mul3A_610 : i32 to index
      %get3A_612 = tpu.vector_load %arg5[%get3A_611] {strides = array<i32>} : memref<16384xf32, #tpu.memory_space<vmem>>, vector<16xf32>,
      %get3A_613 = vector.shape_cast %get3A_612 : vector<16xf32> to vector<16xf32>
      %mul3A_614 = arith.constant 2.048000e+03 : f32
      %mul3A_615 = vector.broadcast %mul3A_614 : f32 to vector<16xf32>
      %mul3A_616 = arith.mulf %get3A_613, %mul3A_615 : vector<16xf32>
      %swap3A_617 = arith.index_cast %mul3A_610 : i32 to index
      %swap3A_618 = tpu.vector_load %arg5[%swap3A_617] {strides = array<i32>} : memref<16384xf32, #tpu.memory_space<vmem>>, vector<16xf32>,
      %swap3A_619 = vector.shape_cast %swap3A_618 : vector<16xf32> to vector<16xf32>
      %swap3A_620 = vector.shape_cast %mul3A_616 : vector<16xf32> to vector<16xf32>
      tpu.vector_store %arg5[%swap3A_617], %swap3A_620 {strides = array<i32>} : memref<16384xf32, #tpu.memory_space<vmem>>, vector<16xf32>,
      %scan3A_621 = arith.constant 3 : i32
      %scan3A_622 = arith.addi %scan3A_581, %scan3A_621 : i32
      %mul3A_623 = arith.constant 16 : i32
      %mul3A_624 = arith.muli %scan3A_622, %mul3A_623 : i32
      %get3A_625 = arith.index_cast %mul3A_624 : i32 to index
      %get3A_626 = tpu.vector_load %arg5[%get3A_625] {strides = array<i32>} : memref<16384xf32, #tpu.memory_space<vmem>>, vector<16xf32>,
      %get3A_627 = vector.shape_cast %get3A_626 : vector<16xf32> to vector<16xf32>
      %mul3A_628 = arith.constant 2.048000e+03 : f32
      %mul3A_629 = vector.broadcast %mul3A_628 : f32 to vector<16xf32>
      %mul3A_630 = arith.mulf %get3A_627, %mul3A_629 : vector<16xf32>
      %swap3A_631 = arith.index_cast %mul3A_624 : i32 to index
      %swap3A_632 = tpu.vector_load %arg5[%swap3A_631] {strides = array<i32>} : memref<16384xf32, #tpu.memory_space<vmem>>, vector<16xf32>,
      %swap3A_633 = vector.shape_cast %swap3A_632 : vector<16xf32> to vector<16xf32>
      %swap3A_634 = vector.shape_cast %mul3A_630 : vector<16xf32> to vector<16xf32>
      tpu.vector_store %arg5[%swap3A_631], %swap3A_634 {strides = array<i32>} : memref<16384xf32, #tpu.memory_space<vmem>>, vector<16xf32>,
      %scan3A_635 = arith.constant 4 : i32
      %scan3A_636 = arith.addi %scan3A_581, %scan3A_635 : i32
      %mul3A_637 = arith.constant 16 : i32
      %mul3A_638 = arith.muli %scan3A_636, %mul3A_637 : i32
      %get3A_639 = arith.index_cast %mul3A_638 : i32 to index
      %get3A_640 = tpu.vector_load %arg5[%get3A_639] {strides = array<i32>} : memref<16384xf32, #tpu.memory_space<vmem>>, vector<16xf32>,
      %get3A_641 = vector.shape_cast %get3A_640 : vector<16xf32> to vector<16xf32>
      %mul3A_642 = arith.constant 2.048000e+03 : f32
      %mul3A_643 = vector.broadcast %mul3A_642 : f32 to vector<16xf32>
      %mul3A_644 = arith.mulf %get3A_641, %mul3A_643 : vector<16xf32>
      %swap3A_645 = arith.index_cast %mul3A_638 : i32 to index
      %swap3A_646 = tpu.vector_load %arg5[%swap3A_645] {strides = array<i32>} : memref<16384xf32, #tpu.memory_space<vmem>>, vector<16xf32>,
      %swap3A_647 = vector.shape_cast %swap3A_646 : vector<16xf32> to vector<16xf32>
      %swap3A_648 = vector.shape_cast %mul3A_644 : vector<16xf32> to vector<16xf32>
      tpu.vector_store %arg5[%swap3A_645], %swap3A_648 {strides = array<i32>} : memref<16384xf32, #tpu.memory_space<vmem>>, vector<16xf32>,
      %scan3A_649 = arith.constant 5 : i32
      %scan3A_650 = arith.addi %scan3A_581, %scan3A_649 : i32
      %mul3A_651 = arith.constant 16 : i32
      %mul3A_652 = arith.muli %scan3A_650, %mul3A_651 : i32
      %get3A_653 = arith.index_cast %mul3A_652 : i32 to index
      %get3A_654 = tpu.vector_load %arg5[%get3A_653] {strides = array<i32>} : memref<16384xf32, #tpu.memory_space<vmem>>, vector<16xf32>,
      %get3A_655 = vector.shape_cast %get3A_654 : vector<16xf32> to vector<16xf32>
      %mul3A_656 = arith.constant 2.048000e+03 : f32
      %mul3A_657 = vector.broadcast %mul3A_656 : f32 to vector<16xf32>
      %mul3A_658 = arith.mulf %get3A_655, %mul3A_657 : vector<16xf32>
      %swap3A_659 = arith.index_cast %mul3A_652 : i32 to index
      %swap3A_660 = tpu.vector_load %arg5[%swap3A_659] {strides = array<i32>} : memref<16384xf32, #tpu.memory_space<vmem>>, vector<16xf32>,
      %swap3A_661 = vector.shape_cast %swap3A_660 : vector<16xf32> to vector<16xf32>
      %swap3A_662 = vector.shape_cast %mul3A_658 : vector<16xf32> to vector<16xf32>
      tpu.vector_store %arg5[%swap3A_659], %swap3A_662 {strides = array<i32>} : memref<16384xf32, #tpu.memory_space<vmem>>, vector<16xf32>,
      %scan3A_663 = arith.constant 6 : i32
      %scan3A_664 = arith.addi %scan3A_581, %scan3A_663 : i32
      %mul3A_665 = arith.constant 16 : i32
      %mul3A_666 = arith.muli %scan3A_664, %mul3A_665 : i32
      %get3A_667 = arith.index_cast %mul3A_666 : i32 to index
      %get3A_668 = tpu.vector_load %arg5[%get3A_667] {strides = array<i32>} : memref<16384xf32, #tpu.memory_space<vmem>>, vector<16xf32>,
      %get3A_669 = vector.shape_cast %get3A_668 : vector<16xf32> to vector<16xf32>
      %mul3A_670 = arith.constant 2.048000e+03 : f32
      %mul3A_671 = vector.broadcast %mul3A_670 : f32 to vector<16xf32>
      %mul3A_672 = arith.mulf %get3A_669, %mul3A_671 : vector<16xf32>
      %swap3A_673 = arith.index_cast %mul3A_666 : i32 to index
      %swap3A_674 = tpu.vector_load %arg5[%swap3A_673] {strides = array<i32>} : memref<16384xf32, #tpu.memory_space<vmem>>, vector<16xf32>,
      %swap3A_675 = vector.shape_cast %swap3A_674 : vector<16xf32> to vector<16xf32>
      %swap3A_676 = vector.shape_cast %mul3A_672 : vector<16xf32> to vector<16xf32>
      tpu.vector_store %arg5[%swap3A_673], %swap3A_676 {strides = array<i32>} : memref<16384xf32, #tpu.memory_space<vmem>>, vector<16xf32>,
      %scan3A_677 = arith.constant 7 : i32
      %scan3A_678 = arith.addi %scan3A_581, %scan3A_677 : i32
      %mul3A_679 = arith.constant 16 : i32
      %mul3A_680 = arith.muli %scan3A_678, %mul3A_679 : i32
      %get3A_681 = arith.index_cast %mul3A_680 : i32 to index
      %get3A_682 = tpu.vector_load %arg5[%get3A_681] {strides = array<i32>} : memref<16384xf32, #tpu.memory_space<vmem>>, vector<16xf32>,
      %get3A_683 = vector.shape_cast %get3A_682 : vector<16xf32> to vector<16xf32>
      %mul3A_684 = arith.constant 2.048000e+03 : f32
      %mul3A_685 = vector.broadcast %mul3A_684 : f32 to vector<16xf32>
      %mul3A_686 = arith.mulf %get3A_683, %mul3A_685 : vector<16xf32>
      %swap3A_687 = arith.index_cast %mul3A_680 : i32 to index
      %swap3A_688 = tpu.vector_load %arg5[%swap3A_687] {strides = array<i32>} : memref<16384xf32, #tpu.memory_space<vmem>>, vector<16xf32>,
      %swap3A_689 = vector.shape_cast %swap3A_688 : vector<16xf32> to vector<16xf32>
      %swap3A_690 = vector.shape_cast %mul3A_686 : vector<16xf32> to vector<16xf32>
      tpu.vector_store %arg5[%swap3A_687], %swap3A_690 {strides = array<i32>} : memref<16384xf32, #tpu.memory_space<vmem>>, vector<16xf32>,
    }
    %scan3A_449 = arith.constant 1024 : i32
    %add3A_450 = arith.constant 393216 : i32
    %add3A_451 = arith.addi %mul3A_2, %add3A_450 : i32
    %dma_start3A_452 = tpu.memref_slice %arg4[%add3A_451] : memref<16777216xf32, #tpu.memory_space<hbm>> -> memref<16384xf32, #tpu.memory_space<hbm>>
    %dma_start3A_453 = tpu.memref_slice %arg4[%add3A_451] : memref<16777216xf32, #tpu.memory_space<hbm>> -> memref<16384xf32, #tpu.memory_space<hbm>>
    tpu.enqueue_dma source(%arg5 : memref<16384xf32, #tpu.memory_space<vmem>>) target(%dma_start3A_453 : memref<16384xf32, #tpu.memory_space<hbm>>) target_semaphore(%arg15 : memref<!tpu.dma_semaphore, #tpu.memory_space<semaphore_mem>>)
    %dma_wait3A_454 = tpu.memref_slice %arg4[%add3A_433] : memref<16777216xf32, #tpu.memory_space<hbm>> -> memref<16384xf32, #tpu.memory_space<hbm>>
    %dma_wait3A_455 = tpu.memref_slice %arg4[%add3A_433] : memref<16777216xf32, #tpu.memory_space<hbm>> -> memref<16384xf32, #tpu.memory_space<hbm>>
    tpu.wait_dma2 semaphore(%arg18 : memref<!tpu.dma_semaphore, #tpu.memory_space<semaphore_mem>>) src(%arg8 : memref<16384xf32, #tpu.memory_space<vmem>>) dst(%dma_wait3A_455 : memref<16384xf32, #tpu.memory_space<hbm>>)
    %add3A_456 = arith.constant 442368 : i32
    %add3A_457 = arith.addi %mul3A_2, %add3A_456 : i32
    %dma_start3A_458 = tpu.memref_slice %arg2[%add3A_457] : memref<16777216xf32, #tpu.memory_space<hbm>> -> memref<16384xf32, #tpu.memory_space<hbm>>
    %dma_start3A_459 = tpu.memref_slice %arg2[%add3A_457] : memref<16777216xf32, #tpu.memory_space<hbm>> -> memref<16384xf32, #tpu.memory_space<hbm>>
    tpu.enqueue_dma source(%dma_start3A_459 : memref<16384xf32, #tpu.memory_space<hbm>>) target(%arg8 : memref<16384xf32, #tpu.memory_space<vmem>>) target_semaphore(%arg14 : memref<!tpu.dma_semaphore, #tpu.memory_space<semaphore_mem>>)
    %dma_wait3A_460 = tpu.memref_slice %arg2[%add3A_421] : memref<16777216xf32, #tpu.memory_space<hbm>> -> memref<16384xf32, #tpu.memory_space<hbm>>
    %dma_wait3A_461 = tpu.memref_slice %arg2[%add3A_421] : memref<16777216xf32, #tpu.memory_space<hbm>> -> memref<16384xf32, #tpu.memory_space<hbm>>
    tpu.wait_dma2 semaphore(%arg12 : memref<!tpu.dma_semaphore, #tpu.memory_space<semaphore_mem>>) src(%dma_wait3A_461 : memref<16384xf32, #tpu.memory_space<hbm>>) dst(%arg6 : memref<16384xf32, #tpu.memory_space<vmem>>)
    %scan3A_462 = arith.constant 0 : i32
    %scan3A_463 = arith.constant 0 : i32
    %scan3A_464 = arith.constant 1024 : i32
    %scan3A_465 = arith.addi %scan3A_463, %scan3A_464 : i32
    %scan3A_466 = arith.constant 8 : i32
    scf.for %scan3A_581 = %scan3A_463 to %scan3A_465 step %scan3A_466  : i32 {
      %mul3A_582 = arith.constant 16 : i32
      %mul3A_583 = arith.muli %scan3A_581, %mul3A_582 : i32
      %get3A_584 = arith.index_cast %mul3A_583 : i32 to index
      %get3A_585 = tpu.vector_load %arg6[%get3A_584] {strides = array<i32>} : memref<16384xf32, #tpu.memory_space<vmem>>, vector<16xf32>,
      %get3A_586 = vector.shape_cast %get3A_585 : vector<16xf32> to vector<16xf32>
      %mul3A_587 = arith.constant 2.048000e+03 : f32
      %mul3A_588 = vector.broadcast %mul3A_587 : f32 to vector<16xf32>
      %mul3A_589 = arith.mulf %get3A_586, %mul3A_588 : vector<16xf32>
      %swap3A = arith.index_cast %mul3A_583 : i32 to index
      %swap3A_590 = tpu.vector_load %arg6[%swap3A] {strides = array<i32>} : memref<16384xf32, #tpu.memory_space<vmem>>, vector<16xf32>,
      %swap3A_591 = vector.shape_cast %swap3A_590 : vector<16xf32> to vector<16xf32>
      %swap3A_592 = vector.shape_cast %mul3A_589 : vector<16xf32> to vector<16xf32>
      tpu.vector_store %arg6[%swap3A], %swap3A_592 {strides = array<i32>} : memref<16384xf32, #tpu.memory_space<vmem>>, vector<16xf32>,
      %scan3A_593 = arith.constant 1 : i32
      %scan3A_594 = arith.addi %scan3A_581, %scan3A_593 : i32
      %mul3A_595 = arith.constant 16 : i32
      %mul3A_596 = arith.muli %scan3A_594, %mul3A_595 : i32
      %get3A_597 = arith.index_cast %mul3A_596 : i32 to index
      %get3A_598 = tpu.vector_load %arg6[%get3A_597] {strides = array<i32>} : memref<16384xf32, #tpu.memory_space<vmem>>, vector<16xf32>,
      %get3A_599 = vector.shape_cast %get3A_598 : vector<16xf32> to vector<16xf32>
      %mul3A_600 = arith.constant 2.048000e+03 : f32
      %mul3A_601 = vector.broadcast %mul3A_600 : f32 to vector<16xf32>
      %mul3A_602 = arith.mulf %get3A_599, %mul3A_601 : vector<16xf32>
      %swap3A_603 = arith.index_cast %mul3A_596 : i32 to index
      %swap3A_604 = tpu.vector_load %arg6[%swap3A_603] {strides = array<i32>} : memref<16384xf32, #tpu.memory_space<vmem>>, vector<16xf32>,
      %swap3A_605 = vector.shape_cast %swap3A_604 : vector<16xf32> to vector<16xf32>
      %swap3A_606 = vector.shape_cast %mul3A_602 : vector<16xf32> to vector<16xf32>
      tpu.vector_store %arg6[%swap3A_603], %swap3A_606 {strides = array<i32>} : memref<16384xf32, #tpu.memory_space<vmem>>, vector<16xf32>,
      %scan3A_607 = arith.constant 2 : i32
      %scan3A_608 = arith.addi %scan3A_581, %scan3A_607 : i32
      %mul3A_609 = arith.constant 16 : i32
      %mul3A_610 = arith.muli %scan3A_608, %mul3A_609 : i32
      %get3A_611 = arith.index_cast %mul3A_610 : i32 to index
      %get3A_612 = tpu.vector_load %arg6[%get3A_611] {strides = array<i32>} : memref<16384xf32, #tpu.memory_space<vmem>>, vector<16xf32>,
      %get3A_613 = vector.shape_cast %get3A_612 : vector<16xf32> to vector<16xf32>
      %mul3A_614 = arith.constant 2.048000e+03 : f32
      %mul3A_615 = vector.broadcast %mul3A_614 : f32 to vector<16xf32>
      %mul3A_616 = arith.mulf %get3A_613, %mul3A_615 : vector<16xf32>
      %swap3A_617 = arith.index_cast %mul3A_610 : i32 to index
      %swap3A_618 = tpu.vector_load %arg6[%swap3A_617] {strides = array<i32>} : memref<16384xf32, #tpu.memory_space<vmem>>, vector<16xf32>,
      %swap3A_619 = vector.shape_cast %swap3A_618 : vector<16xf32> to vector<16xf32>
      %swap3A_620 = vector.shape_cast %mul3A_616 : vector<16xf32> to vector<16xf32>
      tpu.vector_store %arg6[%swap3A_617], %swap3A_620 {strides = array<i32>} : memref<16384xf32, #tpu.memory_space<vmem>>, vector<16xf32>,
      %scan3A_621 = arith.constant 3 : i32
      %scan3A_622 = arith.addi %scan3A_581, %scan3A_621 : i32
      %mul3A_623 = arith.constant 16 : i32
      %mul3A_624 = arith.muli %scan3A_622, %mul3A_623 : i32
      %get3A_625 = arith.index_cast %mul3A_624 : i32 to index
      %get3A_626 = tpu.vector_load %arg6[%get3A_625] {strides = array<i32>} : memref<16384xf32, #tpu.memory_space<vmem>>, vector<16xf32>,
      %get3A_627 = vector.shape_cast %get3A_626 : vector<16xf32> to vector<16xf32>
      %mul3A_628 = arith.constant 2.048000e+03 : f32
      %mul3A_629 = vector.broadcast %mul3A_628 : f32 to vector<16xf32>
      %mul3A_630 = arith.mulf %get3A_627, %mul3A_629 : vector<16xf32>
      %swap3A_631 = arith.index_cast %mul3A_624 : i32 to index
      %swap3A_632 = tpu.vector_load %arg6[%swap3A_631] {strides = array<i32>} : memref<16384xf32, #tpu.memory_space<vmem>>, vector<16xf32>,
      %swap3A_633 = vector.shape_cast %swap3A_632 : vector<16xf32> to vector<16xf32>
      %swap3A_634 = vector.shape_cast %mul3A_630 : vector<16xf32> to vector<16xf32>
      tpu.vector_store %arg6[%swap3A_631], %swap3A_634 {strides = array<i32>} : memref<16384xf32, #tpu.memory_space<vmem>>, vector<16xf32>,
      %scan3A_635 = arith.constant 4 : i32
      %scan3A_636 = arith.addi %scan3A_581, %scan3A_635 : i32
      %mul3A_637 = arith.constant 16 : i32
      %mul3A_638 = arith.muli %scan3A_636, %mul3A_637 : i32
      %get3A_639 = arith.index_cast %mul3A_638 : i32 to index
      %get3A_640 = tpu.vector_load %arg6[%get3A_639] {strides = array<i32>} : memref<16384xf32, #tpu.memory_space<vmem>>, vector<16xf32>,
      %get3A_641 = vector.shape_cast %get3A_640 : vector<16xf32> to vector<16xf32>
      %mul3A_642 = arith.constant 2.048000e+03 : f32
      %mul3A_643 = vector.broadcast %mul3A_642 : f32 to vector<16xf32>
      %mul3A_644 = arith.mulf %get3A_641, %mul3A_643 : vector<16xf32>
      %swap3A_645 = arith.index_cast %mul3A_638 : i32 to index
      %swap3A_646 = tpu.vector_load %arg6[%swap3A_645] {strides = array<i32>} : memref<16384xf32, #tpu.memory_space<vmem>>, vector<16xf32>,
      %swap3A_647 = vector.shape_cast %swap3A_646 : vector<16xf32> to vector<16xf32>
      %swap3A_648 = vector.shape_cast %mul3A_644 : vector<16xf32> to vector<16xf32>
      tpu.vector_store %arg6[%swap3A_645], %swap3A_648 {strides = array<i32>} : memref<16384xf32, #tpu.memory_space<vmem>>, vector<16xf32>,
      %scan3A_649 = arith.constant 5 : i32
      %scan3A_650 = arith.addi %scan3A_581, %scan3A_649 : i32
      %mul3A_651 = arith.constant 16 : i32
      %mul3A_652 = arith.muli %scan3A_650, %mul3A_651 : i32
      %get3A_653 = arith.index_cast %mul3A_652 : i32 to index
      %get3A_654 = tpu.vector_load %arg6[%get3A_653] {strides = array<i32>} : memref<16384xf32, #tpu.memory_space<vmem>>, vector<16xf32>,
      %get3A_655 = vector.shape_cast %get3A_654 : vector<16xf32> to vector<16xf32>
      %mul3A_656 = arith.constant 2.048000e+03 : f32
      %mul3A_657 = vector.broadcast %mul3A_656 : f32 to vector<16xf32>
      %mul3A_658 = arith.mulf %get3A_655, %mul3A_657 : vector<16xf32>
      %swap3A_659 = arith.index_cast %mul3A_652 : i32 to index
      %swap3A_660 = tpu.vector_load %arg6[%swap3A_659] {strides = array<i32>} : memref<16384xf32, #tpu.memory_space<vmem>>, vector<16xf32>,
      %swap3A_661 = vector.shape_cast %swap3A_660 : vector<16xf32> to vector<16xf32>
      %swap3A_662 = vector.shape_cast %mul3A_658 : vector<16xf32> to vector<16xf32>
      tpu.vector_store %arg6[%swap3A_659], %swap3A_662 {strides = array<i32>} : memref<16384xf32, #tpu.memory_space<vmem>>, vector<16xf32>,
      %scan3A_663 = arith.constant 6 : i32
      %scan3A_664 = arith.addi %scan3A_581, %scan3A_663 : i32
      %mul3A_665 = arith.constant 16 : i32
      %mul3A_666 = arith.muli %scan3A_664, %mul3A_665 : i32
      %get3A_667 = arith.index_cast %mul3A_666 : i32 to index
      %get3A_668 = tpu.vector_load %arg6[%get3A_667] {strides = array<i32>} : memref<16384xf32, #tpu.memory_space<vmem>>, vector<16xf32>,
      %get3A_669 = vector.shape_cast %get3A_668 : vector<16xf32> to vector<16xf32>
      %mul3A_670 = arith.constant 2.048000e+03 : f32
      %mul3A_671 = vector.broadcast %mul3A_670 : f32 to vector<16xf32>
      %mul3A_672 = arith.mulf %get3A_669, %mul3A_671 : vector<16xf32>
      %swap3A_673 = arith.index_cast %mul3A_666 : i32 to index
      %swap3A_674 = tpu.vector_load %arg6[%swap3A_673] {strides = array<i32>} : memref<16384xf32, #tpu.memory_space<vmem>>, vector<16xf32>,
      %swap3A_675 = vector.shape_cast %swap3A_674 : vector<16xf32> to vector<16xf32>
      %swap3A_676 = vector.shape_cast %mul3A_672 : vector<16xf32> to vector<16xf32>
      tpu.vector_store %arg6[%swap3A_673], %swap3A_676 {strides = array<i32>} : memref<16384xf32, #tpu.memory_space<vmem>>, vector<16xf32>,
      %scan3A_677 = arith.constant 7 : i32
      %scan3A_678 = arith.addi %scan3A_581, %scan3A_677 : i32
      %mul3A_679 = arith.constant 16 : i32
      %mul3A_680 = arith.muli %scan3A_678, %mul3A_679 : i32
      %get3A_681 = arith.index_cast %mul3A_680 : i32 to index
      %get3A_682 = tpu.vector_load %arg6[%get3A_681] {strides = array<i32>} : memref<16384xf32, #tpu.memory_space<vmem>>, vector<16xf32>,
      %get3A_683 = vector.shape_cast %get3A_682 : vector<16xf32> to vector<16xf32>
      %mul3A_684 = arith.constant 2.048000e+03 : f32
      %mul3A_685 = vector.broadcast %mul3A_684 : f32 to vector<16xf32>
      %mul3A_686 = arith.mulf %get3A_683, %mul3A_685 : vector<16xf32>
      %swap3A_687 = arith.index_cast %mul3A_680 : i32 to index
      %swap3A_688 = tpu.vector_load %arg6[%swap3A_687] {strides = array<i32>} : memref<16384xf32, #tpu.memory_space<vmem>>, vector<16xf32>,
      %swap3A_689 = vector.shape_cast %swap3A_688 : vector<16xf32> to vector<16xf32>
      %swap3A_690 = vector.shape_cast %mul3A_686 : vector<16xf32> to vector<16xf32>
      tpu.vector_store %arg6[%swap3A_687], %swap3A_690 {strides = array<i32>} : memref<16384xf32, #tpu.memory_space<vmem>>, vector<16xf32>,
    }
    %scan3A_467 = arith.constant 1024 : i32
    %add3A_468 = arith.constant 409600 : i32
    %add3A_469 = arith.addi %mul3A_2, %add3A_468 : i32
    %dma_start3A_470 = tpu.memref_slice %arg4[%add3A_469] : memref<16777216xf32, #tpu.memory_space<hbm>> -> memref<16384xf32, #tpu.memory_space<hbm>>
    %dma_start3A_471 = tpu.memref_slice %arg4[%add3A_469] : memref<16777216xf32, #tpu.memory_space<hbm>> -> memref<16384xf32, #tpu.memory_space<hbm>>
    tpu.enqueue_dma source(%arg6 : memref<16384xf32, #tpu.memory_space<vmem>>) target(%dma_start3A_471 : memref<16384xf32, #tpu.memory_space<hbm>>) target_semaphore(%arg16 : memref<!tpu.dma_semaphore, #tpu.memory_space<semaphore_mem>>)
    %dma_wait3A_472 = tpu.memref_slice %arg4[%add3A_451] : memref<16777216xf32, #tpu.memory_space<hbm>> -> memref<16384xf32, #tpu.memory_space<hbm>>
    %dma_wait3A_473 = tpu.memref_slice %arg4[%add3A_451] : memref<16777216xf32, #tpu.memory_space<hbm>> -> memref<16384xf32, #tpu.memory_space<hbm>>
    tpu.wait_dma2 semaphore(%arg15 : memref<!tpu.dma_semaphore, #tpu.memory_space<semaphore_mem>>) src(%arg5 : memref<16384xf32, #tpu.memory_space<vmem>>) dst(%dma_wait3A_473 : memref<16384xf32, #tpu.memory_space<hbm>>)
    %add3A_474 = arith.constant 458752 : i32
    %add3A_475 = arith.addi %mul3A_2, %add3A_474 : i32
    %dma_start3A_476 = tpu.memref_slice %arg2[%add3A_475] : memref<16777216xf32, #tpu.memory_space<hbm>> -> memref<16384xf32, #tpu.memory_space<hbm>>
    %dma_start3A_477 = tpu.memref_slice %arg2[%add3A_475] : memref<16777216xf32, #tpu.memory_space<hbm>> -> memref<16384xf32, #tpu.memory_space<hbm>>
    tpu.enqueue_dma source(%dma_start3A_477 : memref<16384xf32, #tpu.memory_space<hbm>>) target(%arg5 : memref<16384xf32, #tpu.memory_space<vmem>>) target_semaphore(%arg11 : memref<!tpu.dma_semaphore, #tpu.memory_space<semaphore_mem>>)
    %dma_wait3A_478 = tpu.memref_slice %arg2[%add3A_439] : memref<16777216xf32, #tpu.memory_space<hbm>> -> memref<16384xf32, #tpu.memory_space<hbm>>
    %dma_wait3A_479 = tpu.memref_slice %arg2[%add3A_439] : memref<16777216xf32, #tpu.memory_space<hbm>> -> memref<16384xf32, #tpu.memory_space<hbm>>
    tpu.wait_dma2 semaphore(%arg13 : memref<!tpu.dma_semaphore, #tpu.memory_space<semaphore_mem>>) src(%dma_wait3A_479 : memref<16384xf32, #tpu.memory_space<hbm>>) dst(%arg7 : memref<16384xf32, #tpu.memory_space<vmem>>)
    %scan3A_480 = arith.constant 0 : i32
    %scan3A_481 = arith.constant 0 : i32
    %scan3A_482 = arith.constant 1024 : i32
    %scan3A_483 = arith.addi %scan3A_481, %scan3A_482 : i32
    %scan3A_484 = arith.constant 8 : i32
    scf.for %scan3A_581 = %scan3A_481 to %scan3A_483 step %scan3A_484  : i32 {
      %mul3A_582 = arith.constant 16 : i32
      %mul3A_583 = arith.muli %scan3A_581, %mul3A_582 : i32
      %get3A_584 = arith.index_cast %mul3A_583 : i32 to index
      %get3A_585 = tpu.vector_load %arg7[%get3A_584] {strides = array<i32>} : memref<16384xf32, #tpu.memory_space<vmem>>, vector<16xf32>,
      %get3A_586 = vector.shape_cast %get3A_585 : vector<16xf32> to vector<16xf32>
      %mul3A_587 = arith.constant 2.048000e+03 : f32
      %mul3A_588 = vector.broadcast %mul3A_587 : f32 to vector<16xf32>
      %mul3A_589 = arith.mulf %get3A_586, %mul3A_588 : vector<16xf32>
      %swap3A = arith.index_cast %mul3A_583 : i32 to index
      %swap3A_590 = tpu.vector_load %arg7[%swap3A] {strides = array<i32>} : memref<16384xf32, #tpu.memory_space<vmem>>, vector<16xf32>,
      %swap3A_591 = vector.shape_cast %swap3A_590 : vector<16xf32> to vector<16xf32>
      %swap3A_592 = vector.shape_cast %mul3A_589 : vector<16xf32> to vector<16xf32>
      tpu.vector_store %arg7[%swap3A], %swap3A_592 {strides = array<i32>} : memref<16384xf32, #tpu.memory_space<vmem>>, vector<16xf32>,
      %scan3A_593 = arith.constant 1 : i32
      %scan3A_594 = arith.addi %scan3A_581, %scan3A_593 : i32
      %mul3A_595 = arith.constant 16 : i32
      %mul3A_596 = arith.muli %scan3A_594, %mul3A_595 : i32
      %get3A_597 = arith.index_cast %mul3A_596 : i32 to index
      %get3A_598 = tpu.vector_load %arg7[%get3A_597] {strides = array<i32>} : memref<16384xf32, #tpu.memory_space<vmem>>, vector<16xf32>,
      %get3A_599 = vector.shape_cast %get3A_598 : vector<16xf32> to vector<16xf32>
      %mul3A_600 = arith.constant 2.048000e+03 : f32
      %mul3A_601 = vector.broadcast %mul3A_600 : f32 to vector<16xf32>
      %mul3A_602 = arith.mulf %get3A_599, %mul3A_601 : vector<16xf32>
      %swap3A_603 = arith.index_cast %mul3A_596 : i32 to index
      %swap3A_604 = tpu.vector_load %arg7[%swap3A_603] {strides = array<i32>} : memref<16384xf32, #tpu.memory_space<vmem>>, vector<16xf32>,
      %swap3A_605 = vector.shape_cast %swap3A_604 : vector<16xf32> to vector<16xf32>
      %swap3A_606 = vector.shape_cast %mul3A_602 : vector<16xf32> to vector<16xf32>
      tpu.vector_store %arg7[%swap3A_603], %swap3A_606 {strides = array<i32>} : memref<16384xf32, #tpu.memory_space<vmem>>, vector<16xf32>,
      %scan3A_607 = arith.constant 2 : i32
      %scan3A_608 = arith.addi %scan3A_581, %scan3A_607 : i32
      %mul3A_609 = arith.constant 16 : i32
      %mul3A_610 = arith.muli %scan3A_608, %mul3A_609 : i32
      %get3A_611 = arith.index_cast %mul3A_610 : i32 to index
      %get3A_612 = tpu.vector_load %arg7[%get3A_611] {strides = array<i32>} : memref<16384xf32, #tpu.memory_space<vmem>>, vector<16xf32>,
      %get3A_613 = vector.shape_cast %get3A_612 : vector<16xf32> to vector<16xf32>
      %mul3A_614 = arith.constant 2.048000e+03 : f32
      %mul3A_615 = vector.broadcast %mul3A_614 : f32 to vector<16xf32>
      %mul3A_616 = arith.mulf %get3A_613, %mul3A_615 : vector<16xf32>
      %swap3A_617 = arith.index_cast %mul3A_610 : i32 to index
      %swap3A_618 = tpu.vector_load %arg7[%swap3A_617] {strides = array<i32>} : memref<16384xf32, #tpu.memory_space<vmem>>, vector<16xf32>,
      %swap3A_619 = vector.shape_cast %swap3A_618 : vector<16xf32> to vector<16xf32>
      %swap3A_620 = vector.shape_cast %mul3A_616 : vector<16xf32> to vector<16xf32>
      tpu.vector_store %arg7[%swap3A_617], %swap3A_620 {strides = array<i32>} : memref<16384xf32, #tpu.memory_space<vmem>>, vector<16xf32>,
      %scan3A_621 = arith.constant 3 : i32
      %scan3A_622 = arith.addi %scan3A_581, %scan3A_621 : i32
      %mul3A_623 = arith.constant 16 : i32
      %mul3A_624 = arith.muli %scan3A_622, %mul3A_623 : i32
      %get3A_625 = arith.index_cast %mul3A_624 : i32 to index
      %get3A_626 = tpu.vector_load %arg7[%get3A_625] {strides = array<i32>} : memref<16384xf32, #tpu.memory_space<vmem>>, vector<16xf32>,
      %get3A_627 = vector.shape_cast %get3A_626 : vector<16xf32> to vector<16xf32>
      %mul3A_628 = arith.constant 2.048000e+03 : f32
      %mul3A_629 = vector.broadcast %mul3A_628 : f32 to vector<16xf32>
      %mul3A_630 = arith.mulf %get3A_627, %mul3A_629 : vector<16xf32>
      %swap3A_631 = arith.index_cast %mul3A_624 : i32 to index
      %swap3A_632 = tpu.vector_load %arg7[%swap3A_631] {strides = array<i32>} : memref<16384xf32, #tpu.memory_space<vmem>>, vector<16xf32>,
      %swap3A_633 = vector.shape_cast %swap3A_632 : vector<16xf32> to vector<16xf32>
      %swap3A_634 = vector.shape_cast %mul3A_630 : vector<16xf32> to vector<16xf32>
      tpu.vector_store %arg7[%swap3A_631], %swap3A_634 {strides = array<i32>} : memref<16384xf32, #tpu.memory_space<vmem>>, vector<16xf32>,
      %scan3A_635 = arith.constant 4 : i32
      %scan3A_636 = arith.addi %scan3A_581, %scan3A_635 : i32
      %mul3A_637 = arith.constant 16 : i32
      %mul3A_638 = arith.muli %scan3A_636, %mul3A_637 : i32
      %get3A_639 = arith.index_cast %mul3A_638 : i32 to index
      %get3A_640 = tpu.vector_load %arg7[%get3A_639] {strides = array<i32>} : memref<16384xf32, #tpu.memory_space<vmem>>, vector<16xf32>,
      %get3A_641 = vector.shape_cast %get3A_640 : vector<16xf32> to vector<16xf32>
      %mul3A_642 = arith.constant 2.048000e+03 : f32
      %mul3A_643 = vector.broadcast %mul3A_642 : f32 to vector<16xf32>
      %mul3A_644 = arith.mulf %get3A_641, %mul3A_643 : vector<16xf32>
      %swap3A_645 = arith.index_cast %mul3A_638 : i32 to index
      %swap3A_646 = tpu.vector_load %arg7[%swap3A_645] {strides = array<i32>} : memref<16384xf32, #tpu.memory_space<vmem>>, vector<16xf32>,
      %swap3A_647 = vector.shape_cast %swap3A_646 : vector<16xf32> to vector<16xf32>
      %swap3A_648 = vector.shape_cast %mul3A_644 : vector<16xf32> to vector<16xf32>
      tpu.vector_store %arg7[%swap3A_645], %swap3A_648 {strides = array<i32>} : memref<16384xf32, #tpu.memory_space<vmem>>, vector<16xf32>,
      %scan3A_649 = arith.constant 5 : i32
      %scan3A_650 = arith.addi %scan3A_581, %scan3A_649 : i32
      %mul3A_651 = arith.constant 16 : i32
      %mul3A_652 = arith.muli %scan3A_650, %mul3A_651 : i32
      %get3A_653 = arith.index_cast %mul3A_652 : i32 to index
      %get3A_654 = tpu.vector_load %arg7[%get3A_653] {strides = array<i32>} : memref<16384xf32, #tpu.memory_space<vmem>>, vector<16xf32>,
      %get3A_655 = vector.shape_cast %get3A_654 : vector<16xf32> to vector<16xf32>
      %mul3A_656 = arith.constant 2.048000e+03 : f32
      %mul3A_657 = vector.broadcast %mul3A_656 : f32 to vector<16xf32>
      %mul3A_658 = arith.mulf %get3A_655, %mul3A_657 : vector<16xf32>
      %swap3A_659 = arith.index_cast %mul3A_652 : i32 to index
      %swap3A_660 = tpu.vector_load %arg7[%swap3A_659] {strides = array<i32>} : memref<16384xf32, #tpu.memory_space<vmem>>, vector<16xf32>,
      %swap3A_661 = vector.shape_cast %swap3A_660 : vector<16xf32> to vector<16xf32>
      %swap3A_662 = vector.shape_cast %mul3A_658 : vector<16xf32> to vector<16xf32>
      tpu.vector_store %arg7[%swap3A_659], %swap3A_662 {strides = array<i32>} : memref<16384xf32, #tpu.memory_space<vmem>>, vector<16xf32>,
      %scan3A_663 = arith.constant 6 : i32
      %scan3A_664 = arith.addi %scan3A_581, %scan3A_663 : i32
      %mul3A_665 = arith.constant 16 : i32
      %mul3A_666 = arith.muli %scan3A_664, %mul3A_665 : i32
      %get3A_667 = arith.index_cast %mul3A_666 : i32 to index
      %get3A_668 = tpu.vector_load %arg7[%get3A_667] {strides = array<i32>} : memref<16384xf32, #tpu.memory_space<vmem>>, vector<16xf32>,
      %get3A_669 = vector.shape_cast %get3A_668 : vector<16xf32> to vector<16xf32>
      %mul3A_670 = arith.constant 2.048000e+03 : f32
      %mul3A_671 = vector.broadcast %mul3A_670 : f32 to vector<16xf32>
      %mul3A_672 = arith.mulf %get3A_669, %mul3A_671 : vector<16xf32>
      %swap3A_673 = arith.index_cast %mul3A_666 : i32 to index
      %swap3A_674 = tpu.vector_load %arg7[%swap3A_673] {strides = array<i32>} : memref<16384xf32, #tpu.memory_space<vmem>>, vector<16xf32>,
      %swap3A_675 = vector.shape_cast %swap3A_674 : vector<16xf32> to vector<16xf32>
      %swap3A_676 = vector.shape_cast %mul3A_672 : vector<16xf32> to vector<16xf32>
      tpu.vector_store %arg7[%swap3A_673], %swap3A_676 {strides = array<i32>} : memref<16384xf32, #tpu.memory_space<vmem>>, vector<16xf32>,
      %scan3A_677 = arith.constant 7 : i32
      %scan3A_678 = arith.addi %scan3A_581, %scan3A_677 : i32
      %mul3A_679 = arith.constant 16 : i32
      %mul3A_680 = arith.muli %scan3A_678, %mul3A_679 : i32
      %get3A_681 = arith.index_cast %mul3A_680 : i32 to index
      %get3A_682 = tpu.vector_load %arg7[%get3A_681] {strides = array<i32>} : memref<16384xf32, #tpu.memory_space<vmem>>, vector<16xf32>,
      %get3A_683 = vector.shape_cast %get3A_682 : vector<16xf32> to vector<16xf32>
      %mul3A_684 = arith.constant 2.048000e+03 : f32
      %mul3A_685 = vector.broadcast %mul3A_684 : f32 to vector<16xf32>
      %mul3A_686 = arith.mulf %get3A_683, %mul3A_685 : vector<16xf32>
      %swap3A_687 = arith.index_cast %mul3A_680 : i32 to index
      %swap3A_688 = tpu.vector_load %arg7[%swap3A_687] {strides = array<i32>} : memref<16384xf32, #tpu.memory_space<vmem>>, vector<16xf32>,
      %swap3A_689 = vector.shape_cast %swap3A_688 : vector<16xf32> to vector<16xf32>
      %swap3A_690 = vector.shape_cast %mul3A_686 : vector<16xf32> to vector<16xf32>
      tpu.vector_store %arg7[%swap3A_687], %swap3A_690 {strides = array<i32>} : memref<16384xf32, #tpu.memory_space<vmem>>, vector<16xf32>,
    }
    %scan3A_485 = arith.constant 1024 : i32
    %add3A_486 = arith.constant 425984 : i32
    %add3A_487 = arith.addi %mul3A_2, %add3A_486 : i32
    %dma_start3A_488 = tpu.memref_slice %arg4[%add3A_487] : memref<16777216xf32, #tpu.memory_space<hbm>> -> memref<16384xf32, #tpu.memory_space<hbm>>
    %dma_start3A_489 = tpu.memref_slice %arg4[%add3A_487] : memref<16777216xf32, #tpu.memory_space<hbm>> -> memref<16384xf32, #tpu.memory_space<hbm>>
    tpu.enqueue_dma source(%arg7 : memref<16384xf32, #tpu.memory_space<vmem>>) target(%dma_start3A_489 : memref<16384xf32, #tpu.memory_space<hbm>>) target_semaphore(%arg17 : memref<!tpu.dma_semaphore, #tpu.memory_space<semaphore_mem>>)
    %dma_wait3A_490 = tpu.memref_slice %arg4[%add3A_469] : memref<16777216xf32, #tpu.memory_space<hbm>> -> memref<16384xf32, #tpu.memory_space<hbm>>
    %dma_wait3A_491 = tpu.memref_slice %arg4[%add3A_469] : memref<16777216xf32, #tpu.memory_space<hbm>> -> memref<16384xf32, #tpu.memory_space<hbm>>
    tpu.wait_dma2 semaphore(%arg16 : memref<!tpu.dma_semaphore, #tpu.memory_space<semaphore_mem>>) src(%arg6 : memref<16384xf32, #tpu.memory_space<vmem>>) dst(%dma_wait3A_491 : memref<16384xf32, #tpu.memory_space<hbm>>)
    %add3A_492 = arith.constant 475136 : i32
    %add3A_493 = arith.addi %mul3A_2, %add3A_492 : i32
    %dma_start3A_494 = tpu.memref_slice %arg2[%add3A_493] : memref<16777216xf32, #tpu.memory_space<hbm>> -> memref<16384xf32, #tpu.memory_space<hbm>>
    %dma_start3A_495 = tpu.memref_slice %arg2[%add3A_493] : memref<16777216xf32, #tpu.memory_space<hbm>> -> memref<16384xf32, #tpu.memory_space<hbm>>
    tpu.enqueue_dma source(%dma_start3A_495 : memref<16384xf32, #tpu.memory_space<hbm>>) target(%arg6 : memref<16384xf32, #tpu.memory_space<vmem>>) target_semaphore(%arg12 : memref<!tpu.dma_semaphore, #tpu.memory_space<semaphore_mem>>)
    %dma_wait3A_496 = tpu.memref_slice %arg2[%add3A_457] : memref<16777216xf32, #tpu.memory_space<hbm>> -> memref<16384xf32, #tpu.memory_space<hbm>>
    %dma_wait3A_497 = tpu.memref_slice %arg2[%add3A_457] : memref<16777216xf32, #tpu.memory_space<hbm>> -> memref<16384xf32, #tpu.memory_space<hbm>>
    tpu.wait_dma2 semaphore(%arg14 : memref<!tpu.dma_semaphore, #tpu.memory_space<semaphore_mem>>) src(%dma_wait3A_497 : memref<16384xf32, #tpu.memory_space<hbm>>) dst(%arg8 : memref<16384xf32, #tpu.memory_space<vmem>>)
    %scan3A_498 = arith.constant 0 : i32
    %scan3A_499 = arith.constant 0 : i32
    %scan3A_500 = arith.constant 1024 : i32
    %scan3A_501 = arith.addi %scan3A_499, %scan3A_500 : i32
    %scan3A_502 = arith.constant 8 : i32
    scf.for %scan3A_581 = %scan3A_499 to %scan3A_501 step %scan3A_502  : i32 {
      %mul3A_582 = arith.constant 16 : i32
      %mul3A_583 = arith.muli %scan3A_581, %mul3A_582 : i32
      %get3A_584 = arith.index_cast %mul3A_583 : i32 to index
      %get3A_585 = tpu.vector_load %arg8[%get3A_584] {strides = array<i32>} : memref<16384xf32, #tpu.memory_space<vmem>>, vector<16xf32>,
      %get3A_586 = vector.shape_cast %get3A_585 : vector<16xf32> to vector<16xf32>
      %mul3A_587 = arith.constant 2.048000e+03 : f32
      %mul3A_588 = vector.broadcast %mul3A_587 : f32 to vector<16xf32>
      %mul3A_589 = arith.mulf %get3A_586, %mul3A_588 : vector<16xf32>
      %swap3A = arith.index_cast %mul3A_583 : i32 to index
      %swap3A_590 = tpu.vector_load %arg8[%swap3A] {strides = array<i32>} : memref<16384xf32, #tpu.memory_space<vmem>>, vector<16xf32>,
      %swap3A_591 = vector.shape_cast %swap3A_590 : vector<16xf32> to vector<16xf32>
      %swap3A_592 = vector.shape_cast %mul3A_589 : vector<16xf32> to vector<16xf32>
      tpu.vector_store %arg8[%swap3A], %swap3A_592 {strides = array<i32>} : memref<16384xf32, #tpu.memory_space<vmem>>, vector<16xf32>,
      %scan3A_593 = arith.constant 1 : i32
      %scan3A_594 = arith.addi %scan3A_581, %scan3A_593 : i32
      %mul3A_595 = arith.constant 16 : i32
      %mul3A_596 = arith.muli %scan3A_594, %mul3A_595 : i32
      %get3A_597 = arith.index_cast %mul3A_596 : i32 to index
      %get3A_598 = tpu.vector_load %arg8[%get3A_597] {strides = array<i32>} : memref<16384xf32, #tpu.memory_space<vmem>>, vector<16xf32>,
      %get3A_599 = vector.shape_cast %get3A_598 : vector<16xf32> to vector<16xf32>
      %mul3A_600 = arith.constant 2.048000e+03 : f32
      %mul3A_601 = vector.broadcast %mul3A_600 : f32 to vector<16xf32>
      %mul3A_602 = arith.mulf %get3A_599, %mul3A_601 : vector<16xf32>
      %swap3A_603 = arith.index_cast %mul3A_596 : i32 to index
      %swap3A_604 = tpu.vector_load %arg8[%swap3A_603] {strides = array<i32>} : memref<16384xf32, #tpu.memory_space<vmem>>, vector<16xf32>,
      %swap3A_605 = vector.shape_cast %swap3A_604 : vector<16xf32> to vector<16xf32>
      %swap3A_606 = vector.shape_cast %mul3A_602 : vector<16xf32> to vector<16xf32>
      tpu.vector_store %arg8[%swap3A_603], %swap3A_606 {strides = array<i32>} : memref<16384xf32, #tpu.memory_space<vmem>>, vector<16xf32>,
      %scan3A_607 = arith.constant 2 : i32
      %scan3A_608 = arith.addi %scan3A_581, %scan3A_607 : i32
      %mul3A_609 = arith.constant 16 : i32
      %mul3A_610 = arith.muli %scan3A_608, %mul3A_609 : i32
      %get3A_611 = arith.index_cast %mul3A_610 : i32 to index
      %get3A_612 = tpu.vector_load %arg8[%get3A_611] {strides = array<i32>} : memref<16384xf32, #tpu.memory_space<vmem>>, vector<16xf32>,
      %get3A_613 = vector.shape_cast %get3A_612 : vector<16xf32> to vector<16xf32>
      %mul3A_614 = arith.constant 2.048000e+03 : f32
      %mul3A_615 = vector.broadcast %mul3A_614 : f32 to vector<16xf32>
      %mul3A_616 = arith.mulf %get3A_613, %mul3A_615 : vector<16xf32>
      %swap3A_617 = arith.index_cast %mul3A_610 : i32 to index
      %swap3A_618 = tpu.vector_load %arg8[%swap3A_617] {strides = array<i32>} : memref<16384xf32, #tpu.memory_space<vmem>>, vector<16xf32>,
      %swap3A_619 = vector.shape_cast %swap3A_618 : vector<16xf32> to vector<16xf32>
      %swap3A_620 = vector.shape_cast %mul3A_616 : vector<16xf32> to vector<16xf32>
      tpu.vector_store %arg8[%swap3A_617], %swap3A_620 {strides = array<i32>} : memref<16384xf32, #tpu.memory_space<vmem>>, vector<16xf32>,
      %scan3A_621 = arith.constant 3 : i32
      %scan3A_622 = arith.addi %scan3A_581, %scan3A_621 : i32
      %mul3A_623 = arith.constant 16 : i32
      %mul3A_624 = arith.muli %scan3A_622, %mul3A_623 : i32
      %get3A_625 = arith.index_cast %mul3A_624 : i32 to index
      %get3A_626 = tpu.vector_load %arg8[%get3A_625] {strides = array<i32>} : memref<16384xf32, #tpu.memory_space<vmem>>, vector<16xf32>,
      %get3A_627 = vector.shape_cast %get3A_626 : vector<16xf32> to vector<16xf32>
      %mul3A_628 = arith.constant 2.048000e+03 : f32
      %mul3A_629 = vector.broadcast %mul3A_628 : f32 to vector<16xf32>
      %mul3A_630 = arith.mulf %get3A_627, %mul3A_629 : vector<16xf32>
      %swap3A_631 = arith.index_cast %mul3A_624 : i32 to index
      %swap3A_632 = tpu.vector_load %arg8[%swap3A_631] {strides = array<i32>} : memref<16384xf32, #tpu.memory_space<vmem>>, vector<16xf32>,
      %swap3A_633 = vector.shape_cast %swap3A_632 : vector<16xf32> to vector<16xf32>
      %swap3A_634 = vector.shape_cast %mul3A_630 : vector<16xf32> to vector<16xf32>
      tpu.vector_store %arg8[%swap3A_631], %swap3A_634 {strides = array<i32>} : memref<16384xf32, #tpu.memory_space<vmem>>, vector<16xf32>,
      %scan3A_635 = arith.constant 4 : i32
      %scan3A_636 = arith.addi %scan3A_581, %scan3A_635 : i32
      %mul3A_637 = arith.constant 16 : i32
      %mul3A_638 = arith.muli %scan3A_636, %mul3A_637 : i32
      %get3A_639 = arith.index_cast %mul3A_638 : i32 to index
      %get3A_640 = tpu.vector_load %arg8[%get3A_639] {strides = array<i32>} : memref<16384xf32, #tpu.memory_space<vmem>>, vector<16xf32>,
      %get3A_641 = vector.shape_cast %get3A_640 : vector<16xf32> to vector<16xf32>
      %mul3A_642 = arith.constant 2.048000e+03 : f32
      %mul3A_643 = vector.broadcast %mul3A_642 : f32 to vector<16xf32>
      %mul3A_644 = arith.mulf %get3A_641, %mul3A_643 : vector<16xf32>
      %swap3A_645 = arith.index_cast %mul3A_638 : i32 to index
      %swap3A_646 = tpu.vector_load %arg8[%swap3A_645] {strides = array<i32>} : memref<16384xf32, #tpu.memory_space<vmem>>, vector<16xf32>,
      %swap3A_647 = vector.shape_cast %swap3A_646 : vector<16xf32> to vector<16xf32>
      %swap3A_648 = vector.shape_cast %mul3A_644 : vector<16xf32> to vector<16xf32>
      tpu.vector_store %arg8[%swap3A_645], %swap3A_648 {strides = array<i32>} : memref<16384xf32, #tpu.memory_space<vmem>>, vector<16xf32>,
      %scan3A_649 = arith.constant 5 : i32
      %scan3A_650 = arith.addi %scan3A_581, %scan3A_649 : i32
      %mul3A_651 = arith.constant 16 : i32
      %mul3A_652 = arith.muli %scan3A_650, %mul3A_651 : i32
      %get3A_653 = arith.index_cast %mul3A_652 : i32 to index
      %get3A_654 = tpu.vector_load %arg8[%get3A_653] {strides = array<i32>} : memref<16384xf32, #tpu.memory_space<vmem>>, vector<16xf32>,
      %get3A_655 = vector.shape_cast %get3A_654 : vector<16xf32> to vector<16xf32>
      %mul3A_656 = arith.constant 2.048000e+03 : f32
      %mul3A_657 = vector.broadcast %mul3A_656 : f32 to vector<16xf32>
      %mul3A_658 = arith.mulf %get3A_655, %mul3A_657 : vector<16xf32>
      %swap3A_659 = arith.index_cast %mul3A_652 : i32 to index
      %swap3A_660 = tpu.vector_load %arg8[%swap3A_659] {strides = array<i32>} : memref<16384xf32, #tpu.memory_space<vmem>>, vector<16xf32>,
      %swap3A_661 = vector.shape_cast %swap3A_660 : vector<16xf32> to vector<16xf32>
      %swap3A_662 = vector.shape_cast %mul3A_658 : vector<16xf32> to vector<16xf32>
      tpu.vector_store %arg8[%swap3A_659], %swap3A_662 {strides = array<i32>} : memref<16384xf32, #tpu.memory_space<vmem>>, vector<16xf32>,
      %scan3A_663 = arith.constant 6 : i32
      %scan3A_664 = arith.addi %scan3A_581, %scan3A_663 : i32
      %mul3A_665 = arith.constant 16 : i32
      %mul3A_666 = arith.muli %scan3A_664, %mul3A_665 : i32
      %get3A_667 = arith.index_cast %mul3A_666 : i32 to index
      %get3A_668 = tpu.vector_load %arg8[%get3A_667] {strides = array<i32>} : memref<16384xf32, #tpu.memory_space<vmem>>, vector<16xf32>,
      %get3A_669 = vector.shape_cast %get3A_668 : vector<16xf32> to vector<16xf32>
      %mul3A_670 = arith.constant 2.048000e+03 : f32
      %mul3A_671 = vector.broadcast %mul3A_670 : f32 to vector<16xf32>
      %mul3A_672 = arith.mulf %get3A_669, %mul3A_671 : vector<16xf32>
      %swap3A_673 = arith.index_cast %mul3A_666 : i32 to index
      %swap3A_674 = tpu.vector_load %arg8[%swap3A_673] {strides = array<i32>} : memref<16384xf32, #tpu.memory_space<vmem>>, vector<16xf32>,
      %swap3A_675 = vector.shape_cast %swap3A_674 : vector<16xf32> to vector<16xf32>
      %swap3A_676 = vector.shape_cast %mul3A_672 : vector<16xf32> to vector<16xf32>
      tpu.vector_store %arg8[%swap3A_673], %swap3A_676 {strides = array<i32>} : memref<16384xf32, #tpu.memory_space<vmem>>, vector<16xf32>,
      %scan3A_677 = arith.constant 7 : i32
      %scan3A_678 = arith.addi %scan3A_581, %scan3A_677 : i32
      %mul3A_679 = arith.constant 16 : i32
      %mul3A_680 = arith.muli %scan3A_678, %mul3A_679 : i32
      %get3A_681 = arith.index_cast %mul3A_680 : i32 to index
      %get3A_682 = tpu.vector_load %arg8[%get3A_681] {strides = array<i32>} : memref<16384xf32, #tpu.memory_space<vmem>>, vector<16xf32>,
      %get3A_683 = vector.shape_cast %get3A_682 : vector<16xf32> to vector<16xf32>
      %mul3A_684 = arith.constant 2.048000e+03 : f32
      %mul3A_685 = vector.broadcast %mul3A_684 : f32 to vector<16xf32>
      %mul3A_686 = arith.mulf %get3A_683, %mul3A_685 : vector<16xf32>
      %swap3A_687 = arith.index_cast %mul3A_680 : i32 to index
      %swap3A_688 = tpu.vector_load %arg8[%swap3A_687] {strides = array<i32>} : memref<16384xf32, #tpu.memory_space<vmem>>, vector<16xf32>,
      %swap3A_689 = vector.shape_cast %swap3A_688 : vector<16xf32> to vector<16xf32>
      %swap3A_690 = vector.shape_cast %mul3A_686 : vector<16xf32> to vector<16xf32>
      tpu.vector_store %arg8[%swap3A_687], %swap3A_690 {strides = array<i32>} : memref<16384xf32, #tpu.memory_space<vmem>>, vector<16xf32>,
    }
    %scan3A_503 = arith.constant 1024 : i32
    %add3A_504 = arith.constant 442368 : i32
    %add3A_505 = arith.addi %mul3A_2, %add3A_504 : i32
    %dma_start3A_506 = tpu.memref_slice %arg4[%add3A_505] : memref<16777216xf32, #tpu.memory_space<hbm>> -> memref<16384xf32, #tpu.memory_space<hbm>>
    %dma_start3A_507 = tpu.memref_slice %arg4[%add3A_505] : memref<16777216xf32, #tpu.memory_space<hbm>> -> memref<16384xf32, #tpu.memory_space<hbm>>
    tpu.enqueue_dma source(%arg8 : memref<16384xf32, #tpu.memory_space<vmem>>) target(%dma_start3A_507 : memref<16384xf32, #tpu.memory_space<hbm>>) target_semaphore(%arg18 : memref<!tpu.dma_semaphore, #tpu.memory_space<semaphore_mem>>)
    %dma_wait3A_508 = tpu.memref_slice %arg4[%add3A_487] : memref<16777216xf32, #tpu.memory_space<hbm>> -> memref<16384xf32, #tpu.memory_space<hbm>>
    %dma_wait3A_509 = tpu.memref_slice %arg4[%add3A_487] : memref<16777216xf32, #tpu.memory_space<hbm>> -> memref<16384xf32, #tpu.memory_space<hbm>>
    tpu.wait_dma2 semaphore(%arg17 : memref<!tpu.dma_semaphore, #tpu.memory_space<semaphore_mem>>) src(%arg7 : memref<16384xf32, #tpu.memory_space<vmem>>) dst(%dma_wait3A_509 : memref<16384xf32, #tpu.memory_space<hbm>>)
    %add3A_510 = arith.constant 491520 : i32
    %add3A_511 = arith.addi %mul3A_2, %add3A_510 : i32
    %dma_start3A_512 = tpu.memref_slice %arg2[%add3A_511] : memref<16777216xf32, #tpu.memory_space<hbm>> -> memref<16384xf32, #tpu.memory_space<hbm>>
    %dma_start3A_513 = tpu.memref_slice %arg2[%add3A_511] : memref<16777216xf32, #tpu.memory_space<hbm>> -> memref<16384xf32, #tpu.memory_space<hbm>>
    tpu.enqueue_dma source(%dma_start3A_513 : memref<16384xf32, #tpu.memory_space<hbm>>) target(%arg7 : memref<16384xf32, #tpu.memory_space<vmem>>) target_semaphore(%arg13 : memref<!tpu.dma_semaphore, #tpu.memory_space<semaphore_mem>>)
    %dma_wait3A_514 = tpu.memref_slice %arg2[%add3A_475] : memref<16777216xf32, #tpu.memory_space<hbm>> -> memref<16384xf32, #tpu.memory_space<hbm>>
    %dma_wait3A_515 = tpu.memref_slice %arg2[%add3A_475] : memref<16777216xf32, #tpu.memory_space<hbm>> -> memref<16384xf32, #tpu.memory_space<hbm>>
    tpu.wait_dma2 semaphore(%arg11 : memref<!tpu.dma_semaphore, #tpu.memory_space<semaphore_mem>>) src(%dma_wait3A_515 : memref<16384xf32, #tpu.memory_space<hbm>>) dst(%arg5 : memref<16384xf32, #tpu.memory_space<vmem>>)
    %scan3A_516 = arith.constant 0 : i32
    %scan3A_517 = arith.constant 0 : i32
    %scan3A_518 = arith.constant 1024 : i32
    %scan3A_519 = arith.addi %scan3A_517, %scan3A_518 : i32
    %scan3A_520 = arith.constant 8 : i32
    scf.for %scan3A_581 = %scan3A_517 to %scan3A_519 step %scan3A_520  : i32 {
      %mul3A_582 = arith.constant 16 : i32
      %mul3A_583 = arith.muli %scan3A_581, %mul3A_582 : i32
      %get3A_584 = arith.index_cast %mul3A_583 : i32 to index
      %get3A_585 = tpu.vector_load %arg5[%get3A_584] {strides = array<i32>} : memref<16384xf32, #tpu.memory_space<vmem>>, vector<16xf32>,
      %get3A_586 = vector.shape_cast %get3A_585 : vector<16xf32> to vector<16xf32>
      %mul3A_587 = arith.constant 2.048000e+03 : f32
      %mul3A_588 = vector.broadcast %mul3A_587 : f32 to vector<16xf32>
      %mul3A_589 = arith.mulf %get3A_586, %mul3A_588 : vector<16xf32>
      %swap3A = arith.index_cast %mul3A_583 : i32 to index
      %swap3A_590 = tpu.vector_load %arg5[%swap3A] {strides = array<i32>} : memref<16384xf32, #tpu.memory_space<vmem>>, vector<16xf32>,
      %swap3A_591 = vector.shape_cast %swap3A_590 : vector<16xf32> to vector<16xf32>
      %swap3A_592 = vector.shape_cast %mul3A_589 : vector<16xf32> to vector<16xf32>
      tpu.vector_store %arg5[%swap3A], %swap3A_592 {strides = array<i32>} : memref<16384xf32, #tpu.memory_space<vmem>>, vector<16xf32>,
      %scan3A_593 = arith.constant 1 : i32
      %scan3A_594 = arith.addi %scan3A_581, %scan3A_593 : i32
      %mul3A_595 = arith.constant 16 : i32
      %mul3A_596 = arith.muli %scan3A_594, %mul3A_595 : i32
      %get3A_597 = arith.index_cast %mul3A_596 : i32 to index
      %get3A_598 = tpu.vector_load %arg5[%get3A_597] {strides = array<i32>} : memref<16384xf32, #tpu.memory_space<vmem>>, vector<16xf32>,
      %get3A_599 = vector.shape_cast %get3A_598 : vector<16xf32> to vector<16xf32>
      %mul3A_600 = arith.constant 2.048000e+03 : f32
      %mul3A_601 = vector.broadcast %mul3A_600 : f32 to vector<16xf32>
      %mul3A_602 = arith.mulf %get3A_599, %mul3A_601 : vector<16xf32>
      %swap3A_603 = arith.index_cast %mul3A_596 : i32 to index
      %swap3A_604 = tpu.vector_load %arg5[%swap3A_603] {strides = array<i32>} : memref<16384xf32, #tpu.memory_space<vmem>>, vector<16xf32>,
      %swap3A_605 = vector.shape_cast %swap3A_604 : vector<16xf32> to vector<16xf32>
      %swap3A_606 = vector.shape_cast %mul3A_602 : vector<16xf32> to vector<16xf32>
      tpu.vector_store %arg5[%swap3A_603], %swap3A_606 {strides = array<i32>} : memref<16384xf32, #tpu.memory_space<vmem>>, vector<16xf32>,
      %scan3A_607 = arith.constant 2 : i32
      %scan3A_608 = arith.addi %scan3A_581, %scan3A_607 : i32
      %mul3A_609 = arith.constant 16 : i32
      %mul3A_610 = arith.muli %scan3A_608, %mul3A_609 : i32
      %get3A_611 = arith.index_cast %mul3A_610 : i32 to index
      %get3A_612 = tpu.vector_load %arg5[%get3A_611] {strides = array<i32>} : memref<16384xf32, #tpu.memory_space<vmem>>, vector<16xf32>,
      %get3A_613 = vector.shape_cast %get3A_612 : vector<16xf32> to vector<16xf32>
      %mul3A_614 = arith.constant 2.048000e+03 : f32
      %mul3A_615 = vector.broadcast %mul3A_614 : f32 to vector<16xf32>
      %mul3A_616 = arith.mulf %get3A_613, %mul3A_615 : vector<16xf32>
      %swap3A_617 = arith.index_cast %mul3A_610 : i32 to index
      %swap3A_618 = tpu.vector_load %arg5[%swap3A_617] {strides = array<i32>} : memref<16384xf32, #tpu.memory_space<vmem>>, vector<16xf32>,
      %swap3A_619 = vector.shape_cast %swap3A_618 : vector<16xf32> to vector<16xf32>
      %swap3A_620 = vector.shape_cast %mul3A_616 : vector<16xf32> to vector<16xf32>
      tpu.vector_store %arg5[%swap3A_617], %swap3A_620 {strides = array<i32>} : memref<16384xf32, #tpu.memory_space<vmem>>, vector<16xf32>,
      %scan3A_621 = arith.constant 3 : i32
      %scan3A_622 = arith.addi %scan3A_581, %scan3A_621 : i32
      %mul3A_623 = arith.constant 16 : i32
      %mul3A_624 = arith.muli %scan3A_622, %mul3A_623 : i32
      %get3A_625 = arith.index_cast %mul3A_624 : i32 to index
      %get3A_626 = tpu.vector_load %arg5[%get3A_625] {strides = array<i32>} : memref<16384xf32, #tpu.memory_space<vmem>>, vector<16xf32>,
      %get3A_627 = vector.shape_cast %get3A_626 : vector<16xf32> to vector<16xf32>
      %mul3A_628 = arith.constant 2.048000e+03 : f32
      %mul3A_629 = vector.broadcast %mul3A_628 : f32 to vector<16xf32>
      %mul3A_630 = arith.mulf %get3A_627, %mul3A_629 : vector<16xf32>
      %swap3A_631 = arith.index_cast %mul3A_624 : i32 to index
      %swap3A_632 = tpu.vector_load %arg5[%swap3A_631] {strides = array<i32>} : memref<16384xf32, #tpu.memory_space<vmem>>, vector<16xf32>,
      %swap3A_633 = vector.shape_cast %swap3A_632 : vector<16xf32> to vector<16xf32>
      %swap3A_634 = vector.shape_cast %mul3A_630 : vector<16xf32> to vector<16xf32>
      tpu.vector_store %arg5[%swap3A_631], %swap3A_634 {strides = array<i32>} : memref<16384xf32, #tpu.memory_space<vmem>>, vector<16xf32>,
      %scan3A_635 = arith.constant 4 : i32
      %scan3A_636 = arith.addi %scan3A_581, %scan3A_635 : i32
      %mul3A_637 = arith.constant 16 : i32
      %mul3A_638 = arith.muli %scan3A_636, %mul3A_637 : i32
      %get3A_639 = arith.index_cast %mul3A_638 : i32 to index
      %get3A_640 = tpu.vector_load %arg5[%get3A_639] {strides = array<i32>} : memref<16384xf32, #tpu.memory_space<vmem>>, vector<16xf32>,
      %get3A_641 = vector.shape_cast %get3A_640 : vector<16xf32> to vector<16xf32>
      %mul3A_642 = arith.constant 2.048000e+03 : f32
      %mul3A_643 = vector.broadcast %mul3A_642 : f32 to vector<16xf32>
      %mul3A_644 = arith.mulf %get3A_641, %mul3A_643 : vector<16xf32>
      %swap3A_645 = arith.index_cast %mul3A_638 : i32 to index
      %swap3A_646 = tpu.vector_load %arg5[%swap3A_645] {strides = array<i32>} : memref<16384xf32, #tpu.memory_space<vmem>>, vector<16xf32>,
      %swap3A_647 = vector.shape_cast %swap3A_646 : vector<16xf32> to vector<16xf32>
      %swap3A_648 = vector.shape_cast %mul3A_644 : vector<16xf32> to vector<16xf32>
      tpu.vector_store %arg5[%swap3A_645], %swap3A_648 {strides = array<i32>} : memref<16384xf32, #tpu.memory_space<vmem>>, vector<16xf32>,
      %scan3A_649 = arith.constant 5 : i32
      %scan3A_650 = arith.addi %scan3A_581, %scan3A_649 : i32
      %mul3A_651 = arith.constant 16 : i32
      %mul3A_652 = arith.muli %scan3A_650, %mul3A_651 : i32
      %get3A_653 = arith.index_cast %mul3A_652 : i32 to index
      %get3A_654 = tpu.vector_load %arg5[%get3A_653] {strides = array<i32>} : memref<16384xf32, #tpu.memory_space<vmem>>, vector<16xf32>,
      %get3A_655 = vector.shape_cast %get3A_654 : vector<16xf32> to vector<16xf32>
      %mul3A_656 = arith.constant 2.048000e+03 : f32
      %mul3A_657 = vector.broadcast %mul3A_656 : f32 to vector<16xf32>
      %mul3A_658 = arith.mulf %get3A_655, %mul3A_657 : vector<16xf32>
      %swap3A_659 = arith.index_cast %mul3A_652 : i32 to index
      %swap3A_660 = tpu.vector_load %arg5[%swap3A_659] {strides = array<i32>} : memref<16384xf32, #tpu.memory_space<vmem>>, vector<16xf32>,
      %swap3A_661 = vector.shape_cast %swap3A_660 : vector<16xf32> to vector<16xf32>
      %swap3A_662 = vector.shape_cast %mul3A_658 : vector<16xf32> to vector<16xf32>
      tpu.vector_store %arg5[%swap3A_659], %swap3A_662 {strides = array<i32>} : memref<16384xf32, #tpu.memory_space<vmem>>, vector<16xf32>,
      %scan3A_663 = arith.constant 6 : i32
      %scan3A_664 = arith.addi %scan3A_581, %scan3A_663 : i32
      %mul3A_665 = arith.constant 16 : i32
      %mul3A_666 = arith.muli %scan3A_664, %mul3A_665 : i32
      %get3A_667 = arith.index_cast %mul3A_666 : i32 to index
      %get3A_668 = tpu.vector_load %arg5[%get3A_667] {strides = array<i32>} : memref<16384xf32, #tpu.memory_space<vmem>>, vector<16xf32>,
      %get3A_669 = vector.shape_cast %get3A_668 : vector<16xf32> to vector<16xf32>
      %mul3A_670 = arith.constant 2.048000e+03 : f32
      %mul3A_671 = vector.broadcast %mul3A_670 : f32 to vector<16xf32>
      %mul3A_672 = arith.mulf %get3A_669, %mul3A_671 : vector<16xf32>
      %swap3A_673 = arith.index_cast %mul3A_666 : i32 to index
      %swap3A_674 = tpu.vector_load %arg5[%swap3A_673] {strides = array<i32>} : memref<16384xf32, #tpu.memory_space<vmem>>, vector<16xf32>,
      %swap3A_675 = vector.shape_cast %swap3A_674 : vector<16xf32> to vector<16xf32>
      %swap3A_676 = vector.shape_cast %mul3A_672 : vector<16xf32> to vector<16xf32>
      tpu.vector_store %arg5[%swap3A_673], %swap3A_676 {strides = array<i32>} : memref<16384xf32, #tpu.memory_space<vmem>>, vector<16xf32>,
      %scan3A_677 = arith.constant 7 : i32
      %scan3A_678 = arith.addi %scan3A_581, %scan3A_677 : i32
      %mul3A_679 = arith.constant 16 : i32
      %mul3A_680 = arith.muli %scan3A_678, %mul3A_679 : i32
      %get3A_681 = arith.index_cast %mul3A_680 : i32 to index
      %get3A_682 = tpu.vector_load %arg5[%get3A_681] {strides = array<i32>} : memref<16384xf32, #tpu.memory_space<vmem>>, vector<16xf32>,
      %get3A_683 = vector.shape_cast %get3A_682 : vector<16xf32> to vector<16xf32>
      %mul3A_684 = arith.constant 2.048000e+03 : f32
      %mul3A_685 = vector.broadcast %mul3A_684 : f32 to vector<16xf32>
      %mul3A_686 = arith.mulf %get3A_683, %mul3A_685 : vector<16xf32>
      %swap3A_687 = arith.index_cast %mul3A_680 : i32 to index
      %swap3A_688 = tpu.vector_load %arg5[%swap3A_687] {strides = array<i32>} : memref<16384xf32, #tpu.memory_space<vmem>>, vector<16xf32>,
      %swap3A_689 = vector.shape_cast %swap3A_688 : vector<16xf32> to vector<16xf32>
      %swap3A_690 = vector.shape_cast %mul3A_686 : vector<16xf32> to vector<16xf32>
      tpu.vector_store %arg5[%swap3A_687], %swap3A_690 {strides = array<i32>} : memref<16384xf32, #tpu.memory_space<vmem>>, vector<16xf32>,
    }
    %scan3A_521 = arith.constant 1024 : i32
    %add3A_522 = arith.constant 458752 : i32
    %add3A_523 = arith.addi %mul3A_2, %add3A_522 : i32
    %dma_start3A_524 = tpu.memref_slice %arg4[%add3A_523] : memref<16777216xf32, #tpu.memory_space<hbm>> -> memref<16384xf32, #tpu.memory_space<hbm>>
    %dma_start3A_525 = tpu.memref_slice %arg4[%add3A_523] : memref<16777216xf32, #tpu.memory_space<hbm>> -> memref<16384xf32, #tpu.memory_space<hbm>>
    tpu.enqueue_dma source(%arg5 : memref<16384xf32, #tpu.memory_space<vmem>>) target(%dma_start3A_525 : memref<16384xf32, #tpu.memory_space<hbm>>) target_semaphore(%arg15 : memref<!tpu.dma_semaphore, #tpu.memory_space<semaphore_mem>>)
    %dma_wait3A_526 = tpu.memref_slice %arg4[%add3A_505] : memref<16777216xf32, #tpu.memory_space<hbm>> -> memref<16384xf32, #tpu.memory_space<hbm>>
    %dma_wait3A_527 = tpu.memref_slice %arg4[%add3A_505] : memref<16777216xf32, #tpu.memory_space<hbm>> -> memref<16384xf32, #tpu.memory_space<hbm>>
    tpu.wait_dma2 semaphore(%arg18 : memref<!tpu.dma_semaphore, #tpu.memory_space<semaphore_mem>>) src(%arg8 : memref<16384xf32, #tpu.memory_space<vmem>>) dst(%dma_wait3A_527 : memref<16384xf32, #tpu.memory_space<hbm>>)
    %add3A_528 = arith.constant 507904 : i32
    %add3A_529 = arith.addi %mul3A_2, %add3A_528 : i32
    %dma_start3A_530 = tpu.memref_slice %arg2[%add3A_529] : memref<16777216xf32, #tpu.memory_space<hbm>> -> memref<16384xf32, #tpu.memory_space<hbm>>
    %dma_start3A_531 = tpu.memref_slice %arg2[%add3A_529] : memref<16777216xf32, #tpu.memory_space<hbm>> -> memref<16384xf32, #tpu.memory_space<hbm>>
    tpu.enqueue_dma source(%dma_start3A_531 : memref<16384xf32, #tpu.memory_space<hbm>>) target(%arg8 : memref<16384xf32, #tpu.memory_space<vmem>>) target_semaphore(%arg14 : memref<!tpu.dma_semaphore, #tpu.memory_space<semaphore_mem>>)
    %dma_wait3A_532 = tpu.memref_slice %arg2[%add3A_493] : memref<16777216xf32, #tpu.memory_space<hbm>> -> memref<16384xf32, #tpu.memory_space<hbm>>
    %dma_wait3A_533 = tpu.memref_slice %arg2[%add3A_493] : memref<16777216xf32, #tpu.memory_space<hbm>> -> memref<16384xf32, #tpu.memory_space<hbm>>
    tpu.wait_dma2 semaphore(%arg12 : memref<!tpu.dma_semaphore, #tpu.memory_space<semaphore_mem>>) src(%dma_wait3A_533 : memref<16384xf32, #tpu.memory_space<hbm>>) dst(%arg6 : memref<16384xf32, #tpu.memory_space<vmem>>)
    %scan3A_534 = arith.constant 0 : i32
    %scan3A_535 = arith.constant 0 : i32
    %scan3A_536 = arith.constant 1024 : i32
    %scan3A_537 = arith.addi %scan3A_535, %scan3A_536 : i32
    %scan3A_538 = arith.constant 8 : i32
    scf.for %scan3A_581 = %scan3A_535 to %scan3A_537 step %scan3A_538  : i32 {
      %mul3A_582 = arith.constant 16 : i32
      %mul3A_583 = arith.muli %scan3A_581, %mul3A_582 : i32
      %get3A_584 = arith.index_cast %mul3A_583 : i32 to index
      %get3A_585 = tpu.vector_load %arg6[%get3A_584] {strides = array<i32>} : memref<16384xf32, #tpu.memory_space<vmem>>, vector<16xf32>,
      %get3A_586 = vector.shape_cast %get3A_585 : vector<16xf32> to vector<16xf32>
      %mul3A_587 = arith.constant 2.048000e+03 : f32
      %mul3A_588 = vector.broadcast %mul3A_587 : f32 to vector<16xf32>
      %mul3A_589 = arith.mulf %get3A_586, %mul3A_588 : vector<16xf32>
      %swap3A = arith.index_cast %mul3A_583 : i32 to index
      %swap3A_590 = tpu.vector_load %arg6[%swap3A] {strides = array<i32>} : memref<16384xf32, #tpu.memory_space<vmem>>, vector<16xf32>,
      %swap3A_591 = vector.shape_cast %swap3A_590 : vector<16xf32> to vector<16xf32>
      %swap3A_592 = vector.shape_cast %mul3A_589 : vector<16xf32> to vector<16xf32>
      tpu.vector_store %arg6[%swap3A], %swap3A_592 {strides = array<i32>} : memref<16384xf32, #tpu.memory_space<vmem>>, vector<16xf32>,
      %scan3A_593 = arith.constant 1 : i32
      %scan3A_594 = arith.addi %scan3A_581, %scan3A_593 : i32
      %mul3A_595 = arith.constant 16 : i32
      %mul3A_596 = arith.muli %scan3A_594, %mul3A_595 : i32
      %get3A_597 = arith.index_cast %mul3A_596 : i32 to index
      %get3A_598 = tpu.vector_load %arg6[%get3A_597] {strides = array<i32>} : memref<16384xf32, #tpu.memory_space<vmem>>, vector<16xf32>,
      %get3A_599 = vector.shape_cast %get3A_598 : vector<16xf32> to vector<16xf32>
      %mul3A_600 = arith.constant 2.048000e+03 : f32
      %mul3A_601 = vector.broadcast %mul3A_600 : f32 to vector<16xf32>
      %mul3A_602 = arith.mulf %get3A_599, %mul3A_601 : vector<16xf32>
      %swap3A_603 = arith.index_cast %mul3A_596 : i32 to index
      %swap3A_604 = tpu.vector_load %arg6[%swap3A_603] {strides = array<i32>} : memref<16384xf32, #tpu.memory_space<vmem>>, vector<16xf32>,
      %swap3A_605 = vector.shape_cast %swap3A_604 : vector<16xf32> to vector<16xf32>
      %swap3A_606 = vector.shape_cast %mul3A_602 : vector<16xf32> to vector<16xf32>
      tpu.vector_store %arg6[%swap3A_603], %swap3A_606 {strides = array<i32>} : memref<16384xf32, #tpu.memory_space<vmem>>, vector<16xf32>,
      %scan3A_607 = arith.constant 2 : i32
      %scan3A_608 = arith.addi %scan3A_581, %scan3A_607 : i32
      %mul3A_609 = arith.constant 16 : i32
      %mul3A_610 = arith.muli %scan3A_608, %mul3A_609 : i32
      %get3A_611 = arith.index_cast %mul3A_610 : i32 to index
      %get3A_612 = tpu.vector_load %arg6[%get3A_611] {strides = array<i32>} : memref<16384xf32, #tpu.memory_space<vmem>>, vector<16xf32>,
      %get3A_613 = vector.shape_cast %get3A_612 : vector<16xf32> to vector<16xf32>
      %mul3A_614 = arith.constant 2.048000e+03 : f32
      %mul3A_615 = vector.broadcast %mul3A_614 : f32 to vector<16xf32>
      %mul3A_616 = arith.mulf %get3A_613, %mul3A_615 : vector<16xf32>
      %swap3A_617 = arith.index_cast %mul3A_610 : i32 to index
      %swap3A_618 = tpu.vector_load %arg6[%swap3A_617] {strides = array<i32>} : memref<16384xf32, #tpu.memory_space<vmem>>, vector<16xf32>,
      %swap3A_619 = vector.shape_cast %swap3A_618 : vector<16xf32> to vector<16xf32>
      %swap3A_620 = vector.shape_cast %mul3A_616 : vector<16xf32> to vector<16xf32>
      tpu.vector_store %arg6[%swap3A_617], %swap3A_620 {strides = array<i32>} : memref<16384xf32, #tpu.memory_space<vmem>>, vector<16xf32>,
      %scan3A_621 = arith.constant 3 : i32
      %scan3A_622 = arith.addi %scan3A_581, %scan3A_621 : i32
      %mul3A_623 = arith.constant 16 : i32
      %mul3A_624 = arith.muli %scan3A_622, %mul3A_623 : i32
      %get3A_625 = arith.index_cast %mul3A_624 : i32 to index
      %get3A_626 = tpu.vector_load %arg6[%get3A_625] {strides = array<i32>} : memref<16384xf32, #tpu.memory_space<vmem>>, vector<16xf32>,
      %get3A_627 = vector.shape_cast %get3A_626 : vector<16xf32> to vector<16xf32>
      %mul3A_628 = arith.constant 2.048000e+03 : f32
      %mul3A_629 = vector.broadcast %mul3A_628 : f32 to vector<16xf32>
      %mul3A_630 = arith.mulf %get3A_627, %mul3A_629 : vector<16xf32>
      %swap3A_631 = arith.index_cast %mul3A_624 : i32 to index
      %swap3A_632 = tpu.vector_load %arg6[%swap3A_631] {strides = array<i32>} : memref<16384xf32, #tpu.memory_space<vmem>>, vector<16xf32>,
      %swap3A_633 = vector.shape_cast %swap3A_632 : vector<16xf32> to vector<16xf32>
      %swap3A_634 = vector.shape_cast %mul3A_630 : vector<16xf32> to vector<16xf32>
      tpu.vector_store %arg6[%swap3A_631], %swap3A_634 {strides = array<i32>} : memref<16384xf32, #tpu.memory_space<vmem>>, vector<16xf32>,
      %scan3A_635 = arith.constant 4 : i32
      %scan3A_636 = arith.addi %scan3A_581, %scan3A_635 : i32
      %mul3A_637 = arith.constant 16 : i32
      %mul3A_638 = arith.muli %scan3A_636, %mul3A_637 : i32
      %get3A_639 = arith.index_cast %mul3A_638 : i32 to index
      %get3A_640 = tpu.vector_load %arg6[%get3A_639] {strides = array<i32>} : memref<16384xf32, #tpu.memory_space<vmem>>, vector<16xf32>,
      %get3A_641 = vector.shape_cast %get3A_640 : vector<16xf32> to vector<16xf32>
      %mul3A_642 = arith.constant 2.048000e+03 : f32
      %mul3A_643 = vector.broadcast %mul3A_642 : f32 to vector<16xf32>
      %mul3A_644 = arith.mulf %get3A_641, %mul3A_643 : vector<16xf32>
      %swap3A_645 = arith.index_cast %mul3A_638 : i32 to index
      %swap3A_646 = tpu.vector_load %arg6[%swap3A_645] {strides = array<i32>} : memref<16384xf32, #tpu.memory_space<vmem>>, vector<16xf32>,
      %swap3A_647 = vector.shape_cast %swap3A_646 : vector<16xf32> to vector<16xf32>
      %swap3A_648 = vector.shape_cast %mul3A_644 : vector<16xf32> to vector<16xf32>
      tpu.vector_store %arg6[%swap3A_645], %swap3A_648 {strides = array<i32>} : memref<16384xf32, #tpu.memory_space<vmem>>, vector<16xf32>,
      %scan3A_649 = arith.constant 5 : i32
      %scan3A_650 = arith.addi %scan3A_581, %scan3A_649 : i32
      %mul3A_651 = arith.constant 16 : i32
      %mul3A_652 = arith.muli %scan3A_650, %mul3A_651 : i32
      %get3A_653 = arith.index_cast %mul3A_652 : i32 to index
      %get3A_654 = tpu.vector_load %arg6[%get3A_653] {strides = array<i32>} : memref<16384xf32, #tpu.memory_space<vmem>>, vector<16xf32>,
      %get3A_655 = vector.shape_cast %get3A_654 : vector<16xf32> to vector<16xf32>
      %mul3A_656 = arith.constant 2.048000e+03 : f32
      %mul3A_657 = vector.broadcast %mul3A_656 : f32 to vector<16xf32>
      %mul3A_658 = arith.mulf %get3A_655, %mul3A_657 : vector<16xf32>
      %swap3A_659 = arith.index_cast %mul3A_652 : i32 to index
      %swap3A_660 = tpu.vector_load %arg6[%swap3A_659] {strides = array<i32>} : memref<16384xf32, #tpu.memory_space<vmem>>, vector<16xf32>,
      %swap3A_661 = vector.shape_cast %swap3A_660 : vector<16xf32> to vector<16xf32>
      %swap3A_662 = vector.shape_cast %mul3A_658 : vector<16xf32> to vector<16xf32>
      tpu.vector_store %arg6[%swap3A_659], %swap3A_662 {strides = array<i32>} : memref<16384xf32, #tpu.memory_space<vmem>>, vector<16xf32>,
      %scan3A_663 = arith.constant 6 : i32
      %scan3A_664 = arith.addi %scan3A_581, %scan3A_663 : i32
      %mul3A_665 = arith.constant 16 : i32
      %mul3A_666 = arith.muli %scan3A_664, %mul3A_665 : i32
      %get3A_667 = arith.index_cast %mul3A_666 : i32 to index
      %get3A_668 = tpu.vector_load %arg6[%get3A_667] {strides = array<i32>} : memref<16384xf32, #tpu.memory_space<vmem>>, vector<16xf32>,
      %get3A_669 = vector.shape_cast %get3A_668 : vector<16xf32> to vector<16xf32>
      %mul3A_670 = arith.constant 2.048000e+03 : f32
      %mul3A_671 = vector.broadcast %mul3A_670 : f32 to vector<16xf32>
      %mul3A_672 = arith.mulf %get3A_669, %mul3A_671 : vector<16xf32>
      %swap3A_673 = arith.index_cast %mul3A_666 : i32 to index
      %swap3A_674 = tpu.vector_load %arg6[%swap3A_673] {strides = array<i32>} : memref<16384xf32, #tpu.memory_space<vmem>>, vector<16xf32>,
      %swap3A_675 = vector.shape_cast %swap3A_674 : vector<16xf32> to vector<16xf32>
      %swap3A_676 = vector.shape_cast %mul3A_672 : vector<16xf32> to vector<16xf32>
      tpu.vector_store %arg6[%swap3A_673], %swap3A_676 {strides = array<i32>} : memref<16384xf32, #tpu.memory_space<vmem>>, vector<16xf32>,
      %scan3A_677 = arith.constant 7 : i32
      %scan3A_678 = arith.addi %scan3A_581, %scan3A_677 : i32
      %mul3A_679 = arith.constant 16 : i32
      %mul3A_680 = arith.muli %scan3A_678, %mul3A_679 : i32
      %get3A_681 = arith.index_cast %mul3A_680 : i32 to index
      %get3A_682 = tpu.vector_load %arg6[%get3A_681] {strides = array<i32>} : memref<16384xf32, #tpu.memory_space<vmem>>, vector<16xf32>,
      %get3A_683 = vector.shape_cast %get3A_682 : vector<16xf32> to vector<16xf32>
      %mul3A_684 = arith.constant 2.048000e+03 : f32
      %mul3A_685 = vector.broadcast %mul3A_684 : f32 to vector<16xf32>
      %mul3A_686 = arith.mulf %get3A_683, %mul3A_685 : vector<16xf32>
      %swap3A_687 = arith.index_cast %mul3A_680 : i32 to index
      %swap3A_688 = tpu.vector_load %arg6[%swap3A_687] {strides = array<i32>} : memref<16384xf32, #tpu.memory_space<vmem>>, vector<16xf32>,
      %swap3A_689 = vector.shape_cast %swap3A_688 : vector<16xf32> to vector<16xf32>
      %swap3A_690 = vector.shape_cast %mul3A_686 : vector<16xf32> to vector<16xf32>
      tpu.vector_store %arg6[%swap3A_687], %swap3A_690 {strides = array<i32>} : memref<16384xf32, #tpu.memory_space<vmem>>, vector<16xf32>,
    }
    %scan3A_539 = arith.constant 1024 : i32
    %add3A_540 = arith.constant 475136 : i32
    %add3A_541 = arith.addi %mul3A_2, %add3A_540 : i32
    %dma_start3A_542 = tpu.memref_slice %arg4[%add3A_541] : memref<16777216xf32, #tpu.memory_space<hbm>> -> memref<16384xf32, #tpu.memory_space<hbm>>
    %dma_start3A_543 = tpu.memref_slice %arg4[%add3A_541] : memref<16777216xf32, #tpu.memory_space<hbm>> -> memref<16384xf32, #tpu.memory_space<hbm>>
    tpu.enqueue_dma source(%arg6 : memref<16384xf32, #tpu.memory_space<vmem>>) target(%dma_start3A_543 : memref<16384xf32, #tpu.memory_space<hbm>>) target_semaphore(%arg16 : memref<!tpu.dma_semaphore, #tpu.memory_space<semaphore_mem>>)
    %dma_wait3A_544 = tpu.memref_slice %arg2[%add3A_511] : memref<16777216xf32, #tpu.memory_space<hbm>> -> memref<16384xf32, #tpu.memory_space<hbm>>
    %dma_wait3A_545 = tpu.memref_slice %arg2[%add3A_511] : memref<16777216xf32, #tpu.memory_space<hbm>> -> memref<16384xf32, #tpu.memory_space<hbm>>
    tpu.wait_dma2 semaphore(%arg13 : memref<!tpu.dma_semaphore, #tpu.memory_space<semaphore_mem>>) src(%dma_wait3A_545 : memref<16384xf32, #tpu.memory_space<hbm>>) dst(%arg7 : memref<16384xf32, #tpu.memory_space<vmem>>)
    %scan3A_546 = arith.constant 0 : i32
    %scan3A_547 = arith.constant 0 : i32
    %scan3A_548 = arith.constant 1024 : i32
    %scan3A_549 = arith.addi %scan3A_547, %scan3A_548 : i32
    %scan3A_550 = arith.constant 8 : i32
    scf.for %scan3A_581 = %scan3A_547 to %scan3A_549 step %scan3A_550  : i32 {
      %mul3A_582 = arith.constant 16 : i32
      %mul3A_583 = arith.muli %scan3A_581, %mul3A_582 : i32
      %get3A_584 = arith.index_cast %mul3A_583 : i32 to index
      %get3A_585 = tpu.vector_load %arg7[%get3A_584] {strides = array<i32>} : memref<16384xf32, #tpu.memory_space<vmem>>, vector<16xf32>,
      %get3A_586 = vector.shape_cast %get3A_585 : vector<16xf32> to vector<16xf32>
      %mul3A_587 = arith.constant 2.048000e+03 : f32
      %mul3A_588 = vector.broadcast %mul3A_587 : f32 to vector<16xf32>
      %mul3A_589 = arith.mulf %get3A_586, %mul3A_588 : vector<16xf32>
      %swap3A = arith.index_cast %mul3A_583 : i32 to index
      %swap3A_590 = tpu.vector_load %arg7[%swap3A] {strides = array<i32>} : memref<16384xf32, #tpu.memory_space<vmem>>, vector<16xf32>,
      %swap3A_591 = vector.shape_cast %swap3A_590 : vector<16xf32> to vector<16xf32>
      %swap3A_592 = vector.shape_cast %mul3A_589 : vector<16xf32> to vector<16xf32>
      tpu.vector_store %arg7[%swap3A], %swap3A_592 {strides = array<i32>} : memref<16384xf32, #tpu.memory_space<vmem>>, vector<16xf32>,
      %scan3A_593 = arith.constant 1 : i32
      %scan3A_594 = arith.addi %scan3A_581, %scan3A_593 : i32
      %mul3A_595 = arith.constant 16 : i32
      %mul3A_596 = arith.muli %scan3A_594, %mul3A_595 : i32
      %get3A_597 = arith.index_cast %mul3A_596 : i32 to index
      %get3A_598 = tpu.vector_load %arg7[%get3A_597] {strides = array<i32>} : memref<16384xf32, #tpu.memory_space<vmem>>, vector<16xf32>,
      %get3A_599 = vector.shape_cast %get3A_598 : vector<16xf32> to vector<16xf32>
      %mul3A_600 = arith.constant 2.048000e+03 : f32
      %mul3A_601 = vector.broadcast %mul3A_600 : f32 to vector<16xf32>
      %mul3A_602 = arith.mulf %get3A_599, %mul3A_601 : vector<16xf32>
      %swap3A_603 = arith.index_cast %mul3A_596 : i32 to index
      %swap3A_604 = tpu.vector_load %arg7[%swap3A_603] {strides = array<i32>} : memref<16384xf32, #tpu.memory_space<vmem>>, vector<16xf32>,
      %swap3A_605 = vector.shape_cast %swap3A_604 : vector<16xf32> to vector<16xf32>
      %swap3A_606 = vector.shape_cast %mul3A_602 : vector<16xf32> to vector<16xf32>
      tpu.vector_store %arg7[%swap3A_603], %swap3A_606 {strides = array<i32>} : memref<16384xf32, #tpu.memory_space<vmem>>, vector<16xf32>,
      %scan3A_607 = arith.constant 2 : i32
      %scan3A_608 = arith.addi %scan3A_581, %scan3A_607 : i32
      %mul3A_609 = arith.constant 16 : i32
      %mul3A_610 = arith.muli %scan3A_608, %mul3A_609 : i32
      %get3A_611 = arith.index_cast %mul3A_610 : i32 to index
      %get3A_612 = tpu.vector_load %arg7[%get3A_611] {strides = array<i32>} : memref<16384xf32, #tpu.memory_space<vmem>>, vector<16xf32>,
      %get3A_613 = vector.shape_cast %get3A_612 : vector<16xf32> to vector<16xf32>
      %mul3A_614 = arith.constant 2.048000e+03 : f32
      %mul3A_615 = vector.broadcast %mul3A_614 : f32 to vector<16xf32>
      %mul3A_616 = arith.mulf %get3A_613, %mul3A_615 : vector<16xf32>
      %swap3A_617 = arith.index_cast %mul3A_610 : i32 to index
      %swap3A_618 = tpu.vector_load %arg7[%swap3A_617] {strides = array<i32>} : memref<16384xf32, #tpu.memory_space<vmem>>, vector<16xf32>,
      %swap3A_619 = vector.shape_cast %swap3A_618 : vector<16xf32> to vector<16xf32>
      %swap3A_620 = vector.shape_cast %mul3A_616 : vector<16xf32> to vector<16xf32>
      tpu.vector_store %arg7[%swap3A_617], %swap3A_620 {strides = array<i32>} : memref<16384xf32, #tpu.memory_space<vmem>>, vector<16xf32>,
      %scan3A_621 = arith.constant 3 : i32
      %scan3A_622 = arith.addi %scan3A_581, %scan3A_621 : i32
      %mul3A_623 = arith.constant 16 : i32
      %mul3A_624 = arith.muli %scan3A_622, %mul3A_623 : i32
      %get3A_625 = arith.index_cast %mul3A_624 : i32 to index
      %get3A_626 = tpu.vector_load %arg7[%get3A_625] {strides = array<i32>} : memref<16384xf32, #tpu.memory_space<vmem>>, vector<16xf32>,
      %get3A_627 = vector.shape_cast %get3A_626 : vector<16xf32> to vector<16xf32>
      %mul3A_628 = arith.constant 2.048000e+03 : f32
      %mul3A_629 = vector.broadcast %mul3A_628 : f32 to vector<16xf32>
      %mul3A_630 = arith.mulf %get3A_627, %mul3A_629 : vector<16xf32>
      %swap3A_631 = arith.index_cast %mul3A_624 : i32 to index
      %swap3A_632 = tpu.vector_load %arg7[%swap3A_631] {strides = array<i32>} : memref<16384xf32, #tpu.memory_space<vmem>>, vector<16xf32>,
      %swap3A_633 = vector.shape_cast %swap3A_632 : vector<16xf32> to vector<16xf32>
      %swap3A_634 = vector.shape_cast %mul3A_630 : vector<16xf32> to vector<16xf32>
      tpu.vector_store %arg7[%swap3A_631], %swap3A_634 {strides = array<i32>} : memref<16384xf32, #tpu.memory_space<vmem>>, vector<16xf32>,
      %scan3A_635 = arith.constant 4 : i32
      %scan3A_636 = arith.addi %scan3A_581, %scan3A_635 : i32
      %mul3A_637 = arith.constant 16 : i32
      %mul3A_638 = arith.muli %scan3A_636, %mul3A_637 : i32
      %get3A_639 = arith.index_cast %mul3A_638 : i32 to index
      %get3A_640 = tpu.vector_load %arg7[%get3A_639] {strides = array<i32>} : memref<16384xf32, #tpu.memory_space<vmem>>, vector<16xf32>,
      %get3A_641 = vector.shape_cast %get3A_640 : vector<16xf32> to vector<16xf32>
      %mul3A_642 = arith.constant 2.048000e+03 : f32
      %mul3A_643 = vector.broadcast %mul3A_642 : f32 to vector<16xf32>
      %mul3A_644 = arith.mulf %get3A_641, %mul3A_643 : vector<16xf32>
      %swap3A_645 = arith.index_cast %mul3A_638 : i32 to index
      %swap3A_646 = tpu.vector_load %arg7[%swap3A_645] {strides = array<i32>} : memref<16384xf32, #tpu.memory_space<vmem>>, vector<16xf32>,
      %swap3A_647 = vector.shape_cast %swap3A_646 : vector<16xf32> to vector<16xf32>
      %swap3A_648 = vector.shape_cast %mul3A_644 : vector<16xf32> to vector<16xf32>
      tpu.vector_store %arg7[%swap3A_645], %swap3A_648 {strides = array<i32>} : memref<16384xf32, #tpu.memory_space<vmem>>, vector<16xf32>,
      %scan3A_649 = arith.constant 5 : i32
      %scan3A_650 = arith.addi %scan3A_581, %scan3A_649 : i32
      %mul3A_651 = arith.constant 16 : i32
      %mul3A_652 = arith.muli %scan3A_650, %mul3A_651 : i32
      %get3A_653 = arith.index_cast %mul3A_652 : i32 to index
      %get3A_654 = tpu.vector_load %arg7[%get3A_653] {strides = array<i32>} : memref<16384xf32, #tpu.memory_space<vmem>>, vector<16xf32>,
      %get3A_655 = vector.shape_cast %get3A_654 : vector<16xf32> to vector<16xf32>
      %mul3A_656 = arith.constant 2.048000e+03 : f32
      %mul3A_657 = vector.broadcast %mul3A_656 : f32 to vector<16xf32>
      %mul3A_658 = arith.mulf %get3A_655, %mul3A_657 : vector<16xf32>
      %swap3A_659 = arith.index_cast %mul3A_652 : i32 to index
      %swap3A_660 = tpu.vector_load %arg7[%swap3A_659] {strides = array<i32>} : memref<16384xf32, #tpu.memory_space<vmem>>, vector<16xf32>,
      %swap3A_661 = vector.shape_cast %swap3A_660 : vector<16xf32> to vector<16xf32>
      %swap3A_662 = vector.shape_cast %mul3A_658 : vector<16xf32> to vector<16xf32>
      tpu.vector_store %arg7[%swap3A_659], %swap3A_662 {strides = array<i32>} : memref<16384xf32, #tpu.memory_space<vmem>>, vector<16xf32>,
      %scan3A_663 = arith.constant 6 : i32
      %scan3A_664 = arith.addi %scan3A_581, %scan3A_663 : i32
      %mul3A_665 = arith.constant 16 : i32
      %mul3A_666 = arith.muli %scan3A_664, %mul3A_665 : i32
      %get3A_667 = arith.index_cast %mul3A_666 : i32 to index
      %get3A_668 = tpu.vector_load %arg7[%get3A_667] {strides = array<i32>} : memref<16384xf32, #tpu.memory_space<vmem>>, vector<16xf32>,
      %get3A_669 = vector.shape_cast %get3A_668 : vector<16xf32> to vector<16xf32>
      %mul3A_670 = arith.constant 2.048000e+03 : f32
      %mul3A_671 = vector.broadcast %mul3A_670 : f32 to vector<16xf32>
      %mul3A_672 = arith.mulf %get3A_669, %mul3A_671 : vector<16xf32>
      %swap3A_673 = arith.index_cast %mul3A_666 : i32 to index
      %swap3A_674 = tpu.vector_load %arg7[%swap3A_673] {strides = array<i32>} : memref<16384xf32, #tpu.memory_space<vmem>>, vector<16xf32>,
      %swap3A_675 = vector.shape_cast %swap3A_674 : vector<16xf32> to vector<16xf32>
      %swap3A_676 = vector.shape_cast %mul3A_672 : vector<16xf32> to vector<16xf32>
      tpu.vector_store %arg7[%swap3A_673], %swap3A_676 {strides = array<i32>} : memref<16384xf32, #tpu.memory_space<vmem>>, vector<16xf32>,
      %scan3A_677 = arith.constant 7 : i32
      %scan3A_678 = arith.addi %scan3A_581, %scan3A_677 : i32
      %mul3A_679 = arith.constant 16 : i32
      %mul3A_680 = arith.muli %scan3A_678, %mul3A_679 : i32
      %get3A_681 = arith.index_cast %mul3A_680 : i32 to index
      %get3A_682 = tpu.vector_load %arg7[%get3A_681] {strides = array<i32>} : memref<16384xf32, #tpu.memory_space<vmem>>, vector<16xf32>,
      %get3A_683 = vector.shape_cast %get3A_682 : vector<16xf32> to vector<16xf32>
      %mul3A_684 = arith.constant 2.048000e+03 : f32
      %mul3A_685 = vector.broadcast %mul3A_684 : f32 to vector<16xf32>
      %mul3A_686 = arith.mulf %get3A_683, %mul3A_685 : vector<16xf32>
      %swap3A_687 = arith.index_cast %mul3A_680 : i32 to index
      %swap3A_688 = tpu.vector_load %arg7[%swap3A_687] {strides = array<i32>} : memref<16384xf32, #tpu.memory_space<vmem>>, vector<16xf32>,
      %swap3A_689 = vector.shape_cast %swap3A_688 : vector<16xf32> to vector<16xf32>
      %swap3A_690 = vector.shape_cast %mul3A_686 : vector<16xf32> to vector<16xf32>
      tpu.vector_store %arg7[%swap3A_687], %swap3A_690 {strides = array<i32>} : memref<16384xf32, #tpu.memory_space<vmem>>, vector<16xf32>,
    }
    %scan3A_551 = arith.constant 1024 : i32
    %add3A_552 = arith.constant 491520 : i32
    %add3A_553 = arith.addi %mul3A_2, %add3A_552 : i32
    %dma_start3A_554 = tpu.memref_slice %arg4[%add3A_553] : memref<16777216xf32, #tpu.memory_space<hbm>> -> memref<16384xf32, #tpu.memory_space<hbm>>
    %dma_start3A_555 = tpu.memref_slice %arg4[%add3A_553] : memref<16777216xf32, #tpu.memory_space<hbm>> -> memref<16384xf32, #tpu.memory_space<hbm>>
    tpu.enqueue_dma source(%arg7 : memref<16384xf32, #tpu.memory_space<vmem>>) target(%dma_start3A_555 : memref<16384xf32, #tpu.memory_space<hbm>>) target_semaphore(%arg17 : memref<!tpu.dma_semaphore, #tpu.memory_space<semaphore_mem>>)
    %dma_wait3A_556 = tpu.memref_slice %arg2[%add3A_529] : memref<16777216xf32, #tpu.memory_space<hbm>> -> memref<16384xf32, #tpu.memory_space<hbm>>
    %dma_wait3A_557 = tpu.memref_slice %arg2[%add3A_529] : memref<16777216xf32, #tpu.memory_space<hbm>> -> memref<16384xf32, #tpu.memory_space<hbm>>
    tpu.wait_dma2 semaphore(%arg14 : memref<!tpu.dma_semaphore, #tpu.memory_space<semaphore_mem>>) src(%dma_wait3A_557 : memref<16384xf32, #tpu.memory_space<hbm>>) dst(%arg8 : memref<16384xf32, #tpu.memory_space<vmem>>)
    %scan3A_558 = arith.constant 0 : i32
    %scan3A_559 = arith.constant 0 : i32
    %scan3A_560 = arith.constant 1024 : i32
    %scan3A_561 = arith.addi %scan3A_559, %scan3A_560 : i32
    %scan3A_562 = arith.constant 8 : i32
    scf.for %scan3A_581 = %scan3A_559 to %scan3A_561 step %scan3A_562  : i32 {
      %mul3A_582 = arith.constant 16 : i32
      %mul3A_583 = arith.muli %scan3A_581, %mul3A_582 : i32
      %get3A_584 = arith.index_cast %mul3A_583 : i32 to index
      %get3A_585 = tpu.vector_load %arg8[%get3A_584] {strides = array<i32>} : memref<16384xf32, #tpu.memory_space<vmem>>, vector<16xf32>,
      %get3A_586 = vector.shape_cast %get3A_585 : vector<16xf32> to vector<16xf32>
      %mul3A_587 = arith.constant 2.048000e+03 : f32
      %mul3A_588 = vector.broadcast %mul3A_587 : f32 to vector<16xf32>
      %mul3A_589 = arith.mulf %get3A_586, %mul3A_588 : vector<16xf32>
      %swap3A = arith.index_cast %mul3A_583 : i32 to index
      %swap3A_590 = tpu.vector_load %arg8[%swap3A] {strides = array<i32>} : memref<16384xf32, #tpu.memory_space<vmem>>, vector<16xf32>,
      %swap3A_591 = vector.shape_cast %swap3A_590 : vector<16xf32> to vector<16xf32>
      %swap3A_592 = vector.shape_cast %mul3A_589 : vector<16xf32> to vector<16xf32>
      tpu.vector_store %arg8[%swap3A], %swap3A_592 {strides = array<i32>} : memref<16384xf32, #tpu.memory_space<vmem>>, vector<16xf32>,
      %scan3A_593 = arith.constant 1 : i32
      %scan3A_594 = arith.addi %scan3A_581, %scan3A_593 : i32
      %mul3A_595 = arith.constant 16 : i32
      %mul3A_596 = arith.muli %scan3A_594, %mul3A_595 : i32
      %get3A_597 = arith.index_cast %mul3A_596 : i32 to index
      %get3A_598 = tpu.vector_load %arg8[%get3A_597] {strides = array<i32>} : memref<16384xf32, #tpu.memory_space<vmem>>, vector<16xf32>,
      %get3A_599 = vector.shape_cast %get3A_598 : vector<16xf32> to vector<16xf32>
      %mul3A_600 = arith.constant 2.048000e+03 : f32
      %mul3A_601 = vector.broadcast %mul3A_600 : f32 to vector<16xf32>
      %mul3A_602 = arith.mulf %get3A_599, %mul3A_601 : vector<16xf32>
      %swap3A_603 = arith.index_cast %mul3A_596 : i32 to index
      %swap3A_604 = tpu.vector_load %arg8[%swap3A_603] {strides = array<i32>} : memref<16384xf32, #tpu.memory_space<vmem>>, vector<16xf32>,
      %swap3A_605 = vector.shape_cast %swap3A_604 : vector<16xf32> to vector<16xf32>
      %swap3A_606 = vector.shape_cast %mul3A_602 : vector<16xf32> to vector<16xf32>
      tpu.vector_store %arg8[%swap3A_603], %swap3A_606 {strides = array<i32>} : memref<16384xf32, #tpu.memory_space<vmem>>, vector<16xf32>,
      %scan3A_607 = arith.constant 2 : i32
      %scan3A_608 = arith.addi %scan3A_581, %scan3A_607 : i32
      %mul3A_609 = arith.constant 16 : i32
      %mul3A_610 = arith.muli %scan3A_608, %mul3A_609 : i32
      %get3A_611 = arith.index_cast %mul3A_610 : i32 to index
      %get3A_612 = tpu.vector_load %arg8[%get3A_611] {strides = array<i32>} : memref<16384xf32, #tpu.memory_space<vmem>>, vector<16xf32>,
      %get3A_613 = vector.shape_cast %get3A_612 : vector<16xf32> to vector<16xf32>
      %mul3A_614 = arith.constant 2.048000e+03 : f32
      %mul3A_615 = vector.broadcast %mul3A_614 : f32 to vector<16xf32>
      %mul3A_616 = arith.mulf %get3A_613, %mul3A_615 : vector<16xf32>
      %swap3A_617 = arith.index_cast %mul3A_610 : i32 to index
      %swap3A_618 = tpu.vector_load %arg8[%swap3A_617] {strides = array<i32>} : memref<16384xf32, #tpu.memory_space<vmem>>, vector<16xf32>,
      %swap3A_619 = vector.shape_cast %swap3A_618 : vector<16xf32> to vector<16xf32>
      %swap3A_620 = vector.shape_cast %mul3A_616 : vector<16xf32> to vector<16xf32>
      tpu.vector_store %arg8[%swap3A_617], %swap3A_620 {strides = array<i32>} : memref<16384xf32, #tpu.memory_space<vmem>>, vector<16xf32>,
      %scan3A_621 = arith.constant 3 : i32
      %scan3A_622 = arith.addi %scan3A_581, %scan3A_621 : i32
      %mul3A_623 = arith.constant 16 : i32
      %mul3A_624 = arith.muli %scan3A_622, %mul3A_623 : i32
      %get3A_625 = arith.index_cast %mul3A_624 : i32 to index
      %get3A_626 = tpu.vector_load %arg8[%get3A_625] {strides = array<i32>} : memref<16384xf32, #tpu.memory_space<vmem>>, vector<16xf32>,
      %get3A_627 = vector.shape_cast %get3A_626 : vector<16xf32> to vector<16xf32>
      %mul3A_628 = arith.constant 2.048000e+03 : f32
      %mul3A_629 = vector.broadcast %mul3A_628 : f32 to vector<16xf32>
      %mul3A_630 = arith.mulf %get3A_627, %mul3A_629 : vector<16xf32>
      %swap3A_631 = arith.index_cast %mul3A_624 : i32 to index
      %swap3A_632 = tpu.vector_load %arg8[%swap3A_631] {strides = array<i32>} : memref<16384xf32, #tpu.memory_space<vmem>>, vector<16xf32>,
      %swap3A_633 = vector.shape_cast %swap3A_632 : vector<16xf32> to vector<16xf32>
      %swap3A_634 = vector.shape_cast %mul3A_630 : vector<16xf32> to vector<16xf32>
      tpu.vector_store %arg8[%swap3A_631], %swap3A_634 {strides = array<i32>} : memref<16384xf32, #tpu.memory_space<vmem>>, vector<16xf32>,
      %scan3A_635 = arith.constant 4 : i32
      %scan3A_636 = arith.addi %scan3A_581, %scan3A_635 : i32
      %mul3A_637 = arith.constant 16 : i32
      %mul3A_638 = arith.muli %scan3A_636, %mul3A_637 : i32
      %get3A_639 = arith.index_cast %mul3A_638 : i32 to index
      %get3A_640 = tpu.vector_load %arg8[%get3A_639] {strides = array<i32>} : memref<16384xf32, #tpu.memory_space<vmem>>, vector<16xf32>,
      %get3A_641 = vector.shape_cast %get3A_640 : vector<16xf32> to vector<16xf32>
      %mul3A_642 = arith.constant 2.048000e+03 : f32
      %mul3A_643 = vector.broadcast %mul3A_642 : f32 to vector<16xf32>
      %mul3A_644 = arith.mulf %get3A_641, %mul3A_643 : vector<16xf32>
      %swap3A_645 = arith.index_cast %mul3A_638 : i32 to index
      %swap3A_646 = tpu.vector_load %arg8[%swap3A_645] {strides = array<i32>} : memref<16384xf32, #tpu.memory_space<vmem>>, vector<16xf32>,
      %swap3A_647 = vector.shape_cast %swap3A_646 : vector<16xf32> to vector<16xf32>
      %swap3A_648 = vector.shape_cast %mul3A_644 : vector<16xf32> to vector<16xf32>
      tpu.vector_store %arg8[%swap3A_645], %swap3A_648 {strides = array<i32>} : memref<16384xf32, #tpu.memory_space<vmem>>, vector<16xf32>,
      %scan3A_649 = arith.constant 5 : i32
      %scan3A_650 = arith.addi %scan3A_581, %scan3A_649 : i32
      %mul3A_651 = arith.constant 16 : i32
      %mul3A_652 = arith.muli %scan3A_650, %mul3A_651 : i32
      %get3A_653 = arith.index_cast %mul3A_652 : i32 to index
      %get3A_654 = tpu.vector_load %arg8[%get3A_653] {strides = array<i32>} : memref<16384xf32, #tpu.memory_space<vmem>>, vector<16xf32>,
      %get3A_655 = vector.shape_cast %get3A_654 : vector<16xf32> to vector<16xf32>
      %mul3A_656 = arith.constant 2.048000e+03 : f32
      %mul3A_657 = vector.broadcast %mul3A_656 : f32 to vector<16xf32>
      %mul3A_658 = arith.mulf %get3A_655, %mul3A_657 : vector<16xf32>
      %swap3A_659 = arith.index_cast %mul3A_652 : i32 to index
      %swap3A_660 = tpu.vector_load %arg8[%swap3A_659] {strides = array<i32>} : memref<16384xf32, #tpu.memory_space<vmem>>, vector<16xf32>,
      %swap3A_661 = vector.shape_cast %swap3A_660 : vector<16xf32> to vector<16xf32>
      %swap3A_662 = vector.shape_cast %mul3A_658 : vector<16xf32> to vector<16xf32>
      tpu.vector_store %arg8[%swap3A_659], %swap3A_662 {strides = array<i32>} : memref<16384xf32, #tpu.memory_space<vmem>>, vector<16xf32>,
      %scan3A_663 = arith.constant 6 : i32
      %scan3A_664 = arith.addi %scan3A_581, %scan3A_663 : i32
      %mul3A_665 = arith.constant 16 : i32
      %mul3A_666 = arith.muli %scan3A_664, %mul3A_665 : i32
      %get3A_667 = arith.index_cast %mul3A_666 : i32 to index
      %get3A_668 = tpu.vector_load %arg8[%get3A_667] {strides = array<i32>} : memref<16384xf32, #tpu.memory_space<vmem>>, vector<16xf32>,
      %get3A_669 = vector.shape_cast %get3A_668 : vector<16xf32> to vector<16xf32>
      %mul3A_670 = arith.constant 2.048000e+03 : f32
      %mul3A_671 = vector.broadcast %mul3A_670 : f32 to vector<16xf32>
      %mul3A_672 = arith.mulf %get3A_669, %mul3A_671 : vector<16xf32>
      %swap3A_673 = arith.index_cast %mul3A_666 : i32 to index
      %swap3A_674 = tpu.vector_load %arg8[%swap3A_673] {strides = array<i32>} : memref<16384xf32, #tpu.memory_space<vmem>>, vector<16xf32>,
      %swap3A_675 = vector.shape_cast %swap3A_674 : vector<16xf32> to vector<16xf32>
      %swap3A_676 = vector.shape_cast %mul3A_672 : vector<16xf32> to vector<16xf32>
      tpu.vector_store %arg8[%swap3A_673], %swap3A_676 {strides = array<i32>} : memref<16384xf32, #tpu.memory_space<vmem>>, vector<16xf32>,
      %scan3A_677 = arith.constant 7 : i32
      %scan3A_678 = arith.addi %scan3A_581, %scan3A_677 : i32
      %mul3A_679 = arith.constant 16 : i32
      %mul3A_680 = arith.muli %scan3A_678, %mul3A_679 : i32
      %get3A_681 = arith.index_cast %mul3A_680 : i32 to index
      %get3A_682 = tpu.vector_load %arg8[%get3A_681] {strides = array<i32>} : memref<16384xf32, #tpu.memory_space<vmem>>, vector<16xf32>,
      %get3A_683 = vector.shape_cast %get3A_682 : vector<16xf32> to vector<16xf32>
      %mul3A_684 = arith.constant 2.048000e+03 : f32
      %mul3A_685 = vector.broadcast %mul3A_684 : f32 to vector<16xf32>
      %mul3A_686 = arith.mulf %get3A_683, %mul3A_685 : vector<16xf32>
      %swap3A_687 = arith.index_cast %mul3A_680 : i32 to index
      %swap3A_688 = tpu.vector_load %arg8[%swap3A_687] {strides = array<i32>} : memref<16384xf32, #tpu.memory_space<vmem>>, vector<16xf32>,
      %swap3A_689 = vector.shape_cast %swap3A_688 : vector<16xf32> to vector<16xf32>
      %swap3A_690 = vector.shape_cast %mul3A_686 : vector<16xf32> to vector<16xf32>
      tpu.vector_store %arg8[%swap3A_687], %swap3A_690 {strides = array<i32>} : memref<16384xf32, #tpu.memory_space<vmem>>, vector<16xf32>,
    }
    %scan3A_563 = arith.constant 1024 : i32
    %add3A_564 = arith.constant 507904 : i32
    %add3A_565 = arith.addi %mul3A_2, %add3A_564 : i32
    %dma_start3A_566 = tpu.memref_slice %arg4[%add3A_565] : memref<16777216xf32, #tpu.memory_space<hbm>> -> memref<16384xf32, #tpu.memory_space<hbm>>
    %dma_start3A_567 = tpu.memref_slice %arg4[%add3A_565] : memref<16777216xf32, #tpu.memory_space<hbm>> -> memref<16384xf32, #tpu.memory_space<hbm>>
    tpu.enqueue_dma source(%arg8 : memref<16384xf32, #tpu.memory_space<vmem>>) target(%dma_start3A_567 : memref<16384xf32, #tpu.memory_space<hbm>>) target_semaphore(%arg18 : memref<!tpu.dma_semaphore, #tpu.memory_space<semaphore_mem>>)
    %dma_wait3A_568 = tpu.memref_slice %arg4[%add3A_523] : memref<16777216xf32, #tpu.memory_space<hbm>> -> memref<16384xf32, #tpu.memory_space<hbm>>
    %dma_wait3A_569 = tpu.memref_slice %arg4[%add3A_523] : memref<16777216xf32, #tpu.memory_space<hbm>> -> memref<16384xf32, #tpu.memory_space<hbm>>
    tpu.wait_dma2 semaphore(%arg15 : memref<!tpu.dma_semaphore, #tpu.memory_space<semaphore_mem>>) src(%arg5 : memref<16384xf32, #tpu.memory_space<vmem>>) dst(%dma_wait3A_569 : memref<16384xf32, #tpu.memory_space<hbm>>)
    %dma_wait3A_570 = tpu.memref_slice %arg4[%add3A_541] : memref<16777216xf32, #tpu.memory_space<hbm>> -> memref<16384xf32, #tpu.memory_space<hbm>>
    %dma_wait3A_571 = tpu.memref_slice %arg4[%add3A_541] : memref<16777216xf32, #tpu.memory_space<hbm>> -> memref<16384xf32, #tpu.memory_space<hbm>>
    tpu.wait_dma2 semaphore(%arg16 : memref<!tpu.dma_semaphore, #tpu.memory_space<semaphore_mem>>) src(%arg6 : memref<16384xf32, #tpu.memory_space<vmem>>) dst(%dma_wait3A_571 : memref<16384xf32, #tpu.memory_space<hbm>>)
    %dma_wait3A_572 = tpu.memref_slice %arg4[%add3A_553] : memref<16777216xf32, #tpu.memory_space<hbm>> -> memref<16384xf32, #tpu.memory_space<hbm>>
    %dma_wait3A_573 = tpu.memref_slice %arg4[%add3A_553] : memref<16777216xf32, #tpu.memory_space<hbm>> -> memref<16384xf32, #tpu.memory_space<hbm>>
    tpu.wait_dma2 semaphore(%arg17 : memref<!tpu.dma_semaphore, #tpu.memory_space<semaphore_mem>>) src(%arg7 : memref<16384xf32, #tpu.memory_space<vmem>>) dst(%dma_wait3A_573 : memref<16384xf32, #tpu.memory_space<hbm>>)
    %dma_wait3A_574 = tpu.memref_slice %arg4[%add3A_565] : memref<16777216xf32, #tpu.memory_space<hbm>> -> memref<16384xf32, #tpu.memory_space<hbm>>
    %dma_wait3A_575 = tpu.memref_slice %arg4[%add3A_565] : memref<16777216xf32, #tpu.memory_space<hbm>> -> memref<16384xf32, #tpu.memory_space<hbm>>
    tpu.wait_dma2 semaphore(%arg18 : memref<!tpu.dma_semaphore, #tpu.memory_space<semaphore_mem>>) src(%arg8 : memref<16384xf32, #tpu.memory_space<vmem>>) dst(%dma_wait3A_575 : memref<16384xf32, #tpu.memory_space<hbm>>)
    "tpu.region"() ({
      %run_scoped3A = tpu.sem_alloc : memref<!tpu.dma_semaphore, #tpu.memory_space<semaphore_mem>>
      tpu.enqueue_dma source(%arg3 : memref<16xi32, #tpu.memory_space<hbm>>) target(%arg9 : memref<16xi32, #tpu.memory_space<vmem>>) target_semaphore(%run_scoped3A : memref<!tpu.dma_semaphore, #tpu.memory_space<semaphore_mem>>)
      tpu.wait_dma2 semaphore(%run_scoped3A : memref<!tpu.dma_semaphore, #tpu.memory_space<semaphore_mem>>) src(%arg3 : memref<16xi32, #tpu.memory_space<hbm>>) dst(%arg9 : memref<16xi32, #tpu.memory_space<vmem>>)
      tpu.yield
    }) : () -> ()
    %get3A = arith.constant 0 : index
    %get3A_576 = tpu.vector_load %arg9[%get3A] {strides = array<i32>} : memref<16xi32, #tpu.memory_space<vmem>>, vector<16xi32>,
    %get3A_577 = vector.shape_cast %get3A_576 : vector<16xi32> to vector<16xi32>
    %slice3A = vector.extract_strided_slice %get3A_577 {offsets = [0], sizes = [1], strides = [1]} : vector<16xi32> to vector<1xi32>
    %squeeze3A = vector.extract %slice3A[0] : i32 from vector<1xi32>
    %ge3A = arith.cmpi sge, %squeeze3A, %mul3A_2 : i32
    %add3A_578 = arith.constant 524288 : i32
    %add3A_579 = arith.addi %mul3A_2, %add3A_578 : i32
    %lt3A = arith.cmpi slt, %squeeze3A, %add3A_579 : i32
    %and3A = arith.andi %ge3A, %lt3A : i1
    %convert_element_type3A = arith.extui %and3A : i1 to i32
    %cond3A = arith.constant 0 : i32
    %cond3A_580 = arith.cmpi ne, %convert_element_type3A, %cond3A : i32
    scf.if %cond3A_580 {
      %add3A_581 = arith.constant 0 : i32
      %add3A_582 = vector.broadcast %add3A_581 : i32 to vector<16xi32>
      %add3A_583 = arith.addi %get3A_577, %add3A_582 : vector<16xi32>
      %add3A_584 = arith.constant 0 : i32
      %add3A_585 = arith.addi %squeeze3A, %add3A_584 : i32
      %and3A_586 = arith.constant -16 : i32
      %and3A_587 = arith.andi %add3A_585, %and3A_586 : i32
      %multiple_of3A = tpu.assume_multiple %and3A_587, 16 : i32
      "tpu.region"() ({
        %run_scoped3A = tpu.sem_alloc : memref<!tpu.dma_semaphore, #tpu.memory_space<semaphore_mem>>
        %dma_start3A_628 = tpu.memref_slice %arg2[%multiple_of3A] : memref<16777216xf32, #tpu.memory_space<hbm>> -> memref<16xf32, #tpu.memory_space<hbm>>
        %dma_start3A_629 = tpu.memref_slice %arg2[%multiple_of3A] : memref<16777216xf32, #tpu.memory_space<hbm>> -> memref<16xf32, #tpu.memory_space<hbm>>
        tpu.enqueue_dma source(%dma_start3A_629 : memref<16xf32, #tpu.memory_space<hbm>>) target(%arg10 : memref<16xf32, #tpu.memory_space<vmem>>) target_semaphore(%run_scoped3A : memref<!tpu.dma_semaphore, #tpu.memory_space<semaphore_mem>>)
        %dma_wait3A_630 = tpu.memref_slice %arg2[%multiple_of3A] : memref<16777216xf32, #tpu.memory_space<hbm>> -> memref<16xf32, #tpu.memory_space<hbm>>
        %dma_wait3A_631 = tpu.memref_slice %arg2[%multiple_of3A] : memref<16777216xf32, #tpu.memory_space<hbm>> -> memref<16xf32, #tpu.memory_space<hbm>>
        tpu.wait_dma2 semaphore(%run_scoped3A : memref<!tpu.dma_semaphore, #tpu.memory_space<semaphore_mem>>) src(%dma_wait3A_631 : memref<16xf32, #tpu.memory_space<hbm>>) dst(%arg10 : memref<16xf32, #tpu.memory_space<vmem>>)
        tpu.yield
      }) : () -> ()
      %iota3A = tpu.iota {dimensions = array<i32: 0>} : vector<16xi32>
      %and3A_588 = arith.constant -16 : i32
      %and3A_589 = vector.broadcast %and3A_588 : i32 to vector<16xi32>
      %and3A_590 = arith.andi %add3A_583, %and3A_589 : vector<16xi32>
      %add3A_591 = arith.addi %iota3A, %and3A_590 : vector<16xi32>
      %get3A_592 = arith.constant 0 : index
      %get3A_593 = tpu.vector_load %arg10[%get3A_592] {strides = array<i32>} : memref<16xf32, #tpu.memory_space<vmem>>, vector<16xf32>,
      %get3A_594 = vector.shape_cast %get3A_593 : vector<16xf32> to vector<16xf32>
      %mul3A_595 = arith.constant 2.048000e+03 : f32
      %mul3A_596 = vector.broadcast %mul3A_595 : f32 to vector<16xf32>
      %mul3A_597 = arith.mulf %get3A_594, %mul3A_596 : vector<16xf32>
      %eq3A = arith.cmpi eq, %add3A_591, %add3A_583 : vector<16xi32>
      %jit3A = arith.constant 0.000000e+00 : f32
      %broadcast_in_dim3A = vector.broadcast %jit3A : f32 to vector<16xf32>
      %select_n3A = arith.select %eq3A, %broadcast_in_dim3A, %mul3A_597 : vector<16xi1>, vector<16xf32>
      %swap3A = arith.constant 0 : index
      %swap3A_598 = tpu.vector_load %arg10[%swap3A] {strides = array<i32>} : memref<16xf32, #tpu.memory_space<vmem>>, vector<16xf32>,
      %swap3A_599 = vector.shape_cast %swap3A_598 : vector<16xf32> to vector<16xf32>
      %swap3A_600 = vector.shape_cast %select_n3A : vector<16xf32> to vector<16xf32>
      tpu.vector_store %arg10[%swap3A], %swap3A_600 {strides = array<i32>} : memref<16xf32, #tpu.memory_space<vmem>>, vector<16xf32>,
      "tpu.region"() ({
        %run_scoped3A = tpu.sem_alloc : memref<!tpu.dma_semaphore, #tpu.memory_space<semaphore_mem>>
        %dma_start3A_628 = tpu.memref_slice %arg4[%multiple_of3A] : memref<16777216xf32, #tpu.memory_space<hbm>> -> memref<16xf32, #tpu.memory_space<hbm>>
        %dma_start3A_629 = tpu.memref_slice %arg4[%multiple_of3A] : memref<16777216xf32, #tpu.memory_space<hbm>> -> memref<16xf32, #tpu.memory_space<hbm>>
        tpu.enqueue_dma source(%arg10 : memref<16xf32, #tpu.memory_space<vmem>>) target(%dma_start3A_629 : memref<16xf32, #tpu.memory_space<hbm>>) target_semaphore(%run_scoped3A : memref<!tpu.dma_semaphore, #tpu.memory_space<semaphore_mem>>)
        %dma_wait3A_630 = tpu.memref_slice %arg4[%multiple_of3A] : memref<16777216xf32, #tpu.memory_space<hbm>> -> memref<16xf32, #tpu.memory_space<hbm>>
        %dma_wait3A_631 = tpu.memref_slice %arg4[%multiple_of3A] : memref<16777216xf32, #tpu.memory_space<hbm>> -> memref<16xf32, #tpu.memory_space<hbm>>
        tpu.wait_dma2 semaphore(%run_scoped3A : memref<!tpu.dma_semaphore, #tpu.memory_space<semaphore_mem>>) src(%arg10 : memref<16xf32, #tpu.memory_space<vmem>>) dst(%dma_wait3A_631 : memref<16xf32, #tpu.memory_space<hbm>>)
        tpu.yield
      }) : () -> ()
      %add3A_601 = arith.constant 128 : i32
      %add3A_602 = vector.broadcast %add3A_601 : i32 to vector<16xi32>
      %add3A_603 = arith.addi %get3A_577, %add3A_602 : vector<16xi32>
      %add3A_604 = arith.constant 128 : i32
      %add3A_605 = arith.addi %squeeze3A, %add3A_604 : i32
      %and3A_606 = arith.constant -16 : i32
      %and3A_607 = arith.andi %add3A_605, %and3A_606 : i32
      %multiple_of3A_608 = tpu.assume_multiple %and3A_607, 16 : i32
      "tpu.region"() ({
        %run_scoped3A = tpu.sem_alloc : memref<!tpu.dma_semaphore, #tpu.memory_space<semaphore_mem>>
        %dma_start3A_628 = tpu.memref_slice %arg2[%multiple_of3A_608] : memref<16777216xf32, #tpu.memory_space<hbm>> -> memref<16xf32, #tpu.memory_space<hbm>>
        %dma_start3A_629 = tpu.memref_slice %arg2[%multiple_of3A_608] : memref<16777216xf32, #tpu.memory_space<hbm>> -> memref<16xf32, #tpu.memory_space<hbm>>
        tpu.enqueue_dma source(%dma_start3A_629 : memref<16xf32, #tpu.memory_space<hbm>>) target(%arg10 : memref<16xf32, #tpu.memory_space<vmem>>) target_semaphore(%run_scoped3A : memref<!tpu.dma_semaphore, #tpu.memory_space<semaphore_mem>>)
        %dma_wait3A_630 = tpu.memref_slice %arg2[%multiple_of3A_608] : memref<16777216xf32, #tpu.memory_space<hbm>> -> memref<16xf32, #tpu.memory_space<hbm>>
        %dma_wait3A_631 = tpu.memref_slice %arg2[%multiple_of3A_608] : memref<16777216xf32, #tpu.memory_space<hbm>> -> memref<16xf32, #tpu.memory_space<hbm>>
        tpu.wait_dma2 semaphore(%run_scoped3A : memref<!tpu.dma_semaphore, #tpu.memory_space<semaphore_mem>>) src(%dma_wait3A_631 : memref<16xf32, #tpu.memory_space<hbm>>) dst(%arg10 : memref<16xf32, #tpu.memory_space<vmem>>)
        tpu.yield
      }) : () -> ()
      %iota3A_609 = tpu.iota {dimensions = array<i32: 0>} : vector<16xi32>
      %and3A_610 = arith.constant -16 : i32
      %and3A_611 = vector.broadcast %and3A_610 : i32 to vector<16xi32>
      %and3A_612 = arith.andi %add3A_603, %and3A_611 : vector<16xi32>
      %add3A_613 = arith.addi %iota3A_609, %and3A_612 : vector<16xi32>
      %get3A_614 = arith.constant 0 : index
      %get3A_615 = tpu.vector_load %arg10[%get3A_614] {strides = array<i32>} : memref<16xf32, #tpu.memory_space<vmem>>, vector<16xf32>,
      %get3A_616 = vector.shape_cast %get3A_615 : vector<16xf32> to vector<16xf32>
      %mul3A_617 = arith.constant 2.048000e+03 : f32
      %mul3A_618 = vector.broadcast %mul3A_617 : f32 to vector<16xf32>
      %mul3A_619 = arith.mulf %get3A_616, %mul3A_618 : vector<16xf32>
      %eq3A_620 = arith.cmpi eq, %add3A_613, %add3A_603 : vector<16xi32>
      %jit3A_621 = arith.constant 0.000000e+00 : f32
      %broadcast_in_dim3A_622 = vector.broadcast %jit3A_621 : f32 to vector<16xf32>
      %select_n3A_623 = arith.select %eq3A_620, %broadcast_in_dim3A_622, %mul3A_619 : vector<16xi1>, vector<16xf32>
      %swap3A_624 = arith.constant 0 : index
      %swap3A_625 = tpu.vector_load %arg10[%swap3A_624] {strides = array<i32>} : memref<16xf32, #tpu.memory_space<vmem>>, vector<16xf32>,
      %swap3A_626 = vector.shape_cast %swap3A_625 : vector<16xf32> to vector<16xf32>
      %swap3A_627 = vector.shape_cast %select_n3A_623 : vector<16xf32> to vector<16xf32>
      tpu.vector_store %arg10[%swap3A_624], %swap3A_627 {strides = array<i32>} : memref<16xf32, #tpu.memory_space<vmem>>, vector<16xf32>,
      "tpu.region"() ({
        %run_scoped3A = tpu.sem_alloc : memref<!tpu.dma_semaphore, #tpu.memory_space<semaphore_mem>>
        %dma_start3A_628 = tpu.memref_slice %arg4[%multiple_of3A_608] : memref<16777216xf32, #tpu.memory_space<hbm>> -> memref<16xf32, #tpu.memory_space<hbm>>
        %dma_start3A_629 = tpu.memref_slice %arg4[%multiple_of3A_608] : memref<16777216xf32, #tpu.memory_space<hbm>> -> memref<16xf32, #tpu.memory_space<hbm>>
        tpu.enqueue_dma source(%arg10 : memref<16xf32, #tpu.memory_space<vmem>>) target(%dma_start3A_629 : memref<16xf32, #tpu.memory_space<hbm>>) target_semaphore(%run_scoped3A : memref<!tpu.dma_semaphore, #tpu.memory_space<semaphore_mem>>)
        %dma_wait3A_630 = tpu.memref_slice %arg4[%multiple_of3A_608] : memref<16777216xf32, #tpu.memory_space<hbm>> -> memref<16xf32, #tpu.memory_space<hbm>>
        %dma_wait3A_631 = tpu.memref_slice %arg4[%multiple_of3A_608] : memref<16777216xf32, #tpu.memory_space<hbm>> -> memref<16xf32, #tpu.memory_space<hbm>>
        tpu.wait_dma2 semaphore(%run_scoped3A : memref<!tpu.dma_semaphore, #tpu.memory_space<semaphore_mem>>) src(%arg10 : memref<16xf32, #tpu.memory_space<vmem>>) dst(%dma_wait3A_631 : memref<16xf32, #tpu.memory_space<hbm>>)
        tpu.yield
      }) : () -> ()
    } else {
    }
    return
  }
}

</mosaic_0001>

<sc_bundles>
// kernel: kernel.3.cloned.1.call-start
scs
__scs_entry_jumppad:
0x0: {  	(pc) =	sbr.rel $0x88, $3  }
0x1: {  	(tag) =	ssettag $0x0;
	lr =	simm.s32 $0x1  }
0x2: {  	[smem:$0x3FA0] =	sst lr;
	_ =	strace $0xD0000000  }
0x3: {  	_ = 	snop  }
0x4: {  	_ = 	snop  }
0x5: {  	_ = 	snop  }
0x6: {  	_ = 	snop  }
0x7: {  	_ = 	snop  }
__scs_overlays_trampoline_lowered:
0x8: {  	[smem:$0x3FAF] =	sst s0  }
0x9: {  	[smem:$0x3FB0] =	sst s1  }
0xa: {  	[smem:$0x3FB1] =	sst s2  }
0xb: {  	[smem:$0x3FB2] =	sst s3  }
0xc: {  	[smem:$0x3FB3] =	sst s4  }
0xd: {  	[smem:$0x3FB4] =	sst s5  }
0xe: {  	[smem:$0x3FB5] =	sst s6  }
0xf: {  	[smem:$0x3FB6] =	sst s7  }
0x10: {  	[smem:$0x3FB7] =	sst s8  }
0x11: {  	[smem:$0x3FB8] =	sst s9;
	s0 =	simm.s32 @!p0 $0x0  }
0x12: {  	s1 =	sld [smem:$0x3F9E];
	s0 =	simm.s32 @p0 $0x1  }
0x13: {  	[smem:$0x3FB9] =	sst s0;
	s0 =	simm.s32 @!p1 $0x0  }
0x14: {  	s2 =	sld [smem:$0x3F9D];
	s0 =	simm.s32 @p1 $0x1  }
0x15: {  	[smem:$0x3FBA] =	sst s0;
	s0 =	simm.s32 @!p2 $0x0  }
0x16: {  	s3 =	sld [smem:$0x3FDB];
	s0 =	simm.s32 @p2 $0x1  }
0x17: {  	s4 =	simm.s32 $0x1BF5;
	[smem:$0x3FBC] =	sst s0  }
0x18: {  	s0 =	sld [smem:$0x3F9F];
	_ =	swait.ge [sflag:s4], $0x0  }
0x19: {  	s7 =	sld [smem:$0x3FA0]  }
0x1a: {  	s8 =	sadd.s32 $0xFFFFE003, lr  }
0x1b: {  	s9 =	sadd.s32 $0xFFFFFEF7, lr;
	s5 =	simm.s32 $0xFFFFFFFF;
	p2 =	slt.u32 s8, $0xFFFFF086  }
0x1c: {  	p1 =	slt.u32 s9, $0xF7A;
	s5 =	simm.s32 @!p2 $0x0  }
0x1d: {  	s5 =	simm.s32 @p1 $0x1;
	p0 =	seq.s32 s7, s2  }
0x1e: {  	s7 =	smul.u32 @!p0 $0xF7A, s2;
	p2 =	seq.s32 @!p0 s5, $0x0  }
0x1f: {  	s9 =	smul.u32 $0xF7A, s1;
	s8 =	simm.s32 @!p0 $0x1BF5;
	p2 =	por !p2, p0  }
0x20: {  	[sflag:s8] =	ssyncset.s32 @!p0 $0xFFFFF086;
	s6 =	sadd.s32 @!p0 s3, s7;
	s7 =	simm.s32 @!p0 $0x108  }
0x21: {  	s3 =	sadd.s32 s3, s9;
	s6 =	sadd.s32 @!p0 $0x88, s6;
	s7 =	simm.s32 @p2 $0x1082  }
0x22: {  	[simem:s7], [sflag:s8] =	dma.local @!p0 [hbm:s6], $0xF7A  }
0x23: {  	s9 =	sor.u32 $0xD0000000, s2;
	s6 =	simm.s32 $0x108;
	_ =	swait.ge @!p0 [sflag:s8], $0x0  }
0x24: {  	s3 =	sadd.s32 $0x88, s3;
	s6 =	simm.s32 @!p1 $0x1082;
	[sflag:s4] =	ssyncset.s32 $0xFFFFF086  }
0x25: {  	[simem:s6], [sflag:s4] =	dma.local [hbm:s3], $0xF7A  }
0x26: {  	[smem:$0x3FA0] =	sst s1;
	(tag) =	ssettag s2;
	_ =	strace s9  }
0x27: {  	s1 =	sld [smem:$0x3FB0]  }
0x28: {  	s2 =	sld [smem:$0x3FB1]  }
0x29: {  	s4 =	sld [smem:$0x3FB3]  }
0x2a: {  	p0 =	seq.s32 s5, $0x0;
	s5 =	sld [smem:$0x3FB4]  }
0x2b: {  	s6 =	sld [smem:$0x3FB5]  }
0x2c: {  	s7 =	sld [smem:$0x3FB6]  }
0x2d: {  	s3 =	simm.s32 $0x108;
	s8 =	sld [smem:$0x3FB7]  }
0x2e: {  	s3 =	simm.s32 @!p0 $0x1082;
	s9 =	sld [smem:$0x3FB8]  }
0x2f: {  	lr =	sadd.s32 s0, s3;
	s0 =	sld [smem:$0x3FAF]  }
0x30: {  	s3 =	sld [smem:$0x3FB2]  }
0x31: {  	[smem:$0x3FBB] =	sst s10  }
0x32: {  	s10 =	sld [smem:$0x3FB9];
	_ =	sdelay $0x3  }
0x33: {  	p0 =	seq.s32 s10, $0x1;
	s10 =	sld [smem:$0x3FBB];
	_ =	sdelay $0x3  }
0x34: {  	[smem:$0x3FBB] =	sst s10  }
0x35: {  	s10 =	sld [smem:$0x3FBA];
	_ =	sdelay $0x3  }
0x36: {  	p1 =	seq.s32 s10, $0x1;
	s10 =	sld [smem:$0x3FBB];
	_ =	sdelay $0x3  }
0x37: {  	[smem:$0x3FBB] =	sst s10  }
0x38: {  	s10 =	sld [smem:$0x3FBC]  }
0x39: {  	_ = 	snop;
	(pc) =	sbr.ind lr, $3  }
0x3a: {  	_ = 	snop  }
0x3b: {  	_ = 	snop  }
0x3c: {  	p2 =	seq.s32 s10, $0x1;
	s10 =	sld [smem:$0x3FBB]  }
0x3d: {  	_ =	shalt  }
0x3e: {  	_ =	shalt  }
0x3f: {  	_ =	shalt  }
0x40: {  	_ =	shalt  }
0x41: {  	_ =	shalt  }
0x42: {  	_ =	shalt  }
0x43: {  	_ =	shalt  }
0x44: {  	_ =	shalt  }
0x45: {  	_ =	shalt  }
0x46: {  	_ =	shalt  }
0x47: {  	_ =	shalt  }
0x48: {  	_ =	shalt  }
0x49: {  	_ =	shalt  }
0x4a: {  	_ =	shalt  }
0x4b: {  	_ =	shalt  }
0x4c: {  	_ =	shalt  }
0x4d: {  	_ =	shalt  }
0x4e: {  	_ =	shalt  }
0x4f: {  	_ =	shalt  }
0x50: {  	_ =	shalt  }
0x51: {  	_ =	shalt  }
0x52: {  	_ =	shalt  }
0x53: {  	_ =	shalt  }
0x54: {  	_ =	shalt  }
0x55: {  	_ =	shalt  }
0x56: {  	_ =	shalt  }
0x57: {  	_ =	shalt  }
0x58: {  	_ =	shalt  }
0x59: {  	_ =	shalt  }
0x5a: {  	_ =	shalt  }
0x5b: {  	_ =	shalt  }
0x5c: {  	_ =	shalt  }
0x5d: {  	_ =	shalt  }
0x5e: {  	_ =	shalt  }
0x5f: {  	_ =	shalt  }
0x60: {  	_ =	shalt  }
0x61: {  	_ =	shalt  }
0x62: {  	_ =	shalt  }
0x63: {  	_ =	shalt  }
0x64: {  	_ =	shalt  }
0x65: {  	_ =	shalt  }
0x66: {  	_ =	shalt  }
0x67: {  	_ =	shalt  }
0x68: {  	_ =	shalt  }
0x69: {  	_ =	shalt  }
0x6a: {  	_ =	shalt  }
0x6b: {  	_ =	shalt  }
0x6c: {  	_ =	shalt  }
0x6d: {  	_ =	shalt  }
0x6e: {  	_ =	shalt  }
0x6f: {  	_ =	shalt  }
0x70: {  	_ =	shalt  }
0x71: {  	_ =	shalt  }
0x72: {  	_ =	shalt  }
0x73: {  	_ =	shalt  }
0x74: {  	_ =	shalt  }
0x75: {  	_ =	shalt  }
0x76: {  	_ =	shalt  }
0x77: {  	_ =	shalt  }
0x78: {  	_ =	shalt  }
0x79: {  	_ =	shalt  }
0x7a: {  	_ =	shalt  }
0x7b: {  	_ =	shalt  }
0x7c: {  	_ =	shalt  }
0x7d: {  	_ =	shalt  }
0x7e: {  	_ =	shalt  }
0x7f: {  	_ =	shalt  }
0x80: {  	_ =	shalt  }
0x81: {  	_ =	shalt  }
0x82: {  	_ =	shalt  }
0x83: {  	_ =	shalt  }
0x84: {  	_ =	shalt  }
0x85: {  	_ =	shalt  }
0x86: {  	_ =	shalt  }
0x87: {  	_ =	shalt  }
.Lfunc_end0:
.L_simem_size_0:
called_computation_lowered:
.L_overlay_start_0:
0x88: {  	s2 =	sld [smem:$0x3FD9]  }
0x89: {  	s3 =	sld [smem:$0x3FFE];
	_ =	sdelay $0x1  }
0x8a: {  	s1 =	srdreg.scid  }
0x8b: {  	s0 =	sand.u32 $0x1, s1  }
0x8c: {  	s17 =	sshll.u32 s0, $0xA;
	s2 =	sadd.s32 s3, s2  }
0x8d: {  	s2 =	sadd.s32 s2, s17  }
0x8e: {  	[smem:$0x3FC7] =	sst s2  }
0x8f: {  	_ = 	snop  }
0x90: {  	s2 =	sld [smem:$0x3FC9]  }
0x91: {  	s18 =	sld [smem:$0x3FD0];
	(tm) =	ssettm $0x1  }
0x92: {  	s4 =	sld [smem:$0x3FFB];
	_ =	sdelay $0x3  }
0x93: {  	_ =	strace s4  }
0x94: {  	s4 =	sld [smem:$0x3FFC];
	_ =	sdelay $0x3  }
0x95: {  	_ =	strace s4  }
0x96: {  	s4 =	sld [smem:$0x3FFD];
	_ =	sdelay $0x3  }
0x97: {  	_ =	strace s4  }
0x98: {  	_ =	strace $0x8FFFFFFF  }
0x99: {  	s19 =	sld [smem:$0x3FDB];
	_ =	sdelay $0x1  }
0x9a: {  	s5 =	simm.s32 $_scs_section_size  }
0x9b: {  	s6 =	simm.s32 $_size__tile_overlayer_lowered;
	s7 =	simm.s32 $_tile_overlayer_lowered  }
0x9c: {  	s22 =	simm.s32 $0x1BFF;
	s21 =	sshll.u32 s7, $0x1;
	s4 =	sadd.s32 s5, s19  }
0x9d: {  	s8 =	simm.s32 $0x0;
	s20 =	sshll.u32 s6, $0x1;
	s6 =	sadd.s32 s21, s4  }
0x9e: {  	[timem:s8], [sflag:s22] =	dma.local [hbm:s6], s20  }
0x9f: {  	_ =	swait.ge [sflag:s22], s20  }
0xa0: {  	s5 =	ssub.s32 $0x0, s20;
	[sflag:s22] =	ssyncset.done $0x0  }
0xa1: {  	[sflag:s22] =	ssyncadd.s32 s5;
	_ =	sdelay $0x1  }
0xa2: {  	s23 =	simm.s32 $0x1B8B  }
0xa3: {  	_ =	swait.ge [sflag:s23], $0x1  }
0xa4: {  	[sflag:s23] =	ssyncset.done $0x0  }
0xa5: {  	s25 =	simm.s32 $0x1B8E;
	s24 =	sld [smem:$0x3FFE];
	[sflag:s23] =	ssyncadd.s32 $0xFFFFFFFF  }
0xa6: {  	s26 =	simm.s32 $execute0_lowered;
	[smem:$0x3FD2] =	sst s25  }
0xa7: {  	s6 =	sshll.u32 s26, $0x1;
	_ =	strace $0x80000046;
	[dreg:$0x1] =	wrdreg $0xFFFFFFFF  }
0xa8: {  	s28 =	simm.s32 $_size_execute0_lowered;
	s4 =	sadd.s32 s4, s6;
	[dreg:$0x0] =	wrdreg $0x0  }
0xa9: {  	s6 =	sshll.u32 s28, $0x1;
	[dreg:$0x2] =	wrdreg s4  }
0xaa: {  	[dreg:$0x3] =	wrdreg s6  }
0xab: {  	[dreg:$0x4] =	wrdreg $0xC0  }
0xac: {  	_ =	task [dreg:s8], $0x5FFFF  }
0xad: {  	[dreg:$0x1] =	wrdreg $0xFFFFFFFF  }
0xae: {  	[dreg:$0x0] =	wrdreg $0x60  }
0xaf: {  	[dreg:$0x2] =	wrdreg s2  }
0xb0: {  	[dreg:$0x3] =	wrdreg s24  }
0xb1: {  	[dreg:$0x4] =	wrdreg s18  }
0xb2: {  	[dreg:$0x5] =	wrdreg $0x9  }
0xb3: {  	_ =	task.clear_ibuf [dreg:s8], $0x6FFFF;
	_ =	strace $0x90000046  }
0xb4: {  	s29 =	simm.s32 $0x9;
	_ =	strace $0x80000048  }
0xb5: {  	_ =	swait.ge [sflag:s29], $0x1  }
0xb6: {  	[sflag:s29] =	ssyncadd.s32 $0xFFFFFFFF  }
0xb7: {  	_ =	strace $0x90000048  }
0xb8: {  	_ =	sfence  }
0xb9: {  	s30 =	sld [smem:$0x0];
	_ =	sdelay $0x2  }
0xba: {  	s31 =	sshll.u32 s1, $0xD;
	s1 =	sshrl.u32 s1, $0x2  }
0xbb: {  	s3 =	sand.u32 $0x4000, s31;
	s1 =	sadd.s32 s1, s30  }
0xbc: {  	s0 =	sor.u32 s3, s0;
	s1 =	sshll.u32 s1, $0x11  }
0xbd: {  	s0 =	sor.u32 s1, s0  }
0xbe: {  	s0 =	sadd.s32 $0x8F2B, s0  }
0xbf: {  	[sflag:s0] =	ssyncadd.remote.s32 $0x1  }
0xc0: {  	_ =	sfence.sel $0xFFFF  }
0xc1: {  	[dreg:$0x0] =	wrdreg $0xFFFFFFFF;
	(pc) =	sbr.abs _section_cstart, $3  }
0xc2: {  	[dreg:$0x1] =	wrdreg $0xFFFFFFFF  }
0xc3: {  	_ =	task.clear_ibuf [dreg:s8], $0x2FFFF;
	_ =	strace $0x9FFFFFFF  }
0xc4: {  	(tm) =	ssettm $0x7FFFFFFF  }
0xc5: {  	_ =	shalt  }
tec
execute0_lowered:
.L_overlay_start_1:
0x0: {  	(tag) =	ssettag $0x1  }
0x1: {  	s0 =	srdreg.scid  }
0x2: {  	s2 =	stileid.u32;
	s0 =	sand.u32 $0x1, s0  }
0x3: {  	s2 =	sshll.u32 s2, $0x14;
	s3 =	sshll.u32 s0, $0x13  }
0x4: {  	s1 =	rddreg [dreg:$0x0];
	s6 =	sor.u32 s3, s2  }
0x5: {  	s4 =	rddreg [dreg:$0x2];
	s5 =	simm.s32 $0x0;
	s11 =	sshrl.u32 s6, $0x3  }
0x6: {  	[smem:$0x7FF] =	sst s5;
	s0 =	ssub.s32 $0x2, s0;
	s19 =	sor.u32 $0x800, s11  }
0x7: {  	_ =	strace $0x80000047;
	s21 =	sor.u32 $0x1000, s11;
	s20 =	sadd.s32 s1, s19  }
0x8: {  	s22 =	sor.u32 $0x1800, s11;
	s7 =	sadd.s32 s1, s21;
	[dreg:$0x4] =	wrdreg s20  }
0x9: {  	s18 =	sshrl.u32 s0, $0x1;
	s9 =	sadd.s32 s1, s22;
	[dreg:$0x5] =	wrdreg s7  }
0xa: {  	s8 =	sor.u32 $0x2000, s11;
	s3 =	sadd.s32 s4, s19;
	[dreg:$0x6] =	wrdreg s9  }
0xb: {  	s2 =	ssub.s32 s0, s18;
	s23 =	sadd.s32 s1, s8;
	[dreg:$0x7] =	wrdreg s3  }
0xc: {  	s24 =	sor.u32 $0x2800, s11;
	s0 =	sadd.s32 s4, s21;
	[dreg:$0x8] =	wrdreg s23  }
0xd: {  	s25 =	sor.u32 $0x3000, s11;
	s26 =	sadd.s32 s1, s24;
	[dreg:$0x9] =	wrdreg s0  }
0xe: {  	s10 =	sadd.s32 s1, s25;
	[dreg:$0xa] =	wrdreg s26  }
0xf: {  	s13 =	sor.u32 $0x3800, s11;
	s12 =	sadd.s32 s4, s8;
	[dreg:$0xc] =	wrdreg s10  }
0x10: {  	s14 =	sor.u32 $0x4000, s11;
	s15 =	sadd.s32 s1, s13;
	[dreg:$0xd] =	wrdreg s12  }
0x11: {  	s16 =	sadd.s32 s1, s14;
	[dreg:$0xe] =	wrdreg s15  }
0x12: {  	s17 =	sadd.s32 s4, s25;
	[dreg:$0x10] =	wrdreg s16  }
0x13: {  	s18 =	sor.u32 $0x4800, s11;
	s19 =	sadd.s32 s4, s13;
	[dreg:$0x11] =	wrdreg s17  }
0x14: {  	s21 =	sadd.s32 s1, s18;
	[dreg:$0x12] =	wrdreg s19  }
0x15: {  	s7 =	sadd.s32 s4, s22;
	[dreg:$0x14] =	wrdreg s21  }
0x16: {  	s0 =	sadd.s32 s4, s24;
	[dreg:$0xb] =	wrdreg s7  }
0x17: {  	s8 =	sor.u32 $0x6800, s11;
	s20 =	sadd.s32 s4, s14;
	[dreg:$0xf] =	wrdreg s0  }
0x18: {  	s13 =	sor.u32 $0x7800, s11;
	s9 =	sadd.s32 s1, s8;
	[dreg:$0x13] =	wrdreg s20  }
0x19: {  	s14 =	sadd.s32 s1, s13;
	[dreg:$0x1c] =	wrdreg s9  }
0x1a: {  	s22 =	sor.u32 $0x5000, s11;
	s0 =	sadd.s32 s4, s18;
	[smem:$0x7E1] =	sst s14  }
0x1b: {  	s23 =	sadd.s32 s1, s22;
	[dreg:$0x15] =	wrdreg s0  }
0x1c: {  	s24 =	sor.u32 $0x5800, s11;
	s3 =	sadd.s32 s4, s22;
	[dreg:$0x16] =	wrdreg s23  }
0x1d: {  	s26 =	sor.u32 $0x6000, s11;
	s25 =	sadd.s32 s1, s24;
	[dreg:$0x17] =	wrdreg s3  }
0x1e: {  	s10 =	sor.u32 $0x7000, s11;
	s7 =	sadd.s32 s1, s26;
	[dreg:$0x18] =	wrdreg s25  }
0x1f: {  	s15 =	sor.u32 $0x8000, s11;
	s12 =	sadd.s32 s1, s10;
	[dreg:$0x1a] =	wrdreg s7  }
0x20: {  	s17 =	sor.u32 $0x8800, s11;
	s16 =	sadd.s32 s1, s15;
	[dreg:$0x1e] =	wrdreg s12  }
0x21: {  	s19 =	sor.u32 $0x9000, s11;
	s18 =	sadd.s32 s1, s17;
	[smem:$0x7E3] =	sst s16  }
0x22: {  	s21 =	sor.u32 $0x9800, s11;
	s20 =	sadd.s32 s1, s19;
	[smem:$0x7E5] =	sst s18  }
0x23: {  	s28 =	simm.s32 $0x4;
	s22 =	sadd.s32 s1, s21;
	[smem:$0x7E7] =	sst s20  }
0x24: {  	s29 =	simm.s32 $0x7;
	s0 =	sadd.s32 s4, s24;
	[smem:$0x7E9] =	sst s22  }
0x25: {  	s30 =	simm.s32 $0x8;
	s3 =	sadd.s32 s4, s26;
	[dreg:$0x19] =	wrdreg s0  }
0x26: {  	s31 =	simm.s32 $0x9;
	[dreg:$0x1b] =	wrdreg s3;
	s0 =	sadd.s32 s4, s8  }
0x27: {  	s23 =	sor.u32 $0xA000, s11;
	s3 =	sadd.s32 s4, s10;
	[dreg:$0x1d] =	wrdreg s0  }
0x28: {  	s25 =	sor.u32 $0xA800, s11;
	s24 =	sadd.s32 s1, s23;
	[dreg:$0x1f] =	wrdreg s3  }
0x29: {  	s7 =	sor.u32 $0xB000, s11;
	s26 =	sadd.s32 s1, s25;
	[smem:$0x7EB] =	sst s24  }
0x2a: {  	s9 =	sor.u32 $0xB800, s11;
	s8 =	sadd.s32 s1, s7;
	[smem:$0x7ED] =	sst s26  }
0x2b: {  	s20 =	sor.u32 $0xE000, s11;
	s10 =	sadd.s32 s1, s9;
	[smem:$0x7EF] =	sst s8  }
0x2c: {  	s14 =	sor.u32 $0xC800, s11;
	s22 =	sadd.s32 s4, s20;
	[smem:$0x7F1] =	sst s10  }
0x2d: {  	s12 =	sor.u32 $0xC000, s11;
	s0 =	sadd.s32 s4, s13;
	[smem:$0x7FC] =	sst s22  }
0x2e: {  	s16 =	sor.u32 $0xD000, s11;
	s3 =	sadd.s32 s4, s15;
	[smem:$0x7E2] =	sst s0  }
0x2f: {  	s18 =	sor.u32 $0xD800, s11;
	s13 =	sadd.s32 s1, s12;
	[smem:$0x7E4] =	sst s3  }
0x30: {  	s15 =	sadd.s32 s1, s14;
	s10 =	sadd.s32 s4, s11;
	[smem:$0x7F3] =	sst s13  }
0x31: {  	s24 =	sor.u32 $0xE800, s11;
	s0 =	sadd.s32 s4, s17;
	[smem:$0x7F5] =	sst s15  }
0x32: {  	s26 =	sor.u32 $0xF800, s11;
	s3 =	sadd.s32 s4, s19;
	[smem:$0x7E6] =	sst s0  }
0x33: {  	s22 =	simm.s32 $0xC000;
	s17 =	sadd.s32 s1, s16;
	[smem:$0x7E8] =	sst s3  }
0x34: {  	s19 =	sadd.s32 s1, s18;
	s15 =	sadd.s32 s1, s26;
	[smem:$0x7F7] =	sst s17  }
0x35: {  	s0 =	sadd.s32 s4, s21;
	s3 =	sadd.s32 s4, s23;
	[smem:$0x7F9] =	sst s19  }
0x36: {  	s21 =	sadd.s32 s1, s20;
	s23 =	sadd.s32 s1, s11;
	[smem:$0x7EA] =	sst s0  }
0x37: {  	s17 =	smax.u32 s2, $0x1;
	s19 =	simm.s32 $0x4000;
	[smem:$0x7EC] =	sst s3  }
0x38: {  	s20 =	simm.s32 $0x8000;
	s2 =	simm.s32 $0x0;
	[smem:$0x7FB] =	sst s21  }
0x39: {  	s0 =	sadd.s32 s4, s25;
	s3 =	sadd.s32 s4, s7;
	[smem:$0x7FD] =	sst s23  }
0x3a: {  	s25 =	sor.u32 $0xF000, s11;
	s11 =	sadd.s32 s1, s24;
	[smem:$0x7EE] =	sst s0  }
0x3b: {  	s21 =	simm.s32 $0x1;
	s23 =	simm.s32 $0x2;
	[smem:$0x7F0] =	sst s3  }
0x3c: {  	s0 =	sadd.s32 s4, s9;
	s3 =	sadd.s32 s4, s12;
	s12 =	sadd.s32 s4, s24  }
0x3d: {  	s13 =	sadd.s32 s1, s25;
	s24 =	simm.s32 $0x5;
	[smem:$0x7F2] =	sst s0  }
0x3e: {  	[smem:$0x7F4] =	sst s3;
	s0 =	sadd.s32 s4, s14;
	s3 =	sadd.s32 s4, s16  }
0x3f: {  	s14 =	sadd.s32 s4, s25;
	s16 =	sadd.s32 s4, s26;
	[smem:$0x7F6] =	sst s0  }
0x40: {  	s25 =	simm.s32 $0x3;
	[smem:$0x7F8] =	sst s3;
	s0 =	sadd.s32 s4, s18  }
0x41: {  	s26 =	simm.s32 $0x6;
	s18 =	sadd.s32 $0x80000, s6;
	[smem:$0x7FA] =	sst s0  }
.LBB2_1:
0x42: {  	s0 =	sld [smem:$0x7FD];
	_ =	sdelay $0x2  }
0x43: {  	[tilespmem:s5], [sflag:$0x1] =	stream.linear.gather [hbm4b:s0+s5], $0x4000, $0x38;
	[tilespmem:$0x10100] =	vst v63  }
0x44: {  	s8 =	rddreg [dreg:$0x4]  }
0x45: {  	[tilespmem:s19], [sflag:$0x2] =	stream.linear.gather [hbm4b:s8+s5], $0x4000, $0x38;
	[tilespmem:$0x10100] =	vst v63  }
0x46: {  	s9 =	rddreg [dreg:$0x5]  }
0x47: {  	[tilespmem:s20], [sflag:$0x3] =	stream.linear.gather [hbm4b:s9+s5], $0x4000, $0x38;
	[tilespmem:$0x10100] =	vst v63  }
0x48: {  	_ =	swait.ge [sflag:s21], $0x4000  }
0x49: {  	[sflag:s21] =	ssyncset.done $0x0  }
0x4a: {  	s0 =	simm.s32 $0x40;
	[sflag:s21] =	ssyncadd.s32 $0xFFFFC000  }
0x4b: {  	v1 =	vld [tilespmem:s0+$0xFFFFFFC0];
	_ =	sdelay $0x1  }
0x4c: {  	v4 =	vld [tilespmem:s0+$0xFFFFFFD0]  }
0x4d: {  	v6 =	vld [tilespmem:s0+$0xFFFFFFE0]  }
0x4e: {  	v2 =	vld [tilespmem:s0+$0x0]  }
0x4f: {  	v0 =	vld [tilespmem:s0+$0x10];
	v5 =	vmul.f32 $2.048000000e+03, v1  }
0x50: {  	v3 =	vld [tilespmem:s0+$0x20]  }
0x51: {  	v1 =	vld [tilespmem:s0+$0x30];
	[tilespmem:s0+$0xFFFFFFC0] =	vst v5;
	v5 =	vmul.f32 $2.048000000e+03, v4  }
0x52: {  	s3 =	simm.s32 $0x0;
	s7 =	simm.s32 $0xC0;
	v6 =	vmul.f32 $2.048000000e+03, v6;
	v4 =	vld [tilespmem:s0+$0xFFFFFFF0]  }
.LBB2_2:
0x53: {  	v7 =	vld [tilespmem:s7+$0xFFFFFFC0];
	[tilespmem:s0+$0xFFFFFFD0] =	vst v5;
	v2 =	vmul.f32 $2.048000000e+03, v2  }
0x54: {  	s3 =	sadd.s32 $0x8, s3;
	v5 =	vld [tilespmem:s7+$0xFFFFFFD0];
	[tilespmem:s0+$0xFFFFFFE0] =	vst v6;
	v0 =	vmul.f32 $2.048000000e+03, v0  }
0x55: {  	p0 =	slt.u32 s3, $0x3F8;
	v6 =	vld [tilespmem:s7+$0xFFFFFFE0];
	[tilespmem:s0+$0x0] =	vst v2;
	v3 =	vmul.f32 $2.048000000e+03, v3  }
.Ltmp0:
0x56: {  	v2 =	vld [tilespmem:s7+$0x0];
	[tilespmem:s0+$0x10] =	vst v0;
	v1 =	vmul.f32 $2.048000000e+03, v1;
	(pc) =	sbr.rel @p0 .LBB2_2-.Ltmp0, $4  }
0x57: {  	v0 =	vld [tilespmem:s7+$0x10];
	v4 =	vmul.f32 $2.048000000e+03, v4;
	[tilespmem:s0+$0x20] =	vst v3  }
0x58: {  	v7 =	vmul.f32 $2.048000000e+03, v7;
	v3 =	vld [tilespmem:s7+$0x20];
	[tilespmem:s0+$0x30] =	vst v1  }
0x59: {  	v5 =	vmul.f32 $2.048000000e+03, v5;
	v1 =	vld [tilespmem:s7+$0x30];
	[tilespmem:s0+$0xFFFFFFF0] =	vst v4;
	s0 =	smov.u32 s7  }
0x5a: {  	s7 =	sadd.s32 $0x80, s7;
	[tilespmem:s0+$0xFFFFFFC0] =	vst v7;
	v6 =	vmul.f32 $2.048000000e+03, v6;
	v4 =	vld [tilespmem:s0+$0xFFFFFFF0]  }
0x5b: {  	[tilespmem:s0+$0xFFFFFFD0] =	vst v5;
	v2 =	vmul.f32 $2.048000000e+03, v2  }
0x5c: {  	[tilespmem:s0+$0xFFFFFFE0] =	vst v6;
	v0 =	vmul.f32 $2.048000000e+03, v0  }
0x5d: {  	[tilespmem:s0+$0x0] =	vst v2;
	v2 =	vmul.f32 $2.048000000e+03, v3  }
0x5e: {  	[tilespmem:s0+$0x10] =	vst v0;
	v0 =	vmul.f32 $2.048000000e+03, v1  }
0x5f: {  	v1 =	vmul.f32 $2.048000000e+03, v4;
	[tilespmem:s0+$0x20] =	vst v2  }
0x60: {  	[tilespmem:s0+$0x30] =	vst v0  }
0x61: {  	[tilespmem:s0+$0xFFFFFFF0] =	vst v1  }
0x62: {  	[hbm4b:s10+s5] =	stream.linear.scatter [tilespmem:s5], [sflag:$0x5], $0x4000, $0x38;
	[tilespmem:$0x10100] =	vst v63  }
0x63: {  	s9 =	rddreg [dreg:$0x6]  }
0x64: {  	[tilespmem:s22], [sflag:$0x4] =	stream.linear.gather [hbm4b:s9+s5], $0x4000, $0x38;
	[tilespmem:$0x10100] =	vst v63  }
0x65: {  	_ =	swait.ge [sflag:s23], $0x4000  }
0x66: {  	[sflag:s23] =	ssyncset.done $0x0  }
0x67: {  	s0 =	simm.s32 $0x4040;
	[sflag:s23] =	ssyncadd.s32 $0xFFFFC000  }
0x68: {  	v1 =	vld [tilespmem:s0+$0xFFFFFFC0];
	_ =	sdelay $0x1  }
0x69: {  	v4 =	vld [tilespmem:s0+$0xFFFFFFD0]  }
0x6a: {  	v6 =	vld [tilespmem:s0+$0xFFFFFFE0]  }
0x6b: {  	v2 =	vld [tilespmem:s0+$0x0]  }
0x6c: {  	v0 =	vld [tilespmem:s0+$0x10];
	v5 =	vmul.f32 $2.048000000e+03, v1  }
0x6d: {  	v3 =	vld [tilespmem:s0+$0x20]  }
0x6e: {  	v1 =	vld [tilespmem:s0+$0x30];
	[tilespmem:s0+$0xFFFFFFC0] =	vst v5;
	v5 =	vmul.f32 $2.048000000e+03, v4  }
0x6f: {  	s3 =	simm.s32 $0x0;
	s7 =	simm.s32 $0x40C0;
	v6 =	vmul.f32 $2.048000000e+03, v6;
	v4 =	vld [tilespmem:s0+$0xFFFFFFF0]  }
.LBB2_4:
0x70: {  	v7 =	vld [tilespmem:s7+$0xFFFFFFC0];
	[tilespmem:s0+$0xFFFFFFD0] =	vst v5;
	v2 =	vmul.f32 $2.048000000e+03, v2  }
0x71: {  	s3 =	sadd.s32 $0x8, s3;
	v5 =	vld [tilespmem:s7+$0xFFFFFFD0];
	[tilespmem:s0+$0xFFFFFFE0] =	vst v6;
	v0 =	vmul.f32 $2.048000000e+03, v0  }
0x72: {  	p0 =	slt.u32 s3, $0x3F8;
	v6 =	vld [tilespmem:s7+$0xFFFFFFE0];
	[tilespmem:s0+$0x0] =	vst v2;
	v3 =	vmul.f32 $2.048000000e+03, v3  }
.Ltmp1:
0x73: {  	v2 =	vld [tilespmem:s7+$0x0];
	[tilespmem:s0+$0x10] =	vst v0;
	v1 =	vmul.f32 $2.048000000e+03, v1;
	(pc) =	sbr.rel @p0 .LBB2_4-.Ltmp1, $4  }
0x74: {  	v0 =	vld [tilespmem:s7+$0x10];
	v4 =	vmul.f32 $2.048000000e+03, v4;
	[tilespmem:s0+$0x20] =	vst v3  }
0x75: {  	v7 =	vmul.f32 $2.048000000e+03, v7;
	v3 =	vld [tilespmem:s7+$0x20];
	[tilespmem:s0+$0x30] =	vst v1  }
0x76: {  	v5 =	vmul.f32 $2.048000000e+03, v5;
	v1 =	vld [tilespmem:s7+$0x30];
	[tilespmem:s0+$0xFFFFFFF0] =	vst v4;
	s0 =	smov.u32 s7  }
0x77: {  	s7 =	sadd.s32 $0x80, s7;
	[tilespmem:s0+$0xFFFFFFC0] =	vst v7;
	v6 =	vmul.f32 $2.048000000e+03, v6;
	v4 =	vld [tilespmem:s0+$0xFFFFFFF0]  }
0x78: {  	[tilespmem:s0+$0xFFFFFFD0] =	vst v5;
	v2 =	vmul.f32 $2.048000000e+03, v2  }
0x79: {  	[tilespmem:s0+$0xFFFFFFE0] =	vst v6;
	v0 =	vmul.f32 $2.048000000e+03, v0  }
0x7a: {  	[tilespmem:s0+$0x0] =	vst v2;
	v2 =	vmul.f32 $2.048000000e+03, v3  }
0x7b: {  	[tilespmem:s0+$0x10] =	vst v0;
	v0 =	vmul.f32 $2.048000000e+03, v1  }
0x7c: {  	v1 =	vmul.f32 $2.048000000e+03, v4;
	[tilespmem:s0+$0x20] =	vst v2  }
0x7d: {  	[tilespmem:s0+$0x30] =	vst v0  }
0x7e: {  	s8 =	rddreg [dreg:$0x7];
	[tilespmem:s0+$0xFFFFFFF0] =	vst v1  }
0x7f: {  	[hbm4b:s8+s5] =	stream.linear.scatter [tilespmem:s19], [sflag:$0x6], $0x4000, $0x38;
	[tilespmem:$0x10100] =	vst v63  }
0x80: {  	_ =	swait.ge [sflag:s24], $0x4000  }
0x81: {  	[sflag:s24] =	ssyncset.done $0x0  }
0x82: {  	s9 =	rddreg [dreg:$0x8];
	[sflag:s24] =	ssyncadd.s32 $0xFFFFC000  }
0x83: {  	[tilespmem:s5], [sflag:$0x1] =	stream.linear.gather [hbm4b:s9+s5], $0x4000, $0x38;
	[tilespmem:$0x10100] =	vst v63  }
0x84: {  	_ =	swait.ge [sflag:s25], $0x4000  }
0x85: {  	[sflag:s25] =	ssyncset.done $0x0  }
0x86: {  	s0 =	simm.s32 $0x8040;
	[sflag:s25] =	ssyncadd.s32 $0xFFFFC000  }
0x87: {  	v1 =	vld [tilespmem:s0+$0xFFFFFFC0];
	_ =	sdelay $0x1  }
0x88: {  	v4 =	vld [tilespmem:s0+$0xFFFFFFD0]  }
0x89: {  	v6 =	vld [tilespmem:s0+$0xFFFFFFE0]  }
0x8a: {  	v2 =	vld [tilespmem:s0+$0x0]  }
0x8b: {  	v0 =	vld [tilespmem:s0+$0x10];
	v5 =	vmul.f32 $2.048000000e+03, v1  }
0x8c: {  	v3 =	vld [tilespmem:s0+$0x20]  }
0x8d: {  	v1 =	vld [tilespmem:s0+$0x30];
	[tilespmem:s0+$0xFFFFFFC0] =	vst v5;
	v5 =	vmul.f32 $2.048000000e+03, v4  }
0x8e: {  	s3 =	simm.s32 $0x0;
	s7 =	simm.s32 $0x80C0;
	v6 =	vmul.f32 $2.048000000e+03, v6;
	v4 =	vld [tilespmem:s0+$0xFFFFFFF0]  }
.LBB2_6:
0x8f: {  	v7 =	vld [tilespmem:s7+$0xFFFFFFC0];
	[tilespmem:s0+$0xFFFFFFD0] =	vst v5;
	v2 =	vmul.f32 $2.048000000e+03, v2  }
0x90: {  	s3 =	sadd.s32 $0x8, s3;
	v5 =	vld [tilespmem:s7+$0xFFFFFFD0];
	[tilespmem:s0+$0xFFFFFFE0] =	vst v6;
	v0 =	vmul.f32 $2.048000000e+03, v0  }
0x91: {  	p0 =	slt.u32 s3, $0x3F8;
	v6 =	vld [tilespmem:s7+$0xFFFFFFE0];
	[tilespmem:s0+$0x0] =	vst v2;
	v3 =	vmul.f32 $2.048000000e+03, v3  }
.Ltmp2:
0x92: {  	v2 =	vld [tilespmem:s7+$0x0];
	[tilespmem:s0+$0x10] =	vst v0;
	v1 =	vmul.f32 $2.048000000e+03, v1;
	(pc) =	sbr.rel @p0 .LBB2_6-.Ltmp2, $4  }
0x93: {  	v0 =	vld [tilespmem:s7+$0x10];
	v4 =	vmul.f32 $2.048000000e+03, v4;
	[tilespmem:s0+$0x20] =	vst v3  }
0x94: {  	v7 =	vmul.f32 $2.048000000e+03, v7;
	v3 =	vld [tilespmem:s7+$0x20];
	[tilespmem:s0+$0x30] =	vst v1  }
0x95: {  	v5 =	vmul.f32 $2.048000000e+03, v5;
	v1 =	vld [tilespmem:s7+$0x30];
	[tilespmem:s0+$0xFFFFFFF0] =	vst v4;
	s0 =	smov.u32 s7  }
0x96: {  	s7 =	sadd.s32 $0x80, s7;
	[tilespmem:s0+$0xFFFFFFC0] =	vst v7;
	v6 =	vmul.f32 $2.048000000e+03, v6;
	v4 =	vld [tilespmem:s0+$0xFFFFFFF0]  }
0x97: {  	[tilespmem:s0+$0xFFFFFFD0] =	vst v5;
	v2 =	vmul.f32 $2.048000000e+03, v2  }
0x98: {  	[tilespmem:s0+$0xFFFFFFE0] =	vst v6;
	v0 =	vmul.f32 $2.048000000e+03, v0  }
0x99: {  	[tilespmem:s0+$0x0] =	vst v2;
	v2 =	vmul.f32 $2.048000000e+03, v3  }
0x9a: {  	[tilespmem:s0+$0x10] =	vst v0;
	v0 =	vmul.f32 $2.048000000e+03, v1  }
0x9b: {  	v1 =	vmul.f32 $2.048000000e+03, v4;
	[tilespmem:s0+$0x20] =	vst v2  }
0x9c: {  	[tilespmem:s0+$0x30] =	vst v0  }
0x9d: {  	s8 =	rddreg [dreg:$0x9];
	[tilespmem:s0+$0xFFFFFFF0] =	vst v1  }
0x9e: {  	[hbm4b:s8+s5] =	stream.linear.scatter [tilespmem:s20], [sflag:$0x7], $0x4000, $0x38;
	[tilespmem:$0x10100] =	vst v63  }
0x9f: {  	_ =	swait.ge [sflag:s26], $0x4000  }
0xa0: {  	[sflag:s26] =	ssyncset.done $0x0  }
0xa1: {  	s9 =	rddreg [dreg:$0xa];
	[sflag:s26] =	ssyncadd.s32 $0xFFFFC000  }
0xa2: {  	[tilespmem:s19], [sflag:$0x2] =	stream.linear.gather [hbm4b:s9+s5], $0x4000, $0x38;
	[tilespmem:$0x10100] =	vst v63  }
0xa3: {  	_ =	swait.ge [sflag:s28], $0x4000  }
0xa4: {  	[sflag:s28] =	ssyncset.done $0x0  }
0xa5: {  	s0 =	simm.s32 $0xC040;
	[sflag:s28] =	ssyncadd.s32 $0xFFFFC000  }
0xa6: {  	v1 =	vld [tilespmem:s0+$0xFFFFFFC0];
	_ =	sdelay $0x1  }
0xa7: {  	v4 =	vld [tilespmem:s0+$0xFFFFFFD0]  }
0xa8: {  	v6 =	vld [tilespmem:s0+$0xFFFFFFE0]  }
0xa9: {  	v2 =	vld [tilespmem:s0+$0x0]  }
0xaa: {  	v0 =	vld [tilespmem:s0+$0x10];
	v5 =	vmul.f32 $2.048000000e+03, v1  }
0xab: {  	v3 =	vld [tilespmem:s0+$0x20]  }
0xac: {  	v1 =	vld [tilespmem:s0+$0x30];
	[tilespmem:s0+$0xFFFFFFC0] =	vst v5;
	v5 =	vmul.f32 $2.048000000e+03, v4  }
0xad: {  	s3 =	simm.s32 $0x0;
	s7 =	simm.s32 $0xC0C0;
	v6 =	vmul.f32 $2.048000000e+03, v6;
	v4 =	vld [tilespmem:s0+$0xFFFFFFF0]  }
.LBB2_8:
0xae: {  	v7 =	vld [tilespmem:s7+$0xFFFFFFC0];
	[tilespmem:s0+$0xFFFFFFD0] =	vst v5;
	v2 =	vmul.f32 $2.048000000e+03, v2  }
0xaf: {  	s3 =	sadd.s32 $0x8, s3;
	v5 =	vld [tilespmem:s7+$0xFFFFFFD0];
	[tilespmem:s0+$0xFFFFFFE0] =	vst v6;
	v0 =	vmul.f32 $2.048000000e+03, v0  }
0xb0: {  	p0 =	slt.u32 s3, $0x3F8;
	v6 =	vld [tilespmem:s7+$0xFFFFFFE0];
	[tilespmem:s0+$0x0] =	vst v2;
	v3 =	vmul.f32 $2.048000000e+03, v3  }
.Ltmp3:
0xb1: {  	v2 =	vld [tilespmem:s7+$0x0];
	[tilespmem:s0+$0x10] =	vst v0;
	v1 =	vmul.f32 $2.048000000e+03, v1;
	(pc) =	sbr.rel @p0 .LBB2_8-.Ltmp3, $4  }
0xb2: {  	v0 =	vld [tilespmem:s7+$0x10];
	v4 =	vmul.f32 $2.048000000e+03, v4;
	[tilespmem:s0+$0x20] =	vst v3  }
0xb3: {  	v7 =	vmul.f32 $2.048000000e+03, v7;
	v3 =	vld [tilespmem:s7+$0x20];
	[tilespmem:s0+$0x30] =	vst v1  }
0xb4: {  	v5 =	vmul.f32 $2.048000000e+03, v5;
	v1 =	vld [tilespmem:s7+$0x30];
	[tilespmem:s0+$0xFFFFFFF0] =	vst v4;
	s0 =	smov.u32 s7  }
0xb5: {  	s7 =	sadd.s32 $0x80, s7;
	[tilespmem:s0+$0xFFFFFFC0] =	vst v7;
	v6 =	vmul.f32 $2.048000000e+03, v6;
	v4 =	vld [tilespmem:s0+$0xFFFFFFF0]  }
0xb6: {  	[tilespmem:s0+$0xFFFFFFD0] =	vst v5;
	v2 =	vmul.f32 $2.048000000e+03, v2  }
0xb7: {  	[tilespmem:s0+$0xFFFFFFE0] =	vst v6;
	v0 =	vmul.f32 $2.048000000e+03, v0  }
0xb8: {  	[tilespmem:s0+$0x0] =	vst v2;
	v2 =	vmul.f32 $2.048000000e+03, v3  }
0xb9: {  	[tilespmem:s0+$0x10] =	vst v0;
	v0 =	vmul.f32 $2.048000000e+03, v1  }
0xba: {  	v1 =	vmul.f32 $2.048000000e+03, v4;
	[tilespmem:s0+$0x20] =	vst v2  }
0xbb: {  	[tilespmem:s0+$0x30] =	vst v0  }
0xbc: {  	s8 =	rddreg [dreg:$0xb];
	[tilespmem:s0+$0xFFFFFFF0] =	vst v1  }
0xbd: {  	[hbm4b:s8+s5] =	stream.linear.scatter [tilespmem:s22], [sflag:$0x8], $0x4000, $0x38;
	[tilespmem:$0x10100] =	vst v63  }
0xbe: {  	_ =	swait.ge [sflag:s29], $0x4000  }
0xbf: {  	[sflag:s29] =	ssyncset.done $0x0  }
0xc0: {  	s9 =	rddreg [dreg:$0xc];
	[sflag:s29] =	ssyncadd.s32 $0xFFFFC000  }
0xc1: {  	[tilespmem:s20], [sflag:$0x3] =	stream.linear.gather [hbm4b:s9+s5], $0x4000, $0x38;
	[tilespmem:$0x10100] =	vst v63  }
0xc2: {  	_ =	swait.ge [sflag:s21], $0x4000  }
0xc3: {  	[sflag:s21] =	ssyncset.done $0x0  }
0xc4: {  	s0 =	simm.s32 $0x40;
	[sflag:s21] =	ssyncadd.s32 $0xFFFFC000  }
0xc5: {  	v1 =	vld [tilespmem:s0+$0xFFFFFFC0];
	_ =	sdelay $0x1  }
0xc6: {  	v4 =	vld [tilespmem:s0+$0xFFFFFFD0]  }
0xc7: {  	v6 =	vld [tilespmem:s0+$0xFFFFFFE0]  }
0xc8: {  	v2 =	vld [tilespmem:s0+$0x0]  }
0xc9: {  	v0 =	vld [tilespmem:s0+$0x10];
	v5 =	vmul.f32 $2.048000000e+03, v1  }
0xca: {  	v3 =	vld [tilespmem:s0+$0x20]  }
0xcb: {  	v1 =	vld [tilespmem:s0+$0x30];
	[tilespmem:s0+$0xFFFFFFC0] =	vst v5;
	v5 =	vmul.f32 $2.048000000e+03, v4  }
0xcc: {  	s3 =	simm.s32 $0x0;
	s7 =	simm.s32 $0xC0;
	v6 =	vmul.f32 $2.048000000e+03, v6;
	v4 =	vld [tilespmem:s0+$0xFFFFFFF0]  }
.LBB2_10:
0xcd: {  	v7 =	vld [tilespmem:s7+$0xFFFFFFC0];
	[tilespmem:s0+$0xFFFFFFD0] =	vst v5;
	v2 =	vmul.f32 $2.048000000e+03, v2  }
0xce: {  	s3 =	sadd.s32 $0x8, s3;
	v5 =	vld [tilespmem:s7+$0xFFFFFFD0];
	[tilespmem:s0+$0xFFFFFFE0] =	vst v6;
	v0 =	vmul.f32 $2.048000000e+03, v0  }
0xcf: {  	p0 =	slt.u32 s3, $0x3F8;
	v6 =	vld [tilespmem:s7+$0xFFFFFFE0];
	[tilespmem:s0+$0x0] =	vst v2;
	v3 =	vmul.f32 $2.048000000e+03, v3  }
.Ltmp4:
0xd0: {  	v2 =	vld [tilespmem:s7+$0x0];
	[tilespmem:s0+$0x10] =	vst v0;
	v1 =	vmul.f32 $2.048000000e+03, v1;
	(pc) =	sbr.rel @p0 .LBB2_10-.Ltmp4, $4  }
0xd1: {  	v0 =	vld [tilespmem:s7+$0x10];
	v4 =	vmul.f32 $2.048000000e+03, v4;
	[tilespmem:s0+$0x20] =	vst v3  }
0xd2: {  	v7 =	vmul.f32 $2.048000000e+03, v7;
	v3 =	vld [tilespmem:s7+$0x20];
	[tilespmem:s0+$0x30] =	vst v1  }
0xd3: {  	v5 =	vmul.f32 $2.048000000e+03, v5;
	v1 =	vld [tilespmem:s7+$0x30];
	[tilespmem:s0+$0xFFFFFFF0] =	vst v4;
	s0 =	smov.u32 s7  }
0xd4: {  	s7 =	sadd.s32 $0x80, s7;
	[tilespmem:s0+$0xFFFFFFC0] =	vst v7;
	v6 =	vmul.f32 $2.048000000e+03, v6;
	v4 =	vld [tilespmem:s0+$0xFFFFFFF0]  }
0xd5: {  	[tilespmem:s0+$0xFFFFFFD0] =	vst v5;
	v2 =	vmul.f32 $2.048000000e+03, v2  }
0xd6: {  	[tilespmem:s0+$0xFFFFFFE0] =	vst v6;
	v0 =	vmul.f32 $2.048000000e+03, v0  }
0xd7: {  	[tilespmem:s0+$0x0] =	vst v2;
	v2 =	vmul.f32 $2.048000000e+03, v3  }
0xd8: {  	[tilespmem:s0+$0x10] =	vst v0;
	v0 =	vmul.f32 $2.048000000e+03, v1  }
0xd9: {  	v1 =	vmul.f32 $2.048000000e+03, v4;
	[tilespmem:s0+$0x20] =	vst v2  }
0xda: {  	[tilespmem:s0+$0x30] =	vst v0  }
0xdb: {  	s8 =	rddreg [dreg:$0xd];
	[tilespmem:s0+$0xFFFFFFF0] =	vst v1  }
0xdc: {  	[hbm4b:s8+s5] =	stream.linear.scatter [tilespmem:s5], [sflag:$0x5], $0x4000, $0x38;
	[tilespmem:$0x10100] =	vst v63  }
0xdd: {  	_ =	swait.ge [sflag:s30], $0x4000  }
0xde: {  	[sflag:s30] =	ssyncset.done $0x0  }
0xdf: {  	s9 =	rddreg [dreg:$0xe];
	[sflag:s30] =	ssyncadd.s32 $0xFFFFC000  }
0xe0: {  	[tilespmem:s22], [sflag:$0x4] =	stream.linear.gather [hbm4b:s9+s5], $0x4000, $0x38;
	[tilespmem:$0x10100] =	vst v63  }
0xe1: {  	_ =	swait.ge [sflag:s23], $0x4000  }
0xe2: {  	[sflag:s23] =	ssyncset.done $0x0  }
0xe3: {  	s0 =	simm.s32 $0x4040;
	[sflag:s23] =	ssyncadd.s32 $0xFFFFC000  }
0xe4: {  	v1 =	vld [tilespmem:s0+$0xFFFFFFC0];
	_ =	sdelay $0x1  }
0xe5: {  	v4 =	vld [tilespmem:s0+$0xFFFFFFD0]  }
0xe6: {  	v6 =	vld [tilespmem:s0+$0xFFFFFFE0]  }
0xe7: {  	v2 =	vld [tilespmem:s0+$0x0]  }
0xe8: {  	v0 =	vld [tilespmem:s0+$0x10];
	v5 =	vmul.f32 $2.048000000e+03, v1  }
0xe9: {  	v3 =	vld [tilespmem:s0+$0x20]  }
0xea: {  	v1 =	vld [tilespmem:s0+$0x30];
	[tilespmem:s0+$0xFFFFFFC0] =	vst v5;
	v5 =	vmul.f32 $2.048000000e+03, v4  }
0xeb: {  	s3 =	simm.s32 $0x0;
	s7 =	simm.s32 $0x40C0;
	v6 =	vmul.f32 $2.048000000e+03, v6;
	v4 =	vld [tilespmem:s0+$0xFFFFFFF0]  }
.LBB2_12:
0xec: {  	v7 =	vld [tilespmem:s7+$0xFFFFFFC0];
	[tilespmem:s0+$0xFFFFFFD0] =	vst v5;
	v2 =	vmul.f32 $2.048000000e+03, v2  }
0xed: {  	s3 =	sadd.s32 $0x8, s3;
	v5 =	vld [tilespmem:s7+$0xFFFFFFD0];
	[tilespmem:s0+$0xFFFFFFE0] =	vst v6;
	v0 =	vmul.f32 $2.048000000e+03, v0  }
0xee: {  	p0 =	slt.u32 s3, $0x3F8;
	v6 =	vld [tilespmem:s7+$0xFFFFFFE0];
	[tilespmem:s0+$0x0] =	vst v2;
	v3 =	vmul.f32 $2.048000000e+03, v3  }
.Ltmp5:
0xef: {  	v2 =	vld [tilespmem:s7+$0x0];
	[tilespmem:s0+$0x10] =	vst v0;
	v1 =	vmul.f32 $2.048000000e+03, v1;
	(pc) =	sbr.rel @p0 .LBB2_12-.Ltmp5, $4  }
0xf0: {  	v0 =	vld [tilespmem:s7+$0x10];
	v4 =	vmul.f32 $2.048000000e+03, v4;
	[tilespmem:s0+$0x20] =	vst v3  }
0xf1: {  	v7 =	vmul.f32 $2.048000000e+03, v7;
	v3 =	vld [tilespmem:s7+$0x20];
	[tilespmem:s0+$0x30] =	vst v1  }
0xf2: {  	v5 =	vmul.f32 $2.048000000e+03, v5;
	v1 =	vld [tilespmem:s7+$0x30];
	[tilespmem:s0+$0xFFFFFFF0] =	vst v4;
	s0 =	smov.u32 s7  }
0xf3: {  	s7 =	sadd.s32 $0x80, s7;
	[tilespmem:s0+$0xFFFFFFC0] =	vst v7;
	v6 =	vmul.f32 $2.048000000e+03, v6;
	v4 =	vld [tilespmem:s0+$0xFFFFFFF0]  }
0xf4: {  	[tilespmem:s0+$0xFFFFFFD0] =	vst v5;
	v2 =	vmul.f32 $2.048000000e+03, v2  }
0xf5: {  	[tilespmem:s0+$0xFFFFFFE0] =	vst v6;
	v0 =	vmul.f32 $2.048000000e+03, v0  }
0xf6: {  	[tilespmem:s0+$0x0] =	vst v2;
	v2 =	vmul.f32 $2.048000000e+03, v3  }
0xf7: {  	[tilespmem:s0+$0x10] =	vst v0;
	v0 =	vmul.f32 $2.048000000e+03, v1  }
0xf8: {  	v1 =	vmul.f32 $2.048000000e+03, v4;
	[tilespmem:s0+$0x20] =	vst v2  }
0xf9: {  	[tilespmem:s0+$0x30] =	vst v0  }
0xfa: {  	s8 =	rddreg [dreg:$0xf];
	[tilespmem:s0+$0xFFFFFFF0] =	vst v1  }
0xfb: {  	[hbm4b:s8+s5] =	stream.linear.scatter [tilespmem:s19], [sflag:$0x6], $0x4000, $0x38;
	[tilespmem:$0x10100] =	vst v63  }
0xfc: {  	_ =	swait.ge [sflag:s24], $0x4000  }
0xfd: {  	[sflag:s24] =	ssyncset.done $0x0  }
0xfe: {  	s9 =	rddreg [dreg:$0x10];
	[sflag:s24] =	ssyncadd.s32 $0xFFFFC000  }
0xff: {  	[tilespmem:s5], [sflag:$0x1] =	stream.linear.gather [hbm4b:s9+s5], $0x4000, $0x38;
	[tilespmem:$0x10100] =	vst v63  }
0x100: {  	_ =	swait.ge [sflag:s25], $0x4000  }
0x101: {  	[sflag:s25] =	ssyncset.done $0x0  }
0x102: {  	s0 =	simm.s32 $0x8040;
	[sflag:s25] =	ssyncadd.s32 $0xFFFFC000  }
0x103: {  	v1 =	vld [tilespmem:s0+$0xFFFFFFC0];
	_ =	sdelay $0x1  }
0x104: {  	v4 =	vld [tilespmem:s0+$0xFFFFFFD0]  }
0x105: {  	v6 =	vld [tilespmem:s0+$0xFFFFFFE0]  }
0x106: {  	v2 =	vld [tilespmem:s0+$0x0]  }
0x107: {  	v0 =	vld [tilespmem:s0+$0x10];
	v5 =	vmul.f32 $2.048000000e+03, v1  }
0x108: {  	v3 =	vld [tilespmem:s0+$0x20]  }
0x109: {  	v1 =	vld [tilespmem:s0+$0x30];
	[tilespmem:s0+$0xFFFFFFC0] =	vst v5;
	v5 =	vmul.f32 $2.048000000e+03, v4  }
0x10a: {  	s3 =	simm.s32 $0x0;
	s7 =	simm.s32 $0x80C0;
	v6 =	vmul.f32 $2.048000000e+03, v6;
	v4 =	vld [tilespmem:s0+$0xFFFFFFF0]  }
.LBB2_14:
0x10b: {  	v7 =	vld [tilespmem:s7+$0xFFFFFFC0];
	[tilespmem:s0+$0xFFFFFFD0] =	vst v5;
	v2 =	vmul.f32 $2.048000000e+03, v2  }
0x10c: {  	s3 =	sadd.s32 $0x8, s3;
	v5 =	vld [tilespmem:s7+$0xFFFFFFD0];
	[tilespmem:s0+$0xFFFFFFE0] =	vst v6;
	v0 =	vmul.f32 $2.048000000e+03, v0  }
0x10d: {  	p0 =	slt.u32 s3, $0x3F8;
	v6 =	vld [tilespmem:s7+$0xFFFFFFE0];
	[tilespmem:s0+$0x0] =	vst v2;
	v3 =	vmul.f32 $2.048000000e+03, v3  }
.Ltmp6:
0x10e: {  	v2 =	vld [tilespmem:s7+$0x0];
	[tilespmem:s0+$0x10] =	vst v0;
	v1 =	vmul.f32 $2.048000000e+03, v1;
	(pc) =	sbr.rel @p0 .LBB2_14-.Ltmp6, $4  }
0x10f: {  	v0 =	vld [tilespmem:s7+$0x10];
	v4 =	vmul.f32 $2.048000000e+03, v4;
	[tilespmem:s0+$0x20] =	vst v3  }
0x110: {  	v7 =	vmul.f32 $2.048000000e+03, v7;
	v3 =	vld [tilespmem:s7+$0x20];
	[tilespmem:s0+$0x30] =	vst v1  }
0x111: {  	v5 =	vmul.f32 $2.048000000e+03, v5;
	v1 =	vld [tilespmem:s7+$0x30];
	[tilespmem:s0+$0xFFFFFFF0] =	vst v4;
	s0 =	smov.u32 s7  }
0x112: {  	s7 =	sadd.s32 $0x80, s7;
	[tilespmem:s0+$0xFFFFFFC0] =	vst v7;
	v6 =	vmul.f32 $2.048000000e+03, v6;
	v4 =	vld [tilespmem:s0+$0xFFFFFFF0]  }
0x113: {  	[tilespmem:s0+$0xFFFFFFD0] =	vst v5;
	v2 =	vmul.f32 $2.048000000e+03, v2  }
0x114: {  	[tilespmem:s0+$0xFFFFFFE0] =	vst v6;
	v0 =	vmul.f32 $2.048000000e+03, v0  }
0x115: {  	[tilespmem:s0+$0x0] =	vst v2;
	v2 =	vmul.f32 $2.048000000e+03, v3  }
0x116: {  	[tilespmem:s0+$0x10] =	vst v0;
	v0 =	vmul.f32 $2.048000000e+03, v1  }
0x117: {  	v1 =	vmul.f32 $2.048000000e+03, v4;
	[tilespmem:s0+$0x20] =	vst v2  }
0x118: {  	[tilespmem:s0+$0x30] =	vst v0  }
0x119: {  	s8 =	rddreg [dreg:$0x11];
	[tilespmem:s0+$0xFFFFFFF0] =	vst v1  }
0x11a: {  	[hbm4b:s8+s5] =	stream.linear.scatter [tilespmem:s20], [sflag:$0x7], $0x4000, $0x38;
	[tilespmem:$0x10100] =	vst v63  }
0x11b: {  	_ =	swait.ge [sflag:s26], $0x4000  }
0x11c: {  	[sflag:s26] =	ssyncset.done $0x0  }
0x11d: {  	s9 =	rddreg [dreg:$0x14];
	[sflag:s26] =	ssyncadd.s32 $0xFFFFC000  }
0x11e: {  	[tilespmem:s19], [sflag:$0x2] =	stream.linear.gather [hbm4b:s9+s5], $0x4000, $0x38;
	[tilespmem:$0x10100] =	vst v63  }
0x11f: {  	_ =	swait.ge [sflag:s28], $0x4000  }
0x120: {  	[sflag:s28] =	ssyncset.done $0x0  }
0x121: {  	s0 =	simm.s32 $0xC040;
	[sflag:s28] =	ssyncadd.s32 $0xFFFFC000  }
0x122: {  	v1 =	vld [tilespmem:s0+$0xFFFFFFC0];
	_ =	sdelay $0x1  }
0x123: {  	v4 =	vld [tilespmem:s0+$0xFFFFFFD0]  }
0x124: {  	v6 =	vld [tilespmem:s0+$0xFFFFFFE0]  }
0x125: {  	v2 =	vld [tilespmem:s0+$0x0]  }
0x126: {  	v0 =	vld [tilespmem:s0+$0x10];
	v5 =	vmul.f32 $2.048000000e+03, v1  }
0x127: {  	v3 =	vld [tilespmem:s0+$0x20]  }
0x128: {  	v1 =	vld [tilespmem:s0+$0x30];
	[tilespmem:s0+$0xFFFFFFC0] =	vst v5;
	v5 =	vmul.f32 $2.048000000e+03, v4  }
0x129: {  	s3 =	simm.s32 $0x0;
	s7 =	simm.s32 $0xC0C0;
	v6 =	vmul.f32 $2.048000000e+03, v6;
	v4 =	vld [tilespmem:s0+$0xFFFFFFF0]  }
.LBB2_16:
0x12a: {  	v7 =	vld [tilespmem:s7+$0xFFFFFFC0];
	[tilespmem:s0+$0xFFFFFFD0] =	vst v5;
	v2 =	vmul.f32 $2.048000000e+03, v2  }
0x12b: {  	s3 =	sadd.s32 $0x8, s3;
	v5 =	vld [tilespmem:s7+$0xFFFFFFD0];
	[tilespmem:s0+$0xFFFFFFE0] =	vst v6;
	v0 =	vmul.f32 $2.048000000e+03, v0  }
0x12c: {  	p0 =	slt.u32 s3, $0x3F8;
	v6 =	vld [tilespmem:s7+$0xFFFFFFE0];
	[tilespmem:s0+$0x0] =	vst v2;
	v3 =	vmul.f32 $2.048000000e+03, v3  }
.Ltmp7:
0x12d: {  	v2 =	vld [tilespmem:s7+$0x0];
	[tilespmem:s0+$0x10] =	vst v0;
	v1 =	vmul.f32 $2.048000000e+03, v1;
	(pc) =	sbr.rel @p0 .LBB2_16-.Ltmp7, $4  }
0x12e: {  	v0 =	vld [tilespmem:s7+$0x10];
	v4 =	vmul.f32 $2.048000000e+03, v4;
	[tilespmem:s0+$0x20] =	vst v3  }
0x12f: {  	v7 =	vmul.f32 $2.048000000e+03, v7;
	v3 =	vld [tilespmem:s7+$0x20];
	[tilespmem:s0+$0x30] =	vst v1  }
0x130: {  	v5 =	vmul.f32 $2.048000000e+03, v5;
	v1 =	vld [tilespmem:s7+$0x30];
	[tilespmem:s0+$0xFFFFFFF0] =	vst v4;
	s0 =	smov.u32 s7  }
0x131: {  	s7 =	sadd.s32 $0x80, s7;
	[tilespmem:s0+$0xFFFFFFC0] =	vst v7;
	v6 =	vmul.f32 $2.048000000e+03, v6;
	v4 =	vld [tilespmem:s0+$0xFFFFFFF0]  }
0x132: {  	[tilespmem:s0+$0xFFFFFFD0] =	vst v5;
	v2 =	vmul.f32 $2.048000000e+03, v2  }
0x133: {  	[tilespmem:s0+$0xFFFFFFE0] =	vst v6;
	v0 =	vmul.f32 $2.048000000e+03, v0  }
0x134: {  	[tilespmem:s0+$0x0] =	vst v2;
	v2 =	vmul.f32 $2.048000000e+03, v3  }
0x135: {  	[tilespmem:s0+$0x10] =	vst v0;
	v0 =	vmul.f32 $2.048000000e+03, v1  }
0x136: {  	v1 =	vmul.f32 $2.048000000e+03, v4;
	[tilespmem:s0+$0x20] =	vst v2  }
0x137: {  	[tilespmem:s0+$0x30] =	vst v0  }
0x138: {  	s8 =	rddreg [dreg:$0x12];
	[tilespmem:s0+$0xFFFFFFF0] =	vst v1  }
0x139: {  	[hbm4b:s8+s5] =	stream.linear.scatter [tilespmem:s22], [sflag:$0x8], $0x4000, $0x38;
	[tilespmem:$0x10100] =	vst v63  }
0x13a: {  	_ =	swait.ge [sflag:s29], $0x4000  }
0x13b: {  	[sflag:s29] =	ssyncset.done $0x0  }
0x13c: {  	s9 =	rddreg [dreg:$0x16];
	[sflag:s29] =	ssyncadd.s32 $0xFFFFC000  }
0x13d: {  	[tilespmem:s20], [sflag:$0x3] =	stream.linear.gather [hbm4b:s9+s5], $0x4000, $0x38;
	[tilespmem:$0x10100] =	vst v63  }
0x13e: {  	_ =	swait.ge [sflag:s21], $0x4000  }
0x13f: {  	[sflag:s21] =	ssyncset.done $0x0  }
0x140: {  	s0 =	simm.s32 $0x40;
	[sflag:s21] =	ssyncadd.s32 $0xFFFFC000  }
0x141: {  	v1 =	vld [tilespmem:s0+$0xFFFFFFC0];
	_ =	sdelay $0x1  }
0x142: {  	v4 =	vld [tilespmem:s0+$0xFFFFFFD0]  }
0x143: {  	v6 =	vld [tilespmem:s0+$0xFFFFFFE0]  }
0x144: {  	v2 =	vld [tilespmem:s0+$0x0]  }
0x145: {  	v0 =	vld [tilespmem:s0+$0x10];
	v5 =	vmul.f32 $2.048000000e+03, v1  }
0x146: {  	v3 =	vld [tilespmem:s0+$0x20]  }
0x147: {  	v1 =	vld [tilespmem:s0+$0x30];
	[tilespmem:s0+$0xFFFFFFC0] =	vst v5;
	v5 =	vmul.f32 $2.048000000e+03, v4  }
0x148: {  	s3 =	simm.s32 $0x0;
	s7 =	simm.s32 $0xC0;
	v6 =	vmul.f32 $2.048000000e+03, v6;
	v4 =	vld [tilespmem:s0+$0xFFFFFFF0]  }
.LBB2_18:
0x149: {  	v7 =	vld [tilespmem:s7+$0xFFFFFFC0];
	[tilespmem:s0+$0xFFFFFFD0] =	vst v5;
	v2 =	vmul.f32 $2.048000000e+03, v2  }
0x14a: {  	s3 =	sadd.s32 $0x8, s3;
	v5 =	vld [tilespmem:s7+$0xFFFFFFD0];
	[tilespmem:s0+$0xFFFFFFE0] =	vst v6;
	v0 =	vmul.f32 $2.048000000e+03, v0  }
0x14b: {  	p0 =	slt.u32 s3, $0x3F8;
	v6 =	vld [tilespmem:s7+$0xFFFFFFE0];
	[tilespmem:s0+$0x0] =	vst v2;
	v3 =	vmul.f32 $2.048000000e+03, v3  }
.Ltmp8:
0x14c: {  	v2 =	vld [tilespmem:s7+$0x0];
	[tilespmem:s0+$0x10] =	vst v0;
	v1 =	vmul.f32 $2.048000000e+03, v1;
	(pc) =	sbr.rel @p0 .LBB2_18-.Ltmp8, $4  }
0x14d: {  	v0 =	vld [tilespmem:s7+$0x10];
	v4 =	vmul.f32 $2.048000000e+03, v4;
	[tilespmem:s0+$0x20] =	vst v3  }
0x14e: {  	v7 =	vmul.f32 $2.048000000e+03, v7;
	v3 =	vld [tilespmem:s7+$0x20];
	[tilespmem:s0+$0x30] =	vst v1  }
0x14f: {  	v5 =	vmul.f32 $2.048000000e+03, v5;
	v1 =	vld [tilespmem:s7+$0x30];
	[tilespmem:s0+$0xFFFFFFF0] =	vst v4;
	s0 =	smov.u32 s7  }
0x150: {  	s7 =	sadd.s32 $0x80, s7;
	[tilespmem:s0+$0xFFFFFFC0] =	vst v7;
	v6 =	vmul.f32 $2.048000000e+03, v6;
	v4 =	vld [tilespmem:s0+$0xFFFFFFF0]  }
0x151: {  	[tilespmem:s0+$0xFFFFFFD0] =	vst v5;
	v2 =	vmul.f32 $2.048000000e+03, v2  }
0x152: {  	[tilespmem:s0+$0xFFFFFFE0] =	vst v6;
	v0 =	vmul.f32 $2.048000000e+03, v0  }
0x153: {  	[tilespmem:s0+$0x0] =	vst v2;
	v2 =	vmul.f32 $2.048000000e+03, v3  }
0x154: {  	[tilespmem:s0+$0x10] =	vst v0;
	v0 =	vmul.f32 $2.048000000e+03, v1  }
0x155: {  	v1 =	vmul.f32 $2.048000000e+03, v4;
	[tilespmem:s0+$0x20] =	vst v2  }
0x156: {  	[tilespmem:s0+$0x30] =	vst v0  }
0x157: {  	s8 =	rddreg [dreg:$0x13];
	[tilespmem:s0+$0xFFFFFFF0] =	vst v1  }
0x158: {  	[hbm4b:s8+s5] =	stream.linear.scatter [tilespmem:s5], [sflag:$0x5], $0x4000, $0x38;
	[tilespmem:$0x10100] =	vst v63  }
0x159: {  	_ =	swait.ge [sflag:s30], $0x4000  }
0x15a: {  	[sflag:s30] =	ssyncset.done $0x0  }
0x15b: {  	s9 =	rddreg [dreg:$0x18];
	[sflag:s30] =	ssyncadd.s32 $0xFFFFC000  }
0x15c: {  	[tilespmem:s22], [sflag:$0x4] =	stream.linear.gather [hbm4b:s9+s5], $0x4000, $0x38;
	[tilespmem:$0x10100] =	vst v63  }
0x15d: {  	_ =	swait.ge [sflag:s23], $0x4000  }
0x15e: {  	[sflag:s23] =	ssyncset.done $0x0  }
0x15f: {  	s0 =	simm.s32 $0x4040;
	[sflag:s23] =	ssyncadd.s32 $0xFFFFC000  }
0x160: {  	v1 =	vld [tilespmem:s0+$0xFFFFFFC0];
	_ =	sdelay $0x1  }
0x161: {  	v4 =	vld [tilespmem:s0+$0xFFFFFFD0]  }
0x162: {  	v6 =	vld [tilespmem:s0+$0xFFFFFFE0]  }
0x163: {  	v2 =	vld [tilespmem:s0+$0x0]  }
0x164: {  	v0 =	vld [tilespmem:s0+$0x10];
	v5 =	vmul.f32 $2.048000000e+03, v1  }
0x165: {  	v3 =	vld [tilespmem:s0+$0x20]  }
0x166: {  	v1 =	vld [tilespmem:s0+$0x30];
	[tilespmem:s0+$0xFFFFFFC0] =	vst v5;
	v5 =	vmul.f32 $2.048000000e+03, v4  }
0x167: {  	s3 =	simm.s32 $0x0;
	s7 =	simm.s32 $0x40C0;
	v6 =	vmul.f32 $2.048000000e+03, v6;
	v4 =	vld [tilespmem:s0+$0xFFFFFFF0]  }
.LBB2_20:
0x168: {  	v7 =	vld [tilespmem:s7+$0xFFFFFFC0];
	[tilespmem:s0+$0xFFFFFFD0] =	vst v5;
	v2 =	vmul.f32 $2.048000000e+03, v2  }
0x169: {  	s3 =	sadd.s32 $0x8, s3;
	v5 =	vld [tilespmem:s7+$0xFFFFFFD0];
	[tilespmem:s0+$0xFFFFFFE0] =	vst v6;
	v0 =	vmul.f32 $2.048000000e+03, v0  }
0x16a: {  	p0 =	slt.u32 s3, $0x3F8;
	v6 =	vld [tilespmem:s7+$0xFFFFFFE0];
	[tilespmem:s0+$0x0] =	vst v2;
	v3 =	vmul.f32 $2.048000000e+03, v3  }
.Ltmp9:
0x16b: {  	v2 =	vld [tilespmem:s7+$0x0];
	[tilespmem:s0+$0x10] =	vst v0;
	v1 =	vmul.f32 $2.048000000e+03, v1;
	(pc) =	sbr.rel @p0 .LBB2_20-.Ltmp9, $4  }
0x16c: {  	v0 =	vld [tilespmem:s7+$0x10];
	v4 =	vmul.f32 $2.048000000e+03, v4;
	[tilespmem:s0+$0x20] =	vst v3  }
0x16d: {  	v7 =	vmul.f32 $2.048000000e+03, v7;
	v3 =	vld [tilespmem:s7+$0x20];
	[tilespmem:s0+$0x30] =	vst v1  }
0x16e: {  	v5 =	vmul.f32 $2.048000000e+03, v5;
	v1 =	vld [tilespmem:s7+$0x30];
	[tilespmem:s0+$0xFFFFFFF0] =	vst v4;
	s0 =	smov.u32 s7  }
0x16f: {  	s7 =	sadd.s32 $0x80, s7;
	[tilespmem:s0+$0xFFFFFFC0] =	vst v7;
	v6 =	vmul.f32 $2.048000000e+03, v6;
	v4 =	vld [tilespmem:s0+$0xFFFFFFF0]  }
0x170: {  	[tilespmem:s0+$0xFFFFFFD0] =	vst v5;
	v2 =	vmul.f32 $2.048000000e+03, v2  }
0x171: {  	[tilespmem:s0+$0xFFFFFFE0] =	vst v6;
	v0 =	vmul.f32 $2.048000000e+03, v0  }
0x172: {  	[tilespmem:s0+$0x0] =	vst v2;
	v2 =	vmul.f32 $2.048000000e+03, v3  }
0x173: {  	[tilespmem:s0+$0x10] =	vst v0;
	v0 =	vmul.f32 $2.048000000e+03, v1  }
0x174: {  	v1 =	vmul.f32 $2.048000000e+03, v4;
	[tilespmem:s0+$0x20] =	vst v2  }
0x175: {  	[tilespmem:s0+$0x30] =	vst v0  }
0x176: {  	s8 =	rddreg [dreg:$0x15];
	[tilespmem:s0+$0xFFFFFFF0] =	vst v1  }
0x177: {  	[hbm4b:s8+s5] =	stream.linear.scatter [tilespmem:s19], [sflag:$0x6], $0x4000, $0x38;
	[tilespmem:$0x10100] =	vst v63  }
0x178: {  	_ =	swait.ge [sflag:s24], $0x4000  }
0x179: {  	[sflag:s24] =	ssyncset.done $0x0  }
0x17a: {  	s9 =	rddreg [dreg:$0x1a];
	[sflag:s24] =	ssyncadd.s32 $0xFFFFC000  }
0x17b: {  	[tilespmem:s5], [sflag:$0x1] =	stream.linear.gather [hbm4b:s9+s5], $0x4000, $0x38;
	[tilespmem:$0x10100] =	vst v63  }
0x17c: {  	_ =	swait.ge [sflag:s25], $0x4000  }
0x17d: {  	[sflag:s25] =	ssyncset.done $0x0  }
0x17e: {  	s0 =	simm.s32 $0x8040;
	[sflag:s25] =	ssyncadd.s32 $0xFFFFC000  }
0x17f: {  	v1 =	vld [tilespmem:s0+$0xFFFFFFC0];
	_ =	sdelay $0x1  }
0x180: {  	v4 =	vld [tilespmem:s0+$0xFFFFFFD0]  }
0x181: {  	v6 =	vld [tilespmem:s0+$0xFFFFFFE0]  }
0x182: {  	v2 =	vld [tilespmem:s0+$0x0]  }
0x183: {  	v0 =	vld [tilespmem:s0+$0x10];
	v5 =	vmul.f32 $2.048000000e+03, v1  }
0x184: {  	v3 =	vld [tilespmem:s0+$0x20]  }
0x185: {  	v1 =	vld [tilespmem:s0+$0x30];
	[tilespmem:s0+$0xFFFFFFC0] =	vst v5;
	v5 =	vmul.f32 $2.048000000e+03, v4  }
0x186: {  	s3 =	simm.s32 $0x0;
	s7 =	simm.s32 $0x80C0;
	v6 =	vmul.f32 $2.048000000e+03, v6;
	v4 =	vld [tilespmem:s0+$0xFFFFFFF0]  }
.LBB2_22:
0x187: {  	v7 =	vld [tilespmem:s7+$0xFFFFFFC0];
	[tilespmem:s0+$0xFFFFFFD0] =	vst v5;
	v2 =	vmul.f32 $2.048000000e+03, v2  }
0x188: {  	s3 =	sadd.s32 $0x8, s3;
	v5 =	vld [tilespmem:s7+$0xFFFFFFD0];
	[tilespmem:s0+$0xFFFFFFE0] =	vst v6;
	v0 =	vmul.f32 $2.048000000e+03, v0  }
0x189: {  	p0 =	slt.u32 s3, $0x3F8;
	v6 =	vld [tilespmem:s7+$0xFFFFFFE0];
	[tilespmem:s0+$0x0] =	vst v2;
	v3 =	vmul.f32 $2.048000000e+03, v3  }
.Ltmp10:
0x18a: {  	v2 =	vld [tilespmem:s7+$0x0];
	[tilespmem:s0+$0x10] =	vst v0;
	v1 =	vmul.f32 $2.048000000e+03, v1;
	(pc) =	sbr.rel @p0 .LBB2_22-.Ltmp10, $4  }
0x18b: {  	v0 =	vld [tilespmem:s7+$0x10];
	v4 =	vmul.f32 $2.048000000e+03, v4;
	[tilespmem:s0+$0x20] =	vst v3  }
0x18c: {  	v7 =	vmul.f32 $2.048000000e+03, v7;
	v3 =	vld [tilespmem:s7+$0x20];
	[tilespmem:s0+$0x30] =	vst v1  }
0x18d: {  	v5 =	vmul.f32 $2.048000000e+03, v5;
	v1 =	vld [tilespmem:s7+$0x30];
	[tilespmem:s0+$0xFFFFFFF0] =	vst v4;
	s0 =	smov.u32 s7  }
0x18e: {  	s7 =	sadd.s32 $0x80, s7;
	[tilespmem:s0+$0xFFFFFFC0] =	vst v7;
	v6 =	vmul.f32 $2.048000000e+03, v6;
	v4 =	vld [tilespmem:s0+$0xFFFFFFF0]  }
0x18f: {  	[tilespmem:s0+$0xFFFFFFD0] =	vst v5;
	v2 =	vmul.f32 $2.048000000e+03, v2  }
0x190: {  	[tilespmem:s0+$0xFFFFFFE0] =	vst v6;
	v0 =	vmul.f32 $2.048000000e+03, v0  }
0x191: {  	[tilespmem:s0+$0x0] =	vst v2;
	v2 =	vmul.f32 $2.048000000e+03, v3  }
0x192: {  	[tilespmem:s0+$0x10] =	vst v0;
	v0 =	vmul.f32 $2.048000000e+03, v1  }
0x193: {  	v1 =	vmul.f32 $2.048000000e+03, v4;
	[tilespmem:s0+$0x20] =	vst v2  }
0x194: {  	[tilespmem:s0+$0x30] =	vst v0  }
0x195: {  	s8 =	rddreg [dreg:$0x17];
	[tilespmem:s0+$0xFFFFFFF0] =	vst v1  }
0x196: {  	[hbm4b:s8+s5] =	stream.linear.scatter [tilespmem:s20], [sflag:$0x7], $0x4000, $0x38;
	[tilespmem:$0x10100] =	vst v63  }
0x197: {  	_ =	swait.ge [sflag:s26], $0x4000  }
0x198: {  	[sflag:s26] =	ssyncset.done $0x0  }
0x199: {  	s9 =	rddreg [dreg:$0x1c];
	[sflag:s26] =	ssyncadd.s32 $0xFFFFC000  }
0x19a: {  	[tilespmem:s19], [sflag:$0x2] =	stream.linear.gather [hbm4b:s9+s5], $0x4000, $0x38;
	[tilespmem:$0x10100] =	vst v63  }
0x19b: {  	_ =	swait.ge [sflag:s28], $0x4000  }
0x19c: {  	[sflag:s28] =	ssyncset.done $0x0  }
0x19d: {  	s0 =	simm.s32 $0xC040;
	[sflag:s28] =	ssyncadd.s32 $0xFFFFC000  }
0x19e: {  	v1 =	vld [tilespmem:s0+$0xFFFFFFC0];
	_ =	sdelay $0x1  }
0x19f: {  	v4 =	vld [tilespmem:s0+$0xFFFFFFD0]  }
0x1a0: {  	v6 =	vld [tilespmem:s0+$0xFFFFFFE0]  }
0x1a1: {  	v2 =	vld [tilespmem:s0+$0x0]  }
0x1a2: {  	v0 =	vld [tilespmem:s0+$0x10];
	v5 =	vmul.f32 $2.048000000e+03, v1  }
0x1a3: {  	v3 =	vld [tilespmem:s0+$0x20]  }
0x1a4: {  	v1 =	vld [tilespmem:s0+$0x30];
	[tilespmem:s0+$0xFFFFFFC0] =	vst v5;
	v5 =	vmul.f32 $2.048000000e+03, v4  }
0x1a5: {  	s3 =	simm.s32 $0x0;
	s7 =	simm.s32 $0xC0C0;
	v6 =	vmul.f32 $2.048000000e+03, v6;
	v4 =	vld [tilespmem:s0+$0xFFFFFFF0]  }
.LBB2_24:
0x1a6: {  	v7 =	vld [tilespmem:s7+$0xFFFFFFC0];
	[tilespmem:s0+$0xFFFFFFD0] =	vst v5;
	v2 =	vmul.f32 $2.048000000e+03, v2  }
0x1a7: {  	s3 =	sadd.s32 $0x8, s3;
	v5 =	vld [tilespmem:s7+$0xFFFFFFD0];
	[tilespmem:s0+$0xFFFFFFE0] =	vst v6;
	v0 =	vmul.f32 $2.048000000e+03, v0  }
0x1a8: {  	p0 =	slt.u32 s3, $0x3F8;
	v6 =	vld [tilespmem:s7+$0xFFFFFFE0];
	[tilespmem:s0+$0x0] =	vst v2;
	v3 =	vmul.f32 $2.048000000e+03, v3  }
.Ltmp11:
0x1a9: {  	v2 =	vld [tilespmem:s7+$0x0];
	[tilespmem:s0+$0x10] =	vst v0;
	v1 =	vmul.f32 $2.048000000e+03, v1;
	(pc) =	sbr.rel @p0 .LBB2_24-.Ltmp11, $4  }
0x1aa: {  	v0 =	vld [tilespmem:s7+$0x10];
	v4 =	vmul.f32 $2.048000000e+03, v4;
	[tilespmem:s0+$0x20] =	vst v3  }
0x1ab: {  	v7 =	vmul.f32 $2.048000000e+03, v7;
	v3 =	vld [tilespmem:s7+$0x20];
	[tilespmem:s0+$0x30] =	vst v1  }
0x1ac: {  	v5 =	vmul.f32 $2.048000000e+03, v5;
	v1 =	vld [tilespmem:s7+$0x30];
	[tilespmem:s0+$0xFFFFFFF0] =	vst v4;
	s0 =	smov.u32 s7  }
0x1ad: {  	s7 =	sadd.s32 $0x80, s7;
	[tilespmem:s0+$0xFFFFFFC0] =	vst v7;
	v6 =	vmul.f32 $2.048000000e+03, v6;
	v4 =	vld [tilespmem:s0+$0xFFFFFFF0]  }
0x1ae: {  	[tilespmem:s0+$0xFFFFFFD0] =	vst v5;
	v2 =	vmul.f32 $2.048000000e+03, v2  }
0x1af: {  	[tilespmem:s0+$0xFFFFFFE0] =	vst v6;
	v0 =	vmul.f32 $2.048000000e+03, v0  }
0x1b0: {  	[tilespmem:s0+$0x0] =	vst v2;
	v2 =	vmul.f32 $2.048000000e+03, v3  }
0x1b1: {  	[tilespmem:s0+$0x10] =	vst v0;
	v0 =	vmul.f32 $2.048000000e+03, v1  }
0x1b2: {  	v1 =	vmul.f32 $2.048000000e+03, v4;
	[tilespmem:s0+$0x20] =	vst v2  }
0x1b3: {  	[tilespmem:s0+$0x30] =	vst v0  }
0x1b4: {  	s8 =	rddreg [dreg:$0x19];
	[tilespmem:s0+$0xFFFFFFF0] =	vst v1  }
0x1b5: {  	[hbm4b:s8+s5] =	stream.linear.scatter [tilespmem:s22], [sflag:$0x8], $0x4000, $0x38;
	[tilespmem:$0x10100] =	vst v63  }
0x1b6: {  	_ =	swait.ge [sflag:s29], $0x4000  }
0x1b7: {  	[sflag:s29] =	ssyncset.done $0x0  }
0x1b8: {  	s9 =	rddreg [dreg:$0x1e];
	[sflag:s29] =	ssyncadd.s32 $0xFFFFC000  }
0x1b9: {  	[tilespmem:s20], [sflag:$0x3] =	stream.linear.gather [hbm4b:s9+s5], $0x4000, $0x38;
	[tilespmem:$0x10100] =	vst v63  }
0x1ba: {  	_ =	swait.ge [sflag:s21], $0x4000  }
0x1bb: {  	[sflag:s21] =	ssyncset.done $0x0  }
0x1bc: {  	s0 =	simm.s32 $0x40;
	[sflag:s21] =	ssyncadd.s32 $0xFFFFC000  }
0x1bd: {  	v1 =	vld [tilespmem:s0+$0xFFFFFFC0];
	_ =	sdelay $0x1  }
0x1be: {  	v4 =	vld [tilespmem:s0+$0xFFFFFFD0]  }
0x1bf: {  	v6 =	vld [tilespmem:s0+$0xFFFFFFE0]  }
0x1c0: {  	v2 =	vld [tilespmem:s0+$0x0]  }
0x1c1: {  	v0 =	vld [tilespmem:s0+$0x10];
	v5 =	vmul.f32 $2.048000000e+03, v1  }
0x1c2: {  	v3 =	vld [tilespmem:s0+$0x20]  }
0x1c3: {  	v1 =	vld [tilespmem:s0+$0x30];
	[tilespmem:s0+$0xFFFFFFC0] =	vst v5;
	v5 =	vmul.f32 $2.048000000e+03, v4  }
0x1c4: {  	s3 =	simm.s32 $0x0;
	s7 =	simm.s32 $0xC0;
	v6 =	vmul.f32 $2.048000000e+03, v6;
	v4 =	vld [tilespmem:s0+$0xFFFFFFF0]  }
.LBB2_26:
0x1c5: {  	v7 =	vld [tilespmem:s7+$0xFFFFFFC0];
	[tilespmem:s0+$0xFFFFFFD0] =	vst v5;
	v2 =	vmul.f32 $2.048000000e+03, v2  }
0x1c6: {  	s3 =	sadd.s32 $0x8, s3;
	v5 =	vld [tilespmem:s7+$0xFFFFFFD0];
	[tilespmem:s0+$0xFFFFFFE0] =	vst v6;
	v0 =	vmul.f32 $2.048000000e+03, v0  }
0x1c7: {  	p0 =	slt.u32 s3, $0x3F8;
	v6 =	vld [tilespmem:s7+$0xFFFFFFE0];
	[tilespmem:s0+$0x0] =	vst v2;
	v3 =	vmul.f32 $2.048000000e+03, v3  }
.Ltmp12:
0x1c8: {  	v2 =	vld [tilespmem:s7+$0x0];
	[tilespmem:s0+$0x10] =	vst v0;
	v1 =	vmul.f32 $2.048000000e+03, v1;
	(pc) =	sbr.rel @p0 .LBB2_26-.Ltmp12, $4  }
0x1c9: {  	v0 =	vld [tilespmem:s7+$0x10];
	v4 =	vmul.f32 $2.048000000e+03, v4;
	[tilespmem:s0+$0x20] =	vst v3  }
0x1ca: {  	v7 =	vmul.f32 $2.048000000e+03, v7;
	v3 =	vld [tilespmem:s7+$0x20];
	[tilespmem:s0+$0x30] =	vst v1  }
0x1cb: {  	v5 =	vmul.f32 $2.048000000e+03, v5;
	v1 =	vld [tilespmem:s7+$0x30];
	[tilespmem:s0+$0xFFFFFFF0] =	vst v4;
	s0 =	smov.u32 s7  }
0x1cc: {  	s7 =	sadd.s32 $0x80, s7;
	[tilespmem:s0+$0xFFFFFFC0] =	vst v7;
	v6 =	vmul.f32 $2.048000000e+03, v6;
	v4 =	vld [tilespmem:s0+$0xFFFFFFF0]  }
0x1cd: {  	[tilespmem:s0+$0xFFFFFFD0] =	vst v5;
	v2 =	vmul.f32 $2.048000000e+03, v2  }
0x1ce: {  	[tilespmem:s0+$0xFFFFFFE0] =	vst v6;
	v0 =	vmul.f32 $2.048000000e+03, v0  }
0x1cf: {  	[tilespmem:s0+$0x0] =	vst v2;
	v2 =	vmul.f32 $2.048000000e+03, v3  }
0x1d0: {  	[tilespmem:s0+$0x10] =	vst v0;
	v0 =	vmul.f32 $2.048000000e+03, v1  }
0x1d1: {  	v1 =	vmul.f32 $2.048000000e+03, v4;
	[tilespmem:s0+$0x20] =	vst v2  }
0x1d2: {  	[tilespmem:s0+$0x30] =	vst v0  }
0x1d3: {  	s8 =	rddreg [dreg:$0x1b];
	[tilespmem:s0+$0xFFFFFFF0] =	vst v1  }
0x1d4: {  	[hbm4b:s8+s5] =	stream.linear.scatter [tilespmem:s5], [sflag:$0x5], $0x4000, $0x38;
	[tilespmem:$0x10100] =	vst v63  }
0x1d5: {  	_ =	swait.ge [sflag:s30], $0x4000  }
0x1d6: {  	s9 =	sld [smem:$0x7E1]  }
0x1d7: {  	[sflag:s30] =	ssyncset.done $0x0  }
0x1d8: {  	[sflag:s30] =	ssyncadd.s32 $0xFFFFC000  }
0x1d9: {  	[tilespmem:s22], [sflag:$0x4] =	stream.linear.gather [hbm4b:s9+s5], $0x4000, $0x38;
	[tilespmem:$0x10100] =	vst v63  }
0x1da: {  	_ =	swait.ge [sflag:s23], $0x4000  }
0x1db: {  	[sflag:s23] =	ssyncset.done $0x0  }
0x1dc: {  	s0 =	simm.s32 $0x4040;
	[sflag:s23] =	ssyncadd.s32 $0xFFFFC000  }
0x1dd: {  	v1 =	vld [tilespmem:s0+$0xFFFFFFC0];
	_ =	sdelay $0x1  }
0x1de: {  	v4 =	vld [tilespmem:s0+$0xFFFFFFD0]  }
0x1df: {  	v6 =	vld [tilespmem:s0+$0xFFFFFFE0]  }
0x1e0: {  	v2 =	vld [tilespmem:s0+$0x0]  }
0x1e1: {  	v0 =	vld [tilespmem:s0+$0x10];
	v5 =	vmul.f32 $2.048000000e+03, v1  }
0x1e2: {  	v3 =	vld [tilespmem:s0+$0x20]  }
0x1e3: {  	v1 =	vld [tilespmem:s0+$0x30];
	[tilespmem:s0+$0xFFFFFFC0] =	vst v5;
	v5 =	vmul.f32 $2.048000000e+03, v4  }
0x1e4: {  	s3 =	simm.s32 $0x0;
	s7 =	simm.s32 $0x40C0;
	v6 =	vmul.f32 $2.048000000e+03, v6;
	v4 =	vld [tilespmem:s0+$0xFFFFFFF0]  }
.LBB2_28:
0x1e5: {  	v7 =	vld [tilespmem:s7+$0xFFFFFFC0];
	[tilespmem:s0+$0xFFFFFFD0] =	vst v5;
	v2 =	vmul.f32 $2.048000000e+03, v2  }
0x1e6: {  	s3 =	sadd.s32 $0x8, s3;
	v5 =	vld [tilespmem:s7+$0xFFFFFFD0];
	[tilespmem:s0+$0xFFFFFFE0] =	vst v6;
	v0 =	vmul.f32 $2.048000000e+03, v0  }
0x1e7: {  	p0 =	slt.u32 s3, $0x3F8;
	v6 =	vld [tilespmem:s7+$0xFFFFFFE0];
	[tilespmem:s0+$0x0] =	vst v2;
	v3 =	vmul.f32 $2.048000000e+03, v3  }
.Ltmp13:
0x1e8: {  	v2 =	vld [tilespmem:s7+$0x0];
	[tilespmem:s0+$0x10] =	vst v0;
	v1 =	vmul.f32 $2.048000000e+03, v1;
	(pc) =	sbr.rel @p0 .LBB2_28-.Ltmp13, $4  }
0x1e9: {  	v0 =	vld [tilespmem:s7+$0x10];
	v4 =	vmul.f32 $2.048000000e+03, v4;
	[tilespmem:s0+$0x20] =	vst v3  }
0x1ea: {  	v7 =	vmul.f32 $2.048000000e+03, v7;
	v3 =	vld [tilespmem:s7+$0x20];
	[tilespmem:s0+$0x30] =	vst v1  }
0x1eb: {  	v5 =	vmul.f32 $2.048000000e+03, v5;
	v1 =	vld [tilespmem:s7+$0x30];
	[tilespmem:s0+$0xFFFFFFF0] =	vst v4;
	s0 =	smov.u32 s7  }
0x1ec: {  	s7 =	sadd.s32 $0x80, s7;
	[tilespmem:s0+$0xFFFFFFC0] =	vst v7;
	v6 =	vmul.f32 $2.048000000e+03, v6;
	v4 =	vld [tilespmem:s0+$0xFFFFFFF0]  }
0x1ed: {  	[tilespmem:s0+$0xFFFFFFD0] =	vst v5;
	v2 =	vmul.f32 $2.048000000e+03, v2  }
0x1ee: {  	[tilespmem:s0+$0xFFFFFFE0] =	vst v6;
	v0 =	vmul.f32 $2.048000000e+03, v0  }
0x1ef: {  	[tilespmem:s0+$0x0] =	vst v2;
	v2 =	vmul.f32 $2.048000000e+03, v3  }
0x1f0: {  	[tilespmem:s0+$0x10] =	vst v0;
	v0 =	vmul.f32 $2.048000000e+03, v1  }
0x1f1: {  	v1 =	vmul.f32 $2.048000000e+03, v4;
	[tilespmem:s0+$0x20] =	vst v2  }
0x1f2: {  	[tilespmem:s0+$0x30] =	vst v0  }
0x1f3: {  	s8 =	rddreg [dreg:$0x1d];
	[tilespmem:s0+$0xFFFFFFF0] =	vst v1  }
0x1f4: {  	[hbm4b:s8+s5] =	stream.linear.scatter [tilespmem:s19], [sflag:$0x6], $0x4000, $0x38;
	[tilespmem:$0x10100] =	vst v63  }
0x1f5: {  	_ =	swait.ge [sflag:s24], $0x4000  }
0x1f6: {  	s9 =	sld [smem:$0x7E3]  }
0x1f7: {  	[sflag:s24] =	ssyncset.done $0x0  }
0x1f8: {  	[sflag:s24] =	ssyncadd.s32 $0xFFFFC000  }
0x1f9: {  	[tilespmem:s5], [sflag:$0x1] =	stream.linear.gather [hbm4b:s9+s5], $0x4000, $0x38;
	[tilespmem:$0x10100] =	vst v63  }
0x1fa: {  	_ =	swait.ge [sflag:s25], $0x4000  }
0x1fb: {  	[sflag:s25] =	ssyncset.done $0x0  }
0x1fc: {  	s0 =	simm.s32 $0x8040;
	[sflag:s25] =	ssyncadd.s32 $0xFFFFC000  }
0x1fd: {  	v1 =	vld [tilespmem:s0+$0xFFFFFFC0];
	_ =	sdelay $0x1  }
0x1fe: {  	v4 =	vld [tilespmem:s0+$0xFFFFFFD0]  }
0x1ff: {  	v6 =	vld [tilespmem:s0+$0xFFFFFFE0]  }
0x200: {  	v2 =	vld [tilespmem:s0+$0x0]  }
0x201: {  	v0 =	vld [tilespmem:s0+$0x10];
	v5 =	vmul.f32 $2.048000000e+03, v1  }
0x202: {  	v3 =	vld [tilespmem:s0+$0x20]  }
0x203: {  	v1 =	vld [tilespmem:s0+$0x30];
	[tilespmem:s0+$0xFFFFFFC0] =	vst v5;
	v5 =	vmul.f32 $2.048000000e+03, v4  }
0x204: {  	s3 =	simm.s32 $0x0;
	s7 =	simm.s32 $0x80C0;
	v6 =	vmul.f32 $2.048000000e+03, v6;
	v4 =	vld [tilespmem:s0+$0xFFFFFFF0]  }
.LBB2_30:
0x205: {  	v7 =	vld [tilespmem:s7+$0xFFFFFFC0];
	[tilespmem:s0+$0xFFFFFFD0] =	vst v5;
	v2 =	vmul.f32 $2.048000000e+03, v2  }
0x206: {  	s3 =	sadd.s32 $0x8, s3;
	v5 =	vld [tilespmem:s7+$0xFFFFFFD0];
	[tilespmem:s0+$0xFFFFFFE0] =	vst v6;
	v0 =	vmul.f32 $2.048000000e+03, v0  }
0x207: {  	p0 =	slt.u32 s3, $0x3F8;
	v6 =	vld [tilespmem:s7+$0xFFFFFFE0];
	[tilespmem:s0+$0x0] =	vst v2;
	v3 =	vmul.f32 $2.048000000e+03, v3  }
.Ltmp14:
0x208: {  	v2 =	vld [tilespmem:s7+$0x0];
	[tilespmem:s0+$0x10] =	vst v0;
	v1 =	vmul.f32 $2.048000000e+03, v1;
	(pc) =	sbr.rel @p0 .LBB2_30-.Ltmp14, $4  }
0x209: {  	v0 =	vld [tilespmem:s7+$0x10];
	v4 =	vmul.f32 $2.048000000e+03, v4;
	[tilespmem:s0+$0x20] =	vst v3  }
0x20a: {  	v7 =	vmul.f32 $2.048000000e+03, v7;
	v3 =	vld [tilespmem:s7+$0x20];
	[tilespmem:s0+$0x30] =	vst v1  }
0x20b: {  	v5 =	vmul.f32 $2.048000000e+03, v5;
	v1 =	vld [tilespmem:s7+$0x30];
	[tilespmem:s0+$0xFFFFFFF0] =	vst v4;
	s0 =	smov.u32 s7  }
0x20c: {  	s7 =	sadd.s32 $0x80, s7;
	[tilespmem:s0+$0xFFFFFFC0] =	vst v7;
	v6 =	vmul.f32 $2.048000000e+03, v6;
	v4 =	vld [tilespmem:s0+$0xFFFFFFF0]  }
0x20d: {  	[tilespmem:s0+$0xFFFFFFD0] =	vst v5;
	v2 =	vmul.f32 $2.048000000e+03, v2  }
0x20e: {  	[tilespmem:s0+$0xFFFFFFE0] =	vst v6;
	v0 =	vmul.f32 $2.048000000e+03, v0  }
0x20f: {  	[tilespmem:s0+$0x0] =	vst v2;
	v2 =	vmul.f32 $2.048000000e+03, v3  }
0x210: {  	[tilespmem:s0+$0x10] =	vst v0;
	v0 =	vmul.f32 $2.048000000e+03, v1  }
0x211: {  	v1 =	vmul.f32 $2.048000000e+03, v4;
	[tilespmem:s0+$0x20] =	vst v2  }
0x212: {  	[tilespmem:s0+$0x30] =	vst v0  }
0x213: {  	s8 =	rddreg [dreg:$0x1f];
	[tilespmem:s0+$0xFFFFFFF0] =	vst v1  }
0x214: {  	[hbm4b:s8+s5] =	stream.linear.scatter [tilespmem:s20], [sflag:$0x7], $0x4000, $0x38;
	[tilespmem:$0x10100] =	vst v63  }
0x215: {  	_ =	swait.ge [sflag:s26], $0x4000  }
0x216: {  	s9 =	sld [smem:$0x7E5]  }
0x217: {  	[sflag:s26] =	ssyncset.done $0x0  }
0x218: {  	[sflag:s26] =	ssyncadd.s32 $0xFFFFC000  }
0x219: {  	[tilespmem:s19], [sflag:$0x2] =	stream.linear.gather [hbm4b:s9+s5], $0x4000, $0x38;
	[tilespmem:$0x10100] =	vst v63  }
0x21a: {  	_ =	swait.ge [sflag:s28], $0x4000  }
0x21b: {  	[sflag:s28] =	ssyncset.done $0x0  }
0x21c: {  	s0 =	simm.s32 $0xC040;
	[sflag:s28] =	ssyncadd.s32 $0xFFFFC000  }
0x21d: {  	v1 =	vld [tilespmem:s0+$0xFFFFFFC0];
	_ =	sdelay $0x1  }
0x21e: {  	v4 =	vld [tilespmem:s0+$0xFFFFFFD0]  }
0x21f: {  	v6 =	vld [tilespmem:s0+$0xFFFFFFE0]  }
0x220: {  	v2 =	vld [tilespmem:s0+$0x0]  }
0x221: {  	v0 =	vld [tilespmem:s0+$0x10];
	v5 =	vmul.f32 $2.048000000e+03, v1  }
0x222: {  	v3 =	vld [tilespmem:s0+$0x20]  }
0x223: {  	v1 =	vld [tilespmem:s0+$0x30];
	[tilespmem:s0+$0xFFFFFFC0] =	vst v5;
	v5 =	vmul.f32 $2.048000000e+03, v4  }
0x224: {  	s3 =	simm.s32 $0x0;
	s7 =	simm.s32 $0xC0C0;
	v6 =	vmul.f32 $2.048000000e+03, v6;
	v4 =	vld [tilespmem:s0+$0xFFFFFFF0]  }
.LBB2_32:
0x225: {  	v7 =	vld [tilespmem:s7+$0xFFFFFFC0];
	[tilespmem:s0+$0xFFFFFFD0] =	vst v5;
	v2 =	vmul.f32 $2.048000000e+03, v2  }
0x226: {  	s3 =	sadd.s32 $0x8, s3;
	v5 =	vld [tilespmem:s7+$0xFFFFFFD0];
	[tilespmem:s0+$0xFFFFFFE0] =	vst v6;
	v0 =	vmul.f32 $2.048000000e+03, v0  }
0x227: {  	p0 =	slt.u32 s3, $0x3F8;
	v6 =	vld [tilespmem:s7+$0xFFFFFFE0];
	[tilespmem:s0+$0x0] =	vst v2;
	v3 =	vmul.f32 $2.048000000e+03, v3  }
.Ltmp15:
0x228: {  	v2 =	vld [tilespmem:s7+$0x0];
	[tilespmem:s0+$0x10] =	vst v0;
	v1 =	vmul.f32 $2.048000000e+03, v1;
	(pc) =	sbr.rel @p0 .LBB2_32-.Ltmp15, $4  }
0x229: {  	v0 =	vld [tilespmem:s7+$0x10];
	v4 =	vmul.f32 $2.048000000e+03, v4;
	[tilespmem:s0+$0x20] =	vst v3  }
0x22a: {  	v7 =	vmul.f32 $2.048000000e+03, v7;
	v3 =	vld [tilespmem:s7+$0x20];
	[tilespmem:s0+$0x30] =	vst v1  }
0x22b: {  	v5 =	vmul.f32 $2.048000000e+03, v5;
	v1 =	vld [tilespmem:s7+$0x30];
	[tilespmem:s0+$0xFFFFFFF0] =	vst v4;
	s0 =	smov.u32 s7  }
0x22c: {  	s7 =	sadd.s32 $0x80, s7;
	[tilespmem:s0+$0xFFFFFFC0] =	vst v7;
	v6 =	vmul.f32 $2.048000000e+03, v6;
	v4 =	vld [tilespmem:s0+$0xFFFFFFF0]  }
0x22d: {  	[tilespmem:s0+$0xFFFFFFD0] =	vst v5;
	v2 =	vmul.f32 $2.048000000e+03, v2  }
0x22e: {  	[tilespmem:s0+$0xFFFFFFE0] =	vst v6;
	v0 =	vmul.f32 $2.048000000e+03, v0  }
0x22f: {  	[tilespmem:s0+$0x0] =	vst v2;
	v2 =	vmul.f32 $2.048000000e+03, v3  }
0x230: {  	[tilespmem:s0+$0x10] =	vst v0;
	v0 =	vmul.f32 $2.048000000e+03, v1  }
0x231: {  	s8 =	sld [smem:$0x7E2];
	v1 =	vmul.f32 $2.048000000e+03, v4;
	[tilespmem:s0+$0x20] =	vst v2  }
0x232: {  	[tilespmem:s0+$0x30] =	vst v0  }
0x233: {  	[tilespmem:s0+$0xFFFFFFF0] =	vst v1  }
0x234: {  	[hbm4b:s8+s5] =	stream.linear.scatter [tilespmem:s22], [sflag:$0x8], $0x4000, $0x38;
	[tilespmem:$0x10100] =	vst v63  }
0x235: {  	_ =	swait.ge [sflag:s29], $0x4000  }
0x236: {  	s9 =	sld [smem:$0x7E7]  }
0x237: {  	[sflag:s29] =	ssyncset.done $0x0  }
0x238: {  	[sflag:s29] =	ssyncadd.s32 $0xFFFFC000  }
0x239: {  	[tilespmem:s20], [sflag:$0x3] =	stream.linear.gather [hbm4b:s9+s5], $0x4000, $0x38;
	[tilespmem:$0x10100] =	vst v63  }
0x23a: {  	_ =	swait.ge [sflag:s21], $0x4000  }
0x23b: {  	[sflag:s21] =	ssyncset.done $0x0  }
0x23c: {  	s0 =	simm.s32 $0x40;
	[sflag:s21] =	ssyncadd.s32 $0xFFFFC000  }
0x23d: {  	v1 =	vld [tilespmem:s0+$0xFFFFFFC0];
	_ =	sdelay $0x1  }
0x23e: {  	v4 =	vld [tilespmem:s0+$0xFFFFFFD0]  }
0x23f: {  	v6 =	vld [tilespmem:s0+$0xFFFFFFE0]  }
0x240: {  	v2 =	vld [tilespmem:s0+$0x0]  }
0x241: {  	v0 =	vld [tilespmem:s0+$0x10];
	v5 =	vmul.f32 $2.048000000e+03, v1  }
0x242: {  	v3 =	vld [tilespmem:s0+$0x20]  }
0x243: {  	v1 =	vld [tilespmem:s0+$0x30];
	[tilespmem:s0+$0xFFFFFFC0] =	vst v5;
	v5 =	vmul.f32 $2.048000000e+03, v4  }
0x244: {  	s3 =	simm.s32 $0x0;
	s7 =	simm.s32 $0xC0;
	v6 =	vmul.f32 $2.048000000e+03, v6;
	v4 =	vld [tilespmem:s0+$0xFFFFFFF0]  }
.LBB2_34:
0x245: {  	v7 =	vld [tilespmem:s7+$0xFFFFFFC0];
	[tilespmem:s0+$0xFFFFFFD0] =	vst v5;
	v2 =	vmul.f32 $2.048000000e+03, v2  }
0x246: {  	s3 =	sadd.s32 $0x8, s3;
	v5 =	vld [tilespmem:s7+$0xFFFFFFD0];
	[tilespmem:s0+$0xFFFFFFE0] =	vst v6;
	v0 =	vmul.f32 $2.048000000e+03, v0  }
0x247: {  	p0 =	slt.u32 s3, $0x3F8;
	v6 =	vld [tilespmem:s7+$0xFFFFFFE0];
	[tilespmem:s0+$0x0] =	vst v2;
	v3 =	vmul.f32 $2.048000000e+03, v3  }
.Ltmp16:
0x248: {  	v2 =	vld [tilespmem:s7+$0x0];
	[tilespmem:s0+$0x10] =	vst v0;
	v1 =	vmul.f32 $2.048000000e+03, v1;
	(pc) =	sbr.rel @p0 .LBB2_34-.Ltmp16, $4  }
0x249: {  	v0 =	vld [tilespmem:s7+$0x10];
	v4 =	vmul.f32 $2.048000000e+03, v4;
	[tilespmem:s0+$0x20] =	vst v3  }
0x24a: {  	v7 =	vmul.f32 $2.048000000e+03, v7;
	v3 =	vld [tilespmem:s7+$0x20];
	[tilespmem:s0+$0x30] =	vst v1  }
0x24b: {  	v5 =	vmul.f32 $2.048000000e+03, v5;
	v1 =	vld [tilespmem:s7+$0x30];
	[tilespmem:s0+$0xFFFFFFF0] =	vst v4;
	s0 =	smov.u32 s7  }
0x24c: {  	s7 =	sadd.s32 $0x80, s7;
	[tilespmem:s0+$0xFFFFFFC0] =	vst v7;
	v6 =	vmul.f32 $2.048000000e+03, v6;
	v4 =	vld [tilespmem:s0+$0xFFFFFFF0]  }
0x24d: {  	[tilespmem:s0+$0xFFFFFFD0] =	vst v5;
	v2 =	vmul.f32 $2.048000000e+03, v2  }
0x24e: {  	[tilespmem:s0+$0xFFFFFFE0] =	vst v6;
	v0 =	vmul.f32 $2.048000000e+03, v0  }
0x24f: {  	[tilespmem:s0+$0x0] =	vst v2;
	v2 =	vmul.f32 $2.048000000e+03, v3  }
0x250: {  	[tilespmem:s0+$0x10] =	vst v0;
	v0 =	vmul.f32 $2.048000000e+03, v1  }
0x251: {  	s8 =	sld [smem:$0x7E4];
	v1 =	vmul.f32 $2.048000000e+03, v4;
	[tilespmem:s0+$0x20] =	vst v2  }
0x252: {  	[tilespmem:s0+$0x30] =	vst v0  }
0x253: {  	[tilespmem:s0+$0xFFFFFFF0] =	vst v1  }
0x254: {  	[hbm4b:s8+s5] =	stream.linear.scatter [tilespmem:s5], [sflag:$0x5], $0x4000, $0x38;
	[tilespmem:$0x10100] =	vst v63  }
0x255: {  	_ =	swait.ge [sflag:s30], $0x4000  }
0x256: {  	s9 =	sld [smem:$0x7E9]  }
0x257: {  	[sflag:s30] =	ssyncset.done $0x0  }
0x258: {  	[sflag:s30] =	ssyncadd.s32 $0xFFFFC000  }
0x259: {  	[tilespmem:s22], [sflag:$0x4] =	stream.linear.gather [hbm4b:s9+s5], $0x4000, $0x38;
	[tilespmem:$0x10100] =	vst v63  }
0x25a: {  	_ =	swait.ge [sflag:s23], $0x4000  }
0x25b: {  	[sflag:s23] =	ssyncset.done $0x0  }
0x25c: {  	s0 =	simm.s32 $0x4040;
	[sflag:s23] =	ssyncadd.s32 $0xFFFFC000  }
0x25d: {  	v1 =	vld [tilespmem:s0+$0xFFFFFFC0];
	_ =	sdelay $0x1  }
0x25e: {  	v4 =	vld [tilespmem:s0+$0xFFFFFFD0]  }
0x25f: {  	v6 =	vld [tilespmem:s0+$0xFFFFFFE0]  }
0x260: {  	v2 =	vld [tilespmem:s0+$0x0]  }
0x261: {  	v0 =	vld [tilespmem:s0+$0x10];
	v5 =	vmul.f32 $2.048000000e+03, v1  }
0x262: {  	v3 =	vld [tilespmem:s0+$0x20]  }
0x263: {  	v1 =	vld [tilespmem:s0+$0x30];
	[tilespmem:s0+$0xFFFFFFC0] =	vst v5;
	v5 =	vmul.f32 $2.048000000e+03, v4  }
0x264: {  	s3 =	simm.s32 $0x0;
	s7 =	simm.s32 $0x40C0;
	v6 =	vmul.f32 $2.048000000e+03, v6;
	v4 =	vld [tilespmem:s0+$0xFFFFFFF0]  }
.LBB2_36:
0x265: {  	v7 =	vld [tilespmem:s7+$0xFFFFFFC0];
	[tilespmem:s0+$0xFFFFFFD0] =	vst v5;
	v2 =	vmul.f32 $2.048000000e+03, v2  }
0x266: {  	s3 =	sadd.s32 $0x8, s3;
	v5 =	vld [tilespmem:s7+$0xFFFFFFD0];
	[tilespmem:s0+$0xFFFFFFE0] =	vst v6;
	v0 =	vmul.f32 $2.048000000e+03, v0  }
0x267: {  	p0 =	slt.u32 s3, $0x3F8;
	v6 =	vld [tilespmem:s7+$0xFFFFFFE0];
	[tilespmem:s0+$0x0] =	vst v2;
	v3 =	vmul.f32 $2.048000000e+03, v3  }
.Ltmp17:
0x268: {  	v2 =	vld [tilespmem:s7+$0x0];
	[tilespmem:s0+$0x10] =	vst v0;
	v1 =	vmul.f32 $2.048000000e+03, v1;
	(pc) =	sbr.rel @p0 .LBB2_36-.Ltmp17, $4  }
0x269: {  	v0 =	vld [tilespmem:s7+$0x10];
	v4 =	vmul.f32 $2.048000000e+03, v4;
	[tilespmem:s0+$0x20] =	vst v3  }
0x26a: {  	v7 =	vmul.f32 $2.048000000e+03, v7;
	v3 =	vld [tilespmem:s7+$0x20];
	[tilespmem:s0+$0x30] =	vst v1  }
0x26b: {  	v5 =	vmul.f32 $2.048000000e+03, v5;
	v1 =	vld [tilespmem:s7+$0x30];
	[tilespmem:s0+$0xFFFFFFF0] =	vst v4;
	s0 =	smov.u32 s7  }
0x26c: {  	s7 =	sadd.s32 $0x80, s7;
	[tilespmem:s0+$0xFFFFFFC0] =	vst v7;
	v6 =	vmul.f32 $2.048000000e+03, v6;
	v4 =	vld [tilespmem:s0+$0xFFFFFFF0]  }
0x26d: {  	[tilespmem:s0+$0xFFFFFFD0] =	vst v5;
	v2 =	vmul.f32 $2.048000000e+03, v2  }
0x26e: {  	[tilespmem:s0+$0xFFFFFFE0] =	vst v6;
	v0 =	vmul.f32 $2.048000000e+03, v0  }
0x26f: {  	[tilespmem:s0+$0x0] =	vst v2;
	v2 =	vmul.f32 $2.048000000e+03, v3  }
0x270: {  	[tilespmem:s0+$0x10] =	vst v0;
	v0 =	vmul.f32 $2.048000000e+03, v1  }
0x271: {  	s8 =	sld [smem:$0x7E6];
	v1 =	vmul.f32 $2.048000000e+03, v4;
	[tilespmem:s0+$0x20] =	vst v2  }
0x272: {  	[tilespmem:s0+$0x30] =	vst v0  }
0x273: {  	[tilespmem:s0+$0xFFFFFFF0] =	vst v1  }
0x274: {  	[hbm4b:s8+s5] =	stream.linear.scatter [tilespmem:s19], [sflag:$0x6], $0x4000, $0x38;
	[tilespmem:$0x10100] =	vst v63  }
0x275: {  	_ =	swait.ge [sflag:s24], $0x4000  }
0x276: {  	s9 =	sld [smem:$0x7EB]  }
0x277: {  	[sflag:s24] =	ssyncset.done $0x0  }
0x278: {  	[sflag:s24] =	ssyncadd.s32 $0xFFFFC000  }
0x279: {  	[tilespmem:s5], [sflag:$0x1] =	stream.linear.gather [hbm4b:s9+s5], $0x4000, $0x38;
	[tilespmem:$0x10100] =	vst v63  }
0x27a: {  	_ =	swait.ge [sflag:s25], $0x4000  }
0x27b: {  	[sflag:s25] =	ssyncset.done $0x0  }
0x27c: {  	s0 =	simm.s32 $0x8040;
	[sflag:s25] =	ssyncadd.s32 $0xFFFFC000  }
0x27d: {  	v1 =	vld [tilespmem:s0+$0xFFFFFFC0];
	_ =	sdelay $0x1  }
0x27e: {  	v4 =	vld [tilespmem:s0+$0xFFFFFFD0]  }
0x27f: {  	v6 =	vld [tilespmem:s0+$0xFFFFFFE0]  }
0x280: {  	v2 =	vld [tilespmem:s0+$0x0]  }
0x281: {  	v0 =	vld [tilespmem:s0+$0x10];
	v5 =	vmul.f32 $2.048000000e+03, v1  }
0x282: {  	v3 =	vld [tilespmem:s0+$0x20]  }
0x283: {  	v1 =	vld [tilespmem:s0+$0x30];
	[tilespmem:s0+$0xFFFFFFC0] =	vst v5;
	v5 =	vmul.f32 $2.048000000e+03, v4  }
0x284: {  	s3 =	simm.s32 $0x0;
	s7 =	simm.s32 $0x80C0;
	v6 =	vmul.f32 $2.048000000e+03, v6;
	v4 =	vld [tilespmem:s0+$0xFFFFFFF0]  }
.LBB2_38:
0x285: {  	v7 =	vld [tilespmem:s7+$0xFFFFFFC0];
	[tilespmem:s0+$0xFFFFFFD0] =	vst v5;
	v2 =	vmul.f32 $2.048000000e+03, v2  }
0x286: {  	s3 =	sadd.s32 $0x8, s3;
	v5 =	vld [tilespmem:s7+$0xFFFFFFD0];
	[tilespmem:s0+$0xFFFFFFE0] =	vst v6;
	v0 =	vmul.f32 $2.048000000e+03, v0  }
0x287: {  	p0 =	slt.u32 s3, $0x3F8;
	v6 =	vld [tilespmem:s7+$0xFFFFFFE0];
	[tilespmem:s0+$0x0] =	vst v2;
	v3 =	vmul.f32 $2.048000000e+03, v3  }
.Ltmp18:
0x288: {  	v2 =	vld [tilespmem:s7+$0x0];
	[tilespmem:s0+$0x10] =	vst v0;
	v1 =	vmul.f32 $2.048000000e+03, v1;
	(pc) =	sbr.rel @p0 .LBB2_38-.Ltmp18, $4  }
0x289: {  	v0 =	vld [tilespmem:s7+$0x10];
	v4 =	vmul.f32 $2.048000000e+03, v4;
	[tilespmem:s0+$0x20] =	vst v3  }
0x28a: {  	v7 =	vmul.f32 $2.048000000e+03, v7;
	v3 =	vld [tilespmem:s7+$0x20];
	[tilespmem:s0+$0x30] =	vst v1  }
0x28b: {  	v5 =	vmul.f32 $2.048000000e+03, v5;
	v1 =	vld [tilespmem:s7+$0x30];
	[tilespmem:s0+$0xFFFFFFF0] =	vst v4;
	s0 =	smov.u32 s7  }
0x28c: {  	s7 =	sadd.s32 $0x80, s7;
	[tilespmem:s0+$0xFFFFFFC0] =	vst v7;
	v6 =	vmul.f32 $2.048000000e+03, v6;
	v4 =	vld [tilespmem:s0+$0xFFFFFFF0]  }
0x28d: {  	[tilespmem:s0+$0xFFFFFFD0] =	vst v5;
	v2 =	vmul.f32 $2.048000000e+03, v2  }
0x28e: {  	[tilespmem:s0+$0xFFFFFFE0] =	vst v6;
	v0 =	vmul.f32 $2.048000000e+03, v0  }
0x28f: {  	[tilespmem:s0+$0x0] =	vst v2;
	v2 =	vmul.f32 $2.048000000e+03, v3  }
0x290: {  	[tilespmem:s0+$0x10] =	vst v0;
	v0 =	vmul.f32 $2.048000000e+03, v1  }
0x291: {  	s8 =	sld [smem:$0x7E8];
	v1 =	vmul.f32 $2.048000000e+03, v4;
	[tilespmem:s0+$0x20] =	vst v2  }
0x292: {  	[tilespmem:s0+$0x30] =	vst v0  }
0x293: {  	[tilespmem:s0+$0xFFFFFFF0] =	vst v1  }
0x294: {  	[hbm4b:s8+s5] =	stream.linear.scatter [tilespmem:s20], [sflag:$0x7], $0x4000, $0x38;
	[tilespmem:$0x10100] =	vst v63  }
0x295: {  	_ =	swait.ge [sflag:s26], $0x4000  }
0x296: {  	s9 =	sld [smem:$0x7ED]  }
0x297: {  	[sflag:s26] =	ssyncset.done $0x0  }
0x298: {  	[sflag:s26] =	ssyncadd.s32 $0xFFFFC000  }
0x299: {  	[tilespmem:s19], [sflag:$0x2] =	stream.linear.gather [hbm4b:s9+s5], $0x4000, $0x38;
	[tilespmem:$0x10100] =	vst v63  }
0x29a: {  	_ =	swait.ge [sflag:s28], $0x4000  }
0x29b: {  	[sflag:s28] =	ssyncset.done $0x0  }
0x29c: {  	s0 =	simm.s32 $0xC040;
	[sflag:s28] =	ssyncadd.s32 $0xFFFFC000  }
0x29d: {  	v1 =	vld [tilespmem:s0+$0xFFFFFFC0];
	_ =	sdelay $0x1  }
0x29e: {  	v4 =	vld [tilespmem:s0+$0xFFFFFFD0]  }
0x29f: {  	v6 =	vld [tilespmem:s0+$0xFFFFFFE0]  }
0x2a0: {  	v2 =	vld [tilespmem:s0+$0x0]  }
0x2a1: {  	v0 =	vld [tilespmem:s0+$0x10];
	v5 =	vmul.f32 $2.048000000e+03, v1  }
0x2a2: {  	v3 =	vld [tilespmem:s0+$0x20]  }
0x2a3: {  	v1 =	vld [tilespmem:s0+$0x30];
	[tilespmem:s0+$0xFFFFFFC0] =	vst v5;
	v5 =	vmul.f32 $2.048000000e+03, v4  }
0x2a4: {  	s3 =	simm.s32 $0x0;
	s7 =	simm.s32 $0xC0C0;
	v6 =	vmul.f32 $2.048000000e+03, v6;
	v4 =	vld [tilespmem:s0+$0xFFFFFFF0]  }
.LBB2_40:
0x2a5: {  	v7 =	vld [tilespmem:s7+$0xFFFFFFC0];
	[tilespmem:s0+$0xFFFFFFD0] =	vst v5;
	v2 =	vmul.f32 $2.048000000e+03, v2  }
0x2a6: {  	s3 =	sadd.s32 $0x8, s3;
	v5 =	vld [tilespmem:s7+$0xFFFFFFD0];
	[tilespmem:s0+$0xFFFFFFE0] =	vst v6;
	v0 =	vmul.f32 $2.048000000e+03, v0  }
0x2a7: {  	p0 =	slt.u32 s3, $0x3F8;
	v6 =	vld [tilespmem:s7+$0xFFFFFFE0];
	[tilespmem:s0+$0x0] =	vst v2;
	v3 =	vmul.f32 $2.048000000e+03, v3  }
.Ltmp19:
0x2a8: {  	v2 =	vld [tilespmem:s7+$0x0];
	[tilespmem:s0+$0x10] =	vst v0;
	v1 =	vmul.f32 $2.048000000e+03, v1;
	(pc) =	sbr.rel @p0 .LBB2_40-.Ltmp19, $4  }
0x2a9: {  	v0 =	vld [tilespmem:s7+$0x10];
	v4 =	vmul.f32 $2.048000000e+03, v4;
	[tilespmem:s0+$0x20] =	vst v3  }
0x2aa: {  	v7 =	vmul.f32 $2.048000000e+03, v7;
	v3 =	vld [tilespmem:s7+$0x20];
	[tilespmem:s0+$0x30] =	vst v1  }
0x2ab: {  	v5 =	vmul.f32 $2.048000000e+03, v5;
	v1 =	vld [tilespmem:s7+$0x30];
	[tilespmem:s0+$0xFFFFFFF0] =	vst v4;
	s0 =	smov.u32 s7  }
0x2ac: {  	s7 =	sadd.s32 $0x80, s7;
	[tilespmem:s0+$0xFFFFFFC0] =	vst v7;
	v6 =	vmul.f32 $2.048000000e+03, v6;
	v4 =	vld [tilespmem:s0+$0xFFFFFFF0]  }
0x2ad: {  	[tilespmem:s0+$0xFFFFFFD0] =	vst v5;
	v2 =	vmul.f32 $2.048000000e+03, v2  }
0x2ae: {  	[tilespmem:s0+$0xFFFFFFE0] =	vst v6;
	v0 =	vmul.f32 $2.048000000e+03, v0  }
0x2af: {  	[tilespmem:s0+$0x0] =	vst v2;
	v2 =	vmul.f32 $2.048000000e+03, v3  }
0x2b0: {  	[tilespmem:s0+$0x10] =	vst v0;
	v0 =	vmul.f32 $2.048000000e+03, v1  }
0x2b1: {  	s8 =	sld [smem:$0x7EA];
	v1 =	vmul.f32 $2.048000000e+03, v4;
	[tilespmem:s0+$0x20] =	vst v2  }
0x2b2: {  	[tilespmem:s0+$0x30] =	vst v0  }
0x2b3: {  	[tilespmem:s0+$0xFFFFFFF0] =	vst v1  }
0x2b4: {  	[hbm4b:s8+s5] =	stream.linear.scatter [tilespmem:s22], [sflag:$0x8], $0x4000, $0x38;
	[tilespmem:$0x10100] =	vst v63  }
0x2b5: {  	_ =	swait.ge [sflag:s29], $0x4000  }
0x2b6: {  	s9 =	sld [smem:$0x7EF]  }
0x2b7: {  	[sflag:s29] =	ssyncset.done $0x0  }
0x2b8: {  	[sflag:s29] =	ssyncadd.s32 $0xFFFFC000  }
0x2b9: {  	[tilespmem:s20], [sflag:$0x3] =	stream.linear.gather [hbm4b:s9+s5], $0x4000, $0x38;
	[tilespmem:$0x10100] =	vst v63  }
0x2ba: {  	_ =	swait.ge [sflag:s21], $0x4000  }
0x2bb: {  	[sflag:s21] =	ssyncset.done $0x0  }
0x2bc: {  	s0 =	simm.s32 $0x40;
	[sflag:s21] =	ssyncadd.s32 $0xFFFFC000  }
0x2bd: {  	v1 =	vld [tilespmem:s0+$0xFFFFFFC0];
	_ =	sdelay $0x1  }
0x2be: {  	v4 =	vld [tilespmem:s0+$0xFFFFFFD0]  }
0x2bf: {  	v6 =	vld [tilespmem:s0+$0xFFFFFFE0]  }
0x2c0: {  	v2 =	vld [tilespmem:s0+$0x0]  }
0x2c1: {  	v0 =	vld [tilespmem:s0+$0x10];
	v5 =	vmul.f32 $2.048000000e+03, v1  }
0x2c2: {  	v3 =	vld [tilespmem:s0+$0x20]  }
0x2c3: {  	v1 =	vld [tilespmem:s0+$0x30];
	[tilespmem:s0+$0xFFFFFFC0] =	vst v5;
	v5 =	vmul.f32 $2.048000000e+03, v4  }
0x2c4: {  	s3 =	simm.s32 $0x0;
	s7 =	simm.s32 $0xC0;
	v6 =	vmul.f32 $2.048000000e+03, v6;
	v4 =	vld [tilespmem:s0+$0xFFFFFFF0]  }
.LBB2_42:
0x2c5: {  	v7 =	vld [tilespmem:s7+$0xFFFFFFC0];
	[tilespmem:s0+$0xFFFFFFD0] =	vst v5;
	v2 =	vmul.f32 $2.048000000e+03, v2  }
0x2c6: {  	s3 =	sadd.s32 $0x8, s3;
	v5 =	vld [tilespmem:s7+$0xFFFFFFD0];
	[tilespmem:s0+$0xFFFFFFE0] =	vst v6;
	v0 =	vmul.f32 $2.048000000e+03, v0  }
0x2c7: {  	p0 =	slt.u32 s3, $0x3F8;
	v6 =	vld [tilespmem:s7+$0xFFFFFFE0];
	[tilespmem:s0+$0x0] =	vst v2;
	v3 =	vmul.f32 $2.048000000e+03, v3  }
.Ltmp20:
0x2c8: {  	v2 =	vld [tilespmem:s7+$0x0];
	[tilespmem:s0+$0x10] =	vst v0;
	v1 =	vmul.f32 $2.048000000e+03, v1;
	(pc) =	sbr.rel @p0 .LBB2_42-.Ltmp20, $4  }
0x2c9: {  	v0 =	vld [tilespmem:s7+$0x10];
	v4 =	vmul.f32 $2.048000000e+03, v4;
	[tilespmem:s0+$0x20] =	vst v3  }
0x2ca: {  	v7 =	vmul.f32 $2.048000000e+03, v7;
	v3 =	vld [tilespmem:s7+$0x20];
	[tilespmem:s0+$0x30] =	vst v1  }
0x2cb: {  	v5 =	vmul.f32 $2.048000000e+03, v5;
	v1 =	vld [tilespmem:s7+$0x30];
	[tilespmem:s0+$0xFFFFFFF0] =	vst v4;
	s0 =	smov.u32 s7  }
0x2cc: {  	s7 =	sadd.s32 $0x80, s7;
	[tilespmem:s0+$0xFFFFFFC0] =	vst v7;
	v6 =	vmul.f32 $2.048000000e+03, v6;
	v4 =	vld [tilespmem:s0+$0xFFFFFFF0]  }
0x2cd: {  	[tilespmem:s0+$0xFFFFFFD0] =	vst v5;
	v2 =	vmul.f32 $2.048000000e+03, v2  }
0x2ce: {  	[tilespmem:s0+$0xFFFFFFE0] =	vst v6;
	v0 =	vmul.f32 $2.048000000e+03, v0  }
0x2cf: {  	[tilespmem:s0+$0x0] =	vst v2;
	v2 =	vmul.f32 $2.048000000e+03, v3  }
0x2d0: {  	[tilespmem:s0+$0x10] =	vst v0;
	v0 =	vmul.f32 $2.048000000e+03, v1  }
0x2d1: {  	s8 =	sld [smem:$0x7EC];
	v1 =	vmul.f32 $2.048000000e+03, v4;
	[tilespmem:s0+$0x20] =	vst v2  }
0x2d2: {  	[tilespmem:s0+$0x30] =	vst v0  }
0x2d3: {  	[tilespmem:s0+$0xFFFFFFF0] =	vst v1  }
0x2d4: {  	[hbm4b:s8+s5] =	stream.linear.scatter [tilespmem:s5], [sflag:$0x5], $0x4000, $0x38;
	[tilespmem:$0x10100] =	vst v63  }
0x2d5: {  	_ =	swait.ge [sflag:s30], $0x4000  }
0x2d6: {  	s9 =	sld [smem:$0x7F1]  }
0x2d7: {  	[sflag:s30] =	ssyncset.done $0x0  }
0x2d8: {  	[sflag:s30] =	ssyncadd.s32 $0xFFFFC000  }
0x2d9: {  	[tilespmem:s22], [sflag:$0x4] =	stream.linear.gather [hbm4b:s9+s5], $0x4000, $0x38;
	[tilespmem:$0x10100] =	vst v63  }
0x2da: {  	_ =	swait.ge [sflag:s23], $0x4000  }
0x2db: {  	[sflag:s23] =	ssyncset.done $0x0  }
0x2dc: {  	s0 =	simm.s32 $0x4040;
	[sflag:s23] =	ssyncadd.s32 $0xFFFFC000  }
0x2dd: {  	v1 =	vld [tilespmem:s0+$0xFFFFFFC0];
	_ =	sdelay $0x1  }
0x2de: {  	v4 =	vld [tilespmem:s0+$0xFFFFFFD0]  }
0x2df: {  	v6 =	vld [tilespmem:s0+$0xFFFFFFE0]  }
0x2e0: {  	v2 =	vld [tilespmem:s0+$0x0]  }
0x2e1: {  	v0 =	vld [tilespmem:s0+$0x10];
	v5 =	vmul.f32 $2.048000000e+03, v1  }
0x2e2: {  	v3 =	vld [tilespmem:s0+$0x20]  }
0x2e3: {  	v1 =	vld [tilespmem:s0+$0x30];
	[tilespmem:s0+$0xFFFFFFC0] =	vst v5;
	v5 =	vmul.f32 $2.048000000e+03, v4  }
0x2e4: {  	s3 =	simm.s32 $0x0;
	s7 =	simm.s32 $0x40C0;
	v6 =	vmul.f32 $2.048000000e+03, v6;
	v4 =	vld [tilespmem:s0+$0xFFFFFFF0]  }
.LBB2_44:
0x2e5: {  	v7 =	vld [tilespmem:s7+$0xFFFFFFC0];
	[tilespmem:s0+$0xFFFFFFD0] =	vst v5;
	v2 =	vmul.f32 $2.048000000e+03, v2  }
0x2e6: {  	s3 =	sadd.s32 $0x8, s3;
	v5 =	vld [tilespmem:s7+$0xFFFFFFD0];
	[tilespmem:s0+$0xFFFFFFE0] =	vst v6;
	v0 =	vmul.f32 $2.048000000e+03, v0  }
0x2e7: {  	p0 =	slt.u32 s3, $0x3F8;
	v6 =	vld [tilespmem:s7+$0xFFFFFFE0];
	[tilespmem:s0+$0x0] =	vst v2;
	v3 =	vmul.f32 $2.048000000e+03, v3  }
.Ltmp21:
0x2e8: {  	v2 =	vld [tilespmem:s7+$0x0];
	[tilespmem:s0+$0x10] =	vst v0;
	v1 =	vmul.f32 $2.048000000e+03, v1;
	(pc) =	sbr.rel @p0 .LBB2_44-.Ltmp21, $4  }
0x2e9: {  	v0 =	vld [tilespmem:s7+$0x10];
	v4 =	vmul.f32 $2.048000000e+03, v4;
	[tilespmem:s0+$0x20] =	vst v3  }
0x2ea: {  	v7 =	vmul.f32 $2.048000000e+03, v7;
	v3 =	vld [tilespmem:s7+$0x20];
	[tilespmem:s0+$0x30] =	vst v1  }
0x2eb: {  	v5 =	vmul.f32 $2.048000000e+03, v5;
	v1 =	vld [tilespmem:s7+$0x30];
	[tilespmem:s0+$0xFFFFFFF0] =	vst v4;
	s0 =	smov.u32 s7  }
0x2ec: {  	s7 =	sadd.s32 $0x80, s7;
	[tilespmem:s0+$0xFFFFFFC0] =	vst v7;
	v6 =	vmul.f32 $2.048000000e+03, v6;
	v4 =	vld [tilespmem:s0+$0xFFFFFFF0]  }
0x2ed: {  	[tilespmem:s0+$0xFFFFFFD0] =	vst v5;
	v2 =	vmul.f32 $2.048000000e+03, v2  }
0x2ee: {  	[tilespmem:s0+$0xFFFFFFE0] =	vst v6;
	v0 =	vmul.f32 $2.048000000e+03, v0  }
0x2ef: {  	[tilespmem:s0+$0x0] =	vst v2;
	v2 =	vmul.f32 $2.048000000e+03, v3  }
0x2f0: {  	[tilespmem:s0+$0x10] =	vst v0;
	v0 =	vmul.f32 $2.048000000e+03, v1  }
0x2f1: {  	s8 =	sld [smem:$0x7EE];
	v1 =	vmul.f32 $2.048000000e+03, v4;
	[tilespmem:s0+$0x20] =	vst v2  }
0x2f2: {  	[tilespmem:s0+$0x30] =	vst v0  }
0x2f3: {  	[tilespmem:s0+$0xFFFFFFF0] =	vst v1  }
0x2f4: {  	[hbm4b:s8+s5] =	stream.linear.scatter [tilespmem:s19], [sflag:$0x6], $0x4000, $0x38;
	[tilespmem:$0x10100] =	vst v63  }
0x2f5: {  	_ =	swait.ge [sflag:s24], $0x4000  }
0x2f6: {  	s9 =	sld [smem:$0x7F3]  }
0x2f7: {  	[sflag:s24] =	ssyncset.done $0x0  }
0x2f8: {  	[sflag:s24] =	ssyncadd.s32 $0xFFFFC000  }
0x2f9: {  	[tilespmem:s5], [sflag:$0x1] =	stream.linear.gather [hbm4b:s9+s5], $0x4000, $0x38;
	[tilespmem:$0x10100] =	vst v63  }
0x2fa: {  	_ =	swait.ge [sflag:s25], $0x4000  }
0x2fb: {  	[sflag:s25] =	ssyncset.done $0x0  }
0x2fc: {  	s0 =	simm.s32 $0x8040;
	[sflag:s25] =	ssyncadd.s32 $0xFFFFC000  }
0x2fd: {  	v1 =	vld [tilespmem:s0+$0xFFFFFFC0];
	_ =	sdelay $0x1  }
0x2fe: {  	v4 =	vld [tilespmem:s0+$0xFFFFFFD0]  }
0x2ff: {  	v6 =	vld [tilespmem:s0+$0xFFFFFFE0]  }
0x300: {  	v2 =	vld [tilespmem:s0+$0x0]  }
0x301: {  	v0 =	vld [tilespmem:s0+$0x10];
	v5 =	vmul.f32 $2.048000000e+03, v1  }
0x302: {  	v3 =	vld [tilespmem:s0+$0x20]  }
0x303: {  	v1 =	vld [tilespmem:s0+$0x30];
	[tilespmem:s0+$0xFFFFFFC0] =	vst v5;
	v5 =	vmul.f32 $2.048000000e+03, v4  }
0x304: {  	s3 =	simm.s32 $0x0;
	s7 =	simm.s32 $0x80C0;
	v6 =	vmul.f32 $2.048000000e+03, v6;
	v4 =	vld [tilespmem:s0+$0xFFFFFFF0]  }
.LBB2_46:
0x305: {  	v7 =	vld [tilespmem:s7+$0xFFFFFFC0];
	[tilespmem:s0+$0xFFFFFFD0] =	vst v5;
	v2 =	vmul.f32 $2.048000000e+03, v2  }
0x306: {  	s3 =	sadd.s32 $0x8, s3;
	v5 =	vld [tilespmem:s7+$0xFFFFFFD0];
	[tilespmem:s0+$0xFFFFFFE0] =	vst v6;
	v0 =	vmul.f32 $2.048000000e+03, v0  }
0x307: {  	p0 =	slt.u32 s3, $0x3F8;
	v6 =	vld [tilespmem:s7+$0xFFFFFFE0];
	[tilespmem:s0+$0x0] =	vst v2;
	v3 =	vmul.f32 $2.048000000e+03, v3  }
.Ltmp22:
0x308: {  	v2 =	vld [tilespmem:s7+$0x0];
	[tilespmem:s0+$0x10] =	vst v0;
	v1 =	vmul.f32 $2.048000000e+03, v1;
	(pc) =	sbr.rel @p0 .LBB2_46-.Ltmp22, $4  }
0x309: {  	v0 =	vld [tilespmem:s7+$0x10];
	v4 =	vmul.f32 $2.048000000e+03, v4;
	[tilespmem:s0+$0x20] =	vst v3  }
0x30a: {  	v7 =	vmul.f32 $2.048000000e+03, v7;
	v3 =	vld [tilespmem:s7+$0x20];
	[tilespmem:s0+$0x30] =	vst v1  }
0x30b: {  	v5 =	vmul.f32 $2.048000000e+03, v5;
	v1 =	vld [tilespmem:s7+$0x30];
	[tilespmem:s0+$0xFFFFFFF0] =	vst v4;
	s0 =	smov.u32 s7  }
0x30c: {  	s7 =	sadd.s32 $0x80, s7;
	[tilespmem:s0+$0xFFFFFFC0] =	vst v7;
	v6 =	vmul.f32 $2.048000000e+03, v6;
	v4 =	vld [tilespmem:s0+$0xFFFFFFF0]  }
0x30d: {  	[tilespmem:s0+$0xFFFFFFD0] =	vst v5;
	v2 =	vmul.f32 $2.048000000e+03, v2  }
0x30e: {  	[tilespmem:s0+$0xFFFFFFE0] =	vst v6;
	v0 =	vmul.f32 $2.048000000e+03, v0  }
0x30f: {  	[tilespmem:s0+$0x0] =	vst v2;
	v2 =	vmul.f32 $2.048000000e+03, v3  }
0x310: {  	[tilespmem:s0+$0x10] =	vst v0;
	v0 =	vmul.f32 $2.048000000e+03, v1  }
0x311: {  	s8 =	sld [smem:$0x7F0];
	v1 =	vmul.f32 $2.048000000e+03, v4;
	[tilespmem:s0+$0x20] =	vst v2  }
0x312: {  	[tilespmem:s0+$0x30] =	vst v0  }
0x313: {  	[tilespmem:s0+$0xFFFFFFF0] =	vst v1  }
0x314: {  	[hbm4b:s8+s5] =	stream.linear.scatter [tilespmem:s20], [sflag:$0x7], $0x4000, $0x38;
	[tilespmem:$0x10100] =	vst v63  }
0x315: {  	_ =	swait.ge [sflag:s26], $0x4000  }
0x316: {  	s9 =	sld [smem:$0x7F5]  }
0x317: {  	[sflag:s26] =	ssyncset.done $0x0  }
0x318: {  	[sflag:s26] =	ssyncadd.s32 $0xFFFFC000  }
0x319: {  	[tilespmem:s19], [sflag:$0x2] =	stream.linear.gather [hbm4b:s9+s5], $0x4000, $0x38;
	[tilespmem:$0x10100] =	vst v63  }
0x31a: {  	_ =	swait.ge [sflag:s28], $0x4000  }
0x31b: {  	[sflag:s28] =	ssyncset.done $0x0  }
0x31c: {  	s0 =	simm.s32 $0xC040;
	[sflag:s28] =	ssyncadd.s32 $0xFFFFC000  }
0x31d: {  	v1 =	vld [tilespmem:s0+$0xFFFFFFC0];
	_ =	sdelay $0x1  }
0x31e: {  	v4 =	vld [tilespmem:s0+$0xFFFFFFD0]  }
0x31f: {  	v6 =	vld [tilespmem:s0+$0xFFFFFFE0]  }
0x320: {  	v2 =	vld [tilespmem:s0+$0x0]  }
0x321: {  	v0 =	vld [tilespmem:s0+$0x10];
	v5 =	vmul.f32 $2.048000000e+03, v1  }
0x322: {  	v3 =	vld [tilespmem:s0+$0x20]  }
0x323: {  	v1 =	vld [tilespmem:s0+$0x30];
	[tilespmem:s0+$0xFFFFFFC0] =	vst v5;
	v5 =	vmul.f32 $2.048000000e+03, v4  }
0x324: {  	s3 =	simm.s32 $0x0;
	s7 =	simm.s32 $0xC0C0;
	v6 =	vmul.f32 $2.048000000e+03, v6;
	v4 =	vld [tilespmem:s0+$0xFFFFFFF0]  }
.LBB2_48:
0x325: {  	v7 =	vld [tilespmem:s7+$0xFFFFFFC0];
	[tilespmem:s0+$0xFFFFFFD0] =	vst v5;
	v2 =	vmul.f32 $2.048000000e+03, v2  }
0x326: {  	s3 =	sadd.s32 $0x8, s3;
	v5 =	vld [tilespmem:s7+$0xFFFFFFD0];
	[tilespmem:s0+$0xFFFFFFE0] =	vst v6;
	v0 =	vmul.f32 $2.048000000e+03, v0  }
0x327: {  	p0 =	slt.u32 s3, $0x3F8;
	v6 =	vld [tilespmem:s7+$0xFFFFFFE0];
	[tilespmem:s0+$0x0] =	vst v2;
	v3 =	vmul.f32 $2.048000000e+03, v3  }
.Ltmp23:
0x328: {  	v2 =	vld [tilespmem:s7+$0x0];
	[tilespmem:s0+$0x10] =	vst v0;
	v1 =	vmul.f32 $2.048000000e+03, v1;
	(pc) =	sbr.rel @p0 .LBB2_48-.Ltmp23, $4  }
0x329: {  	v0 =	vld [tilespmem:s7+$0x10];
	v4 =	vmul.f32 $2.048000000e+03, v4;
	[tilespmem:s0+$0x20] =	vst v3  }
0x32a: {  	v7 =	vmul.f32 $2.048000000e+03, v7;
	v3 =	vld [tilespmem:s7+$0x20];
	[tilespmem:s0+$0x30] =	vst v1  }
0x32b: {  	v5 =	vmul.f32 $2.048000000e+03, v5;
	v1 =	vld [tilespmem:s7+$0x30];
	[tilespmem:s0+$0xFFFFFFF0] =	vst v4;
	s0 =	smov.u32 s7  }
0x32c: {  	s7 =	sadd.s32 $0x80, s7;
	[tilespmem:s0+$0xFFFFFFC0] =	vst v7;
	v6 =	vmul.f32 $2.048000000e+03, v6;
	v4 =	vld [tilespmem:s0+$0xFFFFFFF0]  }
0x32d: {  	[tilespmem:s0+$0xFFFFFFD0] =	vst v5;
	v2 =	vmul.f32 $2.048000000e+03, v2  }
0x32e: {  	[tilespmem:s0+$0xFFFFFFE0] =	vst v6;
	v0 =	vmul.f32 $2.048000000e+03, v0  }
0x32f: {  	[tilespmem:s0+$0x0] =	vst v2;
	v2 =	vmul.f32 $2.048000000e+03, v3  }
0x330: {  	[tilespmem:s0+$0x10] =	vst v0;
	v0 =	vmul.f32 $2.048000000e+03, v1  }
0x331: {  	s8 =	sld [smem:$0x7F2];
	v1 =	vmul.f32 $2.048000000e+03, v4;
	[tilespmem:s0+$0x20] =	vst v2  }
0x332: {  	[tilespmem:s0+$0x30] =	vst v0  }
0x333: {  	[tilespmem:s0+$0xFFFFFFF0] =	vst v1  }
0x334: {  	[hbm4b:s8+s5] =	stream.linear.scatter [tilespmem:s22], [sflag:$0x8], $0x4000, $0x38;
	[tilespmem:$0x10100] =	vst v63  }
0x335: {  	_ =	swait.ge [sflag:s29], $0x4000  }
0x336: {  	s9 =	sld [smem:$0x7F7]  }
0x337: {  	[sflag:s29] =	ssyncset.done $0x0  }
0x338: {  	[sflag:s29] =	ssyncadd.s32 $0xFFFFC000  }
0x339: {  	[tilespmem:s20], [sflag:$0x3] =	stream.linear.gather [hbm4b:s9+s5], $0x4000, $0x38;
	[tilespmem:$0x10100] =	vst v63  }
0x33a: {  	_ =	swait.ge [sflag:s21], $0x4000  }
0x33b: {  	[sflag:s21] =	ssyncset.done $0x0  }
0x33c: {  	s0 =	simm.s32 $0x40;
	[sflag:s21] =	ssyncadd.s32 $0xFFFFC000  }
0x33d: {  	v1 =	vld [tilespmem:s0+$0xFFFFFFC0];
	_ =	sdelay $0x1  }
0x33e: {  	v4 =	vld [tilespmem:s0+$0xFFFFFFD0]  }
0x33f: {  	v6 =	vld [tilespmem:s0+$0xFFFFFFE0]  }
0x340: {  	v2 =	vld [tilespmem:s0+$0x0]  }
0x341: {  	v0 =	vld [tilespmem:s0+$0x10];
	v5 =	vmul.f32 $2.048000000e+03, v1  }
0x342: {  	v3 =	vld [tilespmem:s0+$0x20]  }
0x343: {  	v1 =	vld [tilespmem:s0+$0x30];
	[tilespmem:s0+$0xFFFFFFC0] =	vst v5;
	v5 =	vmul.f32 $2.048000000e+03, v4  }
0x344: {  	s3 =	simm.s32 $0x0;
	s7 =	simm.s32 $0xC0;
	v6 =	vmul.f32 $2.048000000e+03, v6;
	v4 =	vld [tilespmem:s0+$0xFFFFFFF0]  }
.LBB2_50:
0x345: {  	v7 =	vld [tilespmem:s7+$0xFFFFFFC0];
	[tilespmem:s0+$0xFFFFFFD0] =	vst v5;
	v2 =	vmul.f32 $2.048000000e+03, v2  }
0x346: {  	s3 =	sadd.s32 $0x8, s3;
	v5 =	vld [tilespmem:s7+$0xFFFFFFD0];
	[tilespmem:s0+$0xFFFFFFE0] =	vst v6;
	v0 =	vmul.f32 $2.048000000e+03, v0  }
0x347: {  	p0 =	slt.u32 s3, $0x3F8;
	v6 =	vld [tilespmem:s7+$0xFFFFFFE0];
	[tilespmem:s0+$0x0] =	vst v2;
	v3 =	vmul.f32 $2.048000000e+03, v3  }
.Ltmp24:
0x348: {  	v2 =	vld [tilespmem:s7+$0x0];
	[tilespmem:s0+$0x10] =	vst v0;
	v1 =	vmul.f32 $2.048000000e+03, v1;
	(pc) =	sbr.rel @p0 .LBB2_50-.Ltmp24, $4  }
0x349: {  	v0 =	vld [tilespmem:s7+$0x10];
	v4 =	vmul.f32 $2.048000000e+03, v4;
	[tilespmem:s0+$0x20] =	vst v3  }
0x34a: {  	v7 =	vmul.f32 $2.048000000e+03, v7;
	v3 =	vld [tilespmem:s7+$0x20];
	[tilespmem:s0+$0x30] =	vst v1  }
0x34b: {  	v5 =	vmul.f32 $2.048000000e+03, v5;
	v1 =	vld [tilespmem:s7+$0x30];
	[tilespmem:s0+$0xFFFFFFF0] =	vst v4;
	s0 =	smov.u32 s7  }
0x34c: {  	s7 =	sadd.s32 $0x80, s7;
	[tilespmem:s0+$0xFFFFFFC0] =	vst v7;
	v6 =	vmul.f32 $2.048000000e+03, v6;
	v4 =	vld [tilespmem:s0+$0xFFFFFFF0]  }
0x34d: {  	[tilespmem:s0+$0xFFFFFFD0] =	vst v5;
	v2 =	vmul.f32 $2.048000000e+03, v2  }
0x34e: {  	[tilespmem:s0+$0xFFFFFFE0] =	vst v6;
	v0 =	vmul.f32 $2.048000000e+03, v0  }
0x34f: {  	[tilespmem:s0+$0x0] =	vst v2;
	v2 =	vmul.f32 $2.048000000e+03, v3  }
0x350: {  	[tilespmem:s0+$0x10] =	vst v0;
	v0 =	vmul.f32 $2.048000000e+03, v1  }
0x351: {  	s8 =	sld [smem:$0x7F4];
	v1 =	vmul.f32 $2.048000000e+03, v4;
	[tilespmem:s0+$0x20] =	vst v2  }
0x352: {  	[tilespmem:s0+$0x30] =	vst v0  }
0x353: {  	[tilespmem:s0+$0xFFFFFFF0] =	vst v1  }
0x354: {  	[hbm4b:s8+s5] =	stream.linear.scatter [tilespmem:s5], [sflag:$0x5], $0x4000, $0x38;
	[tilespmem:$0x10100] =	vst v63  }
0x355: {  	_ =	swait.ge [sflag:s30], $0x4000  }
0x356: {  	s9 =	sld [smem:$0x7F9]  }
0x357: {  	[sflag:s30] =	ssyncset.done $0x0  }
0x358: {  	[sflag:s30] =	ssyncadd.s32 $0xFFFFC000  }
0x359: {  	[tilespmem:s22], [sflag:$0x4] =	stream.linear.gather [hbm4b:s9+s5], $0x4000, $0x38;
	[tilespmem:$0x10100] =	vst v63  }
0x35a: {  	_ =	swait.ge [sflag:s23], $0x4000  }
0x35b: {  	[sflag:s23] =	ssyncset.done $0x0  }
0x35c: {  	s0 =	simm.s32 $0x4040;
	[sflag:s23] =	ssyncadd.s32 $0xFFFFC000  }
0x35d: {  	v1 =	vld [tilespmem:s0+$0xFFFFFFC0];
	_ =	sdelay $0x1  }
0x35e: {  	v4 =	vld [tilespmem:s0+$0xFFFFFFD0]  }
0x35f: {  	v6 =	vld [tilespmem:s0+$0xFFFFFFE0]  }
0x360: {  	v2 =	vld [tilespmem:s0+$0x0]  }
0x361: {  	v0 =	vld [tilespmem:s0+$0x10];
	v5 =	vmul.f32 $2.048000000e+03, v1  }
0x362: {  	v3 =	vld [tilespmem:s0+$0x20]  }
0x363: {  	v1 =	vld [tilespmem:s0+$0x30];
	[tilespmem:s0+$0xFFFFFFC0] =	vst v5;
	v5 =	vmul.f32 $2.048000000e+03, v4  }
0x364: {  	s3 =	simm.s32 $0x0;
	s7 =	simm.s32 $0x40C0;
	v6 =	vmul.f32 $2.048000000e+03, v6;
	v4 =	vld [tilespmem:s0+$0xFFFFFFF0]  }
.LBB2_52:
0x365: {  	v7 =	vld [tilespmem:s7+$0xFFFFFFC0];
	[tilespmem:s0+$0xFFFFFFD0] =	vst v5;
	v2 =	vmul.f32 $2.048000000e+03, v2  }
0x366: {  	s3 =	sadd.s32 $0x8, s3;
	v5 =	vld [tilespmem:s7+$0xFFFFFFD0];
	[tilespmem:s0+$0xFFFFFFE0] =	vst v6;
	v0 =	vmul.f32 $2.048000000e+03, v0  }
0x367: {  	p0 =	slt.u32 s3, $0x3F8;
	v6 =	vld [tilespmem:s7+$0xFFFFFFE0];
	[tilespmem:s0+$0x0] =	vst v2;
	v3 =	vmul.f32 $2.048000000e+03, v3  }
.Ltmp25:
0x368: {  	v2 =	vld [tilespmem:s7+$0x0];
	[tilespmem:s0+$0x10] =	vst v0;
	v1 =	vmul.f32 $2.048000000e+03, v1;
	(pc) =	sbr.rel @p0 .LBB2_52-.Ltmp25, $4  }
0x369: {  	v0 =	vld [tilespmem:s7+$0x10];
	v4 =	vmul.f32 $2.048000000e+03, v4;
	[tilespmem:s0+$0x20] =	vst v3  }
0x36a: {  	v7 =	vmul.f32 $2.048000000e+03, v7;
	v3 =	vld [tilespmem:s7+$0x20];
	[tilespmem:s0+$0x30] =	vst v1  }
0x36b: {  	v5 =	vmul.f32 $2.048000000e+03, v5;
	v1 =	vld [tilespmem:s7+$0x30];
	[tilespmem:s0+$0xFFFFFFF0] =	vst v4;
	s0 =	smov.u32 s7  }
0x36c: {  	s7 =	sadd.s32 $0x80, s7;
	[tilespmem:s0+$0xFFFFFFC0] =	vst v7;
	v6 =	vmul.f32 $2.048000000e+03, v6;
	v4 =	vld [tilespmem:s0+$0xFFFFFFF0]  }
0x36d: {  	[tilespmem:s0+$0xFFFFFFD0] =	vst v5;
	v2 =	vmul.f32 $2.048000000e+03, v2  }
0x36e: {  	[tilespmem:s0+$0xFFFFFFE0] =	vst v6;
	v0 =	vmul.f32 $2.048000000e+03, v0  }
0x36f: {  	[tilespmem:s0+$0x0] =	vst v2;
	v2 =	vmul.f32 $2.048000000e+03, v3  }
0x370: {  	[tilespmem:s0+$0x10] =	vst v0;
	v0 =	vmul.f32 $2.048000000e+03, v1  }
0x371: {  	s8 =	sld [smem:$0x7F6];
	v1 =	vmul.f32 $2.048000000e+03, v4;
	[tilespmem:s0+$0x20] =	vst v2  }
0x372: {  	[tilespmem:s0+$0x30] =	vst v0  }
0x373: {  	[tilespmem:s0+$0xFFFFFFF0] =	vst v1  }
0x374: {  	[hbm4b:s8+s5] =	stream.linear.scatter [tilespmem:s19], [sflag:$0x6], $0x4000, $0x38;
	[tilespmem:$0x10100] =	vst v63  }
0x375: {  	_ =	swait.ge [sflag:s24], $0x4000  }
0x376: {  	s9 =	sld [smem:$0x7FB]  }
0x377: {  	[sflag:s24] =	ssyncset.done $0x0  }
0x378: {  	[sflag:s24] =	ssyncadd.s32 $0xFFFFC000  }
0x379: {  	[tilespmem:s5], [sflag:$0x1] =	stream.linear.gather [hbm4b:s9+s5], $0x4000, $0x38;
	[tilespmem:$0x10100] =	vst v63  }
0x37a: {  	_ =	swait.ge [sflag:s25], $0x4000  }
0x37b: {  	[sflag:s25] =	ssyncset.done $0x0  }
0x37c: {  	s0 =	simm.s32 $0x8040;
	[sflag:s25] =	ssyncadd.s32 $0xFFFFC000  }
0x37d: {  	v1 =	vld [tilespmem:s0+$0xFFFFFFC0];
	_ =	sdelay $0x1  }
0x37e: {  	v4 =	vld [tilespmem:s0+$0xFFFFFFD0]  }
0x37f: {  	v6 =	vld [tilespmem:s0+$0xFFFFFFE0]  }
0x380: {  	v2 =	vld [tilespmem:s0+$0x0]  }
0x381: {  	v0 =	vld [tilespmem:s0+$0x10];
	v5 =	vmul.f32 $2.048000000e+03, v1  }
0x382: {  	v3 =	vld [tilespmem:s0+$0x20]  }
0x383: {  	v1 =	vld [tilespmem:s0+$0x30];
	[tilespmem:s0+$0xFFFFFFC0] =	vst v5;
	v5 =	vmul.f32 $2.048000000e+03, v4  }
0x384: {  	s3 =	simm.s32 $0x0;
	s7 =	simm.s32 $0x80C0;
	v6 =	vmul.f32 $2.048000000e+03, v6;
	v4 =	vld [tilespmem:s0+$0xFFFFFFF0]  }
.LBB2_54:
0x385: {  	v7 =	vld [tilespmem:s7+$0xFFFFFFC0];
	[tilespmem:s0+$0xFFFFFFD0] =	vst v5;
	v2 =	vmul.f32 $2.048000000e+03, v2  }
0x386: {  	s3 =	sadd.s32 $0x8, s3;
	v5 =	vld [tilespmem:s7+$0xFFFFFFD0];
	[tilespmem:s0+$0xFFFFFFE0] =	vst v6;
	v0 =	vmul.f32 $2.048000000e+03, v0  }
0x387: {  	p0 =	slt.u32 s3, $0x3F8;
	v6 =	vld [tilespmem:s7+$0xFFFFFFE0];
	[tilespmem:s0+$0x0] =	vst v2;
	v3 =	vmul.f32 $2.048000000e+03, v3  }
.Ltmp26:
0x388: {  	v2 =	vld [tilespmem:s7+$0x0];
	[tilespmem:s0+$0x10] =	vst v0;
	v1 =	vmul.f32 $2.048000000e+03, v1;
	(pc) =	sbr.rel @p0 .LBB2_54-.Ltmp26, $4  }
0x389: {  	v0 =	vld [tilespmem:s7+$0x10];
	v4 =	vmul.f32 $2.048000000e+03, v4;
	[tilespmem:s0+$0x20] =	vst v3  }
0x38a: {  	v7 =	vmul.f32 $2.048000000e+03, v7;
	v3 =	vld [tilespmem:s7+$0x20];
	[tilespmem:s0+$0x30] =	vst v1  }
0x38b: {  	v5 =	vmul.f32 $2.048000000e+03, v5;
	v1 =	vld [tilespmem:s7+$0x30];
	[tilespmem:s0+$0xFFFFFFF0] =	vst v4;
	s0 =	smov.u32 s7  }
0x38c: {  	s7 =	sadd.s32 $0x80, s7;
	[tilespmem:s0+$0xFFFFFFC0] =	vst v7;
	v6 =	vmul.f32 $2.048000000e+03, v6;
	v4 =	vld [tilespmem:s0+$0xFFFFFFF0]  }
0x38d: {  	[tilespmem:s0+$0xFFFFFFD0] =	vst v5;
	v2 =	vmul.f32 $2.048000000e+03, v2  }
0x38e: {  	[tilespmem:s0+$0xFFFFFFE0] =	vst v6;
	v0 =	vmul.f32 $2.048000000e+03, v0  }
0x38f: {  	[tilespmem:s0+$0x0] =	vst v2;
	v2 =	vmul.f32 $2.048000000e+03, v3  }
0x390: {  	[tilespmem:s0+$0x10] =	vst v0;
	v0 =	vmul.f32 $2.048000000e+03, v1  }
0x391: {  	s9 =	sld [smem:$0x7F8];
	v1 =	vmul.f32 $2.048000000e+03, v4;
	[tilespmem:s0+$0x20] =	vst v2  }
0x392: {  	[tilespmem:s0+$0x30] =	vst v0  }
0x393: {  	[tilespmem:s0+$0xFFFFFFF0] =	vst v1  }
0x394: {  	[hbm4b:s9+s5] =	stream.linear.scatter [tilespmem:s20], [sflag:$0x7], $0x4000, $0x38;
	[tilespmem:$0x10100] =	vst v63  }
0x395: {  	_ =	swait.ge [sflag:s26], $0x4000  }
0x396: {  	[sflag:s26] =	ssyncset.done $0x0  }
0x397: {  	[sflag:s26] =	ssyncadd.s32 $0xFFFFC000  }
0x398: {  	[tilespmem:s19], [sflag:$0x2] =	stream.linear.gather [hbm4b:s11+s5], $0x4000, $0x38;
	[tilespmem:$0x10100] =	vst v63  }
0x399: {  	_ =	swait.ge [sflag:s28], $0x4000  }
0x39a: {  	[sflag:s28] =	ssyncset.done $0x0  }
0x39b: {  	s0 =	simm.s32 $0xC040;
	[sflag:s28] =	ssyncadd.s32 $0xFFFFC000  }
0x39c: {  	v1 =	vld [tilespmem:s0+$0xFFFFFFC0];
	_ =	sdelay $0x1  }
0x39d: {  	v4 =	vld [tilespmem:s0+$0xFFFFFFD0]  }
0x39e: {  	v6 =	vld [tilespmem:s0+$0xFFFFFFE0]  }
0x39f: {  	v2 =	vld [tilespmem:s0+$0x0]  }
0x3a0: {  	v0 =	vld [tilespmem:s0+$0x10];
	v5 =	vmul.f32 $2.048000000e+03, v1  }
0x3a1: {  	v3 =	vld [tilespmem:s0+$0x20]  }
0x3a2: {  	v1 =	vld [tilespmem:s0+$0x30];
	[tilespmem:s0+$0xFFFFFFC0] =	vst v5;
	v5 =	vmul.f32 $2.048000000e+03, v4  }
0x3a3: {  	s3 =	simm.s32 $0x0;
	s7 =	simm.s32 $0xC0C0;
	v6 =	vmul.f32 $2.048000000e+03, v6;
	v4 =	vld [tilespmem:s0+$0xFFFFFFF0]  }
.LBB2_56:
0x3a4: {  	v7 =	vld [tilespmem:s7+$0xFFFFFFC0];
	[tilespmem:s0+$0xFFFFFFD0] =	vst v5;
	v2 =	vmul.f32 $2.048000000e+03, v2  }
0x3a5: {  	s3 =	sadd.s32 $0x8, s3;
	v5 =	vld [tilespmem:s7+$0xFFFFFFD0];
	[tilespmem:s0+$0xFFFFFFE0] =	vst v6;
	v0 =	vmul.f32 $2.048000000e+03, v0  }
0x3a6: {  	p0 =	slt.u32 s3, $0x3F8;
	v6 =	vld [tilespmem:s7+$0xFFFFFFE0];
	[tilespmem:s0+$0x0] =	vst v2;
	v3 =	vmul.f32 $2.048000000e+03, v3  }
.Ltmp27:
0x3a7: {  	v2 =	vld [tilespmem:s7+$0x0];
	[tilespmem:s0+$0x10] =	vst v0;
	v1 =	vmul.f32 $2.048000000e+03, v1;
	(pc) =	sbr.rel @p0 .LBB2_56-.Ltmp27, $4  }
0x3a8: {  	v0 =	vld [tilespmem:s7+$0x10];
	v4 =	vmul.f32 $2.048000000e+03, v4;
	[tilespmem:s0+$0x20] =	vst v3  }
0x3a9: {  	v7 =	vmul.f32 $2.048000000e+03, v7;
	v3 =	vld [tilespmem:s7+$0x20];
	[tilespmem:s0+$0x30] =	vst v1  }
0x3aa: {  	v5 =	vmul.f32 $2.048000000e+03, v5;
	v1 =	vld [tilespmem:s7+$0x30];
	[tilespmem:s0+$0xFFFFFFF0] =	vst v4;
	s0 =	smov.u32 s7  }
0x3ab: {  	s7 =	sadd.s32 $0x80, s7;
	[tilespmem:s0+$0xFFFFFFC0] =	vst v7;
	v6 =	vmul.f32 $2.048000000e+03, v6;
	v4 =	vld [tilespmem:s0+$0xFFFFFFF0]  }
0x3ac: {  	[tilespmem:s0+$0xFFFFFFD0] =	vst v5;
	v2 =	vmul.f32 $2.048000000e+03, v2  }
0x3ad: {  	[tilespmem:s0+$0xFFFFFFE0] =	vst v6;
	v0 =	vmul.f32 $2.048000000e+03, v0  }
0x3ae: {  	[tilespmem:s0+$0x0] =	vst v2;
	v2 =	vmul.f32 $2.048000000e+03, v3  }
0x3af: {  	[tilespmem:s0+$0x10] =	vst v0;
	v0 =	vmul.f32 $2.048000000e+03, v1  }
0x3b0: {  	s9 =	sld [smem:$0x7FA];
	v1 =	vmul.f32 $2.048000000e+03, v4;
	[tilespmem:s0+$0x20] =	vst v2  }
0x3b1: {  	[tilespmem:s0+$0x30] =	vst v0  }
0x3b2: {  	[tilespmem:s0+$0xFFFFFFF0] =	vst v1  }
0x3b3: {  	[hbm4b:s9+s5] =	stream.linear.scatter [tilespmem:s22], [sflag:$0x8], $0x4000, $0x38;
	[tilespmem:$0x10100] =	vst v63  }
0x3b4: {  	_ =	swait.ge [sflag:s29], $0x4000  }
0x3b5: {  	[sflag:s29] =	ssyncset.done $0x0  }
0x3b6: {  	[sflag:s29] =	ssyncadd.s32 $0xFFFFC000  }
0x3b7: {  	[tilespmem:s20], [sflag:$0x3] =	stream.linear.gather [hbm4b:s13+s5], $0x4000, $0x38;
	[tilespmem:$0x10100] =	vst v63  }
0x3b8: {  	_ =	swait.ge [sflag:s21], $0x4000  }
0x3b9: {  	[sflag:s21] =	ssyncset.done $0x0  }
0x3ba: {  	s0 =	simm.s32 $0x40;
	[sflag:s21] =	ssyncadd.s32 $0xFFFFC000  }
0x3bb: {  	v1 =	vld [tilespmem:s0+$0xFFFFFFC0];
	_ =	sdelay $0x1  }
0x3bc: {  	v4 =	vld [tilespmem:s0+$0xFFFFFFD0]  }
0x3bd: {  	v6 =	vld [tilespmem:s0+$0xFFFFFFE0]  }
0x3be: {  	v2 =	vld [tilespmem:s0+$0x0]  }
0x3bf: {  	v0 =	vld [tilespmem:s0+$0x10];
	v5 =	vmul.f32 $2.048000000e+03, v1  }
0x3c0: {  	v3 =	vld [tilespmem:s0+$0x20]  }
0x3c1: {  	v1 =	vld [tilespmem:s0+$0x30];
	[tilespmem:s0+$0xFFFFFFC0] =	vst v5;
	v5 =	vmul.f32 $2.048000000e+03, v4  }
0x3c2: {  	s3 =	simm.s32 $0x0;
	s7 =	simm.s32 $0xC0;
	v6 =	vmul.f32 $2.048000000e+03, v6;
	v4 =	vld [tilespmem:s0+$0xFFFFFFF0]  }
.LBB2_58:
0x3c3: {  	v7 =	vld [tilespmem:s7+$0xFFFFFFC0];
	[tilespmem:s0+$0xFFFFFFD0] =	vst v5;
	v2 =	vmul.f32 $2.048000000e+03, v2  }
0x3c4: {  	s3 =	sadd.s32 $0x8, s3;
	v5 =	vld [tilespmem:s7+$0xFFFFFFD0];
	[tilespmem:s0+$0xFFFFFFE0] =	vst v6;
	v0 =	vmul.f32 $2.048000000e+03, v0  }
0x3c5: {  	p0 =	slt.u32 s3, $0x3F8;
	v6 =	vld [tilespmem:s7+$0xFFFFFFE0];
	[tilespmem:s0+$0x0] =	vst v2;
	v3 =	vmul.f32 $2.048000000e+03, v3  }
.Ltmp28:
0x3c6: {  	v2 =	vld [tilespmem:s7+$0x0];
	[tilespmem:s0+$0x10] =	vst v0;
	v1 =	vmul.f32 $2.048000000e+03, v1;
	(pc) =	sbr.rel @p0 .LBB2_58-.Ltmp28, $4  }
0x3c7: {  	v0 =	vld [tilespmem:s7+$0x10];
	v4 =	vmul.f32 $2.048000000e+03, v4;
	[tilespmem:s0+$0x20] =	vst v3  }
0x3c8: {  	v7 =	vmul.f32 $2.048000000e+03, v7;
	v3 =	vld [tilespmem:s7+$0x20];
	[tilespmem:s0+$0x30] =	vst v1  }
0x3c9: {  	v5 =	vmul.f32 $2.048000000e+03, v5;
	v1 =	vld [tilespmem:s7+$0x30];
	[tilespmem:s0+$0xFFFFFFF0] =	vst v4;
	s0 =	smov.u32 s7  }
0x3ca: {  	s7 =	sadd.s32 $0x80, s7;
	[tilespmem:s0+$0xFFFFFFC0] =	vst v7;
	v6 =	vmul.f32 $2.048000000e+03, v6;
	v4 =	vld [tilespmem:s0+$0xFFFFFFF0]  }
0x3cb: {  	[tilespmem:s0+$0xFFFFFFD0] =	vst v5;
	v2 =	vmul.f32 $2.048000000e+03, v2  }
0x3cc: {  	[tilespmem:s0+$0xFFFFFFE0] =	vst v6;
	v0 =	vmul.f32 $2.048000000e+03, v0  }
0x3cd: {  	[tilespmem:s0+$0x0] =	vst v2;
	v2 =	vmul.f32 $2.048000000e+03, v3  }
0x3ce: {  	[tilespmem:s0+$0x10] =	vst v0;
	v0 =	vmul.f32 $2.048000000e+03, v1  }
0x3cf: {  	s9 =	sld [smem:$0x7FC];
	v1 =	vmul.f32 $2.048000000e+03, v4;
	[tilespmem:s0+$0x20] =	vst v2  }
0x3d0: {  	[tilespmem:s0+$0x30] =	vst v0  }
0x3d1: {  	[tilespmem:s0+$0xFFFFFFF0] =	vst v1  }
0x3d2: {  	[hbm4b:s9+s5] =	stream.linear.scatter [tilespmem:s5], [sflag:$0x5], $0x4000, $0x38;
	[tilespmem:$0x10100] =	vst v63  }
0x3d3: {  	_ =	swait.ge [sflag:s30], $0x4000  }
0x3d4: {  	[sflag:s30] =	ssyncset.done $0x0  }
0x3d5: {  	[sflag:s30] =	ssyncadd.s32 $0xFFFFC000  }
0x3d6: {  	[tilespmem:s22], [sflag:$0x4] =	stream.linear.gather [hbm4b:s15+s5], $0x4000, $0x38;
	[tilespmem:$0x10100] =	vst v63  }
0x3d7: {  	_ =	swait.ge [sflag:s23], $0x4000  }
0x3d8: {  	[sflag:s23] =	ssyncset.done $0x0  }
0x3d9: {  	s0 =	simm.s32 $0x4040;
	[sflag:s23] =	ssyncadd.s32 $0xFFFFC000  }
0x3da: {  	v1 =	vld [tilespmem:s0+$0xFFFFFFC0];
	_ =	sdelay $0x1  }
0x3db: {  	v4 =	vld [tilespmem:s0+$0xFFFFFFD0]  }
0x3dc: {  	v6 =	vld [tilespmem:s0+$0xFFFFFFE0]  }
0x3dd: {  	v2 =	vld [tilespmem:s0+$0x0]  }
0x3de: {  	v0 =	vld [tilespmem:s0+$0x10];
	v5 =	vmul.f32 $2.048000000e+03, v1  }
0x3df: {  	v3 =	vld [tilespmem:s0+$0x20]  }
0x3e0: {  	v1 =	vld [tilespmem:s0+$0x30];
	[tilespmem:s0+$0xFFFFFFC0] =	vst v5;
	v5 =	vmul.f32 $2.048000000e+03, v4  }
0x3e1: {  	s3 =	simm.s32 $0x0;
	s7 =	simm.s32 $0x40C0;
	v6 =	vmul.f32 $2.048000000e+03, v6;
	v4 =	vld [tilespmem:s0+$0xFFFFFFF0]  }
.LBB2_60:
0x3e2: {  	v7 =	vld [tilespmem:s7+$0xFFFFFFC0];
	[tilespmem:s0+$0xFFFFFFD0] =	vst v5;
	v2 =	vmul.f32 $2.048000000e+03, v2  }
0x3e3: {  	s3 =	sadd.s32 $0x8, s3;
	v5 =	vld [tilespmem:s7+$0xFFFFFFD0];
	[tilespmem:s0+$0xFFFFFFE0] =	vst v6;
	v0 =	vmul.f32 $2.048000000e+03, v0  }
0x3e4: {  	p0 =	slt.u32 s3, $0x3F8;
	v6 =	vld [tilespmem:s7+$0xFFFFFFE0];
	[tilespmem:s0+$0x0] =	vst v2;
	v3 =	vmul.f32 $2.048000000e+03, v3  }
.Ltmp29:
0x3e5: {  	v2 =	vld [tilespmem:s7+$0x0];
	[tilespmem:s0+$0x10] =	vst v0;
	v1 =	vmul.f32 $2.048000000e+03, v1;
	(pc) =	sbr.rel @p0 .LBB2_60-.Ltmp29, $4  }
0x3e6: {  	v0 =	vld [tilespmem:s7+$0x10];
	v4 =	vmul.f32 $2.048000000e+03, v4;
	[tilespmem:s0+$0x20] =	vst v3  }
0x3e7: {  	v7 =	vmul.f32 $2.048000000e+03, v7;
	v3 =	vld [tilespmem:s7+$0x20];
	[tilespmem:s0+$0x30] =	vst v1  }
0x3e8: {  	v5 =	vmul.f32 $2.048000000e+03, v5;
	v1 =	vld [tilespmem:s7+$0x30];
	[tilespmem:s0+$0xFFFFFFF0] =	vst v4;
	s0 =	smov.u32 s7  }
0x3e9: {  	s7 =	sadd.s32 $0x80, s7;
	[tilespmem:s0+$0xFFFFFFC0] =	vst v7;
	v6 =	vmul.f32 $2.048000000e+03, v6;
	v4 =	vld [tilespmem:s0+$0xFFFFFFF0]  }
0x3ea: {  	[tilespmem:s0+$0xFFFFFFD0] =	vst v5;
	v2 =	vmul.f32 $2.048000000e+03, v2  }
0x3eb: {  	[tilespmem:s0+$0xFFFFFFE0] =	vst v6;
	v0 =	vmul.f32 $2.048000000e+03, v0  }
0x3ec: {  	[tilespmem:s0+$0x0] =	vst v2;
	v2 =	vmul.f32 $2.048000000e+03, v3  }
0x3ed: {  	[tilespmem:s0+$0x10] =	vst v0;
	v0 =	vmul.f32 $2.048000000e+03, v1  }
0x3ee: {  	v1 =	vmul.f32 $2.048000000e+03, v4;
	[tilespmem:s0+$0x20] =	vst v2  }
0x3ef: {  	[tilespmem:s0+$0x30] =	vst v0  }
0x3f0: {  	[tilespmem:s0+$0xFFFFFFF0] =	vst v1  }
0x3f1: {  	[hbm4b:s12+s5] =	stream.linear.scatter [tilespmem:s19], [sflag:$0x6], $0x4000, $0x38;
	[tilespmem:$0x10100] =	vst v63  }
0x3f2: {  	_ =	swait.ge [sflag:s25], $0x4000  }
0x3f3: {  	[sflag:s25] =	ssyncset.done $0x0  }
0x3f4: {  	s0 =	simm.s32 $0x8040;
	[sflag:s25] =	ssyncadd.s32 $0xFFFFC000  }
0x3f5: {  	v1 =	vld [tilespmem:s0+$0xFFFFFFC0];
	_ =	sdelay $0x1  }
0x3f6: {  	v4 =	vld [tilespmem:s0+$0xFFFFFFD0]  }
0x3f7: {  	v6 =	vld [tilespmem:s0+$0xFFFFFFE0]  }
0x3f8: {  	v2 =	vld [tilespmem:s0+$0x0]  }
0x3f9: {  	v0 =	vld [tilespmem:s0+$0x10];
	v5 =	vmul.f32 $2.048000000e+03, v1  }
0x3fa: {  	v3 =	vld [tilespmem:s0+$0x20]  }
0x3fb: {  	v1 =	vld [tilespmem:s0+$0x30];
	[tilespmem:s0+$0xFFFFFFC0] =	vst v5;
	v5 =	vmul.f32 $2.048000000e+03, v4  }
0x3fc: {  	s3 =	simm.s32 $0x0;
	s7 =	simm.s32 $0x80C0;
	v6 =	vmul.f32 $2.048000000e+03, v6;
	v4 =	vld [tilespmem:s0+$0xFFFFFFF0]  }
.LBB2_62:
0x3fd: {  	v7 =	vld [tilespmem:s7+$0xFFFFFFC0];
	[tilespmem:s0+$0xFFFFFFD0] =	vst v5;
	v2 =	vmul.f32 $2.048000000e+03, v2  }
0x3fe: {  	s3 =	sadd.s32 $0x8, s3;
	v5 =	vld [tilespmem:s7+$0xFFFFFFD0];
	[tilespmem:s0+$0xFFFFFFE0] =	vst v6;
	v0 =	vmul.f32 $2.048000000e+03, v0  }
0x3ff: {  	p0 =	slt.u32 s3, $0x3F8;
	v6 =	vld [tilespmem:s7+$0xFFFFFFE0];
	[tilespmem:s0+$0x0] =	vst v2;
	v3 =	vmul.f32 $2.048000000e+03, v3  }
.Ltmp30:
0x400: {  	v2 =	vld [tilespmem:s7+$0x0];
	[tilespmem:s0+$0x10] =	vst v0;
	v1 =	vmul.f32 $2.048000000e+03, v1;
	(pc) =	sbr.rel @p0 .LBB2_62-.Ltmp30, $4  }
0x401: {  	v0 =	vld [tilespmem:s7+$0x10];
	v4 =	vmul.f32 $2.048000000e+03, v4;
	[tilespmem:s0+$0x20] =	vst v3  }
0x402: {  	v7 =	vmul.f32 $2.048000000e+03, v7;
	v3 =	vld [tilespmem:s7+$0x20];
	[tilespmem:s0+$0x30] =	vst v1  }
0x403: {  	v5 =	vmul.f32 $2.048000000e+03, v5;
	v1 =	vld [tilespmem:s7+$0x30];
	[tilespmem:s0+$0xFFFFFFF0] =	vst v4;
	s0 =	smov.u32 s7  }
0x404: {  	s7 =	sadd.s32 $0x80, s7;
	[tilespmem:s0+$0xFFFFFFC0] =	vst v7;
	v6 =	vmul.f32 $2.048000000e+03, v6;
	v4 =	vld [tilespmem:s0+$0xFFFFFFF0]  }
0x405: {  	[tilespmem:s0+$0xFFFFFFD0] =	vst v5;
	v2 =	vmul.f32 $2.048000000e+03, v2  }
0x406: {  	[tilespmem:s0+$0xFFFFFFE0] =	vst v6;
	v0 =	vmul.f32 $2.048000000e+03, v0  }
0x407: {  	[tilespmem:s0+$0x0] =	vst v2;
	v2 =	vmul.f32 $2.048000000e+03, v3  }
0x408: {  	[tilespmem:s0+$0x10] =	vst v0;
	v0 =	vmul.f32 $2.048000000e+03, v1  }
0x409: {  	v1 =	vmul.f32 $2.048000000e+03, v4;
	[tilespmem:s0+$0x20] =	vst v2  }
0x40a: {  	[tilespmem:s0+$0x30] =	vst v0  }
0x40b: {  	[tilespmem:s0+$0xFFFFFFF0] =	vst v1  }
0x40c: {  	[hbm4b:s14+s5] =	stream.linear.scatter [tilespmem:s20], [sflag:$0x7], $0x4000, $0x38;
	[tilespmem:$0x10100] =	vst v63  }
0x40d: {  	_ =	swait.ge [sflag:s28], $0x4000  }
0x40e: {  	[sflag:s28] =	ssyncset.done $0x0  }
0x40f: {  	s0 =	simm.s32 $0xC040;
	[sflag:s28] =	ssyncadd.s32 $0xFFFFC000  }
0x410: {  	v1 =	vld [tilespmem:s0+$0xFFFFFFC0];
	_ =	sdelay $0x1  }
0x411: {  	v4 =	vld [tilespmem:s0+$0xFFFFFFD0]  }
0x412: {  	v6 =	vld [tilespmem:s0+$0xFFFFFFE0]  }
0x413: {  	v2 =	vld [tilespmem:s0+$0x0]  }
0x414: {  	v0 =	vld [tilespmem:s0+$0x10];
	v5 =	vmul.f32 $2.048000000e+03, v1  }
0x415: {  	v3 =	vld [tilespmem:s0+$0x20]  }
0x416: {  	v1 =	vld [tilespmem:s0+$0x30];
	[tilespmem:s0+$0xFFFFFFC0] =	vst v5;
	v5 =	vmul.f32 $2.048000000e+03, v4  }
0x417: {  	s3 =	simm.s32 $0x0;
	s7 =	simm.s32 $0xC0C0;
	v6 =	vmul.f32 $2.048000000e+03, v6;
	v4 =	vld [tilespmem:s0+$0xFFFFFFF0]  }
.LBB2_64:
0x418: {  	v7 =	vld [tilespmem:s7+$0xFFFFFFC0];
	[tilespmem:s0+$0xFFFFFFD0] =	vst v5;
	v2 =	vmul.f32 $2.048000000e+03, v2  }
0x419: {  	s3 =	sadd.s32 $0x8, s3;
	v5 =	vld [tilespmem:s7+$0xFFFFFFD0];
	[tilespmem:s0+$0xFFFFFFE0] =	vst v6;
	v0 =	vmul.f32 $2.048000000e+03, v0  }
0x41a: {  	p0 =	slt.u32 s3, $0x3F8;
	v6 =	vld [tilespmem:s7+$0xFFFFFFE0];
	[tilespmem:s0+$0x0] =	vst v2;
	v3 =	vmul.f32 $2.048000000e+03, v3  }
.Ltmp31:
0x41b: {  	v2 =	vld [tilespmem:s7+$0x0];
	[tilespmem:s0+$0x10] =	vst v0;
	v1 =	vmul.f32 $2.048000000e+03, v1;
	(pc) =	sbr.rel @p0 .LBB2_64-.Ltmp31, $4  }
0x41c: {  	v0 =	vld [tilespmem:s7+$0x10];
	v4 =	vmul.f32 $2.048000000e+03, v4;
	[tilespmem:s0+$0x20] =	vst v3  }
0x41d: {  	v7 =	vmul.f32 $2.048000000e+03, v7;
	v3 =	vld [tilespmem:s7+$0x20];
	[tilespmem:s0+$0x30] =	vst v1  }
0x41e: {  	v5 =	vmul.f32 $2.048000000e+03, v5;
	v1 =	vld [tilespmem:s7+$0x30];
	[tilespmem:s0+$0xFFFFFFF0] =	vst v4;
	s0 =	smov.u32 s7  }
0x41f: {  	s7 =	sadd.s32 $0x80, s7;
	[tilespmem:s0+$0xFFFFFFC0] =	vst v7;
	v6 =	vmul.f32 $2.048000000e+03, v6;
	v4 =	vld [tilespmem:s0+$0xFFFFFFF0]  }
0x420: {  	[tilespmem:s0+$0xFFFFFFD0] =	vst v5;
	v2 =	vmul.f32 $2.048000000e+03, v2  }
0x421: {  	[tilespmem:s0+$0xFFFFFFE0] =	vst v6;
	v0 =	vmul.f32 $2.048000000e+03, v0  }
0x422: {  	[tilespmem:s0+$0x0] =	vst v2;
	v61 =	vmul.f32 $2.048000000e+03, v3  }
0x423: {  	[tilespmem:s0+$0x10] =	vst v0;
	v62 =	vmul.f32 $2.048000000e+03, v1  }
0x424: {  	v63 =	vmul.f32 $2.048000000e+03, v4;
	[tilespmem:s0+$0x20] =	vst v61  }
0x425: {  	[tilespmem:s0+$0x30] =	vst v62  }
0x426: {  	[tilespmem:s0+$0xFFFFFFF0] =	vst v63  }
0x427: {  	[hbm4b:s16+s5] =	stream.linear.scatter [tilespmem:s22], [sflag:$0x8], $0x4000, $0x38;
	[tilespmem:$0x10100] =	vst v63  }
0x428: {  	_ =	swait.ge [sflag:s24], $0x4000  }
0x429: {  	[sflag:s24] =	ssyncset.done $0x0  }
0x42a: {  	[sflag:s24] =	ssyncadd.s32 $0xFFFFC000  }
0x42b: {  	_ =	swait.ge [sflag:s26], $0x4000  }
0x42c: {  	[sflag:s26] =	ssyncset.done $0x0  }
0x42d: {  	[sflag:s26] =	ssyncadd.s32 $0xFFFFC000  }
0x42e: {  	_ =	swait.ge [sflag:s29], $0x4000  }
0x42f: {  	[sflag:s29] =	ssyncset.done $0x0  }
0x430: {  	[sflag:s29] =	ssyncadd.s32 $0xFFFFC000  }
0x431: {  	_ =	swait.ge [sflag:s30], $0x4000  }
0x432: {  	[sflag:s30] =	ssyncset.done $0x0  }
0x433: {  	[sflag:s30] =	ssyncadd.s32 $0xFFFFC000  }
0x434: {  	s3 =	simm.s32 $0x10000;
	s9 =	rddreg [dreg:$0x1]  }
0x435: {  	[tilespmem:s3], [sflag:$0x9] =	stream.linear.gather [hbm4b:s9+s5], $0x80, $0x38;
	[tilespmem:$0x10100] =	vst v63  }
0x436: {  	_ =	swait.ge [sflag:s31], $0x80  }
0x437: {  	[sflag:s31] =	ssyncset.done $0x0  }
0x438: {  	[sflag:s31] =	ssyncadd.s32 $0xFFFFFF80  }
0x439: {  	v0 =	vld [tilespmem:$0x10000];
	_ =	sdelay $0x4  }
0x43a: {  	(v2sf) =	vpush v0, $0x0;
	_ =	sdelay $0xe  }
0x43b: {  	s0 =	spop (v2sf)  }
0x43c: {  	p0 =	slt.s32 s0, s6  }
0x43d: {  	p1 =	sge.s32 @!p0 s0, s18  }
0x43e: {  	p0 =	por p1, p0  }
0x43f: {  	s3 =	sshrl.u32 @!p0 s0, $0x3  }
0x440: {  	s3 =	sand.u32 @!p0 $0x1FFFFFFE, s3  }
0x441: {  	s8 =	simm.s32 @!p0 $0x0;
	s9 =	simm.s32 @!p0 $0x10080;
	s7 =	sadd.s32 @!p0 s1, s3  }
0x442: {  	[tilespmem:s9], [sflag:$0x9] =	stream.linear.gather @!p0 [hbm4b:s7+s8], $0x10, $0x38;
	[tilespmem:$0x10100] =	vst v63  }
0x443: {  	s7 =	simm.s32 @!p0 $0x9  }
0x444: {  	_ =	swait.ge @!p0 [sflag:s7], $0x10  }
0x445: {  	[sflag:s7] =	ssyncset.done @!p0 $0x0  }
0x446: {  	[sflag:s7] =	ssyncadd.s32 @!p0 $0xFFFFFFF0  }
0x447: {  	v1 =	vld @!p0 [tilespmem:$0x10080];
	_ =	sdelay $0x3  }
0x448: {  	v2 =	vand.u32 @!p0 $0xFFFFFFF0, v0;
	v3 =	vlaneseq.u32 @!p0  }
0x449: {  	v4 =	vor.u32 @!p0 v3, v2;
	v1 =	vmul.f32 @!p0 $2.048000000e+03, v1  }
0x44a: {  	vm0 =	veq.s32 @!p0 v4, v0  }
0x44b: {  	v1 =	vsel @!p0 vm0, $0x0, v1  }
0x44c: {  	s0 =	sand.u32 @!p0 $0xFFFFFFF0, s0;
	s3 =	sadd.s32 @!p0 s4, s3;
	[tilespmem:$0x10080] =	vst @!p0 v1  }
0x44d: {  	[hbm4b:s3+s8] =	stream.linear.scatter @!p0 [tilespmem:s9], [sflag:$0x9], $0x10, $0x38;
	[tilespmem:$0x10100] =	vst v63  }
0x44e: {  	s0 =	sshrl.u32 @!p0 s0, $0x3;
	_ =	swait.ge @!p0 [sflag:s7], $0x10  }
0x44f: {  	s0 =	sadd.s32 @!p0 $0x10, s0;
	[sflag:s7] =	ssyncset.done @!p0 $0x0  }
0x450: {  	s3 =	sadd.s32 @!p0 s1, s0;
	[sflag:s7] =	ssyncadd.s32 @!p0 $0xFFFFFFF0  }
0x451: {  	[tilespmem:s9], [sflag:$0x9] =	stream.linear.gather @!p0 [hbm4b:s3+s8], $0x10, $0x38;
	[tilespmem:$0x10100] =	vst v63  }
0x452: {  	_ =	swait.ge @!p0 [sflag:s7], $0x10  }
0x453: {  	[sflag:s7] =	ssyncset.done @!p0 $0x0  }
0x454: {  	[sflag:s7] =	ssyncadd.s32 @!p0 $0xFFFFFFF0  }
0x455: {  	v1 =	vld @!p0 [tilespmem:$0x10080];
	_ =	sdelay $0x2  }
0x456: {  	v3 =	vmul.u32 @!p0 $0xFFFFFFFF, v3;
	_ =	sdelay $0x1  }
0x457: {  	v0 =	vadd.s32 @!p0 v3, v0;
	v1 =	vmul.f32 @!p0 $2.048000000e+03, v1  }
0x458: {  	s2 =	sadd.s32 $0x1, s2;
	vm0 =	veq.s32 @!p0 v2, v0  }
0x459: {  	p1 =	sne.s32 s2, s17;
	v0 =	vsel @!p0 vm0, $0x0, v1  }
.Ltmp32:
0x45a: {  	s0 =	sadd.s32 @!p0 s4, s0;
	[tilespmem:$0x10080] =	vst @!p0 v0;
	(pc) =	sbr.rel @p1 .LBB2_1-.Ltmp32, $4  }
0x45b: {  	[hbm4b:s0+s8] =	stream.linear.scatter @!p0 [tilespmem:s9], [sflag:$0x9], $0x10, $0x38;
	[tilespmem:$0x10100] =	vst v63  }
0x45c: {  	_ =	swait.ge @!p0 [sflag:s7], $0x10  }
0x45d: {  	[sflag:s7] =	ssyncset.done @!p0 $0x0  }
0x45e: {  	[sflag:s7] =	ssyncadd.s32 @!p0 $0xFFFFFFF0  }
0x45f: {  	_ =	sfence.sel $0x180000  }
0x460: {  	[bflag:$0x0] =	sbarrier.arrive $0xFFFF  }
0x461: {  	_ =	strace $0x90000047  }
0x462: {  	s0 =	stileid.u32;
	[bflag:$0x2] =	sbarrier.arrive $0xFFFF  }
0x463: {  	p0 =	sne.s32 s0, $0x0;
	s0 =	rddreg [dreg:$0x3]  }
0x464: {  	s0 =	sadd.s32 @!p0 $0x100000, s0  }
0x465: {  	[sflag:s0] =	ssyncadd.tile.s32 @!p0 $0x1;
	_ =	shalt  }
.Lfunc_end2:
_tile_overlayer_lowered:
.L_overlay_start_2:
0x466: {  	(tag) =	ssettag $0x2  }
0x467: {  	s0 =	rddreg [dreg:$0x0];
	s2 =	stileid.u32  }
0x468: {  	s1 =	rddreg [dreg:$0x1];
	p0 =	sne.s32 s2, $0x0  }
0x469: {  	s3 =	rddreg [dreg:$0x2];
	[bflag:$0x3] =	sbarrier.arrive $0xFFFF;
	s2 =	simm.s32 @!p0 $0x1C09  }
0x46a: {  	[timem:s3], [sflag:s2] =	dma.local @!p0 [hbm:s0], s1  }
0x46b: {  	s0 =	simm.s32 @!p0 $0x9  }
0x46c: {  	_ =	swait.ge @!p0 [sflag:s0], s1  }
0x46d: {  	s1 =	ssub.s32 @!p0 $0x0, s1;
	[sflag:s0] =	ssyncset.done @!p0 $0x0  }
0x46e: {  	[sflag:s0] =	ssyncadd.s32 @!p0 s1  }
0x46f: {  	[bflag:$0x3] =	sbarrier.arrive $0xFFFF  }
0x470: {  	_ =	shalt  }

</sc_bundles>
